<compile_context>
chip_gen: v7x
topology: tpu7x:2x2x1
jax: 0.10.2.dev20260603
libtpu: 0.0.44.dev20260713+nightly
codegen_flags: <defaults>
</compile_context>

<pallas_src>
import jax
import jax.numpy as jnp
from jax import lax
from jax.experimental import pallas as pl
from jax.experimental.pallas import tpu as pltpu
from jax.experimental.pallas import tpu_sc as plsc

N = 320000
D = 128
NSEG = 10000
NW = 32
SEG_PER = 320
NSEG_PAD = NW * SEG_PER
TAB = 336
DUMP = TAB - 4
BLK = 256
L = 16


def _logits_pallas(x, W, b):
    BL = 512
    grid = N // BL

    def body(x_ref, w_ref, b_ref, o_ref):
        r = lax.dot_general(
            w_ref[...], x_ref[...], (((0,), (1,)), ((), ())),
            preferred_element_type=jnp.float32)
        o_ref[...] = r + b_ref[0, 0]

    out = pl.pallas_call(
        body,
        grid=(grid,),
        in_specs=[
            pl.BlockSpec((BL, D), lambda i: (i, 0)),
            pl.BlockSpec((D, 1), lambda i: (0, 0)),
            pl.BlockSpec((1, 1), lambda i: (0, 0)),
        ],
        out_specs=pl.BlockSpec((1, BL), lambda i: (0, i)),
        out_shape=jax.ShapeDtypeStruct((1, N), jnp.float32),
    )(x, W, b.reshape(1, 1))
    return out.reshape(N)


def _sc_body(x_hbm, l_hbm, i_hbm, rs_hbm, out_hbm,
             rsv, stab, otab, xb0, xb1, lb0, lb1, ib0, ib1, sxb, ab,
             sem0, sem1):
    wid = lax.axis_index("c") * 16 + lax.axis_index("s")
    iota = lax.iota(jnp.int32, L)

    pltpu.sync_copy(rs_hbm, rsv)
    r_lo = rsv[pl.ds(wid, L)][0]
    r_hi = rsv[pl.ds(wid + 1, L)][0]
    s_lo = wid * SEG_PER
    ra = (r_lo // 32) * 32
    nb = (r_hi - ra + BLK - 1) // BLK

    bufs = ((xb0, lb0, ib0, sem0), (xb1, lb1, ib1, sem1))

    def start_blk(p, kblk):
        xb, lb, ib, sem = bufs[p]
        base = ra + kblk * BLK
        pltpu.async_copy(x_hbm.at[pl.ds(base * D, BLK * D)], xb, sem)
        pltpu.async_copy(l_hbm.at[pl.ds(base, BLK)], lb, sem)
        pltpu.async_copy(i_hbm.at[pl.ds(base, BLK)], ib, sem)

    def wait_blk(p):
        xb, lb, ib, sem = bufs[p]
        pltpu.make_async_copy(x_hbm.at[pl.ds(0, BLK * D)], xb, sem).wait()
        pltpu.make_async_copy(l_hbm.at[pl.ds(0, BLK)], lb, sem).wait()
        pltpu.make_async_copy(i_hbm.at[pl.ds(0, BLK)], ib, sem).wait()

    @pl.when(nb > 0)
    def _():
        start_blk(0, 0)

    zf = jnp.zeros((L,), jnp.float32)
    for t in range(TAB // L):
        stab[pl.ds(t * L, L)] = zf

    def zrow(t, c):
        for u in range(8):
            otab[pl.ds((t * 8 + u) * L, L)] = zf
        return c
    lax.fori_loop(0, TAB * D // (L * 8), zrow, 0)

    def chunk_meta(base, j, lb, ib):
        rowv = base + j * L + iota
        valid = (rowv >= r_lo) & (rowv < r_hi)
        iv = ib[pl.ds(j * L, L)]
        lidx = jnp.clip(iv - s_lo, 0, SEG_PER - 1)
        sidx = jnp.where(valid, lidx, DUMP)
        e = jnp.exp(lb[pl.ds(j * L, L)])
        return sidx, e

    def blk_a(k, c):
        base = ra + k * BLK
        pltpu.sync_copy(l_hbm.at[pl.ds(base, BLK)], lb1)
        pltpu.sync_copy(i_hbm.at[pl.ds(base, BLK)], ib1)
        @plsc.parallel_loop(0, BLK // L, step=1, unroll=4)
        def _chunks(j):
            sidx, e = chunk_meta(base, j, lb1, ib1)
            plsc.addupdate_scatter(stab, [sidx], e)
        return c
    lax.fori_loop(0, nb, blk_a, 0)

    cidx = [c * L + iota for c in range(8)]

    def process(p, kblk):
        xb, lb, ib, _ = bufs[p]
        base = ra + kblk * BLK
        @plsc.parallel_loop(0, BLK // L, step=1, unroll=4)
        def _att(j):
            sidx, e = chunk_meta(base, j, lb, ib)
            sxb[pl.ds(j * L, L)] = sidx
            sg = plsc.load_gather(stab, [sidx])
            ab[pl.ds(j * L, L)] = e / sg

        @plsc.parallel_loop(0, BLK, step=1, unroll=4)
        def rowf(r):
            fr = jnp.full((L,), r, jnp.int32)
            a = plsc.load_gather(ab, [fr])
            si = plsc.load_gather(sxb, [fr])
            xoff = jnp.full((L,), r * D, jnp.int32)
            ooff = si * D
            for col in range(8):
                xv = plsc.load_gather(xb, [xoff + cidx[col]])
                plsc.addupdate_scatter(otab, [ooff + cidx[col]], xv * a)

    def pairf(m, c):
        k0 = 2 * m
        wait_blk(0)

        @pl.when(k0 + 1 < nb)
        def _():
            start_blk(1, k0 + 1)

        process(0, k0)

        @pl.when(k0 + 1 < nb)
        def _():
            wait_blk(1)

            @pl.when(k0 + 2 < nb)
            def __():
                start_blk(0, k0 + 2)

            process(1, k0 + 1)
        return c
    lax.fori_loop(0, (nb + 1) // 2, pairf, 0)

    pltpu.sync_copy(otab.at[pl.ds(0, SEG_PER * D)],
                    out_hbm.at[pl.ds(s_lo * D, SEG_PER * D)])


def _pool_sc(x_pad_flat, l_pad, ids_pad, rstarts_pad):
    mesh = plsc.VectorSubcoreMesh(core_axis_name="c", subcore_axis_name="s",
                                  num_cores=1)
    call = pl.kernel(
        _sc_body,
        out_type=jax.ShapeDtypeStruct((NSEG_PAD * D // 2,), jnp.float32),
        mesh=mesh,
        compiler_params=pltpu.CompilerParams(needs_layout_passes=False),
        scratch_types=[
            pltpu.VMEM((3 * L,), jnp.int32),
            pltpu.VMEM((TAB,), jnp.float32),
            pltpu.VMEM((TAB * D,), jnp.float32),
            pltpu.VMEM((BLK * D,), jnp.float32),
            pltpu.VMEM((BLK * D,), jnp.float32),
            pltpu.VMEM((BLK,), jnp.float32),
            pltpu.VMEM((BLK,), jnp.float32),
            pltpu.VMEM((BLK,), jnp.int32),
            pltpu.VMEM((BLK,), jnp.int32),
            pltpu.VMEM((BLK,), jnp.int32),
            pltpu.VMEM((BLK,), jnp.float32),
            pltpu.SemaphoreType.DMA,
            pltpu.SemaphoreType.DMA,
        ],
    )
    return call(x_pad_flat, l_pad, ids_pad, rstarts_pad)


def kernel(x, segment_ids, num_segments, W, b):
    del num_segments
    logits = _logits_pallas(x, W, b)

    bounds = jnp.arange(NW + 1, dtype=jnp.int32) * SEG_PER
    rstarts = jnp.searchsorted(segment_ids, bounds, side="left").astype(jnp.int32)

    pad = BLK + 32
    x_pad = jnp.pad(x, ((0, pad), (0, 0))).reshape(-1)
    l_pad = jnp.pad(logits, (0, pad))
    ids_pad = jnp.pad(segment_ids, (0, pad))

    rs_a = jnp.zeros((3 * L,), jnp.int32).at[: NW // 2 + 1].set(rstarts[: NW // 2 + 1])
    rs_b = jnp.zeros((3 * L,), jnp.int32).at[: NW // 2 + 1].set(rstarts[NW // 2 :])
    out_a = _pool_sc(x_pad, l_pad, ids_pad, rs_a)
    out_b = _pool_sc(x_pad, l_pad, ids_pad, rs_b)
    out_pad = jnp.concatenate(
        [out_a.reshape(NSEG_PAD // 2, D), out_b.reshape(NSEG_PAD // 2, D)], axis=0)
    return out_pad[:NSEG]

# --- scband reference (transcript-rebuilt; emitter-appended) ---
"""Pipeline reference for scband-attention-pooling-12558484373811 (READ-ONLY COPY).

The authoritative reference and input builder live on the scoring server;
editing this copy changes nothing except your own understanding.
"""

import jax, jax.numpy as jnp
import numpy as np

N = 320000
D = 128
NUM_SEG = 10000

def setup_inputs(seed: int = 0) -> dict:
    key = jax.random.key(seed)
    k1, k2, k3 = jax.random.split(key, 3)
    x = jax.random.normal(k1, (N, D), dtype=jnp.float32)
    segment_ids = jnp.sort(jax.random.randint(k2, (N,), 0, NUM_SEG)).astype(jnp.int32)
    W = jax.random.normal(k3, (D, 1), dtype=jnp.float32) * (1.0 / np.sqrt(D))
    b = jnp.zeros((1,), dtype=jnp.float32)
    return {"x": x, "segment_ids": segment_ids, "num_segments": NUM_SEG, "W": W, "b": b}

def _segment_softmax(logits, segment_ids, num_segments):
    seg_max = jax.ops.segment_max(logits, segment_ids, num_segments)
    maxes = seg_max[segment_ids]
    shifted = logits - jax.lax.stop_gradient(maxes)
    exp_logits = jnp.exp(shifted)
    seg_sum = jax.ops.segment_sum(exp_logits, segment_ids, num_segments)
    return exp_logits / seg_sum[segment_ids]

def reference(x, segment_ids, num_segments, W, b):
    num_segments_traced = jnp.asarray(num_segments, dtype=jnp.int32)
    segment_ids = segment_ids + (num_segments_traced - num_segments_traced)
    # nn.Dense(1)(x).squeeze(-1)
    logits = (x @ W + b).squeeze(-1)  # [N]
    att = _segment_softmax(logits, segment_ids, NUM_SEG)  # [N]
    # jnp.tile(att, (x.shape[1], 1)).transpose() -> [N, D]
    att2 = jnp.tile(att, (x.shape[1], 1)).transpose()
    return jax.ops.segment_sum(x * att2, segment_ids, NUM_SEG)  # [num_segments, D]

if __name__ == "__main__":
    import jax
    _d = setup_inputs()
    print(jax.jit(kernel)(*tuple(_d.values())))

</pallas_src>

<mosaic_0001>
#map = affine_map<(d0, d1) -> (0)>
module attributes {stable_mosaic.version = 14 : i64} {
  func.func @_sc_body(%arg0: i32, %arg1: i32, %arg2: memref<40996864xf32, #tpu.memory_space<hbm>>, %arg3: memref<320288xf32, #tpu.memory_space<hbm>>, %arg4: memref<320288xi32, #tpu.memory_space<hbm>>, %arg5: memref<48xi32, #tpu.memory_space<hbm>>, %arg6: memref<655360xf32, #tpu.memory_space<hbm>>, %arg7: memref<48xi32, #tpu.memory_space<vmem>>, %arg8: memref<336xf32, #tpu.memory_space<vmem>>, %arg9: memref<43008xf32, #tpu.memory_space<vmem>>, %arg10: memref<32768xf32, #tpu.memory_space<vmem>>, %arg11: memref<32768xf32, #tpu.memory_space<vmem>>, %arg12: memref<256xf32, #tpu.memory_space<vmem>>, %arg13: memref<256xf32, #tpu.memory_space<vmem>>, %arg14: memref<256xi32, #tpu.memory_space<vmem>>, %arg15: memref<256xi32, #tpu.memory_space<vmem>>, %arg16: memref<256xi32, #tpu.memory_space<vmem>>, %arg17: memref<256xf32, #tpu.memory_space<vmem>>, %arg18: memref<!tpu.dma_semaphore, #tpu.memory_space<semaphore_mem>>, %arg19: memref<!tpu.dma_semaphore, #tpu.memory_space<semaphore_mem>>) attributes {dimension_semantics = [#tpu.dimension_semantics<core_parallel>, #tpu.dimension_semantics<subcore_parallel>], iteration_bounds = array<i64: 1, 16>, scalar_prefetch = 0 : i64, scratch_operands = 13 : i64, tpu.core_type = #tpu.core_type<sc_vector_subcore>, window_params = [{transform_indices = #map}, {transform_indices = #map}, {transform_indices = #map}, {transform_indices = #map}, {transform_indices = #map}]} {
    %mul3A = arith.constant 16 : i32
    %mul3A_0 = arith.muli %arg0, %mul3A : i32
    %add3A = arith.addi %mul3A_0, %arg1 : i32
    %iota3A = tpu.iota {dimensions = array<i32: 0>} : vector<16xi32>
    "tpu.region"() ({
      %run_scoped3A = tpu.sem_alloc : memref<!tpu.dma_semaphore, #tpu.memory_space<semaphore_mem>>
      tpu.enqueue_dma source(%arg5 : memref<48xi32, #tpu.memory_space<hbm>>) target(%arg7 : memref<48xi32, #tpu.memory_space<vmem>>) target_semaphore(%run_scoped3A : memref<!tpu.dma_semaphore, #tpu.memory_space<semaphore_mem>>)
      tpu.wait_dma2 semaphore(%run_scoped3A : memref<!tpu.dma_semaphore, #tpu.memory_space<semaphore_mem>>) src(%arg5 : memref<48xi32, #tpu.memory_space<hbm>>) dst(%arg7 : memref<48xi32, #tpu.memory_space<vmem>>)
      tpu.yield
    }) : () -> ()
    %get3A = arith.index_cast %add3A : i32 to index
    %get3A_1 = tpu.vector_load %arg7[%get3A] {strides = array<i32>} : memref<48xi32, #tpu.memory_space<vmem>>, vector<16xi32>,
    %slice3A = vector.extract_strided_slice %get3A_1 {offsets = [0], sizes = [1], strides = [1]} : vector<16xi32> to vector<1xi32>
    %squeeze3A = vector.extract %slice3A[0] : i32 from vector<1xi32>
    %add3A_2 = arith.constant 1 : i32
    %add3A_3 = arith.addi %add3A, %add3A_2 : i32
    %get3A_4 = arith.index_cast %add3A_3 : i32 to index
    %get3A_5 = tpu.vector_load %arg7[%get3A_4] {strides = array<i32>} : memref<48xi32, #tpu.memory_space<vmem>>, vector<16xi32>,
    %slice3A_6 = vector.extract_strided_slice %get3A_5 {offsets = [0], sizes = [1], strides = [1]} : vector<16xi32> to vector<1xi32>
    %squeeze3A_7 = vector.extract %slice3A_6[0] : i32 from vector<1xi32>
    %mul3A_8 = arith.constant 320 : i32
    %mul3A_9 = arith.muli %add3A, %mul3A_8 : i32
    %jit3A = arith.constant 32 : i32
    %div3A = arith.divsi %squeeze3A, %jit3A : i32
    %sign3A = arith.constant 0 : i32
    %sign3A_10 = arith.cmpi sgt, %squeeze3A, %sign3A : i32
    %sign3A_11 = arith.extui %sign3A_10 : i1 to i32
    %sign3A_12 = arith.constant 0 : i32
    %sign3A_13 = arith.cmpi slt, %squeeze3A, %sign3A_12 : i32
    %sign3A_14 = arith.extui %sign3A_13 : i1 to i32
    %sign3A_15 = arith.subi %sign3A_11, %sign3A_14 : i32
    %sign3A_16 = arith.constant 0 : i32
    %sign3A_17 = arith.cmpi sgt, %jit3A, %sign3A_16 : i32
    %sign3A_18 = arith.extui %sign3A_17 : i1 to i32
    %sign3A_19 = arith.constant 0 : i32
    %sign3A_20 = arith.cmpi slt, %jit3A, %sign3A_19 : i32
    %sign3A_21 = arith.extui %sign3A_20 : i1 to i32
    %sign3A_22 = arith.subi %sign3A_18, %sign3A_21 : i32
    %ne3A = arith.cmpi ne, %sign3A_15, %sign3A_22 : i32
    %rem3A = arith.remsi %squeeze3A, %jit3A : i32
    %ne3A_23 = arith.constant 0 : i32
    %ne3A_24 = arith.cmpi ne, %rem3A, %ne3A_23 : i32
    %and3A = arith.andi %ne3A, %ne3A_24 : i1
    %sub3A = arith.constant 1 : i32
    %sub3A_25 = arith.subi %div3A, %sub3A : i32
    %select_n3A = arith.select %and3A, %sub3A_25, %div3A : i32
    %mul3A_26 = arith.constant 32 : i32
    %mul3A_27 = arith.muli %select_n3A, %mul3A_26 : i32
    %sub3A_28 = arith.subi %squeeze3A_7, %mul3A_27 : i32
    %add3A_29 = arith.constant 256 : i32
    %add3A_30 = arith.addi %sub3A_28, %add3A_29 : i32
    %sub3A_31 = arith.constant 1 : i32
    %sub3A_32 = arith.subi %add3A_30, %sub3A_31 : i32
    %jit3A_33 = arith.constant 256 : i32
    %div3A_34 = arith.divsi %sub3A_32, %jit3A_33 : i32
    %sign3A_35 = arith.constant 0 : i32
    %sign3A_36 = arith.cmpi sgt, %sub3A_32, %sign3A_35 : i32
    %sign3A_37 = arith.extui %sign3A_36 : i1 to i32
    %sign3A_38 = arith.constant 0 : i32
    %sign3A_39 = arith.cmpi slt, %sub3A_32, %sign3A_38 : i32
    %sign3A_40 = arith.extui %sign3A_39 : i1 to i32
    %sign3A_41 = arith.subi %sign3A_37, %sign3A_40 : i32
    %sign3A_42 = arith.constant 0 : i32
    %sign3A_43 = arith.cmpi sgt, %jit3A_33, %sign3A_42 : i32
    %sign3A_44 = arith.extui %sign3A_43 : i1 to i32
    %sign3A_45 = arith.constant 0 : i32
    %sign3A_46 = arith.cmpi slt, %jit3A_33, %sign3A_45 : i32
    %sign3A_47 = arith.extui %sign3A_46 : i1 to i32
    %sign3A_48 = arith.subi %sign3A_44, %sign3A_47 : i32
    %ne3A_49 = arith.cmpi ne, %sign3A_41, %sign3A_48 : i32
    %rem3A_50 = arith.remsi %sub3A_32, %jit3A_33 : i32
    %ne3A_51 = arith.constant 0 : i32
    %ne3A_52 = arith.cmpi ne, %rem3A_50, %ne3A_51 : i32
    %and3A_53 = arith.andi %ne3A_49, %ne3A_52 : i1
    %sub3A_54 = arith.constant 1 : i32
    %sub3A_55 = arith.subi %div3A_34, %sub3A_54 : i32
    %select_n3A_56 = arith.select %and3A_53, %sub3A_55, %div3A_34 : i32
    %gt3A = arith.constant 0 : i32
    %gt3A_57 = arith.cmpi sgt, %select_n3A_56, %gt3A : i32
    %convert_element_type3A = arith.extui %gt3A_57 : i1 to i32
    %cond3A = arith.constant 0 : i32
    %cond3A_58 = arith.cmpi ne, %convert_element_type3A, %cond3A : i32
    scf.if %cond3A_58 {
      %add3A_177 = arith.constant 0 : i32
      %add3A_178 = arith.addi %mul3A_27, %add3A_177 : i32
      %mul3A_179 = arith.constant 128 : i32
      %mul3A_180 = arith.muli %add3A_178, %mul3A_179 : i32
      %dma_start3A = tpu.memref_slice %arg2[%mul3A_180] : memref<40996864xf32, #tpu.memory_space<hbm>> -> memref<32768xf32, #tpu.memory_space<hbm>>
      %dma_start3A_181 = tpu.memref_slice %arg2[%mul3A_180] : memref<40996864xf32, #tpu.memory_space<hbm>> -> memref<32768xf32, #tpu.memory_space<hbm>>
      tpu.enqueue_dma source(%dma_start3A_181 : memref<32768xf32, #tpu.memory_space<hbm>>) target(%arg10 : memref<32768xf32, #tpu.memory_space<vmem>>) target_semaphore(%arg18 : memref<!tpu.dma_semaphore, #tpu.memory_space<semaphore_mem>>)
      %dma_start3A_182 = tpu.memref_slice %arg3[%add3A_178] : memref<320288xf32, #tpu.memory_space<hbm>> -> memref<256xf32, #tpu.memory_space<hbm>>
      %dma_start3A_183 = tpu.memref_slice %arg3[%add3A_178] : memref<320288xf32, #tpu.memory_space<hbm>> -> memref<256xf32, #tpu.memory_space<hbm>>
      tpu.enqueue_dma source(%dma_start3A_183 : memref<256xf32, #tpu.memory_space<hbm>>) target(%arg12 : memref<256xf32, #tpu.memory_space<vmem>>) target_semaphore(%arg18 : memref<!tpu.dma_semaphore, #tpu.memory_space<semaphore_mem>>)
      %dma_start3A_184 = tpu.memref_slice %arg4[%add3A_178] : memref<320288xi32, #tpu.memory_space<hbm>> -> memref<256xi32, #tpu.memory_space<hbm>>
      %dma_start3A_185 = tpu.memref_slice %arg4[%add3A_178] : memref<320288xi32, #tpu.memory_space<hbm>> -> memref<256xi32, #tpu.memory_space<hbm>>
      tpu.enqueue_dma source(%dma_start3A_185 : memref<256xi32, #tpu.memory_space<hbm>>) target(%arg14 : memref<256xi32, #tpu.memory_space<vmem>>) target_semaphore(%arg18 : memref<!tpu.dma_semaphore, #tpu.memory_space<semaphore_mem>>)
    } else {
    }
    %broadcast_in_dim3A = arith.constant 0.000000e+00 : f32
    %broadcast_in_dim3A_59 = vector.broadcast %broadcast_in_dim3A : f32 to vector<16xf32>
    %swap3A = arith.constant 0 : index
    %swap3A_60 = tpu.vector_load %arg8[%swap3A] {strides = array<i32>} : memref<336xf32, #tpu.memory_space<vmem>>, vector<16xf32>,
    tpu.vector_store %arg8[%swap3A], %broadcast_in_dim3A_59 {strides = array<i32>} : memref<336xf32, #tpu.memory_space<vmem>>, vector<16xf32>,
    %swap3A_61 = arith.constant 16 : index
    %swap3A_62 = tpu.vector_load %arg8[%swap3A_61] {strides = array<i32>} : memref<336xf32, #tpu.memory_space<vmem>>, vector<16xf32>,
    tpu.vector_store %arg8[%swap3A_61], %broadcast_in_dim3A_59 {strides = array<i32>} : memref<336xf32, #tpu.memory_space<vmem>>, vector<16xf32>,
    %swap3A_63 = arith.constant 32 : index
    %swap3A_64 = tpu.vector_load %arg8[%swap3A_63] {strides = array<i32>} : memref<336xf32, #tpu.memory_space<vmem>>, vector<16xf32>,
    tpu.vector_store %arg8[%swap3A_63], %broadcast_in_dim3A_59 {strides = array<i32>} : memref<336xf32, #tpu.memory_space<vmem>>, vector<16xf32>,
    %swap3A_65 = arith.constant 48 : index
    %swap3A_66 = tpu.vector_load %arg8[%swap3A_65] {strides = array<i32>} : memref<336xf32, #tpu.memory_space<vmem>>, vector<16xf32>,
    tpu.vector_store %arg8[%swap3A_65], %broadcast_in_dim3A_59 {strides = array<i32>} : memref<336xf32, #tpu.memory_space<vmem>>, vector<16xf32>,
    %swap3A_67 = arith.constant 64 : index
    %swap3A_68 = tpu.vector_load %arg8[%swap3A_67] {strides = array<i32>} : memref<336xf32, #tpu.memory_space<vmem>>, vector<16xf32>,
    tpu.vector_store %arg8[%swap3A_67], %broadcast_in_dim3A_59 {strides = array<i32>} : memref<336xf32, #tpu.memory_space<vmem>>, vector<16xf32>,
    %swap3A_69 = arith.constant 80 : index
    %swap3A_70 = tpu.vector_load %arg8[%swap3A_69] {strides = array<i32>} : memref<336xf32, #tpu.memory_space<vmem>>, vector<16xf32>,
    tpu.vector_store %arg8[%swap3A_69], %broadcast_in_dim3A_59 {strides = array<i32>} : memref<336xf32, #tpu.memory_space<vmem>>, vector<16xf32>,
    %swap3A_71 = arith.constant 96 : index
    %swap3A_72 = tpu.vector_load %arg8[%swap3A_71] {strides = array<i32>} : memref<336xf32, #tpu.memory_space<vmem>>, vector<16xf32>,
    tpu.vector_store %arg8[%swap3A_71], %broadcast_in_dim3A_59 {strides = array<i32>} : memref<336xf32, #tpu.memory_space<vmem>>, vector<16xf32>,
    %swap3A_73 = arith.constant 112 : index
    %swap3A_74 = tpu.vector_load %arg8[%swap3A_73] {strides = array<i32>} : memref<336xf32, #tpu.memory_space<vmem>>, vector<16xf32>,
    tpu.vector_store %arg8[%swap3A_73], %broadcast_in_dim3A_59 {strides = array<i32>} : memref<336xf32, #tpu.memory_space<vmem>>, vector<16xf32>,
    %swap3A_75 = arith.constant 128 : index
    %swap3A_76 = tpu.vector_load %arg8[%swap3A_75] {strides = array<i32>} : memref<336xf32, #tpu.memory_space<vmem>>, vector<16xf32>,
    tpu.vector_store %arg8[%swap3A_75], %broadcast_in_dim3A_59 {strides = array<i32>} : memref<336xf32, #tpu.memory_space<vmem>>, vector<16xf32>,
    %swap3A_77 = arith.constant 144 : index
    %swap3A_78 = tpu.vector_load %arg8[%swap3A_77] {strides = array<i32>} : memref<336xf32, #tpu.memory_space<vmem>>, vector<16xf32>,
    tpu.vector_store %arg8[%swap3A_77], %broadcast_in_dim3A_59 {strides = array<i32>} : memref<336xf32, #tpu.memory_space<vmem>>, vector<16xf32>,
    %swap3A_79 = arith.constant 160 : index
    %swap3A_80 = tpu.vector_load %arg8[%swap3A_79] {strides = array<i32>} : memref<336xf32, #tpu.memory_space<vmem>>, vector<16xf32>,
    tpu.vector_store %arg8[%swap3A_79], %broadcast_in_dim3A_59 {strides = array<i32>} : memref<336xf32, #tpu.memory_space<vmem>>, vector<16xf32>,
    %swap3A_81 = arith.constant 176 : index
    %swap3A_82 = tpu.vector_load %arg8[%swap3A_81] {strides = array<i32>} : memref<336xf32, #tpu.memory_space<vmem>>, vector<16xf32>,
    tpu.vector_store %arg8[%swap3A_81], %broadcast_in_dim3A_59 {strides = array<i32>} : memref<336xf32, #tpu.memory_space<vmem>>, vector<16xf32>,
    %swap3A_83 = arith.constant 192 : index
    %swap3A_84 = tpu.vector_load %arg8[%swap3A_83] {strides = array<i32>} : memref<336xf32, #tpu.memory_space<vmem>>, vector<16xf32>,
    tpu.vector_store %arg8[%swap3A_83], %broadcast_in_dim3A_59 {strides = array<i32>} : memref<336xf32, #tpu.memory_space<vmem>>, vector<16xf32>,
    %swap3A_85 = arith.constant 208 : index
    %swap3A_86 = tpu.vector_load %arg8[%swap3A_85] {strides = array<i32>} : memref<336xf32, #tpu.memory_space<vmem>>, vector<16xf32>,
    tpu.vector_store %arg8[%swap3A_85], %broadcast_in_dim3A_59 {strides = array<i32>} : memref<336xf32, #tpu.memory_space<vmem>>, vector<16xf32>,
    %swap3A_87 = arith.constant 224 : index
    %swap3A_88 = tpu.vector_load %arg8[%swap3A_87] {strides = array<i32>} : memref<336xf32, #tpu.memory_space<vmem>>, vector<16xf32>,
    tpu.vector_store %arg8[%swap3A_87], %broadcast_in_dim3A_59 {strides = array<i32>} : memref<336xf32, #tpu.memory_space<vmem>>, vector<16xf32>,
    %swap3A_89 = arith.constant 240 : index
    %swap3A_90 = tpu.vector_load %arg8[%swap3A_89] {strides = array<i32>} : memref<336xf32, #tpu.memory_space<vmem>>, vector<16xf32>,
    tpu.vector_store %arg8[%swap3A_89], %broadcast_in_dim3A_59 {strides = array<i32>} : memref<336xf32, #tpu.memory_space<vmem>>, vector<16xf32>,
    %swap3A_91 = arith.constant 256 : index
    %swap3A_92 = tpu.vector_load %arg8[%swap3A_91] {strides = array<i32>} : memref<336xf32, #tpu.memory_space<vmem>>, vector<16xf32>,
    tpu.vector_store %arg8[%swap3A_91], %broadcast_in_dim3A_59 {strides = array<i32>} : memref<336xf32, #tpu.memory_space<vmem>>, vector<16xf32>,
    %swap3A_93 = arith.constant 272 : index
    %swap3A_94 = tpu.vector_load %arg8[%swap3A_93] {strides = array<i32>} : memref<336xf32, #tpu.memory_space<vmem>>, vector<16xf32>,
    tpu.vector_store %arg8[%swap3A_93], %broadcast_in_dim3A_59 {strides = array<i32>} : memref<336xf32, #tpu.memory_space<vmem>>, vector<16xf32>,
    %swap3A_95 = arith.constant 288 : index
    %swap3A_96 = tpu.vector_load %arg8[%swap3A_95] {strides = array<i32>} : memref<336xf32, #tpu.memory_space<vmem>>, vector<16xf32>,
    tpu.vector_store %arg8[%swap3A_95], %broadcast_in_dim3A_59 {strides = array<i32>} : memref<336xf32, #tpu.memory_space<vmem>>, vector<16xf32>,
    %swap3A_97 = arith.constant 304 : index
    %swap3A_98 = tpu.vector_load %arg8[%swap3A_97] {strides = array<i32>} : memref<336xf32, #tpu.memory_space<vmem>>, vector<16xf32>,
    tpu.vector_store %arg8[%swap3A_97], %broadcast_in_dim3A_59 {strides = array<i32>} : memref<336xf32, #tpu.memory_space<vmem>>, vector<16xf32>,
    %swap3A_99 = arith.constant 320 : index
    %swap3A_100 = tpu.vector_load %arg8[%swap3A_99] {strides = array<i32>} : memref<336xf32, #tpu.memory_space<vmem>>, vector<16xf32>,
    tpu.vector_store %arg8[%swap3A_99], %broadcast_in_dim3A_59 {strides = array<i32>} : memref<336xf32, #tpu.memory_space<vmem>>, vector<16xf32>,
    %scan3A = arith.constant 0 : i32
    %scan3A_101 = arith.constant 0 : i32
    %scan3A_102 = arith.constant 336 : i32
    %scan3A_103 = arith.addi %scan3A_101, %scan3A_102 : i32
    %scan3A_104 = arith.constant 1 : i32
    scf.for %scan3A_177 = %scan3A_101 to %scan3A_103 step %scan3A_104  : i32 {
      %mul3A_178 = arith.constant 8 : i32
      %mul3A_179 = arith.muli %scan3A_177, %mul3A_178 : i32
      %add3A_180 = arith.constant 0 : i32
      %add3A_181 = arith.addi %mul3A_179, %add3A_180 : i32
      %mul3A_182 = arith.constant 16 : i32
      %mul3A_183 = arith.muli %add3A_181, %mul3A_182 : i32
      %swap3A_184 = arith.index_cast %mul3A_183 : i32 to index
      %swap3A_185 = tpu.vector_load %arg9[%swap3A_184] {strides = array<i32>} : memref<43008xf32, #tpu.memory_space<vmem>>, vector<16xf32>,
      tpu.vector_store %arg9[%swap3A_184], %broadcast_in_dim3A_59 {strides = array<i32>} : memref<43008xf32, #tpu.memory_space<vmem>>, vector<16xf32>,
      %mul3A_186 = arith.constant 8 : i32
      %mul3A_187 = arith.muli %scan3A_177, %mul3A_186 : i32
      %add3A_188 = arith.constant 1 : i32
      %add3A_189 = arith.addi %mul3A_187, %add3A_188 : i32
      %mul3A_190 = arith.constant 16 : i32
      %mul3A_191 = arith.muli %add3A_189, %mul3A_190 : i32
      %swap3A_192 = arith.index_cast %mul3A_191 : i32 to index
      %swap3A_193 = tpu.vector_load %arg9[%swap3A_192] {strides = array<i32>} : memref<43008xf32, #tpu.memory_space<vmem>>, vector<16xf32>,
      tpu.vector_store %arg9[%swap3A_192], %broadcast_in_dim3A_59 {strides = array<i32>} : memref<43008xf32, #tpu.memory_space<vmem>>, vector<16xf32>,
      %mul3A_194 = arith.constant 8 : i32
      %mul3A_195 = arith.muli %scan3A_177, %mul3A_194 : i32
      %add3A_196 = arith.constant 2 : i32
      %add3A_197 = arith.addi %mul3A_195, %add3A_196 : i32
      %mul3A_198 = arith.constant 16 : i32
      %mul3A_199 = arith.muli %add3A_197, %mul3A_198 : i32
      %swap3A_200 = arith.index_cast %mul3A_199 : i32 to index
      %swap3A_201 = tpu.vector_load %arg9[%swap3A_200] {strides = array<i32>} : memref<43008xf32, #tpu.memory_space<vmem>>, vector<16xf32>,
      tpu.vector_store %arg9[%swap3A_200], %broadcast_in_dim3A_59 {strides = array<i32>} : memref<43008xf32, #tpu.memory_space<vmem>>, vector<16xf32>,
      %mul3A_202 = arith.constant 8 : i32
      %mul3A_203 = arith.muli %scan3A_177, %mul3A_202 : i32
      %add3A_204 = arith.constant 3 : i32
      %add3A_205 = arith.addi %mul3A_203, %add3A_204 : i32
      %mul3A_206 = arith.constant 16 : i32
      %mul3A_207 = arith.muli %add3A_205, %mul3A_206 : i32
      %swap3A_208 = arith.index_cast %mul3A_207 : i32 to index
      %swap3A_209 = tpu.vector_load %arg9[%swap3A_208] {strides = array<i32>} : memref<43008xf32, #tpu.memory_space<vmem>>, vector<16xf32>,
      tpu.vector_store %arg9[%swap3A_208], %broadcast_in_dim3A_59 {strides = array<i32>} : memref<43008xf32, #tpu.memory_space<vmem>>, vector<16xf32>,
      %mul3A_210 = arith.constant 8 : i32
      %mul3A_211 = arith.muli %scan3A_177, %mul3A_210 : i32
      %add3A_212 = arith.constant 4 : i32
      %add3A_213 = arith.addi %mul3A_211, %add3A_212 : i32
      %mul3A_214 = arith.constant 16 : i32
      %mul3A_215 = arith.muli %add3A_213, %mul3A_214 : i32
      %swap3A_216 = arith.index_cast %mul3A_215 : i32 to index
      %swap3A_217 = tpu.vector_load %arg9[%swap3A_216] {strides = array<i32>} : memref<43008xf32, #tpu.memory_space<vmem>>, vector<16xf32>,
      tpu.vector_store %arg9[%swap3A_216], %broadcast_in_dim3A_59 {strides = array<i32>} : memref<43008xf32, #tpu.memory_space<vmem>>, vector<16xf32>,
      %mul3A_218 = arith.constant 8 : i32
      %mul3A_219 = arith.muli %scan3A_177, %mul3A_218 : i32
      %add3A_220 = arith.constant 5 : i32
      %add3A_221 = arith.addi %mul3A_219, %add3A_220 : i32
      %mul3A_222 = arith.constant 16 : i32
      %mul3A_223 = arith.muli %add3A_221, %mul3A_222 : i32
      %swap3A_224 = arith.index_cast %mul3A_223 : i32 to index
      %swap3A_225 = tpu.vector_load %arg9[%swap3A_224] {strides = array<i32>} : memref<43008xf32, #tpu.memory_space<vmem>>, vector<16xf32>,
      tpu.vector_store %arg9[%swap3A_224], %broadcast_in_dim3A_59 {strides = array<i32>} : memref<43008xf32, #tpu.memory_space<vmem>>, vector<16xf32>,
      %mul3A_226 = arith.constant 8 : i32
      %mul3A_227 = arith.muli %scan3A_177, %mul3A_226 : i32
      %add3A_228 = arith.constant 6 : i32
      %add3A_229 = arith.addi %mul3A_227, %add3A_228 : i32
      %mul3A_230 = arith.constant 16 : i32
      %mul3A_231 = arith.muli %add3A_229, %mul3A_230 : i32
      %swap3A_232 = arith.index_cast %mul3A_231 : i32 to index
      %swap3A_233 = tpu.vector_load %arg9[%swap3A_232] {strides = array<i32>} : memref<43008xf32, #tpu.memory_space<vmem>>, vector<16xf32>,
      tpu.vector_store %arg9[%swap3A_232], %broadcast_in_dim3A_59 {strides = array<i32>} : memref<43008xf32, #tpu.memory_space<vmem>>, vector<16xf32>,
      %mul3A_234 = arith.constant 8 : i32
      %mul3A_235 = arith.muli %scan3A_177, %mul3A_234 : i32
      %add3A_236 = arith.constant 7 : i32
      %add3A_237 = arith.addi %mul3A_235, %add3A_236 : i32
      %mul3A_238 = arith.constant 16 : i32
      %mul3A_239 = arith.muli %add3A_237, %mul3A_238 : i32
      %swap3A_240 = arith.index_cast %mul3A_239 : i32 to index
      %swap3A_241 = tpu.vector_load %arg9[%swap3A_240] {strides = array<i32>} : memref<43008xf32, #tpu.memory_space<vmem>>, vector<16xf32>,
      tpu.vector_store %arg9[%swap3A_240], %broadcast_in_dim3A_59 {strides = array<i32>} : memref<43008xf32, #tpu.memory_space<vmem>>, vector<16xf32>,
    }
    %scan3A_105 = arith.constant 336 : i32
    %while3A = arith.constant 0 : i32
    %while3A_106 = arith.constant 0 : i32
    %while3A_107 = arith.subi %select_n3A_56, %while3A_106 : i32
    %while3A_108 = arith.addi %while3A_106, %while3A_107 : i32
    %while3A_109 = arith.constant 1 : i32
    %while3A_110 = arith.divsi %while3A_107, %while3A_109 : i32
    %while3A_111 = arith.muli %while3A_110, %while3A_109 : i32
    %while3A_112 = arith.addi %while3A_106, %while3A_111 : i32
    %while3A_113 = arith.constant 1 : i32
    scf.for %while3A_177 = %while3A_106 to %while3A_112 step %while3A_113  : i32 {
      %mul3A_178 = arith.constant 256 : i32
      %mul3A_179 = arith.muli %while3A_177, %mul3A_178 : i32
      %add3A_180 = arith.addi %mul3A_27, %mul3A_179 : i32
      "tpu.region"() ({
        %run_scoped3A = tpu.sem_alloc : memref<!tpu.dma_semaphore, #tpu.memory_space<semaphore_mem>>
        %dma_start3A = tpu.memref_slice %arg3[%add3A_180] : memref<320288xf32, #tpu.memory_space<hbm>> -> memref<256xf32, #tpu.memory_space<hbm>>
        %dma_start3A_183 = tpu.memref_slice %arg3[%add3A_180] : memref<320288xf32, #tpu.memory_space<hbm>> -> memref<256xf32, #tpu.memory_space<hbm>>
        tpu.enqueue_dma source(%dma_start3A_183 : memref<256xf32, #tpu.memory_space<hbm>>) target(%arg13 : memref<256xf32, #tpu.memory_space<vmem>>) target_semaphore(%run_scoped3A : memref<!tpu.dma_semaphore, #tpu.memory_space<semaphore_mem>>)
        %dma_wait3A = tpu.memref_slice %arg3[%add3A_180] : memref<320288xf32, #tpu.memory_space<hbm>> -> memref<256xf32, #tpu.memory_space<hbm>>
        %dma_wait3A_184 = tpu.memref_slice %arg3[%add3A_180] : memref<320288xf32, #tpu.memory_space<hbm>> -> memref<256xf32, #tpu.memory_space<hbm>>
        tpu.wait_dma2 semaphore(%run_scoped3A : memref<!tpu.dma_semaphore, #tpu.memory_space<semaphore_mem>>) src(%dma_wait3A_184 : memref<256xf32, #tpu.memory_space<hbm>>) dst(%arg13 : memref<256xf32, #tpu.memory_space<vmem>>)
        tpu.yield
      }) : () -> ()
      "tpu.region"() ({
        %run_scoped3A = tpu.sem_alloc : memref<!tpu.dma_semaphore, #tpu.memory_space<semaphore_mem>>
        %dma_start3A = tpu.memref_slice %arg4[%add3A_180] : memref<320288xi32, #tpu.memory_space<hbm>> -> memref<256xi32, #tpu.memory_space<hbm>>
        %dma_start3A_183 = tpu.memref_slice %arg4[%add3A_180] : memref<320288xi32, #tpu.memory_space<hbm>> -> memref<256xi32, #tpu.memory_space<hbm>>
        tpu.enqueue_dma source(%dma_start3A_183 : memref<256xi32, #tpu.memory_space<hbm>>) target(%arg15 : memref<256xi32, #tpu.memory_space<vmem>>) target_semaphore(%run_scoped3A : memref<!tpu.dma_semaphore, #tpu.memory_space<semaphore_mem>>)
        %dma_wait3A = tpu.memref_slice %arg4[%add3A_180] : memref<320288xi32, #tpu.memory_space<hbm>> -> memref<256xi32, #tpu.memory_space<hbm>>
        %dma_wait3A_184 = tpu.memref_slice %arg4[%add3A_180] : memref<320288xi32, #tpu.memory_space<hbm>> -> memref<256xi32, #tpu.memory_space<hbm>>
        tpu.wait_dma2 semaphore(%run_scoped3A : memref<!tpu.dma_semaphore, #tpu.memory_space<semaphore_mem>>) src(%dma_wait3A_184 : memref<256xi32, #tpu.memory_space<hbm>>) dst(%arg15 : memref<256xi32, #tpu.memory_space<vmem>>)
        tpu.yield
      }) : () -> ()
      %parallel_loop3A = arith.constant 0 : i32
      %parallel_loop3A_181 = arith.constant 16 : i32
      %parallel_loop3A_182 = arith.constant 1 : i32
      scf.for %parallel_loop3A_183 = %parallel_loop3A to %parallel_loop3A_181 step %parallel_loop3A_182  : i32 {
        %parallel_loop3A_184 = arith.constant 16 : i32
        %parallel_loop3A_185 = arith.muli %parallel_loop3A_183, %parallel_loop3A_184 : i32
        %parallel_loop3A_186 = arith.addi %add3A_180, %parallel_loop3A_185 : i32
        %parallel_loop3A_187 = vector.broadcast %parallel_loop3A_186 : i32 to vector<16xi32>
        %parallel_loop3A_188 = arith.addi %parallel_loop3A_187, %iota3A : vector<16xi32>
        %parallel_loop3A_189 = vector.broadcast %squeeze3A : i32 to vector<16xi32>
        %parallel_loop3A_190 = arith.cmpi sge, %parallel_loop3A_188, %parallel_loop3A_189 : vector<16xi32>
        %parallel_loop3A_191 = vector.broadcast %squeeze3A_7 : i32 to vector<16xi32>
        %parallel_loop3A_192 = arith.cmpi slt, %parallel_loop3A_188, %parallel_loop3A_191 : vector<16xi32>
        %parallel_loop3A_193 = arith.andi %parallel_loop3A_190, %parallel_loop3A_192 : vector<16xi1>
        %parallel_loop3A_194 = arith.constant 16 : i32
        %parallel_loop3A_195 = arith.muli %parallel_loop3A_183, %parallel_loop3A_194 : i32
        %parallel_loop3A_196 = arith.index_cast %parallel_loop3A_195 : i32 to index
        %parallel_loop3A_197 = tpu.vector_load %arg15[%parallel_loop3A_196] {strides = array<i32>} : memref<256xi32, #tpu.memory_space<vmem>>, vector<16xi32>,
        %parallel_loop3A_198 = vector.broadcast %mul3A_9 : i32 to vector<16xi32>
        %parallel_loop3A_199 = arith.subi %parallel_loop3A_197, %parallel_loop3A_198 : vector<16xi32>
        %parallel_loop3A_200 = arith.constant 0 : i32
        %parallel_loop3A_201 = arith.constant 319 : i32
        %parallel_loop3A_202 = vector.broadcast %parallel_loop3A_200 : i32 to vector<16xi32>
        %parallel_loop3A_203 = arith.maxsi %parallel_loop3A_202, %parallel_loop3A_199 : vector<16xi32>
        %parallel_loop3A_204 = vector.broadcast %parallel_loop3A_201 : i32 to vector<16xi32>
        %parallel_loop3A_205 = arith.minsi %parallel_loop3A_204, %parallel_loop3A_203 : vector<16xi32>
        %parallel_loop3A_206 = arith.constant 332 : i32
        %parallel_loop3A_207 = vector.broadcast %parallel_loop3A_206 : i32 to vector<16xi32>
        %parallel_loop3A_208 = arith.select %parallel_loop3A_193, %parallel_loop3A_205, %parallel_loop3A_207 : vector<16xi1>, vector<16xi32>
        %parallel_loop3A_209 = arith.constant 16 : i32
        %parallel_loop3A_210 = arith.muli %parallel_loop3A_183, %parallel_loop3A_209 : i32
        %parallel_loop3A_211 = arith.index_cast %parallel_loop3A_210 : i32 to index
        %parallel_loop3A_212 = tpu.vector_load %arg13[%parallel_loop3A_211] {strides = array<i32>} : memref<256xf32, #tpu.memory_space<vmem>>, vector<16xf32>,
        %parallel_loop3A_213 = math.exp %parallel_loop3A_212 : vector<16xf32>
        tpu.vector_store_idx %arg8[%parallel_loop3A_208], %parallel_loop3A_213 {add = true} : memref<336xf32, #tpu.memory_space<vmem>>[vector<16xi32>], vector<16xf32>,
      } {sc.loop_unroll_factor = 4 : i64, sc.parallel_access}
    }
    %while3A_114 = arith.constant 1 : i32
    scf.for %while3A_177 = %while3A_112 to %while3A_108 step %while3A_114  : i32 {
      %mul3A_178 = arith.constant 256 : i32
      %mul3A_179 = arith.muli %while3A_177, %mul3A_178 : i32
      %add3A_180 = arith.addi %mul3A_27, %mul3A_179 : i32
      "tpu.region"() ({
        %run_scoped3A = tpu.sem_alloc : memref<!tpu.dma_semaphore, #tpu.memory_space<semaphore_mem>>
        %dma_start3A = tpu.memref_slice %arg3[%add3A_180] : memref<320288xf32, #tpu.memory_space<hbm>> -> memref<256xf32, #tpu.memory_space<hbm>>
        %dma_start3A_183 = tpu.memref_slice %arg3[%add3A_180] : memref<320288xf32, #tpu.memory_space<hbm>> -> memref<256xf32, #tpu.memory_space<hbm>>
        tpu.enqueue_dma source(%dma_start3A_183 : memref<256xf32, #tpu.memory_space<hbm>>) target(%arg13 : memref<256xf32, #tpu.memory_space<vmem>>) target_semaphore(%run_scoped3A : memref<!tpu.dma_semaphore, #tpu.memory_space<semaphore_mem>>)
        %dma_wait3A = tpu.memref_slice %arg3[%add3A_180] : memref<320288xf32, #tpu.memory_space<hbm>> -> memref<256xf32, #tpu.memory_space<hbm>>
        %dma_wait3A_184 = tpu.memref_slice %arg3[%add3A_180] : memref<320288xf32, #tpu.memory_space<hbm>> -> memref<256xf32, #tpu.memory_space<hbm>>
        tpu.wait_dma2 semaphore(%run_scoped3A : memref<!tpu.dma_semaphore, #tpu.memory_space<semaphore_mem>>) src(%dma_wait3A_184 : memref<256xf32, #tpu.memory_space<hbm>>) dst(%arg13 : memref<256xf32, #tpu.memory_space<vmem>>)
        tpu.yield
      }) : () -> ()
      "tpu.region"() ({
        %run_scoped3A = tpu.sem_alloc : memref<!tpu.dma_semaphore, #tpu.memory_space<semaphore_mem>>
        %dma_start3A = tpu.memref_slice %arg4[%add3A_180] : memref<320288xi32, #tpu.memory_space<hbm>> -> memref<256xi32, #tpu.memory_space<hbm>>
        %dma_start3A_183 = tpu.memref_slice %arg4[%add3A_180] : memref<320288xi32, #tpu.memory_space<hbm>> -> memref<256xi32, #tpu.memory_space<hbm>>
        tpu.enqueue_dma source(%dma_start3A_183 : memref<256xi32, #tpu.memory_space<hbm>>) target(%arg15 : memref<256xi32, #tpu.memory_space<vmem>>) target_semaphore(%run_scoped3A : memref<!tpu.dma_semaphore, #tpu.memory_space<semaphore_mem>>)
        %dma_wait3A = tpu.memref_slice %arg4[%add3A_180] : memref<320288xi32, #tpu.memory_space<hbm>> -> memref<256xi32, #tpu.memory_space<hbm>>
        %dma_wait3A_184 = tpu.memref_slice %arg4[%add3A_180] : memref<320288xi32, #tpu.memory_space<hbm>> -> memref<256xi32, #tpu.memory_space<hbm>>
        tpu.wait_dma2 semaphore(%run_scoped3A : memref<!tpu.dma_semaphore, #tpu.memory_space<semaphore_mem>>) src(%dma_wait3A_184 : memref<256xi32, #tpu.memory_space<hbm>>) dst(%arg15 : memref<256xi32, #tpu.memory_space<vmem>>)
        tpu.yield
      }) : () -> ()
      %parallel_loop3A = arith.constant 0 : i32
      %parallel_loop3A_181 = arith.constant 16 : i32
      %parallel_loop3A_182 = arith.constant 1 : i32
      scf.for %parallel_loop3A_183 = %parallel_loop3A to %parallel_loop3A_181 step %parallel_loop3A_182  : i32 {
        %parallel_loop3A_184 = arith.constant 16 : i32
        %parallel_loop3A_185 = arith.muli %parallel_loop3A_183, %parallel_loop3A_184 : i32
        %parallel_loop3A_186 = arith.addi %add3A_180, %parallel_loop3A_185 : i32
        %parallel_loop3A_187 = vector.broadcast %parallel_loop3A_186 : i32 to vector<16xi32>
        %parallel_loop3A_188 = arith.addi %parallel_loop3A_187, %iota3A : vector<16xi32>
        %parallel_loop3A_189 = vector.broadcast %squeeze3A : i32 to vector<16xi32>
        %parallel_loop3A_190 = arith.cmpi sge, %parallel_loop3A_188, %parallel_loop3A_189 : vector<16xi32>
        %parallel_loop3A_191 = vector.broadcast %squeeze3A_7 : i32 to vector<16xi32>
        %parallel_loop3A_192 = arith.cmpi slt, %parallel_loop3A_188, %parallel_loop3A_191 : vector<16xi32>
        %parallel_loop3A_193 = arith.andi %parallel_loop3A_190, %parallel_loop3A_192 : vector<16xi1>
        %parallel_loop3A_194 = arith.constant 16 : i32
        %parallel_loop3A_195 = arith.muli %parallel_loop3A_183, %parallel_loop3A_194 : i32
        %parallel_loop3A_196 = arith.index_cast %parallel_loop3A_195 : i32 to index
        %parallel_loop3A_197 = tpu.vector_load %arg15[%parallel_loop3A_196] {strides = array<i32>} : memref<256xi32, #tpu.memory_space<vmem>>, vector<16xi32>,
        %parallel_loop3A_198 = vector.broadcast %mul3A_9 : i32 to vector<16xi32>
        %parallel_loop3A_199 = arith.subi %parallel_loop3A_197, %parallel_loop3A_198 : vector<16xi32>
        %parallel_loop3A_200 = arith.constant 0 : i32
        %parallel_loop3A_201 = arith.constant 319 : i32
        %parallel_loop3A_202 = vector.broadcast %parallel_loop3A_200 : i32 to vector<16xi32>
        %parallel_loop3A_203 = arith.maxsi %parallel_loop3A_202, %parallel_loop3A_199 : vector<16xi32>
        %parallel_loop3A_204 = vector.broadcast %parallel_loop3A_201 : i32 to vector<16xi32>
        %parallel_loop3A_205 = arith.minsi %parallel_loop3A_204, %parallel_loop3A_203 : vector<16xi32>
        %parallel_loop3A_206 = arith.constant 332 : i32
        %parallel_loop3A_207 = vector.broadcast %parallel_loop3A_206 : i32 to vector<16xi32>
        %parallel_loop3A_208 = arith.select %parallel_loop3A_193, %parallel_loop3A_205, %parallel_loop3A_207 : vector<16xi1>, vector<16xi32>
        %parallel_loop3A_209 = arith.constant 16 : i32
        %parallel_loop3A_210 = arith.muli %parallel_loop3A_183, %parallel_loop3A_209 : i32
        %parallel_loop3A_211 = arith.index_cast %parallel_loop3A_210 : i32 to index
        %parallel_loop3A_212 = tpu.vector_load %arg13[%parallel_loop3A_211] {strides = array<i32>} : memref<256xf32, #tpu.memory_space<vmem>>, vector<16xf32>,
        %parallel_loop3A_213 = math.exp %parallel_loop3A_212 : vector<16xf32>
        tpu.vector_store_idx %arg8[%parallel_loop3A_208], %parallel_loop3A_213 {add = true} : memref<336xf32, #tpu.memory_space<vmem>>[vector<16xi32>], vector<16xf32>,
      } {sc.loop_unroll_factor = 4 : i64, sc.parallel_access}
    }
    %add3A_115 = arith.constant 0 : i32
    %add3A_116 = vector.broadcast %add3A_115 : i32 to vector<16xi32>
    %add3A_117 = arith.addi %add3A_116, %iota3A : vector<16xi32>
    %add3A_118 = arith.constant 16 : i32
    %add3A_119 = vector.broadcast %add3A_118 : i32 to vector<16xi32>
    %add3A_120 = arith.addi %add3A_119, %iota3A : vector<16xi32>
    %add3A_121 = arith.constant 32 : i32
    %add3A_122 = vector.broadcast %add3A_121 : i32 to vector<16xi32>
    %add3A_123 = arith.addi %add3A_122, %iota3A : vector<16xi32>
    %add3A_124 = arith.constant 48 : i32
    %add3A_125 = vector.broadcast %add3A_124 : i32 to vector<16xi32>
    %add3A_126 = arith.addi %add3A_125, %iota3A : vector<16xi32>
    %add3A_127 = arith.constant 64 : i32
    %add3A_128 = vector.broadcast %add3A_127 : i32 to vector<16xi32>
    %add3A_129 = arith.addi %add3A_128, %iota3A : vector<16xi32>
    %add3A_130 = arith.constant 80 : i32
    %add3A_131 = vector.broadcast %add3A_130 : i32 to vector<16xi32>
    %add3A_132 = arith.addi %add3A_131, %iota3A : vector<16xi32>
    %add3A_133 = arith.constant 96 : i32
    %add3A_134 = vector.broadcast %add3A_133 : i32 to vector<16xi32>
    %add3A_135 = arith.addi %add3A_134, %iota3A : vector<16xi32>
    %add3A_136 = arith.constant 112 : i32
    %add3A_137 = vector.broadcast %add3A_136 : i32 to vector<16xi32>
    %add3A_138 = arith.addi %add3A_137, %iota3A : vector<16xi32>
    %add3A_139 = arith.constant 1 : i32
    %add3A_140 = arith.addi %select_n3A_56, %add3A_139 : i32
    %jit3A_141 = arith.constant 2 : i32
    %div3A_142 = arith.divsi %add3A_140, %jit3A_141 : i32
    %sign3A_143 = arith.constant 0 : i32
    %sign3A_144 = arith.cmpi sgt, %add3A_140, %sign3A_143 : i32
    %sign3A_145 = arith.extui %sign3A_144 : i1 to i32
    %sign3A_146 = arith.constant 0 : i32
    %sign3A_147 = arith.cmpi slt, %add3A_140, %sign3A_146 : i32
    %sign3A_148 = arith.extui %sign3A_147 : i1 to i32
    %sign3A_149 = arith.subi %sign3A_145, %sign3A_148 : i32
    %sign3A_150 = arith.constant 0 : i32
    %sign3A_151 = arith.cmpi sgt, %jit3A_141, %sign3A_150 : i32
    %sign3A_152 = arith.extui %sign3A_151 : i1 to i32
    %sign3A_153 = arith.constant 0 : i32
    %sign3A_154 = arith.cmpi slt, %jit3A_141, %sign3A_153 : i32
    %sign3A_155 = arith.extui %sign3A_154 : i1 to i32
    %sign3A_156 = arith.subi %sign3A_152, %sign3A_155 : i32
    %ne3A_157 = arith.cmpi ne, %sign3A_149, %sign3A_156 : i32
    %rem3A_158 = arith.remsi %add3A_140, %jit3A_141 : i32
    %ne3A_159 = arith.constant 0 : i32
    %ne3A_160 = arith.cmpi ne, %rem3A_158, %ne3A_159 : i32
    %and3A_161 = arith.andi %ne3A_157, %ne3A_160 : i1
    %sub3A_162 = arith.constant 1 : i32
    %sub3A_163 = arith.subi %div3A_142, %sub3A_162 : i32
    %select_n3A_164 = arith.select %and3A_161, %sub3A_163, %div3A_142 : i32
    %while3A_165 = arith.constant 0 : i32
    %while3A_166 = arith.constant 0 : i32
    %while3A_167 = arith.subi %select_n3A_164, %while3A_166 : i32
    %while3A_168 = arith.addi %while3A_166, %while3A_167 : i32
    %while3A_169 = arith.constant 1 : i32
    %while3A_170 = arith.divsi %while3A_167, %while3A_169 : i32
    %while3A_171 = arith.muli %while3A_170, %while3A_169 : i32
    %while3A_172 = arith.addi %while3A_166, %while3A_171 : i32
    %while3A_173 = arith.constant 1 : i32
    scf.for %while3A_177 = %while3A_166 to %while3A_172 step %while3A_173  : i32 {
      %mul3A_178 = arith.constant 2 : i32
      %mul3A_179 = arith.muli %mul3A_178, %while3A_177 : i32
      %dma_wait3A = arith.constant 0 : i32
      %dma_wait3A_180 = tpu.memref_slice %arg2[%dma_wait3A] : memref<40996864xf32, #tpu.memory_space<hbm>> -> memref<32768xf32, #tpu.memory_space<hbm>>
      %dma_wait3A_181 = arith.constant 0 : i32
      %dma_wait3A_182 = tpu.memref_slice %arg2[%dma_wait3A_181] : memref<40996864xf32, #tpu.memory_space<hbm>> -> memref<32768xf32, #tpu.memory_space<hbm>>
      tpu.wait_dma2 semaphore(%arg18 : memref<!tpu.dma_semaphore, #tpu.memory_space<semaphore_mem>>) src(%dma_wait3A_182 : memref<32768xf32, #tpu.memory_space<hbm>>) dst(%arg10 : memref<32768xf32, #tpu.memory_space<vmem>>)
      %dma_wait3A_183 = arith.constant 0 : i32
      %dma_wait3A_184 = tpu.memref_slice %arg3[%dma_wait3A_183] : memref<320288xf32, #tpu.memory_space<hbm>> -> memref<256xf32, #tpu.memory_space<hbm>>
      %dma_wait3A_185 = arith.constant 0 : i32
      %dma_wait3A_186 = tpu.memref_slice %arg3[%dma_wait3A_185] : memref<320288xf32, #tpu.memory_space<hbm>> -> memref<256xf32, #tpu.memory_space<hbm>>
      tpu.wait_dma2 semaphore(%arg18 : memref<!tpu.dma_semaphore, #tpu.memory_space<semaphore_mem>>) src(%dma_wait3A_186 : memref<256xf32, #tpu.memory_space<hbm>>) dst(%arg12 : memref<256xf32, #tpu.memory_space<vmem>>)
      %dma_wait3A_187 = arith.constant 0 : i32
      %dma_wait3A_188 = tpu.memref_slice %arg4[%dma_wait3A_187] : memref<320288xi32, #tpu.memory_space<hbm>> -> memref<256xi32, #tpu.memory_space<hbm>>
      %dma_wait3A_189 = arith.constant 0 : i32
      %dma_wait3A_190 = tpu.memref_slice %arg4[%dma_wait3A_189] : memref<320288xi32, #tpu.memory_space<hbm>> -> memref<256xi32, #tpu.memory_space<hbm>>
      tpu.wait_dma2 semaphore(%arg18 : memref<!tpu.dma_semaphore, #tpu.memory_space<semaphore_mem>>) src(%dma_wait3A_190 : memref<256xi32, #tpu.memory_space<hbm>>) dst(%arg14 : memref<256xi32, #tpu.memory_space<vmem>>)
      %add3A_191 = arith.constant 1 : i32
      %add3A_192 = arith.addi %mul3A_179, %add3A_191 : i32
      %lt3A = arith.cmpi slt, %add3A_192, %select_n3A_56 : i32
      %convert_element_type3A_193 = arith.extui %lt3A : i1 to i32
      %cond3A_194 = arith.constant 0 : i32
      %cond3A_195 = arith.cmpi ne, %convert_element_type3A_193, %cond3A_194 : i32
      scf.if %cond3A_195 {
        %add3A_210 = arith.constant 1 : i32
        %add3A_211 = arith.addi %mul3A_179, %add3A_210 : i32
        %mul3A_212 = arith.constant 256 : i32
        %mul3A_213 = arith.muli %add3A_211, %mul3A_212 : i32
        %add3A_214 = arith.addi %mul3A_27, %mul3A_213 : i32
        %mul3A_215 = arith.constant 128 : i32
        %mul3A_216 = arith.muli %add3A_214, %mul3A_215 : i32
        %dma_start3A = tpu.memref_slice %arg2[%mul3A_216] : memref<40996864xf32, #tpu.memory_space<hbm>> -> memref<32768xf32, #tpu.memory_space<hbm>>
        %dma_start3A_217 = tpu.memref_slice %arg2[%mul3A_216] : memref<40996864xf32, #tpu.memory_space<hbm>> -> memref<32768xf32, #tpu.memory_space<hbm>>
        tpu.enqueue_dma source(%dma_start3A_217 : memref<32768xf32, #tpu.memory_space<hbm>>) target(%arg11 : memref<32768xf32, #tpu.memory_space<vmem>>) target_semaphore(%arg19 : memref<!tpu.dma_semaphore, #tpu.memory_space<semaphore_mem>>)
        %dma_start3A_218 = tpu.memref_slice %arg3[%add3A_214] : memref<320288xf32, #tpu.memory_space<hbm>> -> memref<256xf32, #tpu.memory_space<hbm>>
        %dma_start3A_219 = tpu.memref_slice %arg3[%add3A_214] : memref<320288xf32, #tpu.memory_space<hbm>> -> memref<256xf32, #tpu.memory_space<hbm>>
        tpu.enqueue_dma source(%dma_start3A_219 : memref<256xf32, #tpu.memory_space<hbm>>) target(%arg13 : memref<256xf32, #tpu.memory_space<vmem>>) target_semaphore(%arg19 : memref<!tpu.dma_semaphore, #tpu.memory_space<semaphore_mem>>)
        %dma_start3A_220 = tpu.memref_slice %arg4[%add3A_214] : memref<320288xi32, #tpu.memory_space<hbm>> -> memref<256xi32, #tpu.memory_space<hbm>>
        %dma_start3A_221 = tpu.memref_slice %arg4[%add3A_214] : memref<320288xi32, #tpu.memory_space<hbm>> -> memref<256xi32, #tpu.memory_space<hbm>>
        tpu.enqueue_dma source(%dma_start3A_221 : memref<256xi32, #tpu.memory_space<hbm>>) target(%arg15 : memref<256xi32, #tpu.memory_space<vmem>>) target_semaphore(%arg19 : memref<!tpu.dma_semaphore, #tpu.memory_space<semaphore_mem>>)
      } else {
      }
      %mul3A_196 = arith.constant 256 : i32
      %mul3A_197 = arith.muli %mul3A_179, %mul3A_196 : i32
      %add3A_198 = arith.addi %mul3A_27, %mul3A_197 : i32
      %parallel_loop3A = arith.constant 0 : i32
      %parallel_loop3A_199 = arith.constant 16 : i32
      %parallel_loop3A_200 = arith.constant 1 : i32
      scf.for %parallel_loop3A_210 = %parallel_loop3A to %parallel_loop3A_199 step %parallel_loop3A_200  : i32 {
        %parallel_loop3A_211 = arith.constant 16 : i32
        %parallel_loop3A_212 = arith.muli %parallel_loop3A_210, %parallel_loop3A_211 : i32
        %parallel_loop3A_213 = arith.addi %add3A_198, %parallel_loop3A_212 : i32
        %parallel_loop3A_214 = vector.broadcast %parallel_loop3A_213 : i32 to vector<16xi32>
        %parallel_loop3A_215 = arith.addi %parallel_loop3A_214, %iota3A : vector<16xi32>
        %parallel_loop3A_216 = vector.broadcast %squeeze3A : i32 to vector<16xi32>
        %parallel_loop3A_217 = arith.cmpi sge, %parallel_loop3A_215, %parallel_loop3A_216 : vector<16xi32>
        %parallel_loop3A_218 = vector.broadcast %squeeze3A_7 : i32 to vector<16xi32>
        %parallel_loop3A_219 = arith.cmpi slt, %parallel_loop3A_215, %parallel_loop3A_218 : vector<16xi32>
        %parallel_loop3A_220 = arith.andi %parallel_loop3A_217, %parallel_loop3A_219 : vector<16xi1>
        %parallel_loop3A_221 = arith.constant 16 : i32
        %parallel_loop3A_222 = arith.muli %parallel_loop3A_210, %parallel_loop3A_221 : i32
        %parallel_loop3A_223 = arith.index_cast %parallel_loop3A_222 : i32 to index
        %parallel_loop3A_224 = tpu.vector_load %arg14[%parallel_loop3A_223] {strides = array<i32>} : memref<256xi32, #tpu.memory_space<vmem>>, vector<16xi32>,
        %parallel_loop3A_225 = vector.broadcast %mul3A_9 : i32 to vector<16xi32>
        %parallel_loop3A_226 = arith.subi %parallel_loop3A_224, %parallel_loop3A_225 : vector<16xi32>
        %parallel_loop3A_227 = arith.constant 0 : i32
        %parallel_loop3A_228 = arith.constant 319 : i32
        %parallel_loop3A_229 = vector.broadcast %parallel_loop3A_227 : i32 to vector<16xi32>
        %parallel_loop3A_230 = arith.maxsi %parallel_loop3A_229, %parallel_loop3A_226 : vector<16xi32>
        %parallel_loop3A_231 = vector.broadcast %parallel_loop3A_228 : i32 to vector<16xi32>
        %parallel_loop3A_232 = arith.minsi %parallel_loop3A_231, %parallel_loop3A_230 : vector<16xi32>
        %parallel_loop3A_233 = arith.constant 332 : i32
        %parallel_loop3A_234 = vector.broadcast %parallel_loop3A_233 : i32 to vector<16xi32>
        %parallel_loop3A_235 = arith.select %parallel_loop3A_220, %parallel_loop3A_232, %parallel_loop3A_234 : vector<16xi1>, vector<16xi32>
        %parallel_loop3A_236 = arith.constant 16 : i32
        %parallel_loop3A_237 = arith.muli %parallel_loop3A_210, %parallel_loop3A_236 : i32
        %parallel_loop3A_238 = arith.index_cast %parallel_loop3A_237 : i32 to index
        %parallel_loop3A_239 = tpu.vector_load %arg12[%parallel_loop3A_238] {strides = array<i32>} : memref<256xf32, #tpu.memory_space<vmem>>, vector<16xf32>,
        %parallel_loop3A_240 = math.exp %parallel_loop3A_239 : vector<16xf32>
        %parallel_loop3A_241 = arith.constant 16 : i32
        %parallel_loop3A_242 = arith.muli %parallel_loop3A_210, %parallel_loop3A_241 : i32
        %parallel_loop3A_243 = arith.index_cast %parallel_loop3A_242 : i32 to index
        %parallel_loop3A_244 = tpu.vector_load %arg16[%parallel_loop3A_243] {strides = array<i32>} : memref<256xi32, #tpu.memory_space<vmem>>, vector<16xi32>,
        tpu.vector_store %arg16[%parallel_loop3A_243], %parallel_loop3A_235 {strides = array<i32>} : memref<256xi32, #tpu.memory_space<vmem>>, vector<16xi32>,
        %parallel_loop3A_245 = tpu.vector_load_idx %arg8[%parallel_loop3A_235] : memref<336xf32, #tpu.memory_space<vmem>>[vector<16xi32>], vector<16xf32>,
        %parallel_loop3A_246 = arith.divf %parallel_loop3A_240, %parallel_loop3A_245 : vector<16xf32>
        %parallel_loop3A_247 = arith.constant 16 : i32
        %parallel_loop3A_248 = arith.muli %parallel_loop3A_210, %parallel_loop3A_247 : i32
        %parallel_loop3A_249 = arith.index_cast %parallel_loop3A_248 : i32 to index
        %parallel_loop3A_250 = tpu.vector_load %arg17[%parallel_loop3A_249] {strides = array<i32>} : memref<256xf32, #tpu.memory_space<vmem>>, vector<16xf32>,
        tpu.vector_store %arg17[%parallel_loop3A_249], %parallel_loop3A_246 {strides = array<i32>} : memref<256xf32, #tpu.memory_space<vmem>>, vector<16xf32>,
      } {sc.loop_unroll_factor = 4 : i64, sc.parallel_access}
      %parallel_loop3A_201 = arith.constant 0 : i32
      %parallel_loop3A_202 = arith.constant 256 : i32
      %parallel_loop3A_203 = arith.constant 1 : i32
      scf.for %parallel_loop3A_210 = %parallel_loop3A_201 to %parallel_loop3A_202 step %parallel_loop3A_203  : i32 {
        %parallel_loop3A_211 = vector.broadcast %parallel_loop3A_210 : i32 to vector<16xi32>
        %parallel_loop3A_212 = tpu.vector_load_idx %arg17[%parallel_loop3A_211] : memref<256xf32, #tpu.memory_space<vmem>>[vector<16xi32>], vector<16xf32>,
        %parallel_loop3A_213 = tpu.vector_load_idx %arg16[%parallel_loop3A_211] : memref<256xi32, #tpu.memory_space<vmem>>[vector<16xi32>], vector<16xi32>,
        %parallel_loop3A_214 = arith.constant 128 : i32
        %parallel_loop3A_215 = arith.muli %parallel_loop3A_210, %parallel_loop3A_214 : i32
        %parallel_loop3A_216 = vector.broadcast %parallel_loop3A_215 : i32 to vector<16xi32>
        %parallel_loop3A_217 = arith.constant 128 : i32
        %parallel_loop3A_218 = vector.broadcast %parallel_loop3A_217 : i32 to vector<16xi32>
        %parallel_loop3A_219 = arith.muli %parallel_loop3A_213, %parallel_loop3A_218 : vector<16xi32>
        %parallel_loop3A_220 = arith.addi %parallel_loop3A_216, %add3A_117 : vector<16xi32>
        %parallel_loop3A_221 = tpu.vector_load_idx %arg10[%parallel_loop3A_220] : memref<32768xf32, #tpu.memory_space<vmem>>[vector<16xi32>], vector<16xf32>,
        %parallel_loop3A_222 = arith.addi %parallel_loop3A_219, %add3A_117 : vector<16xi32>
        %parallel_loop3A_223 = arith.mulf %parallel_loop3A_221, %parallel_loop3A_212 : vector<16xf32>
        tpu.vector_store_idx %arg9[%parallel_loop3A_222], %parallel_loop3A_223 {add = true} : memref<43008xf32, #tpu.memory_space<vmem>>[vector<16xi32>], vector<16xf32>,
        %parallel_loop3A_224 = arith.addi %parallel_loop3A_216, %add3A_120 : vector<16xi32>
        %parallel_loop3A_225 = tpu.vector_load_idx %arg10[%parallel_loop3A_224] : memref<32768xf32, #tpu.memory_space<vmem>>[vector<16xi32>], vector<16xf32>,
        %parallel_loop3A_226 = arith.addi %parallel_loop3A_219, %add3A_120 : vector<16xi32>
        %parallel_loop3A_227 = arith.mulf %parallel_loop3A_225, %parallel_loop3A_212 : vector<16xf32>
        tpu.vector_store_idx %arg9[%parallel_loop3A_226], %parallel_loop3A_227 {add = true} : memref<43008xf32, #tpu.memory_space<vmem>>[vector<16xi32>], vector<16xf32>,
        %parallel_loop3A_228 = arith.addi %parallel_loop3A_216, %add3A_123 : vector<16xi32>
        %parallel_loop3A_229 = tpu.vector_load_idx %arg10[%parallel_loop3A_228] : memref<32768xf32, #tpu.memory_space<vmem>>[vector<16xi32>], vector<16xf32>,
        %parallel_loop3A_230 = arith.addi %parallel_loop3A_219, %add3A_123 : vector<16xi32>
        %parallel_loop3A_231 = arith.mulf %parallel_loop3A_229, %parallel_loop3A_212 : vector<16xf32>
        tpu.vector_store_idx %arg9[%parallel_loop3A_230], %parallel_loop3A_231 {add = true} : memref<43008xf32, #tpu.memory_space<vmem>>[vector<16xi32>], vector<16xf32>,
        %parallel_loop3A_232 = arith.addi %parallel_loop3A_216, %add3A_126 : vector<16xi32>
        %parallel_loop3A_233 = tpu.vector_load_idx %arg10[%parallel_loop3A_232] : memref<32768xf32, #tpu.memory_space<vmem>>[vector<16xi32>], vector<16xf32>,
        %parallel_loop3A_234 = arith.addi %parallel_loop3A_219, %add3A_126 : vector<16xi32>
        %parallel_loop3A_235 = arith.mulf %parallel_loop3A_233, %parallel_loop3A_212 : vector<16xf32>
        tpu.vector_store_idx %arg9[%parallel_loop3A_234], %parallel_loop3A_235 {add = true} : memref<43008xf32, #tpu.memory_space<vmem>>[vector<16xi32>], vector<16xf32>,
        %parallel_loop3A_236 = arith.addi %parallel_loop3A_216, %add3A_129 : vector<16xi32>
        %parallel_loop3A_237 = tpu.vector_load_idx %arg10[%parallel_loop3A_236] : memref<32768xf32, #tpu.memory_space<vmem>>[vector<16xi32>], vector<16xf32>,
        %parallel_loop3A_238 = arith.addi %parallel_loop3A_219, %add3A_129 : vector<16xi32>
        %parallel_loop3A_239 = arith.mulf %parallel_loop3A_237, %parallel_loop3A_212 : vector<16xf32>
        tpu.vector_store_idx %arg9[%parallel_loop3A_238], %parallel_loop3A_239 {add = true} : memref<43008xf32, #tpu.memory_space<vmem>>[vector<16xi32>], vector<16xf32>,
        %parallel_loop3A_240 = arith.addi %parallel_loop3A_216, %add3A_132 : vector<16xi32>
        %parallel_loop3A_241 = tpu.vector_load_idx %arg10[%parallel_loop3A_240] : memref<32768xf32, #tpu.memory_space<vmem>>[vector<16xi32>], vector<16xf32>,
        %parallel_loop3A_242 = arith.addi %parallel_loop3A_219, %add3A_132 : vector<16xi32>
        %parallel_loop3A_243 = arith.mulf %parallel_loop3A_241, %parallel_loop3A_212 : vector<16xf32>
        tpu.vector_store_idx %arg9[%parallel_loop3A_242], %parallel_loop3A_243 {add = true} : memref<43008xf32, #tpu.memory_space<vmem>>[vector<16xi32>], vector<16xf32>,
        %parallel_loop3A_244 = arith.addi %parallel_loop3A_216, %add3A_135 : vector<16xi32>
        %parallel_loop3A_245 = tpu.vector_load_idx %arg10[%parallel_loop3A_244] : memref<32768xf32, #tpu.memory_space<vmem>>[vector<16xi32>], vector<16xf32>,
        %parallel_loop3A_246 = arith.addi %parallel_loop3A_219, %add3A_135 : vector<16xi32>
        %parallel_loop3A_247 = arith.mulf %parallel_loop3A_245, %parallel_loop3A_212 : vector<16xf32>
        tpu.vector_store_idx %arg9[%parallel_loop3A_246], %parallel_loop3A_247 {add = true} : memref<43008xf32, #tpu.memory_space<vmem>>[vector<16xi32>], vector<16xf32>,
        %parallel_loop3A_248 = arith.addi %parallel_loop3A_216, %add3A_138 : vector<16xi32>
        %parallel_loop3A_249 = tpu.vector_load_idx %arg10[%parallel_loop3A_248] : memref<32768xf32, #tpu.memory_space<vmem>>[vector<16xi32>], vector<16xf32>,
        %parallel_loop3A_250 = arith.addi %parallel_loop3A_219, %add3A_138 : vector<16xi32>
        %parallel_loop3A_251 = arith.mulf %parallel_loop3A_249, %parallel_loop3A_212 : vector<16xf32>
        tpu.vector_store_idx %arg9[%parallel_loop3A_250], %parallel_loop3A_251 {add = true} : memref<43008xf32, #tpu.memory_space<vmem>>[vector<16xi32>], vector<16xf32>,
      } {sc.loop_unroll_factor = 4 : i64, sc.parallel_access}
      %add3A_204 = arith.constant 1 : i32
      %add3A_205 = arith.addi %mul3A_179, %add3A_204 : i32
      %lt3A_206 = arith.cmpi slt, %add3A_205, %select_n3A_56 : i32
      %convert_element_type3A_207 = arith.extui %lt3A_206 : i1 to i32
      %cond3A_208 = arith.constant 0 : i32
      %cond3A_209 = arith.cmpi ne, %convert_element_type3A_207, %cond3A_208 : i32
      scf.if %cond3A_209 {
        %dma_wait3A_210 = arith.constant 0 : i32
        %dma_wait3A_211 = tpu.memref_slice %arg2[%dma_wait3A_210] : memref<40996864xf32, #tpu.memory_space<hbm>> -> memref<32768xf32, #tpu.memory_space<hbm>>
        %dma_wait3A_212 = arith.constant 0 : i32
        %dma_wait3A_213 = tpu.memref_slice %arg2[%dma_wait3A_212] : memref<40996864xf32, #tpu.memory_space<hbm>> -> memref<32768xf32, #tpu.memory_space<hbm>>
        tpu.wait_dma2 semaphore(%arg19 : memref<!tpu.dma_semaphore, #tpu.memory_space<semaphore_mem>>) src(%dma_wait3A_213 : memref<32768xf32, #tpu.memory_space<hbm>>) dst(%arg11 : memref<32768xf32, #tpu.memory_space<vmem>>)
        %dma_wait3A_214 = arith.constant 0 : i32
        %dma_wait3A_215 = tpu.memref_slice %arg3[%dma_wait3A_214] : memref<320288xf32, #tpu.memory_space<hbm>> -> memref<256xf32, #tpu.memory_space<hbm>>
        %dma_wait3A_216 = arith.constant 0 : i32
        %dma_wait3A_217 = tpu.memref_slice %arg3[%dma_wait3A_216] : memref<320288xf32, #tpu.memory_space<hbm>> -> memref<256xf32, #tpu.memory_space<hbm>>
        tpu.wait_dma2 semaphore(%arg19 : memref<!tpu.dma_semaphore, #tpu.memory_space<semaphore_mem>>) src(%dma_wait3A_217 : memref<256xf32, #tpu.memory_space<hbm>>) dst(%arg13 : memref<256xf32, #tpu.memory_space<vmem>>)
        %dma_wait3A_218 = arith.constant 0 : i32
        %dma_wait3A_219 = tpu.memref_slice %arg4[%dma_wait3A_218] : memref<320288xi32, #tpu.memory_space<hbm>> -> memref<256xi32, #tpu.memory_space<hbm>>
        %dma_wait3A_220 = arith.constant 0 : i32
        %dma_wait3A_221 = tpu.memref_slice %arg4[%dma_wait3A_220] : memref<320288xi32, #tpu.memory_space<hbm>> -> memref<256xi32, #tpu.memory_space<hbm>>
        tpu.wait_dma2 semaphore(%arg19 : memref<!tpu.dma_semaphore, #tpu.memory_space<semaphore_mem>>) src(%dma_wait3A_221 : memref<256xi32, #tpu.memory_space<hbm>>) dst(%arg15 : memref<256xi32, #tpu.memory_space<vmem>>)
        %add3A_222 = arith.constant 2 : i32
        %add3A_223 = arith.addi %mul3A_179, %add3A_222 : i32
        %lt3A_224 = arith.cmpi slt, %add3A_223, %select_n3A_56 : i32
        %convert_element_type3A_225 = arith.extui %lt3A_224 : i1 to i32
        %cond3A_226 = arith.constant 0 : i32
        %cond3A_227 = arith.cmpi ne, %convert_element_type3A_225, %cond3A_226 : i32
        scf.if %cond3A_227 {
          %add3A_239 = arith.constant 2 : i32
          %add3A_240 = arith.addi %mul3A_179, %add3A_239 : i32
          %mul3A_241 = arith.constant 256 : i32
          %mul3A_242 = arith.muli %add3A_240, %mul3A_241 : i32
          %add3A_243 = arith.addi %mul3A_27, %mul3A_242 : i32
          %mul3A_244 = arith.constant 128 : i32
          %mul3A_245 = arith.muli %add3A_243, %mul3A_244 : i32
          %dma_start3A = tpu.memref_slice %arg2[%mul3A_245] : memref<40996864xf32, #tpu.memory_space<hbm>> -> memref<32768xf32, #tpu.memory_space<hbm>>
          %dma_start3A_246 = tpu.memref_slice %arg2[%mul3A_245] : memref<40996864xf32, #tpu.memory_space<hbm>> -> memref<32768xf32, #tpu.memory_space<hbm>>
          tpu.enqueue_dma source(%dma_start3A_246 : memref<32768xf32, #tpu.memory_space<hbm>>) target(%arg10 : memref<32768xf32, #tpu.memory_space<vmem>>) target_semaphore(%arg18 : memref<!tpu.dma_semaphore, #tpu.memory_space<semaphore_mem>>)
          %dma_start3A_247 = tpu.memref_slice %arg3[%add3A_243] : memref<320288xf32, #tpu.memory_space<hbm>> -> memref<256xf32, #tpu.memory_space<hbm>>
          %dma_start3A_248 = tpu.memref_slice %arg3[%add3A_243] : memref<320288xf32, #tpu.memory_space<hbm>> -> memref<256xf32, #tpu.memory_space<hbm>>
          tpu.enqueue_dma source(%dma_start3A_248 : memref<256xf32, #tpu.memory_space<hbm>>) target(%arg12 : memref<256xf32, #tpu.memory_space<vmem>>) target_semaphore(%arg18 : memref<!tpu.dma_semaphore, #tpu.memory_space<semaphore_mem>>)
          %dma_start3A_249 = tpu.memref_slice %arg4[%add3A_243] : memref<320288xi32, #tpu.memory_space<hbm>> -> memref<256xi32, #tpu.memory_space<hbm>>
          %dma_start3A_250 = tpu.memref_slice %arg4[%add3A_243] : memref<320288xi32, #tpu.memory_space<hbm>> -> memref<256xi32, #tpu.memory_space<hbm>>
          tpu.enqueue_dma source(%dma_start3A_250 : memref<256xi32, #tpu.memory_space<hbm>>) target(%arg14 : memref<256xi32, #tpu.memory_space<vmem>>) target_semaphore(%arg18 : memref<!tpu.dma_semaphore, #tpu.memory_space<semaphore_mem>>)
        } else {
        }
        %add3A_228 = arith.constant 1 : i32
        %add3A_229 = arith.addi %mul3A_179, %add3A_228 : i32
        %mul3A_230 = arith.constant 256 : i32
        %mul3A_231 = arith.muli %add3A_229, %mul3A_230 : i32
        %add3A_232 = arith.addi %mul3A_27, %mul3A_231 : i32
        %parallel_loop3A_233 = arith.constant 0 : i32
        %parallel_loop3A_234 = arith.constant 16 : i32
        %parallel_loop3A_235 = arith.constant 1 : i32
        scf.for %parallel_loop3A_239 = %parallel_loop3A_233 to %parallel_loop3A_234 step %parallel_loop3A_235  : i32 {
          %parallel_loop3A_240 = arith.constant 16 : i32
          %parallel_loop3A_241 = arith.muli %parallel_loop3A_239, %parallel_loop3A_240 : i32
          %parallel_loop3A_242 = arith.addi %add3A_232, %parallel_loop3A_241 : i32
          %parallel_loop3A_243 = vector.broadcast %parallel_loop3A_242 : i32 to vector<16xi32>
          %parallel_loop3A_244 = arith.addi %parallel_loop3A_243, %iota3A : vector<16xi32>
          %parallel_loop3A_245 = vector.broadcast %squeeze3A : i32 to vector<16xi32>
          %parallel_loop3A_246 = arith.cmpi sge, %parallel_loop3A_244, %parallel_loop3A_245 : vector<16xi32>
          %parallel_loop3A_247 = vector.broadcast %squeeze3A_7 : i32 to vector<16xi32>
          %parallel_loop3A_248 = arith.cmpi slt, %parallel_loop3A_244, %parallel_loop3A_247 : vector<16xi32>
          %parallel_loop3A_249 = arith.andi %parallel_loop3A_246, %parallel_loop3A_248 : vector<16xi1>
          %parallel_loop3A_250 = arith.constant 16 : i32
          %parallel_loop3A_251 = arith.muli %parallel_loop3A_239, %parallel_loop3A_250 : i32
          %parallel_loop3A_252 = arith.index_cast %parallel_loop3A_251 : i32 to index
          %parallel_loop3A_253 = tpu.vector_load %arg15[%parallel_loop3A_252] {strides = array<i32>} : memref<256xi32, #tpu.memory_space<vmem>>, vector<16xi32>,
          %parallel_loop3A_254 = vector.broadcast %mul3A_9 : i32 to vector<16xi32>
          %parallel_loop3A_255 = arith.subi %parallel_loop3A_253, %parallel_loop3A_254 : vector<16xi32>
          %parallel_loop3A_256 = arith.constant 0 : i32
          %parallel_loop3A_257 = arith.constant 319 : i32
          %parallel_loop3A_258 = vector.broadcast %parallel_loop3A_256 : i32 to vector<16xi32>
          %parallel_loop3A_259 = arith.maxsi %parallel_loop3A_258, %parallel_loop3A_255 : vector<16xi32>
          %parallel_loop3A_260 = vector.broadcast %parallel_loop3A_257 : i32 to vector<16xi32>
          %parallel_loop3A_261 = arith.minsi %parallel_loop3A_260, %parallel_loop3A_259 : vector<16xi32>
          %parallel_loop3A_262 = arith.constant 332 : i32
          %parallel_loop3A_263 = vector.broadcast %parallel_loop3A_262 : i32 to vector<16xi32>
          %parallel_loop3A_264 = arith.select %parallel_loop3A_249, %parallel_loop3A_261, %parallel_loop3A_263 : vector<16xi1>, vector<16xi32>
          %parallel_loop3A_265 = arith.constant 16 : i32
          %parallel_loop3A_266 = arith.muli %parallel_loop3A_239, %parallel_loop3A_265 : i32
          %parallel_loop3A_267 = arith.index_cast %parallel_loop3A_266 : i32 to index
          %parallel_loop3A_268 = tpu.vector_load %arg13[%parallel_loop3A_267] {strides = array<i32>} : memref<256xf32, #tpu.memory_space<vmem>>, vector<16xf32>,
          %parallel_loop3A_269 = math.exp %parallel_loop3A_268 : vector<16xf32>
          %parallel_loop3A_270 = arith.constant 16 : i32
          %parallel_loop3A_271 = arith.muli %parallel_loop3A_239, %parallel_loop3A_270 : i32
          %parallel_loop3A_272 = arith.index_cast %parallel_loop3A_271 : i32 to index
          %parallel_loop3A_273 = tpu.vector_load %arg16[%parallel_loop3A_272] {strides = array<i32>} : memref<256xi32, #tpu.memory_space<vmem>>, vector<16xi32>,
          tpu.vector_store %arg16[%parallel_loop3A_272], %parallel_loop3A_264 {strides = array<i32>} : memref<256xi32, #tpu.memory_space<vmem>>, vector<16xi32>,
          %parallel_loop3A_274 = tpu.vector_load_idx %arg8[%parallel_loop3A_264] : memref<336xf32, #tpu.memory_space<vmem>>[vector<16xi32>], vector<16xf32>,
          %parallel_loop3A_275 = arith.divf %parallel_loop3A_269, %parallel_loop3A_274 : vector<16xf32>
          %parallel_loop3A_276 = arith.constant 16 : i32
          %parallel_loop3A_277 = arith.muli %parallel_loop3A_239, %parallel_loop3A_276 : i32
          %parallel_loop3A_278 = arith.index_cast %parallel_loop3A_277 : i32 to index
          %parallel_loop3A_279 = tpu.vector_load %arg17[%parallel_loop3A_278] {strides = array<i32>} : memref<256xf32, #tpu.memory_space<vmem>>, vector<16xf32>,
          tpu.vector_store %arg17[%parallel_loop3A_278], %parallel_loop3A_275 {strides = array<i32>} : memref<256xf32, #tpu.memory_space<vmem>>, vector<16xf32>,
        } {sc.loop_unroll_factor = 4 : i64, sc.parallel_access}
        %parallel_loop3A_236 = arith.constant 0 : i32
        %parallel_loop3A_237 = arith.constant 256 : i32
        %parallel_loop3A_238 = arith.constant 1 : i32
        scf.for %parallel_loop3A_239 = %parallel_loop3A_236 to %parallel_loop3A_237 step %parallel_loop3A_238  : i32 {
          %parallel_loop3A_240 = vector.broadcast %parallel_loop3A_239 : i32 to vector<16xi32>
          %parallel_loop3A_241 = tpu.vector_load_idx %arg17[%parallel_loop3A_240] : memref<256xf32, #tpu.memory_space<vmem>>[vector<16xi32>], vector<16xf32>,
          %parallel_loop3A_242 = tpu.vector_load_idx %arg16[%parallel_loop3A_240] : memref<256xi32, #tpu.memory_space<vmem>>[vector<16xi32>], vector<16xi32>,
          %parallel_loop3A_243 = arith.constant 128 : i32
          %parallel_loop3A_244 = arith.muli %parallel_loop3A_239, %parallel_loop3A_243 : i32
          %parallel_loop3A_245 = vector.broadcast %parallel_loop3A_244 : i32 to vector<16xi32>
          %parallel_loop3A_246 = arith.constant 128 : i32
          %parallel_loop3A_247 = vector.broadcast %parallel_loop3A_246 : i32 to vector<16xi32>
          %parallel_loop3A_248 = arith.muli %parallel_loop3A_242, %parallel_loop3A_247 : vector<16xi32>
          %parallel_loop3A_249 = arith.addi %parallel_loop3A_245, %add3A_117 : vector<16xi32>
          %parallel_loop3A_250 = tpu.vector_load_idx %arg11[%parallel_loop3A_249] : memref<32768xf32, #tpu.memory_space<vmem>>[vector<16xi32>], vector<16xf32>,
          %parallel_loop3A_251 = arith.addi %parallel_loop3A_248, %add3A_117 : vector<16xi32>
          %parallel_loop3A_252 = arith.mulf %parallel_loop3A_250, %parallel_loop3A_241 : vector<16xf32>
          tpu.vector_store_idx %arg9[%parallel_loop3A_251], %parallel_loop3A_252 {add = true} : memref<43008xf32, #tpu.memory_space<vmem>>[vector<16xi32>], vector<16xf32>,
          %parallel_loop3A_253 = arith.addi %parallel_loop3A_245, %add3A_120 : vector<16xi32>
          %parallel_loop3A_254 = tpu.vector_load_idx %arg11[%parallel_loop3A_253] : memref<32768xf32, #tpu.memory_space<vmem>>[vector<16xi32>], vector<16xf32>,
          %parallel_loop3A_255 = arith.addi %parallel_loop3A_248, %add3A_120 : vector<16xi32>
          %parallel_loop3A_256 = arith.mulf %parallel_loop3A_254, %parallel_loop3A_241 : vector<16xf32>
          tpu.vector_store_idx %arg9[%parallel_loop3A_255], %parallel_loop3A_256 {add = true} : memref<43008xf32, #tpu.memory_space<vmem>>[vector<16xi32>], vector<16xf32>,
          %parallel_loop3A_257 = arith.addi %parallel_loop3A_245, %add3A_123 : vector<16xi32>
          %parallel_loop3A_258 = tpu.vector_load_idx %arg11[%parallel_loop3A_257] : memref<32768xf32, #tpu.memory_space<vmem>>[vector<16xi32>], vector<16xf32>,
          %parallel_loop3A_259 = arith.addi %parallel_loop3A_248, %add3A_123 : vector<16xi32>
          %parallel_loop3A_260 = arith.mulf %parallel_loop3A_258, %parallel_loop3A_241 : vector<16xf32>
          tpu.vector_store_idx %arg9[%parallel_loop3A_259], %parallel_loop3A_260 {add = true} : memref<43008xf32, #tpu.memory_space<vmem>>[vector<16xi32>], vector<16xf32>,
          %parallel_loop3A_261 = arith.addi %parallel_loop3A_245, %add3A_126 : vector<16xi32>
          %parallel_loop3A_262 = tpu.vector_load_idx %arg11[%parallel_loop3A_261] : memref<32768xf32, #tpu.memory_space<vmem>>[vector<16xi32>], vector<16xf32>,
          %parallel_loop3A_263 = arith.addi %parallel_loop3A_248, %add3A_126 : vector<16xi32>
          %parallel_loop3A_264 = arith.mulf %parallel_loop3A_262, %parallel_loop3A_241 : vector<16xf32>
          tpu.vector_store_idx %arg9[%parallel_loop3A_263], %parallel_loop3A_264 {add = true} : memref<43008xf32, #tpu.memory_space<vmem>>[vector<16xi32>], vector<16xf32>,
          %parallel_loop3A_265 = arith.addi %parallel_loop3A_245, %add3A_129 : vector<16xi32>
          %parallel_loop3A_266 = tpu.vector_load_idx %arg11[%parallel_loop3A_265] : memref<32768xf32, #tpu.memory_space<vmem>>[vector<16xi32>], vector<16xf32>,
          %parallel_loop3A_267 = arith.addi %parallel_loop3A_248, %add3A_129 : vector<16xi32>
          %parallel_loop3A_268 = arith.mulf %parallel_loop3A_266, %parallel_loop3A_241 : vector<16xf32>
          tpu.vector_store_idx %arg9[%parallel_loop3A_267], %parallel_loop3A_268 {add = true} : memref<43008xf32, #tpu.memory_space<vmem>>[vector<16xi32>], vector<16xf32>,
          %parallel_loop3A_269 = arith.addi %parallel_loop3A_245, %add3A_132 : vector<16xi32>
          %parallel_loop3A_270 = tpu.vector_load_idx %arg11[%parallel_loop3A_269] : memref<32768xf32, #tpu.memory_space<vmem>>[vector<16xi32>], vector<16xf32>,
          %parallel_loop3A_271 = arith.addi %parallel_loop3A_248, %add3A_132 : vector<16xi32>
          %parallel_loop3A_272 = arith.mulf %parallel_loop3A_270, %parallel_loop3A_241 : vector<16xf32>
          tpu.vector_store_idx %arg9[%parallel_loop3A_271], %parallel_loop3A_272 {add = true} : memref<43008xf32, #tpu.memory_space<vmem>>[vector<16xi32>], vector<16xf32>,
          %parallel_loop3A_273 = arith.addi %parallel_loop3A_245, %add3A_135 : vector<16xi32>
          %parallel_loop3A_274 = tpu.vector_load_idx %arg11[%parallel_loop3A_273] : memref<32768xf32, #tpu.memory_space<vmem>>[vector<16xi32>], vector<16xf32>,
          %parallel_loop3A_275 = arith.addi %parallel_loop3A_248, %add3A_135 : vector<16xi32>
          %parallel_loop3A_276 = arith.mulf %parallel_loop3A_274, %parallel_loop3A_241 : vector<16xf32>
          tpu.vector_store_idx %arg9[%parallel_loop3A_275], %parallel_loop3A_276 {add = true} : memref<43008xf32, #tpu.memory_space<vmem>>[vector<16xi32>], vector<16xf32>,
          %parallel_loop3A_277 = arith.addi %parallel_loop3A_245, %add3A_138 : vector<16xi32>
          %parallel_loop3A_278 = tpu.vector_load_idx %arg11[%parallel_loop3A_277] : memref<32768xf32, #tpu.memory_space<vmem>>[vector<16xi32>], vector<16xf32>,
          %parallel_loop3A_279 = arith.addi %parallel_loop3A_248, %add3A_138 : vector<16xi32>
          %parallel_loop3A_280 = arith.mulf %parallel_loop3A_278, %parallel_loop3A_241 : vector<16xf32>
          tpu.vector_store_idx %arg9[%parallel_loop3A_279], %parallel_loop3A_280 {add = true} : memref<43008xf32, #tpu.memory_space<vmem>>[vector<16xi32>], vector<16xf32>,
        } {sc.loop_unroll_factor = 4 : i64, sc.parallel_access}
      } else {
      }
    }
    %while3A_174 = arith.constant 1 : i32
    scf.for %while3A_177 = %while3A_172 to %while3A_168 step %while3A_174  : i32 {
      %mul3A_178 = arith.constant 2 : i32
      %mul3A_179 = arith.muli %mul3A_178, %while3A_177 : i32
      %dma_wait3A = arith.constant 0 : i32
      %dma_wait3A_180 = tpu.memref_slice %arg2[%dma_wait3A] : memref<40996864xf32, #tpu.memory_space<hbm>> -> memref<32768xf32, #tpu.memory_space<hbm>>
      %dma_wait3A_181 = arith.constant 0 : i32
      %dma_wait3A_182 = tpu.memref_slice %arg2[%dma_wait3A_181] : memref<40996864xf32, #tpu.memory_space<hbm>> -> memref<32768xf32, #tpu.memory_space<hbm>>
      tpu.wait_dma2 semaphore(%arg18 : memref<!tpu.dma_semaphore, #tpu.memory_space<semaphore_mem>>) src(%dma_wait3A_182 : memref<32768xf32, #tpu.memory_space<hbm>>) dst(%arg10 : memref<32768xf32, #tpu.memory_space<vmem>>)
      %dma_wait3A_183 = arith.constant 0 : i32
      %dma_wait3A_184 = tpu.memref_slice %arg3[%dma_wait3A_183] : memref<320288xf32, #tpu.memory_space<hbm>> -> memref<256xf32, #tpu.memory_space<hbm>>
      %dma_wait3A_185 = arith.constant 0 : i32
      %dma_wait3A_186 = tpu.memref_slice %arg3[%dma_wait3A_185] : memref<320288xf32, #tpu.memory_space<hbm>> -> memref<256xf32, #tpu.memory_space<hbm>>
      tpu.wait_dma2 semaphore(%arg18 : memref<!tpu.dma_semaphore, #tpu.memory_space<semaphore_mem>>) src(%dma_wait3A_186 : memref<256xf32, #tpu.memory_space<hbm>>) dst(%arg12 : memref<256xf32, #tpu.memory_space<vmem>>)
      %dma_wait3A_187 = arith.constant 0 : i32
      %dma_wait3A_188 = tpu.memref_slice %arg4[%dma_wait3A_187] : memref<320288xi32, #tpu.memory_space<hbm>> -> memref<256xi32, #tpu.memory_space<hbm>>
      %dma_wait3A_189 = arith.constant 0 : i32
      %dma_wait3A_190 = tpu.memref_slice %arg4[%dma_wait3A_189] : memref<320288xi32, #tpu.memory_space<hbm>> -> memref<256xi32, #tpu.memory_space<hbm>>
      tpu.wait_dma2 semaphore(%arg18 : memref<!tpu.dma_semaphore, #tpu.memory_space<semaphore_mem>>) src(%dma_wait3A_190 : memref<256xi32, #tpu.memory_space<hbm>>) dst(%arg14 : memref<256xi32, #tpu.memory_space<vmem>>)
      %add3A_191 = arith.constant 1 : i32
      %add3A_192 = arith.addi %mul3A_179, %add3A_191 : i32
      %lt3A = arith.cmpi slt, %add3A_192, %select_n3A_56 : i32
      %convert_element_type3A_193 = arith.extui %lt3A : i1 to i32
      %cond3A_194 = arith.constant 0 : i32
      %cond3A_195 = arith.cmpi ne, %convert_element_type3A_193, %cond3A_194 : i32
      scf.if %cond3A_195 {
        %add3A_210 = arith.constant 1 : i32
        %add3A_211 = arith.addi %mul3A_179, %add3A_210 : i32
        %mul3A_212 = arith.constant 256 : i32
        %mul3A_213 = arith.muli %add3A_211, %mul3A_212 : i32
        %add3A_214 = arith.addi %mul3A_27, %mul3A_213 : i32
        %mul3A_215 = arith.constant 128 : i32
        %mul3A_216 = arith.muli %add3A_214, %mul3A_215 : i32
        %dma_start3A = tpu.memref_slice %arg2[%mul3A_216] : memref<40996864xf32, #tpu.memory_space<hbm>> -> memref<32768xf32, #tpu.memory_space<hbm>>
        %dma_start3A_217 = tpu.memref_slice %arg2[%mul3A_216] : memref<40996864xf32, #tpu.memory_space<hbm>> -> memref<32768xf32, #tpu.memory_space<hbm>>
        tpu.enqueue_dma source(%dma_start3A_217 : memref<32768xf32, #tpu.memory_space<hbm>>) target(%arg11 : memref<32768xf32, #tpu.memory_space<vmem>>) target_semaphore(%arg19 : memref<!tpu.dma_semaphore, #tpu.memory_space<semaphore_mem>>)
        %dma_start3A_218 = tpu.memref_slice %arg3[%add3A_214] : memref<320288xf32, #tpu.memory_space<hbm>> -> memref<256xf32, #tpu.memory_space<hbm>>
        %dma_start3A_219 = tpu.memref_slice %arg3[%add3A_214] : memref<320288xf32, #tpu.memory_space<hbm>> -> memref<256xf32, #tpu.memory_space<hbm>>
        tpu.enqueue_dma source(%dma_start3A_219 : memref<256xf32, #tpu.memory_space<hbm>>) target(%arg13 : memref<256xf32, #tpu.memory_space<vmem>>) target_semaphore(%arg19 : memref<!tpu.dma_semaphore, #tpu.memory_space<semaphore_mem>>)
        %dma_start3A_220 = tpu.memref_slice %arg4[%add3A_214] : memref<320288xi32, #tpu.memory_space<hbm>> -> memref<256xi32, #tpu.memory_space<hbm>>
        %dma_start3A_221 = tpu.memref_slice %arg4[%add3A_214] : memref<320288xi32, #tpu.memory_space<hbm>> -> memref<256xi32, #tpu.memory_space<hbm>>
        tpu.enqueue_dma source(%dma_start3A_221 : memref<256xi32, #tpu.memory_space<hbm>>) target(%arg15 : memref<256xi32, #tpu.memory_space<vmem>>) target_semaphore(%arg19 : memref<!tpu.dma_semaphore, #tpu.memory_space<semaphore_mem>>)
      } else {
      }
      %mul3A_196 = arith.constant 256 : i32
      %mul3A_197 = arith.muli %mul3A_179, %mul3A_196 : i32
      %add3A_198 = arith.addi %mul3A_27, %mul3A_197 : i32
      %parallel_loop3A = arith.constant 0 : i32
      %parallel_loop3A_199 = arith.constant 16 : i32
      %parallel_loop3A_200 = arith.constant 1 : i32
      scf.for %parallel_loop3A_210 = %parallel_loop3A to %parallel_loop3A_199 step %parallel_loop3A_200  : i32 {
        %parallel_loop3A_211 = arith.constant 16 : i32
        %parallel_loop3A_212 = arith.muli %parallel_loop3A_210, %parallel_loop3A_211 : i32
        %parallel_loop3A_213 = arith.addi %add3A_198, %parallel_loop3A_212 : i32
        %parallel_loop3A_214 = vector.broadcast %parallel_loop3A_213 : i32 to vector<16xi32>
        %parallel_loop3A_215 = arith.addi %parallel_loop3A_214, %iota3A : vector<16xi32>
        %parallel_loop3A_216 = vector.broadcast %squeeze3A : i32 to vector<16xi32>
        %parallel_loop3A_217 = arith.cmpi sge, %parallel_loop3A_215, %parallel_loop3A_216 : vector<16xi32>
        %parallel_loop3A_218 = vector.broadcast %squeeze3A_7 : i32 to vector<16xi32>
        %parallel_loop3A_219 = arith.cmpi slt, %parallel_loop3A_215, %parallel_loop3A_218 : vector<16xi32>
        %parallel_loop3A_220 = arith.andi %parallel_loop3A_217, %parallel_loop3A_219 : vector<16xi1>
        %parallel_loop3A_221 = arith.constant 16 : i32
        %parallel_loop3A_222 = arith.muli %parallel_loop3A_210, %parallel_loop3A_221 : i32
        %parallel_loop3A_223 = arith.index_cast %parallel_loop3A_222 : i32 to index
        %parallel_loop3A_224 = tpu.vector_load %arg14[%parallel_loop3A_223] {strides = array<i32>} : memref<256xi32, #tpu.memory_space<vmem>>, vector<16xi32>,
        %parallel_loop3A_225 = vector.broadcast %mul3A_9 : i32 to vector<16xi32>
        %parallel_loop3A_226 = arith.subi %parallel_loop3A_224, %parallel_loop3A_225 : vector<16xi32>
        %parallel_loop3A_227 = arith.constant 0 : i32
        %parallel_loop3A_228 = arith.constant 319 : i32
        %parallel_loop3A_229 = vector.broadcast %parallel_loop3A_227 : i32 to vector<16xi32>
        %parallel_loop3A_230 = arith.maxsi %parallel_loop3A_229, %parallel_loop3A_226 : vector<16xi32>
        %parallel_loop3A_231 = vector.broadcast %parallel_loop3A_228 : i32 to vector<16xi32>
        %parallel_loop3A_232 = arith.minsi %parallel_loop3A_231, %parallel_loop3A_230 : vector<16xi32>
        %parallel_loop3A_233 = arith.constant 332 : i32
        %parallel_loop3A_234 = vector.broadcast %parallel_loop3A_233 : i32 to vector<16xi32>
        %parallel_loop3A_235 = arith.select %parallel_loop3A_220, %parallel_loop3A_232, %parallel_loop3A_234 : vector<16xi1>, vector<16xi32>
        %parallel_loop3A_236 = arith.constant 16 : i32
        %parallel_loop3A_237 = arith.muli %parallel_loop3A_210, %parallel_loop3A_236 : i32
        %parallel_loop3A_238 = arith.index_cast %parallel_loop3A_237 : i32 to index
        %parallel_loop3A_239 = tpu.vector_load %arg12[%parallel_loop3A_238] {strides = array<i32>} : memref<256xf32, #tpu.memory_space<vmem>>, vector<16xf32>,
        %parallel_loop3A_240 = math.exp %parallel_loop3A_239 : vector<16xf32>
        %parallel_loop3A_241 = arith.constant 16 : i32
        %parallel_loop3A_242 = arith.muli %parallel_loop3A_210, %parallel_loop3A_241 : i32
        %parallel_loop3A_243 = arith.index_cast %parallel_loop3A_242 : i32 to index
        %parallel_loop3A_244 = tpu.vector_load %arg16[%parallel_loop3A_243] {strides = array<i32>} : memref<256xi32, #tpu.memory_space<vmem>>, vector<16xi32>,
        tpu.vector_store %arg16[%parallel_loop3A_243], %parallel_loop3A_235 {strides = array<i32>} : memref<256xi32, #tpu.memory_space<vmem>>, vector<16xi32>,
        %parallel_loop3A_245 = tpu.vector_load_idx %arg8[%parallel_loop3A_235] : memref<336xf32, #tpu.memory_space<vmem>>[vector<16xi32>], vector<16xf32>,
        %parallel_loop3A_246 = arith.divf %parallel_loop3A_240, %parallel_loop3A_245 : vector<16xf32>
        %parallel_loop3A_247 = arith.constant 16 : i32
        %parallel_loop3A_248 = arith.muli %parallel_loop3A_210, %parallel_loop3A_247 : i32
        %parallel_loop3A_249 = arith.index_cast %parallel_loop3A_248 : i32 to index
        %parallel_loop3A_250 = tpu.vector_load %arg17[%parallel_loop3A_249] {strides = array<i32>} : memref<256xf32, #tpu.memory_space<vmem>>, vector<16xf32>,
        tpu.vector_store %arg17[%parallel_loop3A_249], %parallel_loop3A_246 {strides = array<i32>} : memref<256xf32, #tpu.memory_space<vmem>>, vector<16xf32>,
      } {sc.loop_unroll_factor = 4 : i64, sc.parallel_access}
      %parallel_loop3A_201 = arith.constant 0 : i32
      %parallel_loop3A_202 = arith.constant 256 : i32
      %parallel_loop3A_203 = arith.constant 1 : i32
      scf.for %parallel_loop3A_210 = %parallel_loop3A_201 to %parallel_loop3A_202 step %parallel_loop3A_203  : i32 {
        %parallel_loop3A_211 = vector.broadcast %parallel_loop3A_210 : i32 to vector<16xi32>
        %parallel_loop3A_212 = tpu.vector_load_idx %arg17[%parallel_loop3A_211] : memref<256xf32, #tpu.memory_space<vmem>>[vector<16xi32>], vector<16xf32>,
        %parallel_loop3A_213 = tpu.vector_load_idx %arg16[%parallel_loop3A_211] : memref<256xi32, #tpu.memory_space<vmem>>[vector<16xi32>], vector<16xi32>,
        %parallel_loop3A_214 = arith.constant 128 : i32
        %parallel_loop3A_215 = arith.muli %parallel_loop3A_210, %parallel_loop3A_214 : i32
        %parallel_loop3A_216 = vector.broadcast %parallel_loop3A_215 : i32 to vector<16xi32>
        %parallel_loop3A_217 = arith.constant 128 : i32
        %parallel_loop3A_218 = vector.broadcast %parallel_loop3A_217 : i32 to vector<16xi32>
        %parallel_loop3A_219 = arith.muli %parallel_loop3A_213, %parallel_loop3A_218 : vector<16xi32>
        %parallel_loop3A_220 = arith.addi %parallel_loop3A_216, %add3A_117 : vector<16xi32>
        %parallel_loop3A_221 = tpu.vector_load_idx %arg10[%parallel_loop3A_220] : memref<32768xf32, #tpu.memory_space<vmem>>[vector<16xi32>], vector<16xf32>,
        %parallel_loop3A_222 = arith.addi %parallel_loop3A_219, %add3A_117 : vector<16xi32>
        %parallel_loop3A_223 = arith.mulf %parallel_loop3A_221, %parallel_loop3A_212 : vector<16xf32>
        tpu.vector_store_idx %arg9[%parallel_loop3A_222], %parallel_loop3A_223 {add = true} : memref<43008xf32, #tpu.memory_space<vmem>>[vector<16xi32>], vector<16xf32>,
        %parallel_loop3A_224 = arith.addi %parallel_loop3A_216, %add3A_120 : vector<16xi32>
        %parallel_loop3A_225 = tpu.vector_load_idx %arg10[%parallel_loop3A_224] : memref<32768xf32, #tpu.memory_space<vmem>>[vector<16xi32>], vector<16xf32>,
        %parallel_loop3A_226 = arith.addi %parallel_loop3A_219, %add3A_120 : vector<16xi32>
        %parallel_loop3A_227 = arith.mulf %parallel_loop3A_225, %parallel_loop3A_212 : vector<16xf32>
        tpu.vector_store_idx %arg9[%parallel_loop3A_226], %parallel_loop3A_227 {add = true} : memref<43008xf32, #tpu.memory_space<vmem>>[vector<16xi32>], vector<16xf32>,
        %parallel_loop3A_228 = arith.addi %parallel_loop3A_216, %add3A_123 : vector<16xi32>
        %parallel_loop3A_229 = tpu.vector_load_idx %arg10[%parallel_loop3A_228] : memref<32768xf32, #tpu.memory_space<vmem>>[vector<16xi32>], vector<16xf32>,
        %parallel_loop3A_230 = arith.addi %parallel_loop3A_219, %add3A_123 : vector<16xi32>
        %parallel_loop3A_231 = arith.mulf %parallel_loop3A_229, %parallel_loop3A_212 : vector<16xf32>
        tpu.vector_store_idx %arg9[%parallel_loop3A_230], %parallel_loop3A_231 {add = true} : memref<43008xf32, #tpu.memory_space<vmem>>[vector<16xi32>], vector<16xf32>,
        %parallel_loop3A_232 = arith.addi %parallel_loop3A_216, %add3A_126 : vector<16xi32>
        %parallel_loop3A_233 = tpu.vector_load_idx %arg10[%parallel_loop3A_232] : memref<32768xf32, #tpu.memory_space<vmem>>[vector<16xi32>], vector<16xf32>,
        %parallel_loop3A_234 = arith.addi %parallel_loop3A_219, %add3A_126 : vector<16xi32>
        %parallel_loop3A_235 = arith.mulf %parallel_loop3A_233, %parallel_loop3A_212 : vector<16xf32>
        tpu.vector_store_idx %arg9[%parallel_loop3A_234], %parallel_loop3A_235 {add = true} : memref<43008xf32, #tpu.memory_space<vmem>>[vector<16xi32>], vector<16xf32>,
        %parallel_loop3A_236 = arith.addi %parallel_loop3A_216, %add3A_129 : vector<16xi32>
        %parallel_loop3A_237 = tpu.vector_load_idx %arg10[%parallel_loop3A_236] : memref<32768xf32, #tpu.memory_space<vmem>>[vector<16xi32>], vector<16xf32>,
        %parallel_loop3A_238 = arith.addi %parallel_loop3A_219, %add3A_129 : vector<16xi32>
        %parallel_loop3A_239 = arith.mulf %parallel_loop3A_237, %parallel_loop3A_212 : vector<16xf32>
        tpu.vector_store_idx %arg9[%parallel_loop3A_238], %parallel_loop3A_239 {add = true} : memref<43008xf32, #tpu.memory_space<vmem>>[vector<16xi32>], vector<16xf32>,
        %parallel_loop3A_240 = arith.addi %parallel_loop3A_216, %add3A_132 : vector<16xi32>
        %parallel_loop3A_241 = tpu.vector_load_idx %arg10[%parallel_loop3A_240] : memref<32768xf32, #tpu.memory_space<vmem>>[vector<16xi32>], vector<16xf32>,
        %parallel_loop3A_242 = arith.addi %parallel_loop3A_219, %add3A_132 : vector<16xi32>
        %parallel_loop3A_243 = arith.mulf %parallel_loop3A_241, %parallel_loop3A_212 : vector<16xf32>
        tpu.vector_store_idx %arg9[%parallel_loop3A_242], %parallel_loop3A_243 {add = true} : memref<43008xf32, #tpu.memory_space<vmem>>[vector<16xi32>], vector<16xf32>,
        %parallel_loop3A_244 = arith.addi %parallel_loop3A_216, %add3A_135 : vector<16xi32>
        %parallel_loop3A_245 = tpu.vector_load_idx %arg10[%parallel_loop3A_244] : memref<32768xf32, #tpu.memory_space<vmem>>[vector<16xi32>], vector<16xf32>,
        %parallel_loop3A_246 = arith.addi %parallel_loop3A_219, %add3A_135 : vector<16xi32>
        %parallel_loop3A_247 = arith.mulf %parallel_loop3A_245, %parallel_loop3A_212 : vector<16xf32>
        tpu.vector_store_idx %arg9[%parallel_loop3A_246], %parallel_loop3A_247 {add = true} : memref<43008xf32, #tpu.memory_space<vmem>>[vector<16xi32>], vector<16xf32>,
        %parallel_loop3A_248 = arith.addi %parallel_loop3A_216, %add3A_138 : vector<16xi32>
        %parallel_loop3A_249 = tpu.vector_load_idx %arg10[%parallel_loop3A_248] : memref<32768xf32, #tpu.memory_space<vmem>>[vector<16xi32>], vector<16xf32>,
        %parallel_loop3A_250 = arith.addi %parallel_loop3A_219, %add3A_138 : vector<16xi32>
        %parallel_loop3A_251 = arith.mulf %parallel_loop3A_249, %parallel_loop3A_212 : vector<16xf32>
        tpu.vector_store_idx %arg9[%parallel_loop3A_250], %parallel_loop3A_251 {add = true} : memref<43008xf32, #tpu.memory_space<vmem>>[vector<16xi32>], vector<16xf32>,
      } {sc.loop_unroll_factor = 4 : i64, sc.parallel_access}
      %add3A_204 = arith.constant 1 : i32
      %add3A_205 = arith.addi %mul3A_179, %add3A_204 : i32
      %lt3A_206 = arith.cmpi slt, %add3A_205, %select_n3A_56 : i32
      %convert_element_type3A_207 = arith.extui %lt3A_206 : i1 to i32
      %cond3A_208 = arith.constant 0 : i32
      %cond3A_209 = arith.cmpi ne, %convert_element_type3A_207, %cond3A_208 : i32
      scf.if %cond3A_209 {
        %dma_wait3A_210 = arith.constant 0 : i32
        %dma_wait3A_211 = tpu.memref_slice %arg2[%dma_wait3A_210] : memref<40996864xf32, #tpu.memory_space<hbm>> -> memref<32768xf32, #tpu.memory_space<hbm>>
        %dma_wait3A_212 = arith.constant 0 : i32
        %dma_wait3A_213 = tpu.memref_slice %arg2[%dma_wait3A_212] : memref<40996864xf32, #tpu.memory_space<hbm>> -> memref<32768xf32, #tpu.memory_space<hbm>>
        tpu.wait_dma2 semaphore(%arg19 : memref<!tpu.dma_semaphore, #tpu.memory_space<semaphore_mem>>) src(%dma_wait3A_213 : memref<32768xf32, #tpu.memory_space<hbm>>) dst(%arg11 : memref<32768xf32, #tpu.memory_space<vmem>>)
        %dma_wait3A_214 = arith.constant 0 : i32
        %dma_wait3A_215 = tpu.memref_slice %arg3[%dma_wait3A_214] : memref<320288xf32, #tpu.memory_space<hbm>> -> memref<256xf32, #tpu.memory_space<hbm>>
        %dma_wait3A_216 = arith.constant 0 : i32
        %dma_wait3A_217 = tpu.memref_slice %arg3[%dma_wait3A_216] : memref<320288xf32, #tpu.memory_space<hbm>> -> memref<256xf32, #tpu.memory_space<hbm>>
        tpu.wait_dma2 semaphore(%arg19 : memref<!tpu.dma_semaphore, #tpu.memory_space<semaphore_mem>>) src(%dma_wait3A_217 : memref<256xf32, #tpu.memory_space<hbm>>) dst(%arg13 : memref<256xf32, #tpu.memory_space<vmem>>)
        %dma_wait3A_218 = arith.constant 0 : i32
        %dma_wait3A_219 = tpu.memref_slice %arg4[%dma_wait3A_218] : memref<320288xi32, #tpu.memory_space<hbm>> -> memref<256xi32, #tpu.memory_space<hbm>>
        %dma_wait3A_220 = arith.constant 0 : i32
        %dma_wait3A_221 = tpu.memref_slice %arg4[%dma_wait3A_220] : memref<320288xi32, #tpu.memory_space<hbm>> -> memref<256xi32, #tpu.memory_space<hbm>>
        tpu.wait_dma2 semaphore(%arg19 : memref<!tpu.dma_semaphore, #tpu.memory_space<semaphore_mem>>) src(%dma_wait3A_221 : memref<256xi32, #tpu.memory_space<hbm>>) dst(%arg15 : memref<256xi32, #tpu.memory_space<vmem>>)
        %add3A_222 = arith.constant 2 : i32
        %add3A_223 = arith.addi %mul3A_179, %add3A_222 : i32
        %lt3A_224 = arith.cmpi slt, %add3A_223, %select_n3A_56 : i32
        %convert_element_type3A_225 = arith.extui %lt3A_224 : i1 to i32
        %cond3A_226 = arith.constant 0 : i32
        %cond3A_227 = arith.cmpi ne, %convert_element_type3A_225, %cond3A_226 : i32
        scf.if %cond3A_227 {
          %add3A_239 = arith.constant 2 : i32
          %add3A_240 = arith.addi %mul3A_179, %add3A_239 : i32
          %mul3A_241 = arith.constant 256 : i32
          %mul3A_242 = arith.muli %add3A_240, %mul3A_241 : i32
          %add3A_243 = arith.addi %mul3A_27, %mul3A_242 : i32
          %mul3A_244 = arith.constant 128 : i32
          %mul3A_245 = arith.muli %add3A_243, %mul3A_244 : i32
          %dma_start3A = tpu.memref_slice %arg2[%mul3A_245] : memref<40996864xf32, #tpu.memory_space<hbm>> -> memref<32768xf32, #tpu.memory_space<hbm>>
          %dma_start3A_246 = tpu.memref_slice %arg2[%mul3A_245] : memref<40996864xf32, #tpu.memory_space<hbm>> -> memref<32768xf32, #tpu.memory_space<hbm>>
          tpu.enqueue_dma source(%dma_start3A_246 : memref<32768xf32, #tpu.memory_space<hbm>>) target(%arg10 : memref<32768xf32, #tpu.memory_space<vmem>>) target_semaphore(%arg18 : memref<!tpu.dma_semaphore, #tpu.memory_space<semaphore_mem>>)
          %dma_start3A_247 = tpu.memref_slice %arg3[%add3A_243] : memref<320288xf32, #tpu.memory_space<hbm>> -> memref<256xf32, #tpu.memory_space<hbm>>
          %dma_start3A_248 = tpu.memref_slice %arg3[%add3A_243] : memref<320288xf32, #tpu.memory_space<hbm>> -> memref<256xf32, #tpu.memory_space<hbm>>
          tpu.enqueue_dma source(%dma_start3A_248 : memref<256xf32, #tpu.memory_space<hbm>>) target(%arg12 : memref<256xf32, #tpu.memory_space<vmem>>) target_semaphore(%arg18 : memref<!tpu.dma_semaphore, #tpu.memory_space<semaphore_mem>>)
          %dma_start3A_249 = tpu.memref_slice %arg4[%add3A_243] : memref<320288xi32, #tpu.memory_space<hbm>> -> memref<256xi32, #tpu.memory_space<hbm>>
          %dma_start3A_250 = tpu.memref_slice %arg4[%add3A_243] : memref<320288xi32, #tpu.memory_space<hbm>> -> memref<256xi32, #tpu.memory_space<hbm>>
          tpu.enqueue_dma source(%dma_start3A_250 : memref<256xi32, #tpu.memory_space<hbm>>) target(%arg14 : memref<256xi32, #tpu.memory_space<vmem>>) target_semaphore(%arg18 : memref<!tpu.dma_semaphore, #tpu.memory_space<semaphore_mem>>)
        } else {
        }
        %add3A_228 = arith.constant 1 : i32
        %add3A_229 = arith.addi %mul3A_179, %add3A_228 : i32
        %mul3A_230 = arith.constant 256 : i32
        %mul3A_231 = arith.muli %add3A_229, %mul3A_230 : i32
        %add3A_232 = arith.addi %mul3A_27, %mul3A_231 : i32
        %parallel_loop3A_233 = arith.constant 0 : i32
        %parallel_loop3A_234 = arith.constant 16 : i32
        %parallel_loop3A_235 = arith.constant 1 : i32
        scf.for %parallel_loop3A_239 = %parallel_loop3A_233 to %parallel_loop3A_234 step %parallel_loop3A_235  : i32 {
          %parallel_loop3A_240 = arith.constant 16 : i32
          %parallel_loop3A_241 = arith.muli %parallel_loop3A_239, %parallel_loop3A_240 : i32
          %parallel_loop3A_242 = arith.addi %add3A_232, %parallel_loop3A_241 : i32
          %parallel_loop3A_243 = vector.broadcast %parallel_loop3A_242 : i32 to vector<16xi32>
          %parallel_loop3A_244 = arith.addi %parallel_loop3A_243, %iota3A : vector<16xi32>
          %parallel_loop3A_245 = vector.broadcast %squeeze3A : i32 to vector<16xi32>
          %parallel_loop3A_246 = arith.cmpi sge, %parallel_loop3A_244, %parallel_loop3A_245 : vector<16xi32>
          %parallel_loop3A_247 = vector.broadcast %squeeze3A_7 : i32 to vector<16xi32>
          %parallel_loop3A_248 = arith.cmpi slt, %parallel_loop3A_244, %parallel_loop3A_247 : vector<16xi32>
          %parallel_loop3A_249 = arith.andi %parallel_loop3A_246, %parallel_loop3A_248 : vector<16xi1>
          %parallel_loop3A_250 = arith.constant 16 : i32
          %parallel_loop3A_251 = arith.muli %parallel_loop3A_239, %parallel_loop3A_250 : i32
          %parallel_loop3A_252 = arith.index_cast %parallel_loop3A_251 : i32 to index
          %parallel_loop3A_253 = tpu.vector_load %arg15[%parallel_loop3A_252] {strides = array<i32>} : memref<256xi32, #tpu.memory_space<vmem>>, vector<16xi32>,
          %parallel_loop3A_254 = vector.broadcast %mul3A_9 : i32 to vector<16xi32>
          %parallel_loop3A_255 = arith.subi %parallel_loop3A_253, %parallel_loop3A_254 : vector<16xi32>
          %parallel_loop3A_256 = arith.constant 0 : i32
          %parallel_loop3A_257 = arith.constant 319 : i32
          %parallel_loop3A_258 = vector.broadcast %parallel_loop3A_256 : i32 to vector<16xi32>
          %parallel_loop3A_259 = arith.maxsi %parallel_loop3A_258, %parallel_loop3A_255 : vector<16xi32>
          %parallel_loop3A_260 = vector.broadcast %parallel_loop3A_257 : i32 to vector<16xi32>
          %parallel_loop3A_261 = arith.minsi %parallel_loop3A_260, %parallel_loop3A_259 : vector<16xi32>
          %parallel_loop3A_262 = arith.constant 332 : i32
          %parallel_loop3A_263 = vector.broadcast %parallel_loop3A_262 : i32 to vector<16xi32>
          %parallel_loop3A_264 = arith.select %parallel_loop3A_249, %parallel_loop3A_261, %parallel_loop3A_263 : vector<16xi1>, vector<16xi32>
          %parallel_loop3A_265 = arith.constant 16 : i32
          %parallel_loop3A_266 = arith.muli %parallel_loop3A_239, %parallel_loop3A_265 : i32
          %parallel_loop3A_267 = arith.index_cast %parallel_loop3A_266 : i32 to index
          %parallel_loop3A_268 = tpu.vector_load %arg13[%parallel_loop3A_267] {strides = array<i32>} : memref<256xf32, #tpu.memory_space<vmem>>, vector<16xf32>,
          %parallel_loop3A_269 = math.exp %parallel_loop3A_268 : vector<16xf32>
          %parallel_loop3A_270 = arith.constant 16 : i32
          %parallel_loop3A_271 = arith.muli %parallel_loop3A_239, %parallel_loop3A_270 : i32
          %parallel_loop3A_272 = arith.index_cast %parallel_loop3A_271 : i32 to index
          %parallel_loop3A_273 = tpu.vector_load %arg16[%parallel_loop3A_272] {strides = array<i32>} : memref<256xi32, #tpu.memory_space<vmem>>, vector<16xi32>,
          tpu.vector_store %arg16[%parallel_loop3A_272], %parallel_loop3A_264 {strides = array<i32>} : memref<256xi32, #tpu.memory_space<vmem>>, vector<16xi32>,
          %parallel_loop3A_274 = tpu.vector_load_idx %arg8[%parallel_loop3A_264] : memref<336xf32, #tpu.memory_space<vmem>>[vector<16xi32>], vector<16xf32>,
          %parallel_loop3A_275 = arith.divf %parallel_loop3A_269, %parallel_loop3A_274 : vector<16xf32>
          %parallel_loop3A_276 = arith.constant 16 : i32
          %parallel_loop3A_277 = arith.muli %parallel_loop3A_239, %parallel_loop3A_276 : i32
          %parallel_loop3A_278 = arith.index_cast %parallel_loop3A_277 : i32 to index
          %parallel_loop3A_279 = tpu.vector_load %arg17[%parallel_loop3A_278] {strides = array<i32>} : memref<256xf32, #tpu.memory_space<vmem>>, vector<16xf32>,
          tpu.vector_store %arg17[%parallel_loop3A_278], %parallel_loop3A_275 {strides = array<i32>} : memref<256xf32, #tpu.memory_space<vmem>>, vector<16xf32>,
        } {sc.loop_unroll_factor = 4 : i64, sc.parallel_access}
        %parallel_loop3A_236 = arith.constant 0 : i32
        %parallel_loop3A_237 = arith.constant 256 : i32
        %parallel_loop3A_238 = arith.constant 1 : i32
        scf.for %parallel_loop3A_239 = %parallel_loop3A_236 to %parallel_loop3A_237 step %parallel_loop3A_238  : i32 {
          %parallel_loop3A_240 = vector.broadcast %parallel_loop3A_239 : i32 to vector<16xi32>
          %parallel_loop3A_241 = tpu.vector_load_idx %arg17[%parallel_loop3A_240] : memref<256xf32, #tpu.memory_space<vmem>>[vector<16xi32>], vector<16xf32>,
          %parallel_loop3A_242 = tpu.vector_load_idx %arg16[%parallel_loop3A_240] : memref<256xi32, #tpu.memory_space<vmem>>[vector<16xi32>], vector<16xi32>,
          %parallel_loop3A_243 = arith.constant 128 : i32
          %parallel_loop3A_244 = arith.muli %parallel_loop3A_239, %parallel_loop3A_243 : i32
          %parallel_loop3A_245 = vector.broadcast %parallel_loop3A_244 : i32 to vector<16xi32>
          %parallel_loop3A_246 = arith.constant 128 : i32
          %parallel_loop3A_247 = vector.broadcast %parallel_loop3A_246 : i32 to vector<16xi32>
          %parallel_loop3A_248 = arith.muli %parallel_loop3A_242, %parallel_loop3A_247 : vector<16xi32>
          %parallel_loop3A_249 = arith.addi %parallel_loop3A_245, %add3A_117 : vector<16xi32>
          %parallel_loop3A_250 = tpu.vector_load_idx %arg11[%parallel_loop3A_249] : memref<32768xf32, #tpu.memory_space<vmem>>[vector<16xi32>], vector<16xf32>,
          %parallel_loop3A_251 = arith.addi %parallel_loop3A_248, %add3A_117 : vector<16xi32>
          %parallel_loop3A_252 = arith.mulf %parallel_loop3A_250, %parallel_loop3A_241 : vector<16xf32>
          tpu.vector_store_idx %arg9[%parallel_loop3A_251], %parallel_loop3A_252 {add = true} : memref<43008xf32, #tpu.memory_space<vmem>>[vector<16xi32>], vector<16xf32>,
          %parallel_loop3A_253 = arith.addi %parallel_loop3A_245, %add3A_120 : vector<16xi32>
          %parallel_loop3A_254 = tpu.vector_load_idx %arg11[%parallel_loop3A_253] : memref<32768xf32, #tpu.memory_space<vmem>>[vector<16xi32>], vector<16xf32>,
          %parallel_loop3A_255 = arith.addi %parallel_loop3A_248, %add3A_120 : vector<16xi32>
          %parallel_loop3A_256 = arith.mulf %parallel_loop3A_254, %parallel_loop3A_241 : vector<16xf32>
          tpu.vector_store_idx %arg9[%parallel_loop3A_255], %parallel_loop3A_256 {add = true} : memref<43008xf32, #tpu.memory_space<vmem>>[vector<16xi32>], vector<16xf32>,
          %parallel_loop3A_257 = arith.addi %parallel_loop3A_245, %add3A_123 : vector<16xi32>
          %parallel_loop3A_258 = tpu.vector_load_idx %arg11[%parallel_loop3A_257] : memref<32768xf32, #tpu.memory_space<vmem>>[vector<16xi32>], vector<16xf32>,
          %parallel_loop3A_259 = arith.addi %parallel_loop3A_248, %add3A_123 : vector<16xi32>
          %parallel_loop3A_260 = arith.mulf %parallel_loop3A_258, %parallel_loop3A_241 : vector<16xf32>
          tpu.vector_store_idx %arg9[%parallel_loop3A_259], %parallel_loop3A_260 {add = true} : memref<43008xf32, #tpu.memory_space<vmem>>[vector<16xi32>], vector<16xf32>,
          %parallel_loop3A_261 = arith.addi %parallel_loop3A_245, %add3A_126 : vector<16xi32>
          %parallel_loop3A_262 = tpu.vector_load_idx %arg11[%parallel_loop3A_261] : memref<32768xf32, #tpu.memory_space<vmem>>[vector<16xi32>], vector<16xf32>,
          %parallel_loop3A_263 = arith.addi %parallel_loop3A_248, %add3A_126 : vector<16xi32>
          %parallel_loop3A_264 = arith.mulf %parallel_loop3A_262, %parallel_loop3A_241 : vector<16xf32>
          tpu.vector_store_idx %arg9[%parallel_loop3A_263], %parallel_loop3A_264 {add = true} : memref<43008xf32, #tpu.memory_space<vmem>>[vector<16xi32>], vector<16xf32>,
          %parallel_loop3A_265 = arith.addi %parallel_loop3A_245, %add3A_129 : vector<16xi32>
          %parallel_loop3A_266 = tpu.vector_load_idx %arg11[%parallel_loop3A_265] : memref<32768xf32, #tpu.memory_space<vmem>>[vector<16xi32>], vector<16xf32>,
          %parallel_loop3A_267 = arith.addi %parallel_loop3A_248, %add3A_129 : vector<16xi32>
          %parallel_loop3A_268 = arith.mulf %parallel_loop3A_266, %parallel_loop3A_241 : vector<16xf32>
          tpu.vector_store_idx %arg9[%parallel_loop3A_267], %parallel_loop3A_268 {add = true} : memref<43008xf32, #tpu.memory_space<vmem>>[vector<16xi32>], vector<16xf32>,
          %parallel_loop3A_269 = arith.addi %parallel_loop3A_245, %add3A_132 : vector<16xi32>
          %parallel_loop3A_270 = tpu.vector_load_idx %arg11[%parallel_loop3A_269] : memref<32768xf32, #tpu.memory_space<vmem>>[vector<16xi32>], vector<16xf32>,
          %parallel_loop3A_271 = arith.addi %parallel_loop3A_248, %add3A_132 : vector<16xi32>
          %parallel_loop3A_272 = arith.mulf %parallel_loop3A_270, %parallel_loop3A_241 : vector<16xf32>
          tpu.vector_store_idx %arg9[%parallel_loop3A_271], %parallel_loop3A_272 {add = true} : memref<43008xf32, #tpu.memory_space<vmem>>[vector<16xi32>], vector<16xf32>,
          %parallel_loop3A_273 = arith.addi %parallel_loop3A_245, %add3A_135 : vector<16xi32>
          %parallel_loop3A_274 = tpu.vector_load_idx %arg11[%parallel_loop3A_273] : memref<32768xf32, #tpu.memory_space<vmem>>[vector<16xi32>], vector<16xf32>,
          %parallel_loop3A_275 = arith.addi %parallel_loop3A_248, %add3A_135 : vector<16xi32>
          %parallel_loop3A_276 = arith.mulf %parallel_loop3A_274, %parallel_loop3A_241 : vector<16xf32>
          tpu.vector_store_idx %arg9[%parallel_loop3A_275], %parallel_loop3A_276 {add = true} : memref<43008xf32, #tpu.memory_space<vmem>>[vector<16xi32>], vector<16xf32>,
          %parallel_loop3A_277 = arith.addi %parallel_loop3A_245, %add3A_138 : vector<16xi32>
          %parallel_loop3A_278 = tpu.vector_load_idx %arg11[%parallel_loop3A_277] : memref<32768xf32, #tpu.memory_space<vmem>>[vector<16xi32>], vector<16xf32>,
          %parallel_loop3A_279 = arith.addi %parallel_loop3A_248, %add3A_138 : vector<16xi32>
          %parallel_loop3A_280 = arith.mulf %parallel_loop3A_278, %parallel_loop3A_241 : vector<16xf32>
          tpu.vector_store_idx %arg9[%parallel_loop3A_279], %parallel_loop3A_280 {add = true} : memref<43008xf32, #tpu.memory_space<vmem>>[vector<16xi32>], vector<16xf32>,
        } {sc.loop_unroll_factor = 4 : i64, sc.parallel_access}
      } else {
      }
    }
    %mul3A_175 = arith.constant 128 : i32
    %mul3A_176 = arith.muli %mul3A_9, %mul3A_175 : i32
    "tpu.region"() ({
      %run_scoped3A = tpu.sem_alloc : memref<!tpu.dma_semaphore, #tpu.memory_space<semaphore_mem>>
      %dma_start3A = arith.constant 0 : i32
      %dma_start3A_177 = tpu.memref_slice %arg9[%dma_start3A] : memref<43008xf32, #tpu.memory_space<vmem>> -> memref<40960xf32, #tpu.memory_space<vmem>>
      %dma_start3A_178 = tpu.memref_slice %arg6[%mul3A_176] : memref<655360xf32, #tpu.memory_space<hbm>> -> memref<40960xf32, #tpu.memory_space<hbm>>
      %dma_start3A_179 = tpu.memref_slice %arg6[%mul3A_176] : memref<655360xf32, #tpu.memory_space<hbm>> -> memref<40960xf32, #tpu.memory_space<hbm>>
      %dma_start3A_180 = arith.constant 0 : i32
      %dma_start3A_181 = tpu.memref_slice %arg9[%dma_start3A_180] : memref<43008xf32, #tpu.memory_space<vmem>> -> memref<40960xf32, #tpu.memory_space<vmem>>
      tpu.enqueue_dma source(%dma_start3A_181 : memref<40960xf32, #tpu.memory_space<vmem>>) target(%dma_start3A_179 : memref<40960xf32, #tpu.memory_space<hbm>>) target_semaphore(%run_scoped3A : memref<!tpu.dma_semaphore, #tpu.memory_space<semaphore_mem>>)
      %dma_wait3A = arith.constant 0 : i32
      %dma_wait3A_182 = tpu.memref_slice %arg9[%dma_wait3A] : memref<43008xf32, #tpu.memory_space<vmem>> -> memref<40960xf32, #tpu.memory_space<vmem>>
      %dma_wait3A_183 = tpu.memref_slice %arg6[%mul3A_176] : memref<655360xf32, #tpu.memory_space<hbm>> -> memref<40960xf32, #tpu.memory_space<hbm>>
      %dma_wait3A_184 = tpu.memref_slice %arg6[%mul3A_176] : memref<655360xf32, #tpu.memory_space<hbm>> -> memref<40960xf32, #tpu.memory_space<hbm>>
      %dma_wait3A_185 = arith.constant 0 : i32
      %dma_wait3A_186 = tpu.memref_slice %arg9[%dma_wait3A_185] : memref<43008xf32, #tpu.memory_space<vmem>> -> memref<40960xf32, #tpu.memory_space<vmem>>
      tpu.wait_dma2 semaphore(%run_scoped3A : memref<!tpu.dma_semaphore, #tpu.memory_space<semaphore_mem>>) src(%dma_wait3A_186 : memref<40960xf32, #tpu.memory_space<vmem>>) dst(%dma_wait3A_184 : memref<40960xf32, #tpu.memory_space<hbm>>)
      tpu.yield
    }) : () -> ()
    return
  }
}

#map = affine_map<(d0, d1) -> (0)>
module attributes {stable_mosaic.version = 14 : i64} {
  func.func @_sc_body(%arg0: i32, %arg1: i32, %arg2: memref<40996864xf32, #tpu.memory_space<hbm>>, %arg3: memref<320288xf32, #tpu.memory_space<hbm>>, %arg4: memref<320288xi32, #tpu.memory_space<hbm>>, %arg5: memref<48xi32, #tpu.memory_space<hbm>>, %arg6: memref<655360xf32, #tpu.memory_space<hbm>>, %arg7: memref<48xi32, #tpu.memory_space<vmem>>, %arg8: memref<336xf32, #tpu.memory_space<vmem>>, %arg9: memref<43008xf32, #tpu.memory_space<vmem>>, %arg10: memref<32768xf32, #tpu.memory_space<vmem>>, %arg11: memref<32768xf32, #tpu.memory_space<vmem>>, %arg12: memref<256xf32, #tpu.memory_space<vmem>>, %arg13: memref<256xf32, #tpu.memory_space<vmem>>, %arg14: memref<256xi32, #tpu.memory_space<vmem>>, %arg15: memref<256xi32, #tpu.memory_space<vmem>>, %arg16: memref<256xi32, #tpu.memory_space<vmem>>, %arg17: memref<256xf32, #tpu.memory_space<vmem>>, %arg18: memref<!tpu.dma_semaphore, #tpu.memory_space<semaphore_mem>>, %arg19: memref<!tpu.dma_semaphore, #tpu.memory_space<semaphore_mem>>) attributes {dimension_semantics = [#tpu.dimension_semantics<core_parallel>, #tpu.dimension_semantics<subcore_parallel>], iteration_bounds = array<i64: 1, 16>, scalar_prefetch = 0 : i64, scratch_operands = 13 : i64, tpu.core_type = #tpu.core_type<sc_vector_subcore>, window_params = [{transform_indices = #map}, {transform_indices = #map}, {transform_indices = #map}, {transform_indices = #map}, {transform_indices = #map}]} {
    %mul3A = arith.constant 16 : i32
    %mul3A_0 = arith.muli %arg0, %mul3A : i32
    %add3A = arith.addi %mul3A_0, %arg1 : i32
    %iota3A = tpu.iota {dimensions = array<i32: 0>} : vector<16xi32>
    "tpu.region"() ({
      %run_scoped3A = tpu.sem_alloc : memref<!tpu.dma_semaphore, #tpu.memory_space<semaphore_mem>>
      tpu.enqueue_dma source(%arg5 : memref<48xi32, #tpu.memory_space<hbm>>) target(%arg7 : memref<48xi32, #tpu.memory_space<vmem>>) target_semaphore(%run_scoped3A : memref<!tpu.dma_semaphore, #tpu.memory_space<semaphore_mem>>)
      tpu.wait_dma2 semaphore(%run_scoped3A : memref<!tpu.dma_semaphore, #tpu.memory_space<semaphore_mem>>) src(%arg5 : memref<48xi32, #tpu.memory_space<hbm>>) dst(%arg7 : memref<48xi32, #tpu.memory_space<vmem>>)
      tpu.yield
    }) : () -> ()
    %get3A = arith.index_cast %add3A : i32 to index
    %get3A_1 = tpu.vector_load %arg7[%get3A] {strides = array<i32>} : memref<48xi32, #tpu.memory_space<vmem>>, vector<16xi32>,
    %slice3A = vector.extract_strided_slice %get3A_1 {offsets = [0], sizes = [1], strides = [1]} : vector<16xi32> to vector<1xi32>
    %squeeze3A = vector.extract %slice3A[0] : i32 from vector<1xi32>
    %add3A_2 = arith.constant 1 : i32
    %add3A_3 = arith.addi %add3A, %add3A_2 : i32
    %get3A_4 = arith.index_cast %add3A_3 : i32 to index
    %get3A_5 = tpu.vector_load %arg7[%get3A_4] {strides = array<i32>} : memref<48xi32, #tpu.memory_space<vmem>>, vector<16xi32>,
    %slice3A_6 = vector.extract_strided_slice %get3A_5 {offsets = [0], sizes = [1], strides = [1]} : vector<16xi32> to vector<1xi32>
    %squeeze3A_7 = vector.extract %slice3A_6[0] : i32 from vector<1xi32>
    %mul3A_8 = arith.constant 320 : i32
    %mul3A_9 = arith.muli %add3A, %mul3A_8 : i32
    %jit3A = arith.constant 32 : i32
    %div3A = arith.divsi %squeeze3A, %jit3A : i32
    %sign3A = arith.constant 0 : i32
    %sign3A_10 = arith.cmpi sgt, %squeeze3A, %sign3A : i32
    %sign3A_11 = arith.extui %sign3A_10 : i1 to i32
    %sign3A_12 = arith.constant 0 : i32
    %sign3A_13 = arith.cmpi slt, %squeeze3A, %sign3A_12 : i32
    %sign3A_14 = arith.extui %sign3A_13 : i1 to i32
    %sign3A_15 = arith.subi %sign3A_11, %sign3A_14 : i32
    %sign3A_16 = arith.constant 0 : i32
    %sign3A_17 = arith.cmpi sgt, %jit3A, %sign3A_16 : i32
    %sign3A_18 = arith.extui %sign3A_17 : i1 to i32
    %sign3A_19 = arith.constant 0 : i32
    %sign3A_20 = arith.cmpi slt, %jit3A, %sign3A_19 : i32
    %sign3A_21 = arith.extui %sign3A_20 : i1 to i32
    %sign3A_22 = arith.subi %sign3A_18, %sign3A_21 : i32
    %ne3A = arith.cmpi ne, %sign3A_15, %sign3A_22 : i32
    %rem3A = arith.remsi %squeeze3A, %jit3A : i32
    %ne3A_23 = arith.constant 0 : i32
    %ne3A_24 = arith.cmpi ne, %rem3A, %ne3A_23 : i32
    %and3A = arith.andi %ne3A, %ne3A_24 : i1
    %sub3A = arith.constant 1 : i32
    %sub3A_25 = arith.subi %div3A, %sub3A : i32
    %select_n3A = arith.select %and3A, %sub3A_25, %div3A : i32
    %mul3A_26 = arith.constant 32 : i32
    %mul3A_27 = arith.muli %select_n3A, %mul3A_26 : i32
    %sub3A_28 = arith.subi %squeeze3A_7, %mul3A_27 : i32
    %add3A_29 = arith.constant 256 : i32
    %add3A_30 = arith.addi %sub3A_28, %add3A_29 : i32
    %sub3A_31 = arith.constant 1 : i32
    %sub3A_32 = arith.subi %add3A_30, %sub3A_31 : i32
    %jit3A_33 = arith.constant 256 : i32
    %div3A_34 = arith.divsi %sub3A_32, %jit3A_33 : i32
    %sign3A_35 = arith.constant 0 : i32
    %sign3A_36 = arith.cmpi sgt, %sub3A_32, %sign3A_35 : i32
    %sign3A_37 = arith.extui %sign3A_36 : i1 to i32
    %sign3A_38 = arith.constant 0 : i32
    %sign3A_39 = arith.cmpi slt, %sub3A_32, %sign3A_38 : i32
    %sign3A_40 = arith.extui %sign3A_39 : i1 to i32
    %sign3A_41 = arith.subi %sign3A_37, %sign3A_40 : i32
    %sign3A_42 = arith.constant 0 : i32
    %sign3A_43 = arith.cmpi sgt, %jit3A_33, %sign3A_42 : i32
    %sign3A_44 = arith.extui %sign3A_43 : i1 to i32
    %sign3A_45 = arith.constant 0 : i32
    %sign3A_46 = arith.cmpi slt, %jit3A_33, %sign3A_45 : i32
    %sign3A_47 = arith.extui %sign3A_46 : i1 to i32
    %sign3A_48 = arith.subi %sign3A_44, %sign3A_47 : i32
    %ne3A_49 = arith.cmpi ne, %sign3A_41, %sign3A_48 : i32
    %rem3A_50 = arith.remsi %sub3A_32, %jit3A_33 : i32
    %ne3A_51 = arith.constant 0 : i32
    %ne3A_52 = arith.cmpi ne, %rem3A_50, %ne3A_51 : i32
    %and3A_53 = arith.andi %ne3A_49, %ne3A_52 : i1
    %sub3A_54 = arith.constant 1 : i32
    %sub3A_55 = arith.subi %div3A_34, %sub3A_54 : i32
    %select_n3A_56 = arith.select %and3A_53, %sub3A_55, %div3A_34 : i32
    %gt3A = arith.constant 0 : i32
    %gt3A_57 = arith.cmpi sgt, %select_n3A_56, %gt3A : i32
    %convert_element_type3A = arith.extui %gt3A_57 : i1 to i32
    %cond3A = arith.constant 0 : i32
    %cond3A_58 = arith.cmpi ne, %convert_element_type3A, %cond3A : i32
    scf.if %cond3A_58 {
      %add3A_177 = arith.constant 0 : i32
      %add3A_178 = arith.addi %mul3A_27, %add3A_177 : i32
      %mul3A_179 = arith.constant 128 : i32
      %mul3A_180 = arith.muli %add3A_178, %mul3A_179 : i32
      %dma_start3A = tpu.memref_slice %arg2[%mul3A_180] : memref<40996864xf32, #tpu.memory_space<hbm>> -> memref<32768xf32, #tpu.memory_space<hbm>>
      %dma_start3A_181 = tpu.memref_slice %arg2[%mul3A_180] : memref<40996864xf32, #tpu.memory_space<hbm>> -> memref<32768xf32, #tpu.memory_space<hbm>>
      tpu.enqueue_dma source(%dma_start3A_181 : memref<32768xf32, #tpu.memory_space<hbm>>) target(%arg10 : memref<32768xf32, #tpu.memory_space<vmem>>) target_semaphore(%arg18 : memref<!tpu.dma_semaphore, #tpu.memory_space<semaphore_mem>>)
      %dma_start3A_182 = tpu.memref_slice %arg3[%add3A_178] : memref<320288xf32, #tpu.memory_space<hbm>> -> memref<256xf32, #tpu.memory_space<hbm>>
      %dma_start3A_183 = tpu.memref_slice %arg3[%add3A_178] : memref<320288xf32, #tpu.memory_space<hbm>> -> memref<256xf32, #tpu.memory_space<hbm>>
      tpu.enqueue_dma source(%dma_start3A_183 : memref<256xf32, #tpu.memory_space<hbm>>) target(%arg12 : memref<256xf32, #tpu.memory_space<vmem>>) target_semaphore(%arg18 : memref<!tpu.dma_semaphore, #tpu.memory_space<semaphore_mem>>)
      %dma_start3A_184 = tpu.memref_slice %arg4[%add3A_178] : memref<320288xi32, #tpu.memory_space<hbm>> -> memref<256xi32, #tpu.memory_space<hbm>>
      %dma_start3A_185 = tpu.memref_slice %arg4[%add3A_178] : memref<320288xi32, #tpu.memory_space<hbm>> -> memref<256xi32, #tpu.memory_space<hbm>>
      tpu.enqueue_dma source(%dma_start3A_185 : memref<256xi32, #tpu.memory_space<hbm>>) target(%arg14 : memref<256xi32, #tpu.memory_space<vmem>>) target_semaphore(%arg18 : memref<!tpu.dma_semaphore, #tpu.memory_space<semaphore_mem>>)
    } else {
    }
    %broadcast_in_dim3A = arith.constant 0.000000e+00 : f32
    %broadcast_in_dim3A_59 = vector.broadcast %broadcast_in_dim3A : f32 to vector<16xf32>
    %swap3A = arith.constant 0 : index
    %swap3A_60 = tpu.vector_load %arg8[%swap3A] {strides = array<i32>} : memref<336xf32, #tpu.memory_space<vmem>>, vector<16xf32>,
    tpu.vector_store %arg8[%swap3A], %broadcast_in_dim3A_59 {strides = array<i32>} : memref<336xf32, #tpu.memory_space<vmem>>, vector<16xf32>,
    %swap3A_61 = arith.constant 16 : index
    %swap3A_62 = tpu.vector_load %arg8[%swap3A_61] {strides = array<i32>} : memref<336xf32, #tpu.memory_space<vmem>>, vector<16xf32>,
    tpu.vector_store %arg8[%swap3A_61], %broadcast_in_dim3A_59 {strides = array<i32>} : memref<336xf32, #tpu.memory_space<vmem>>, vector<16xf32>,
    %swap3A_63 = arith.constant 32 : index
    %swap3A_64 = tpu.vector_load %arg8[%swap3A_63] {strides = array<i32>} : memref<336xf32, #tpu.memory_space<vmem>>, vector<16xf32>,
    tpu.vector_store %arg8[%swap3A_63], %broadcast_in_dim3A_59 {strides = array<i32>} : memref<336xf32, #tpu.memory_space<vmem>>, vector<16xf32>,
    %swap3A_65 = arith.constant 48 : index
    %swap3A_66 = tpu.vector_load %arg8[%swap3A_65] {strides = array<i32>} : memref<336xf32, #tpu.memory_space<vmem>>, vector<16xf32>,
    tpu.vector_store %arg8[%swap3A_65], %broadcast_in_dim3A_59 {strides = array<i32>} : memref<336xf32, #tpu.memory_space<vmem>>, vector<16xf32>,
    %swap3A_67 = arith.constant 64 : index
    %swap3A_68 = tpu.vector_load %arg8[%swap3A_67] {strides = array<i32>} : memref<336xf32, #tpu.memory_space<vmem>>, vector<16xf32>,
    tpu.vector_store %arg8[%swap3A_67], %broadcast_in_dim3A_59 {strides = array<i32>} : memref<336xf32, #tpu.memory_space<vmem>>, vector<16xf32>,
    %swap3A_69 = arith.constant 80 : index
    %swap3A_70 = tpu.vector_load %arg8[%swap3A_69] {strides = array<i32>} : memref<336xf32, #tpu.memory_space<vmem>>, vector<16xf32>,
    tpu.vector_store %arg8[%swap3A_69], %broadcast_in_dim3A_59 {strides = array<i32>} : memref<336xf32, #tpu.memory_space<vmem>>, vector<16xf32>,
    %swap3A_71 = arith.constant 96 : index
    %swap3A_72 = tpu.vector_load %arg8[%swap3A_71] {strides = array<i32>} : memref<336xf32, #tpu.memory_space<vmem>>, vector<16xf32>,
    tpu.vector_store %arg8[%swap3A_71], %broadcast_in_dim3A_59 {strides = array<i32>} : memref<336xf32, #tpu.memory_space<vmem>>, vector<16xf32>,
    %swap3A_73 = arith.constant 112 : index
    %swap3A_74 = tpu.vector_load %arg8[%swap3A_73] {strides = array<i32>} : memref<336xf32, #tpu.memory_space<vmem>>, vector<16xf32>,
    tpu.vector_store %arg8[%swap3A_73], %broadcast_in_dim3A_59 {strides = array<i32>} : memref<336xf32, #tpu.memory_space<vmem>>, vector<16xf32>,
    %swap3A_75 = arith.constant 128 : index
    %swap3A_76 = tpu.vector_load %arg8[%swap3A_75] {strides = array<i32>} : memref<336xf32, #tpu.memory_space<vmem>>, vector<16xf32>,
    tpu.vector_store %arg8[%swap3A_75], %broadcast_in_dim3A_59 {strides = array<i32>} : memref<336xf32, #tpu.memory_space<vmem>>, vector<16xf32>,
    %swap3A_77 = arith.constant 144 : index
    %swap3A_78 = tpu.vector_load %arg8[%swap3A_77] {strides = array<i32>} : memref<336xf32, #tpu.memory_space<vmem>>, vector<16xf32>,
    tpu.vector_store %arg8[%swap3A_77], %broadcast_in_dim3A_59 {strides = array<i32>} : memref<336xf32, #tpu.memory_space<vmem>>, vector<16xf32>,
    %swap3A_79 = arith.constant 160 : index
    %swap3A_80 = tpu.vector_load %arg8[%swap3A_79] {strides = array<i32>} : memref<336xf32, #tpu.memory_space<vmem>>, vector<16xf32>,
    tpu.vector_store %arg8[%swap3A_79], %broadcast_in_dim3A_59 {strides = array<i32>} : memref<336xf32, #tpu.memory_space<vmem>>, vector<16xf32>,
    %swap3A_81 = arith.constant 176 : index
    %swap3A_82 = tpu.vector_load %arg8[%swap3A_81] {strides = array<i32>} : memref<336xf32, #tpu.memory_space<vmem>>, vector<16xf32>,
    tpu.vector_store %arg8[%swap3A_81], %broadcast_in_dim3A_59 {strides = array<i32>} : memref<336xf32, #tpu.memory_space<vmem>>, vector<16xf32>,
    %swap3A_83 = arith.constant 192 : index
    %swap3A_84 = tpu.vector_load %arg8[%swap3A_83] {strides = array<i32>} : memref<336xf32, #tpu.memory_space<vmem>>, vector<16xf32>,
    tpu.vector_store %arg8[%swap3A_83], %broadcast_in_dim3A_59 {strides = array<i32>} : memref<336xf32, #tpu.memory_space<vmem>>, vector<16xf32>,
    %swap3A_85 = arith.constant 208 : index
    %swap3A_86 = tpu.vector_load %arg8[%swap3A_85] {strides = array<i32>} : memref<336xf32, #tpu.memory_space<vmem>>, vector<16xf32>,
    tpu.vector_store %arg8[%swap3A_85], %broadcast_in_dim3A_59 {strides = array<i32>} : memref<336xf32, #tpu.memory_space<vmem>>, vector<16xf32>,
    %swap3A_87 = arith.constant 224 : index
    %swap3A_88 = tpu.vector_load %arg8[%swap3A_87] {strides = array<i32>} : memref<336xf32, #tpu.memory_space<vmem>>, vector<16xf32>,
    tpu.vector_store %arg8[%swap3A_87], %broadcast_in_dim3A_59 {strides = array<i32>} : memref<336xf32, #tpu.memory_space<vmem>>, vector<16xf32>,
    %swap3A_89 = arith.constant 240 : index
    %swap3A_90 = tpu.vector_load %arg8[%swap3A_89] {strides = array<i32>} : memref<336xf32, #tpu.memory_space<vmem>>, vector<16xf32>,
    tpu.vector_store %arg8[%swap3A_89], %broadcast_in_dim3A_59 {strides = array<i32>} : memref<336xf32, #tpu.memory_space<vmem>>, vector<16xf32>,
    %swap3A_91 = arith.constant 256 : index
    %swap3A_92 = tpu.vector_load %arg8[%swap3A_91] {strides = array<i32>} : memref<336xf32, #tpu.memory_space<vmem>>, vector<16xf32>,
    tpu.vector_store %arg8[%swap3A_91], %broadcast_in_dim3A_59 {strides = array<i32>} : memref<336xf32, #tpu.memory_space<vmem>>, vector<16xf32>,
    %swap3A_93 = arith.constant 272 : index
    %swap3A_94 = tpu.vector_load %arg8[%swap3A_93] {strides = array<i32>} : memref<336xf32, #tpu.memory_space<vmem>>, vector<16xf32>,
    tpu.vector_store %arg8[%swap3A_93], %broadcast_in_dim3A_59 {strides = array<i32>} : memref<336xf32, #tpu.memory_space<vmem>>, vector<16xf32>,
    %swap3A_95 = arith.constant 288 : index
    %swap3A_96 = tpu.vector_load %arg8[%swap3A_95] {strides = array<i32>} : memref<336xf32, #tpu.memory_space<vmem>>, vector<16xf32>,
    tpu.vector_store %arg8[%swap3A_95], %broadcast_in_dim3A_59 {strides = array<i32>} : memref<336xf32, #tpu.memory_space<vmem>>, vector<16xf32>,
    %swap3A_97 = arith.constant 304 : index
    %swap3A_98 = tpu.vector_load %arg8[%swap3A_97] {strides = array<i32>} : memref<336xf32, #tpu.memory_space<vmem>>, vector<16xf32>,
    tpu.vector_store %arg8[%swap3A_97], %broadcast_in_dim3A_59 {strides = array<i32>} : memref<336xf32, #tpu.memory_space<vmem>>, vector<16xf32>,
    %swap3A_99 = arith.constant 320 : index
    %swap3A_100 = tpu.vector_load %arg8[%swap3A_99] {strides = array<i32>} : memref<336xf32, #tpu.memory_space<vmem>>, vector<16xf32>,
    tpu.vector_store %arg8[%swap3A_99], %broadcast_in_dim3A_59 {strides = array<i32>} : memref<336xf32, #tpu.memory_space<vmem>>, vector<16xf32>,
    %scan3A = arith.constant 0 : i32
    %scan3A_101 = arith.constant 0 : i32
    %scan3A_102 = arith.constant 336 : i32
    %scan3A_103 = arith.addi %scan3A_101, %scan3A_102 : i32
    %scan3A_104 = arith.constant 1 : i32
    scf.for %scan3A_177 = %scan3A_101 to %scan3A_103 step %scan3A_104  : i32 {
      %mul3A_178 = arith.constant 8 : i32
      %mul3A_179 = arith.muli %scan3A_177, %mul3A_178 : i32
      %add3A_180 = arith.constant 0 : i32
      %add3A_181 = arith.addi %mul3A_179, %add3A_180 : i32
      %mul3A_182 = arith.constant 16 : i32
      %mul3A_183 = arith.muli %add3A_181, %mul3A_182 : i32
      %swap3A_184 = arith.index_cast %mul3A_183 : i32 to index
      %swap3A_185 = tpu.vector_load %arg9[%swap3A_184] {strides = array<i32>} : memref<43008xf32, #tpu.memory_space<vmem>>, vector<16xf32>,
      tpu.vector_store %arg9[%swap3A_184], %broadcast_in_dim3A_59 {strides = array<i32>} : memref<43008xf32, #tpu.memory_space<vmem>>, vector<16xf32>,
      %mul3A_186 = arith.constant 8 : i32
      %mul3A_187 = arith.muli %scan3A_177, %mul3A_186 : i32
      %add3A_188 = arith.constant 1 : i32
      %add3A_189 = arith.addi %mul3A_187, %add3A_188 : i32
      %mul3A_190 = arith.constant 16 : i32
      %mul3A_191 = arith.muli %add3A_189, %mul3A_190 : i32
      %swap3A_192 = arith.index_cast %mul3A_191 : i32 to index
      %swap3A_193 = tpu.vector_load %arg9[%swap3A_192] {strides = array<i32>} : memref<43008xf32, #tpu.memory_space<vmem>>, vector<16xf32>,
      tpu.vector_store %arg9[%swap3A_192], %broadcast_in_dim3A_59 {strides = array<i32>} : memref<43008xf32, #tpu.memory_space<vmem>>, vector<16xf32>,
      %mul3A_194 = arith.constant 8 : i32
      %mul3A_195 = arith.muli %scan3A_177, %mul3A_194 : i32
      %add3A_196 = arith.constant 2 : i32
      %add3A_197 = arith.addi %mul3A_195, %add3A_196 : i32
      %mul3A_198 = arith.constant 16 : i32
      %mul3A_199 = arith.muli %add3A_197, %mul3A_198 : i32
      %swap3A_200 = arith.index_cast %mul3A_199 : i32 to index
      %swap3A_201 = tpu.vector_load %arg9[%swap3A_200] {strides = array<i32>} : memref<43008xf32, #tpu.memory_space<vmem>>, vector<16xf32>,
      tpu.vector_store %arg9[%swap3A_200], %broadcast_in_dim3A_59 {strides = array<i32>} : memref<43008xf32, #tpu.memory_space<vmem>>, vector<16xf32>,
      %mul3A_202 = arith.constant 8 : i32
      %mul3A_203 = arith.muli %scan3A_177, %mul3A_202 : i32
      %add3A_204 = arith.constant 3 : i32
      %add3A_205 = arith.addi %mul3A_203, %add3A_204 : i32
      %mul3A_206 = arith.constant 16 : i32
      %mul3A_207 = arith.muli %add3A_205, %mul3A_206 : i32
      %swap3A_208 = arith.index_cast %mul3A_207 : i32 to index
      %swap3A_209 = tpu.vector_load %arg9[%swap3A_208] {strides = array<i32>} : memref<43008xf32, #tpu.memory_space<vmem>>, vector<16xf32>,
      tpu.vector_store %arg9[%swap3A_208], %broadcast_in_dim3A_59 {strides = array<i32>} : memref<43008xf32, #tpu.memory_space<vmem>>, vector<16xf32>,
      %mul3A_210 = arith.constant 8 : i32
      %mul3A_211 = arith.muli %scan3A_177, %mul3A_210 : i32
      %add3A_212 = arith.constant 4 : i32
      %add3A_213 = arith.addi %mul3A_211, %add3A_212 : i32
      %mul3A_214 = arith.constant 16 : i32
      %mul3A_215 = arith.muli %add3A_213, %mul3A_214 : i32
      %swap3A_216 = arith.index_cast %mul3A_215 : i32 to index
      %swap3A_217 = tpu.vector_load %arg9[%swap3A_216] {strides = array<i32>} : memref<43008xf32, #tpu.memory_space<vmem>>, vector<16xf32>,
      tpu.vector_store %arg9[%swap3A_216], %broadcast_in_dim3A_59 {strides = array<i32>} : memref<43008xf32, #tpu.memory_space<vmem>>, vector<16xf32>,
      %mul3A_218 = arith.constant 8 : i32
      %mul3A_219 = arith.muli %scan3A_177, %mul3A_218 : i32
      %add3A_220 = arith.constant 5 : i32
      %add3A_221 = arith.addi %mul3A_219, %add3A_220 : i32
      %mul3A_222 = arith.constant 16 : i32
      %mul3A_223 = arith.muli %add3A_221, %mul3A_222 : i32
      %swap3A_224 = arith.index_cast %mul3A_223 : i32 to index
      %swap3A_225 = tpu.vector_load %arg9[%swap3A_224] {strides = array<i32>} : memref<43008xf32, #tpu.memory_space<vmem>>, vector<16xf32>,
      tpu.vector_store %arg9[%swap3A_224], %broadcast_in_dim3A_59 {strides = array<i32>} : memref<43008xf32, #tpu.memory_space<vmem>>, vector<16xf32>,
      %mul3A_226 = arith.constant 8 : i32
      %mul3A_227 = arith.muli %scan3A_177, %mul3A_226 : i32
      %add3A_228 = arith.constant 6 : i32
      %add3A_229 = arith.addi %mul3A_227, %add3A_228 : i32
      %mul3A_230 = arith.constant 16 : i32
      %mul3A_231 = arith.muli %add3A_229, %mul3A_230 : i32
      %swap3A_232 = arith.index_cast %mul3A_231 : i32 to index
      %swap3A_233 = tpu.vector_load %arg9[%swap3A_232] {strides = array<i32>} : memref<43008xf32, #tpu.memory_space<vmem>>, vector<16xf32>,
      tpu.vector_store %arg9[%swap3A_232], %broadcast_in_dim3A_59 {strides = array<i32>} : memref<43008xf32, #tpu.memory_space<vmem>>, vector<16xf32>,
      %mul3A_234 = arith.constant 8 : i32
      %mul3A_235 = arith.muli %scan3A_177, %mul3A_234 : i32
      %add3A_236 = arith.constant 7 : i32
      %add3A_237 = arith.addi %mul3A_235, %add3A_236 : i32
      %mul3A_238 = arith.constant 16 : i32
      %mul3A_239 = arith.muli %add3A_237, %mul3A_238 : i32
      %swap3A_240 = arith.index_cast %mul3A_239 : i32 to index
      %swap3A_241 = tpu.vector_load %arg9[%swap3A_240] {strides = array<i32>} : memref<43008xf32, #tpu.memory_space<vmem>>, vector<16xf32>,
      tpu.vector_store %arg9[%swap3A_240], %broadcast_in_dim3A_59 {strides = array<i32>} : memref<43008xf32, #tpu.memory_space<vmem>>, vector<16xf32>,
    }
    %scan3A_105 = arith.constant 336 : i32
    %while3A = arith.constant 0 : i32
    %while3A_106 = arith.constant 0 : i32
    %while3A_107 = arith.subi %select_n3A_56, %while3A_106 : i32
    %while3A_108 = arith.addi %while3A_106, %while3A_107 : i32
    %while3A_109 = arith.constant 1 : i32
    %while3A_110 = arith.divsi %while3A_107, %while3A_109 : i32
    %while3A_111 = arith.muli %while3A_110, %while3A_109 : i32
    %while3A_112 = arith.addi %while3A_106, %while3A_111 : i32
    %while3A_113 = arith.constant 1 : i32
    scf.for %while3A_177 = %while3A_106 to %while3A_112 step %while3A_113  : i32 {
      %mul3A_178 = arith.constant 256 : i32
      %mul3A_179 = arith.muli %while3A_177, %mul3A_178 : i32
      %add3A_180 = arith.addi %mul3A_27, %mul3A_179 : i32
      "tpu.region"() ({
        %run_scoped3A = tpu.sem_alloc : memref<!tpu.dma_semaphore, #tpu.memory_space<semaphore_mem>>
        %dma_start3A = tpu.memref_slice %arg3[%add3A_180] : memref<320288xf32, #tpu.memory_space<hbm>> -> memref<256xf32, #tpu.memory_space<hbm>>
        %dma_start3A_183 = tpu.memref_slice %arg3[%add3A_180] : memref<320288xf32, #tpu.memory_space<hbm>> -> memref<256xf32, #tpu.memory_space<hbm>>
        tpu.enqueue_dma source(%dma_start3A_183 : memref<256xf32, #tpu.memory_space<hbm>>) target(%arg13 : memref<256xf32, #tpu.memory_space<vmem>>) target_semaphore(%run_scoped3A : memref<!tpu.dma_semaphore, #tpu.memory_space<semaphore_mem>>)
        %dma_wait3A = tpu.memref_slice %arg3[%add3A_180] : memref<320288xf32, #tpu.memory_space<hbm>> -> memref<256xf32, #tpu.memory_space<hbm>>
        %dma_wait3A_184 = tpu.memref_slice %arg3[%add3A_180] : memref<320288xf32, #tpu.memory_space<hbm>> -> memref<256xf32, #tpu.memory_space<hbm>>
        tpu.wait_dma2 semaphore(%run_scoped3A : memref<!tpu.dma_semaphore, #tpu.memory_space<semaphore_mem>>) src(%dma_wait3A_184 : memref<256xf32, #tpu.memory_space<hbm>>) dst(%arg13 : memref<256xf32, #tpu.memory_space<vmem>>)
        tpu.yield
      }) : () -> ()
      "tpu.region"() ({
        %run_scoped3A = tpu.sem_alloc : memref<!tpu.dma_semaphore, #tpu.memory_space<semaphore_mem>>
        %dma_start3A = tpu.memref_slice %arg4[%add3A_180] : memref<320288xi32, #tpu.memory_space<hbm>> -> memref<256xi32, #tpu.memory_space<hbm>>
        %dma_start3A_183 = tpu.memref_slice %arg4[%add3A_180] : memref<320288xi32, #tpu.memory_space<hbm>> -> memref<256xi32, #tpu.memory_space<hbm>>
        tpu.enqueue_dma source(%dma_start3A_183 : memref<256xi32, #tpu.memory_space<hbm>>) target(%arg15 : memref<256xi32, #tpu.memory_space<vmem>>) target_semaphore(%run_scoped3A : memref<!tpu.dma_semaphore, #tpu.memory_space<semaphore_mem>>)
        %dma_wait3A = tpu.memref_slice %arg4[%add3A_180] : memref<320288xi32, #tpu.memory_space<hbm>> -> memref<256xi32, #tpu.memory_space<hbm>>
        %dma_wait3A_184 = tpu.memref_slice %arg4[%add3A_180] : memref<320288xi32, #tpu.memory_space<hbm>> -> memref<256xi32, #tpu.memory_space<hbm>>
        tpu.wait_dma2 semaphore(%run_scoped3A : memref<!tpu.dma_semaphore, #tpu.memory_space<semaphore_mem>>) src(%dma_wait3A_184 : memref<256xi32, #tpu.memory_space<hbm>>) dst(%arg15 : memref<256xi32, #tpu.memory_space<vmem>>)
        tpu.yield
      }) : () -> ()
      %parallel_loop3A = arith.constant 0 : i32
      %parallel_loop3A_181 = arith.constant 16 : i32
      %parallel_loop3A_182 = arith.constant 1 : i32
      scf.for %parallel_loop3A_183 = %parallel_loop3A to %parallel_loop3A_181 step %parallel_loop3A_182  : i32 {
        %parallel_loop3A_184 = arith.constant 16 : i32
        %parallel_loop3A_185 = arith.muli %parallel_loop3A_183, %parallel_loop3A_184 : i32
        %parallel_loop3A_186 = arith.addi %add3A_180, %parallel_loop3A_185 : i32
        %parallel_loop3A_187 = vector.broadcast %parallel_loop3A_186 : i32 to vector<16xi32>
        %parallel_loop3A_188 = arith.addi %parallel_loop3A_187, %iota3A : vector<16xi32>
        %parallel_loop3A_189 = vector.broadcast %squeeze3A : i32 to vector<16xi32>
        %parallel_loop3A_190 = arith.cmpi sge, %parallel_loop3A_188, %parallel_loop3A_189 : vector<16xi32>
        %parallel_loop3A_191 = vector.broadcast %squeeze3A_7 : i32 to vector<16xi32>
        %parallel_loop3A_192 = arith.cmpi slt, %parallel_loop3A_188, %parallel_loop3A_191 : vector<16xi32>
        %parallel_loop3A_193 = arith.andi %parallel_loop3A_190, %parallel_loop3A_192 : vector<16xi1>
        %parallel_loop3A_194 = arith.constant 16 : i32
        %parallel_loop3A_195 = arith.muli %parallel_loop3A_183, %parallel_loop3A_194 : i32
        %parallel_loop3A_196 = arith.index_cast %parallel_loop3A_195 : i32 to index
        %parallel_loop3A_197 = tpu.vector_load %arg15[%parallel_loop3A_196] {strides = array<i32>} : memref<256xi32, #tpu.memory_space<vmem>>, vector<16xi32>,
        %parallel_loop3A_198 = vector.broadcast %mul3A_9 : i32 to vector<16xi32>
        %parallel_loop3A_199 = arith.subi %parallel_loop3A_197, %parallel_loop3A_198 : vector<16xi32>
        %parallel_loop3A_200 = arith.constant 0 : i32
        %parallel_loop3A_201 = arith.constant 319 : i32
        %parallel_loop3A_202 = vector.broadcast %parallel_loop3A_200 : i32 to vector<16xi32>
        %parallel_loop3A_203 = arith.maxsi %parallel_loop3A_202, %parallel_loop3A_199 : vector<16xi32>
        %parallel_loop3A_204 = vector.broadcast %parallel_loop3A_201 : i32 to vector<16xi32>
        %parallel_loop3A_205 = arith.minsi %parallel_loop3A_204, %parallel_loop3A_203 : vector<16xi32>
        %parallel_loop3A_206 = arith.constant 332 : i32
        %parallel_loop3A_207 = vector.broadcast %parallel_loop3A_206 : i32 to vector<16xi32>
        %parallel_loop3A_208 = arith.select %parallel_loop3A_193, %parallel_loop3A_205, %parallel_loop3A_207 : vector<16xi1>, vector<16xi32>
        %parallel_loop3A_209 = arith.constant 16 : i32
        %parallel_loop3A_210 = arith.muli %parallel_loop3A_183, %parallel_loop3A_209 : i32
        %parallel_loop3A_211 = arith.index_cast %parallel_loop3A_210 : i32 to index
        %parallel_loop3A_212 = tpu.vector_load %arg13[%parallel_loop3A_211] {strides = array<i32>} : memref<256xf32, #tpu.memory_space<vmem>>, vector<16xf32>,
        %parallel_loop3A_213 = math.exp %parallel_loop3A_212 : vector<16xf32>
        tpu.vector_store_idx %arg8[%parallel_loop3A_208], %parallel_loop3A_213 {add = true} : memref<336xf32, #tpu.memory_space<vmem>>[vector<16xi32>], vector<16xf32>,
      } {sc.loop_unroll_factor = 4 : i64, sc.parallel_access}
    }
    %while3A_114 = arith.constant 1 : i32
    scf.for %while3A_177 = %while3A_112 to %while3A_108 step %while3A_114  : i32 {
      %mul3A_178 = arith.constant 256 : i32
      %mul3A_179 = arith.muli %while3A_177, %mul3A_178 : i32
      %add3A_180 = arith.addi %mul3A_27, %mul3A_179 : i32
      "tpu.region"() ({
        %run_scoped3A = tpu.sem_alloc : memref<!tpu.dma_semaphore, #tpu.memory_space<semaphore_mem>>
        %dma_start3A = tpu.memref_slice %arg3[%add3A_180] : memref<320288xf32, #tpu.memory_space<hbm>> -> memref<256xf32, #tpu.memory_space<hbm>>
        %dma_start3A_183 = tpu.memref_slice %arg3[%add3A_180] : memref<320288xf32, #tpu.memory_space<hbm>> -> memref<256xf32, #tpu.memory_space<hbm>>
        tpu.enqueue_dma source(%dma_start3A_183 : memref<256xf32, #tpu.memory_space<hbm>>) target(%arg13 : memref<256xf32, #tpu.memory_space<vmem>>) target_semaphore(%run_scoped3A : memref<!tpu.dma_semaphore, #tpu.memory_space<semaphore_mem>>)
        %dma_wait3A = tpu.memref_slice %arg3[%add3A_180] : memref<320288xf32, #tpu.memory_space<hbm>> -> memref<256xf32, #tpu.memory_space<hbm>>
        %dma_wait3A_184 = tpu.memref_slice %arg3[%add3A_180] : memref<320288xf32, #tpu.memory_space<hbm>> -> memref<256xf32, #tpu.memory_space<hbm>>
        tpu.wait_dma2 semaphore(%run_scoped3A : memref<!tpu.dma_semaphore, #tpu.memory_space<semaphore_mem>>) src(%dma_wait3A_184 : memref<256xf32, #tpu.memory_space<hbm>>) dst(%arg13 : memref<256xf32, #tpu.memory_space<vmem>>)
        tpu.yield
      }) : () -> ()
      "tpu.region"() ({
        %run_scoped3A = tpu.sem_alloc : memref<!tpu.dma_semaphore, #tpu.memory_space<semaphore_mem>>
        %dma_start3A = tpu.memref_slice %arg4[%add3A_180] : memref<320288xi32, #tpu.memory_space<hbm>> -> memref<256xi32, #tpu.memory_space<hbm>>
        %dma_start3A_183 = tpu.memref_slice %arg4[%add3A_180] : memref<320288xi32, #tpu.memory_space<hbm>> -> memref<256xi32, #tpu.memory_space<hbm>>
        tpu.enqueue_dma source(%dma_start3A_183 : memref<256xi32, #tpu.memory_space<hbm>>) target(%arg15 : memref<256xi32, #tpu.memory_space<vmem>>) target_semaphore(%run_scoped3A : memref<!tpu.dma_semaphore, #tpu.memory_space<semaphore_mem>>)
        %dma_wait3A = tpu.memref_slice %arg4[%add3A_180] : memref<320288xi32, #tpu.memory_space<hbm>> -> memref<256xi32, #tpu.memory_space<hbm>>
        %dma_wait3A_184 = tpu.memref_slice %arg4[%add3A_180] : memref<320288xi32, #tpu.memory_space<hbm>> -> memref<256xi32, #tpu.memory_space<hbm>>
        tpu.wait_dma2 semaphore(%run_scoped3A : memref<!tpu.dma_semaphore, #tpu.memory_space<semaphore_mem>>) src(%dma_wait3A_184 : memref<256xi32, #tpu.memory_space<hbm>>) dst(%arg15 : memref<256xi32, #tpu.memory_space<vmem>>)
        tpu.yield
      }) : () -> ()
      %parallel_loop3A = arith.constant 0 : i32
      %parallel_loop3A_181 = arith.constant 16 : i32
      %parallel_loop3A_182 = arith.constant 1 : i32
      scf.for %parallel_loop3A_183 = %parallel_loop3A to %parallel_loop3A_181 step %parallel_loop3A_182  : i32 {
        %parallel_loop3A_184 = arith.constant 16 : i32
        %parallel_loop3A_185 = arith.muli %parallel_loop3A_183, %parallel_loop3A_184 : i32
        %parallel_loop3A_186 = arith.addi %add3A_180, %parallel_loop3A_185 : i32
        %parallel_loop3A_187 = vector.broadcast %parallel_loop3A_186 : i32 to vector<16xi32>
        %parallel_loop3A_188 = arith.addi %parallel_loop3A_187, %iota3A : vector<16xi32>
        %parallel_loop3A_189 = vector.broadcast %squeeze3A : i32 to vector<16xi32>
        %parallel_loop3A_190 = arith.cmpi sge, %parallel_loop3A_188, %parallel_loop3A_189 : vector<16xi32>
        %parallel_loop3A_191 = vector.broadcast %squeeze3A_7 : i32 to vector<16xi32>
        %parallel_loop3A_192 = arith.cmpi slt, %parallel_loop3A_188, %parallel_loop3A_191 : vector<16xi32>
        %parallel_loop3A_193 = arith.andi %parallel_loop3A_190, %parallel_loop3A_192 : vector<16xi1>
        %parallel_loop3A_194 = arith.constant 16 : i32
        %parallel_loop3A_195 = arith.muli %parallel_loop3A_183, %parallel_loop3A_194 : i32
        %parallel_loop3A_196 = arith.index_cast %parallel_loop3A_195 : i32 to index
        %parallel_loop3A_197 = tpu.vector_load %arg15[%parallel_loop3A_196] {strides = array<i32>} : memref<256xi32, #tpu.memory_space<vmem>>, vector<16xi32>,
        %parallel_loop3A_198 = vector.broadcast %mul3A_9 : i32 to vector<16xi32>
        %parallel_loop3A_199 = arith.subi %parallel_loop3A_197, %parallel_loop3A_198 : vector<16xi32>
        %parallel_loop3A_200 = arith.constant 0 : i32
        %parallel_loop3A_201 = arith.constant 319 : i32
        %parallel_loop3A_202 = vector.broadcast %parallel_loop3A_200 : i32 to vector<16xi32>
        %parallel_loop3A_203 = arith.maxsi %parallel_loop3A_202, %parallel_loop3A_199 : vector<16xi32>
        %parallel_loop3A_204 = vector.broadcast %parallel_loop3A_201 : i32 to vector<16xi32>
        %parallel_loop3A_205 = arith.minsi %parallel_loop3A_204, %parallel_loop3A_203 : vector<16xi32>
        %parallel_loop3A_206 = arith.constant 332 : i32
        %parallel_loop3A_207 = vector.broadcast %parallel_loop3A_206 : i32 to vector<16xi32>
        %parallel_loop3A_208 = arith.select %parallel_loop3A_193, %parallel_loop3A_205, %parallel_loop3A_207 : vector<16xi1>, vector<16xi32>
        %parallel_loop3A_209 = arith.constant 16 : i32
        %parallel_loop3A_210 = arith.muli %parallel_loop3A_183, %parallel_loop3A_209 : i32
        %parallel_loop3A_211 = arith.index_cast %parallel_loop3A_210 : i32 to index
        %parallel_loop3A_212 = tpu.vector_load %arg13[%parallel_loop3A_211] {strides = array<i32>} : memref<256xf32, #tpu.memory_space<vmem>>, vector<16xf32>,
        %parallel_loop3A_213 = math.exp %parallel_loop3A_212 : vector<16xf32>
        tpu.vector_store_idx %arg8[%parallel_loop3A_208], %parallel_loop3A_213 {add = true} : memref<336xf32, #tpu.memory_space<vmem>>[vector<16xi32>], vector<16xf32>,
      } {sc.loop_unroll_factor = 4 : i64, sc.parallel_access}
    }
    %add3A_115 = arith.constant 0 : i32
    %add3A_116 = vector.broadcast %add3A_115 : i32 to vector<16xi32>
    %add3A_117 = arith.addi %add3A_116, %iota3A : vector<16xi32>
    %add3A_118 = arith.constant 16 : i32
    %add3A_119 = vector.broadcast %add3A_118 : i32 to vector<16xi32>
    %add3A_120 = arith.addi %add3A_119, %iota3A : vector<16xi32>
    %add3A_121 = arith.constant 32 : i32
    %add3A_122 = vector.broadcast %add3A_121 : i32 to vector<16xi32>
    %add3A_123 = arith.addi %add3A_122, %iota3A : vector<16xi32>
    %add3A_124 = arith.constant 48 : i32
    %add3A_125 = vector.broadcast %add3A_124 : i32 to vector<16xi32>
    %add3A_126 = arith.addi %add3A_125, %iota3A : vector<16xi32>
    %add3A_127 = arith.constant 64 : i32
    %add3A_128 = vector.broadcast %add3A_127 : i32 to vector<16xi32>
    %add3A_129 = arith.addi %add3A_128, %iota3A : vector<16xi32>
    %add3A_130 = arith.constant 80 : i32
    %add3A_131 = vector.broadcast %add3A_130 : i32 to vector<16xi32>
    %add3A_132 = arith.addi %add3A_131, %iota3A : vector<16xi32>
    %add3A_133 = arith.constant 96 : i32
    %add3A_134 = vector.broadcast %add3A_133 : i32 to vector<16xi32>
    %add3A_135 = arith.addi %add3A_134, %iota3A : vector<16xi32>
    %add3A_136 = arith.constant 112 : i32
    %add3A_137 = vector.broadcast %add3A_136 : i32 to vector<16xi32>
    %add3A_138 = arith.addi %add3A_137, %iota3A : vector<16xi32>
    %add3A_139 = arith.constant 1 : i32
    %add3A_140 = arith.addi %select_n3A_56, %add3A_139 : i32
    %jit3A_141 = arith.constant 2 : i32
    %div3A_142 = arith.divsi %add3A_140, %jit3A_141 : i32
    %sign3A_143 = arith.constant 0 : i32
    %sign3A_144 = arith.cmpi sgt, %add3A_140, %sign3A_143 : i32
    %sign3A_145 = arith.extui %sign3A_144 : i1 to i32
    %sign3A_146 = arith.constant 0 : i32
    %sign3A_147 = arith.cmpi slt, %add3A_140, %sign3A_146 : i32
    %sign3A_148 = arith.extui %sign3A_147 : i1 to i32
    %sign3A_149 = arith.subi %sign3A_145, %sign3A_148 : i32
    %sign3A_150 = arith.constant 0 : i32
    %sign3A_151 = arith.cmpi sgt, %jit3A_141, %sign3A_150 : i32
    %sign3A_152 = arith.extui %sign3A_151 : i1 to i32
    %sign3A_153 = arith.constant 0 : i32
    %sign3A_154 = arith.cmpi slt, %jit3A_141, %sign3A_153 : i32
    %sign3A_155 = arith.extui %sign3A_154 : i1 to i32
    %sign3A_156 = arith.subi %sign3A_152, %sign3A_155 : i32
    %ne3A_157 = arith.cmpi ne, %sign3A_149, %sign3A_156 : i32
    %rem3A_158 = arith.remsi %add3A_140, %jit3A_141 : i32
    %ne3A_159 = arith.constant 0 : i32
    %ne3A_160 = arith.cmpi ne, %rem3A_158, %ne3A_159 : i32
    %and3A_161 = arith.andi %ne3A_157, %ne3A_160 : i1
    %sub3A_162 = arith.constant 1 : i32
    %sub3A_163 = arith.subi %div3A_142, %sub3A_162 : i32
    %select_n3A_164 = arith.select %and3A_161, %sub3A_163, %div3A_142 : i32
    %while3A_165 = arith.constant 0 : i32
    %while3A_166 = arith.constant 0 : i32
    %while3A_167 = arith.subi %select_n3A_164, %while3A_166 : i32
    %while3A_168 = arith.addi %while3A_166, %while3A_167 : i32
    %while3A_169 = arith.constant 1 : i32
    %while3A_170 = arith.divsi %while3A_167, %while3A_169 : i32
    %while3A_171 = arith.muli %while3A_170, %while3A_169 : i32
    %while3A_172 = arith.addi %while3A_166, %while3A_171 : i32
    %while3A_173 = arith.constant 1 : i32
    scf.for %while3A_177 = %while3A_166 to %while3A_172 step %while3A_173  : i32 {
      %mul3A_178 = arith.constant 2 : i32
      %mul3A_179 = arith.muli %mul3A_178, %while3A_177 : i32
      %dma_wait3A = arith.constant 0 : i32
      %dma_wait3A_180 = tpu.memref_slice %arg2[%dma_wait3A] : memref<40996864xf32, #tpu.memory_space<hbm>> -> memref<32768xf32, #tpu.memory_space<hbm>>
      %dma_wait3A_181 = arith.constant 0 : i32
      %dma_wait3A_182 = tpu.memref_slice %arg2[%dma_wait3A_181] : memref<40996864xf32, #tpu.memory_space<hbm>> -> memref<32768xf32, #tpu.memory_space<hbm>>
      tpu.wait_dma2 semaphore(%arg18 : memref<!tpu.dma_semaphore, #tpu.memory_space<semaphore_mem>>) src(%dma_wait3A_182 : memref<32768xf32, #tpu.memory_space<hbm>>) dst(%arg10 : memref<32768xf32, #tpu.memory_space<vmem>>)
      %dma_wait3A_183 = arith.constant 0 : i32
      %dma_wait3A_184 = tpu.memref_slice %arg3[%dma_wait3A_183] : memref<320288xf32, #tpu.memory_space<hbm>> -> memref<256xf32, #tpu.memory_space<hbm>>
      %dma_wait3A_185 = arith.constant 0 : i32
      %dma_wait3A_186 = tpu.memref_slice %arg3[%dma_wait3A_185] : memref<320288xf32, #tpu.memory_space<hbm>> -> memref<256xf32, #tpu.memory_space<hbm>>
      tpu.wait_dma2 semaphore(%arg18 : memref<!tpu.dma_semaphore, #tpu.memory_space<semaphore_mem>>) src(%dma_wait3A_186 : memref<256xf32, #tpu.memory_space<hbm>>) dst(%arg12 : memref<256xf32, #tpu.memory_space<vmem>>)
      %dma_wait3A_187 = arith.constant 0 : i32
      %dma_wait3A_188 = tpu.memref_slice %arg4[%dma_wait3A_187] : memref<320288xi32, #tpu.memory_space<hbm>> -> memref<256xi32, #tpu.memory_space<hbm>>
      %dma_wait3A_189 = arith.constant 0 : i32
      %dma_wait3A_190 = tpu.memref_slice %arg4[%dma_wait3A_189] : memref<320288xi32, #tpu.memory_space<hbm>> -> memref<256xi32, #tpu.memory_space<hbm>>
      tpu.wait_dma2 semaphore(%arg18 : memref<!tpu.dma_semaphore, #tpu.memory_space<semaphore_mem>>) src(%dma_wait3A_190 : memref<256xi32, #tpu.memory_space<hbm>>) dst(%arg14 : memref<256xi32, #tpu.memory_space<vmem>>)
      %add3A_191 = arith.constant 1 : i32
      %add3A_192 = arith.addi %mul3A_179, %add3A_191 : i32
      %lt3A = arith.cmpi slt, %add3A_192, %select_n3A_56 : i32
      %convert_element_type3A_193 = arith.extui %lt3A : i1 to i32
      %cond3A_194 = arith.constant 0 : i32
      %cond3A_195 = arith.cmpi ne, %convert_element_type3A_193, %cond3A_194 : i32
      scf.if %cond3A_195 {
        %add3A_210 = arith.constant 1 : i32
        %add3A_211 = arith.addi %mul3A_179, %add3A_210 : i32
        %mul3A_212 = arith.constant 256 : i32
        %mul3A_213 = arith.muli %add3A_211, %mul3A_212 : i32
        %add3A_214 = arith.addi %mul3A_27, %mul3A_213 : i32
        %mul3A_215 = arith.constant 128 : i32
        %mul3A_216 = arith.muli %add3A_214, %mul3A_215 : i32
        %dma_start3A = tpu.memref_slice %arg2[%mul3A_216] : memref<40996864xf32, #tpu.memory_space<hbm>> -> memref<32768xf32, #tpu.memory_space<hbm>>
        %dma_start3A_217 = tpu.memref_slice %arg2[%mul3A_216] : memref<40996864xf32, #tpu.memory_space<hbm>> -> memref<32768xf32, #tpu.memory_space<hbm>>
        tpu.enqueue_dma source(%dma_start3A_217 : memref<32768xf32, #tpu.memory_space<hbm>>) target(%arg11 : memref<32768xf32, #tpu.memory_space<vmem>>) target_semaphore(%arg19 : memref<!tpu.dma_semaphore, #tpu.memory_space<semaphore_mem>>)
        %dma_start3A_218 = tpu.memref_slice %arg3[%add3A_214] : memref<320288xf32, #tpu.memory_space<hbm>> -> memref<256xf32, #tpu.memory_space<hbm>>
        %dma_start3A_219 = tpu.memref_slice %arg3[%add3A_214] : memref<320288xf32, #tpu.memory_space<hbm>> -> memref<256xf32, #tpu.memory_space<hbm>>
        tpu.enqueue_dma source(%dma_start3A_219 : memref<256xf32, #tpu.memory_space<hbm>>) target(%arg13 : memref<256xf32, #tpu.memory_space<vmem>>) target_semaphore(%arg19 : memref<!tpu.dma_semaphore, #tpu.memory_space<semaphore_mem>>)
        %dma_start3A_220 = tpu.memref_slice %arg4[%add3A_214] : memref<320288xi32, #tpu.memory_space<hbm>> -> memref<256xi32, #tpu.memory_space<hbm>>
        %dma_start3A_221 = tpu.memref_slice %arg4[%add3A_214] : memref<320288xi32, #tpu.memory_space<hbm>> -> memref<256xi32, #tpu.memory_space<hbm>>
        tpu.enqueue_dma source(%dma_start3A_221 : memref<256xi32, #tpu.memory_space<hbm>>) target(%arg15 : memref<256xi32, #tpu.memory_space<vmem>>) target_semaphore(%arg19 : memref<!tpu.dma_semaphore, #tpu.memory_space<semaphore_mem>>)
      } else {
      }
      %mul3A_196 = arith.constant 256 : i32
      %mul3A_197 = arith.muli %mul3A_179, %mul3A_196 : i32
      %add3A_198 = arith.addi %mul3A_27, %mul3A_197 : i32
      %parallel_loop3A = arith.constant 0 : i32
      %parallel_loop3A_199 = arith.constant 16 : i32
      %parallel_loop3A_200 = arith.constant 1 : i32
      scf.for %parallel_loop3A_210 = %parallel_loop3A to %parallel_loop3A_199 step %parallel_loop3A_200  : i32 {
        %parallel_loop3A_211 = arith.constant 16 : i32
        %parallel_loop3A_212 = arith.muli %parallel_loop3A_210, %parallel_loop3A_211 : i32
        %parallel_loop3A_213 = arith.addi %add3A_198, %parallel_loop3A_212 : i32
        %parallel_loop3A_214 = vector.broadcast %parallel_loop3A_213 : i32 to vector<16xi32>
        %parallel_loop3A_215 = arith.addi %parallel_loop3A_214, %iota3A : vector<16xi32>
        %parallel_loop3A_216 = vector.broadcast %squeeze3A : i32 to vector<16xi32>
        %parallel_loop3A_217 = arith.cmpi sge, %parallel_loop3A_215, %parallel_loop3A_216 : vector<16xi32>
        %parallel_loop3A_218 = vector.broadcast %squeeze3A_7 : i32 to vector<16xi32>
        %parallel_loop3A_219 = arith.cmpi slt, %parallel_loop3A_215, %parallel_loop3A_218 : vector<16xi32>
        %parallel_loop3A_220 = arith.andi %parallel_loop3A_217, %parallel_loop3A_219 : vector<16xi1>
        %parallel_loop3A_221 = arith.constant 16 : i32
        %parallel_loop3A_222 = arith.muli %parallel_loop3A_210, %parallel_loop3A_221 : i32
        %parallel_loop3A_223 = arith.index_cast %parallel_loop3A_222 : i32 to index
        %parallel_loop3A_224 = tpu.vector_load %arg14[%parallel_loop3A_223] {strides = array<i32>} : memref<256xi32, #tpu.memory_space<vmem>>, vector<16xi32>,
        %parallel_loop3A_225 = vector.broadcast %mul3A_9 : i32 to vector<16xi32>
        %parallel_loop3A_226 = arith.subi %parallel_loop3A_224, %parallel_loop3A_225 : vector<16xi32>
        %parallel_loop3A_227 = arith.constant 0 : i32
        %parallel_loop3A_228 = arith.constant 319 : i32
        %parallel_loop3A_229 = vector.broadcast %parallel_loop3A_227 : i32 to vector<16xi32>
        %parallel_loop3A_230 = arith.maxsi %parallel_loop3A_229, %parallel_loop3A_226 : vector<16xi32>
        %parallel_loop3A_231 = vector.broadcast %parallel_loop3A_228 : i32 to vector<16xi32>
        %parallel_loop3A_232 = arith.minsi %parallel_loop3A_231, %parallel_loop3A_230 : vector<16xi32>
        %parallel_loop3A_233 = arith.constant 332 : i32
        %parallel_loop3A_234 = vector.broadcast %parallel_loop3A_233 : i32 to vector<16xi32>
        %parallel_loop3A_235 = arith.select %parallel_loop3A_220, %parallel_loop3A_232, %parallel_loop3A_234 : vector<16xi1>, vector<16xi32>
        %parallel_loop3A_236 = arith.constant 16 : i32
        %parallel_loop3A_237 = arith.muli %parallel_loop3A_210, %parallel_loop3A_236 : i32
        %parallel_loop3A_238 = arith.index_cast %parallel_loop3A_237 : i32 to index
        %parallel_loop3A_239 = tpu.vector_load %arg12[%parallel_loop3A_238] {strides = array<i32>} : memref<256xf32, #tpu.memory_space<vmem>>, vector<16xf32>,
        %parallel_loop3A_240 = math.exp %parallel_loop3A_239 : vector<16xf32>
        %parallel_loop3A_241 = arith.constant 16 : i32
        %parallel_loop3A_242 = arith.muli %parallel_loop3A_210, %parallel_loop3A_241 : i32
        %parallel_loop3A_243 = arith.index_cast %parallel_loop3A_242 : i32 to index
        %parallel_loop3A_244 = tpu.vector_load %arg16[%parallel_loop3A_243] {strides = array<i32>} : memref<256xi32, #tpu.memory_space<vmem>>, vector<16xi32>,
        tpu.vector_store %arg16[%parallel_loop3A_243], %parallel_loop3A_235 {strides = array<i32>} : memref<256xi32, #tpu.memory_space<vmem>>, vector<16xi32>,
        %parallel_loop3A_245 = tpu.vector_load_idx %arg8[%parallel_loop3A_235] : memref<336xf32, #tpu.memory_space<vmem>>[vector<16xi32>], vector<16xf32>,
        %parallel_loop3A_246 = arith.divf %parallel_loop3A_240, %parallel_loop3A_245 : vector<16xf32>
        %parallel_loop3A_247 = arith.constant 16 : i32
        %parallel_loop3A_248 = arith.muli %parallel_loop3A_210, %parallel_loop3A_247 : i32
        %parallel_loop3A_249 = arith.index_cast %parallel_loop3A_248 : i32 to index
        %parallel_loop3A_250 = tpu.vector_load %arg17[%parallel_loop3A_249] {strides = array<i32>} : memref<256xf32, #tpu.memory_space<vmem>>, vector<16xf32>,
        tpu.vector_store %arg17[%parallel_loop3A_249], %parallel_loop3A_246 {strides = array<i32>} : memref<256xf32, #tpu.memory_space<vmem>>, vector<16xf32>,
      } {sc.loop_unroll_factor = 4 : i64, sc.parallel_access}
      %parallel_loop3A_201 = arith.constant 0 : i32
      %parallel_loop3A_202 = arith.constant 256 : i32
      %parallel_loop3A_203 = arith.constant 1 : i32
      scf.for %parallel_loop3A_210 = %parallel_loop3A_201 to %parallel_loop3A_202 step %parallel_loop3A_203  : i32 {
        %parallel_loop3A_211 = vector.broadcast %parallel_loop3A_210 : i32 to vector<16xi32>
        %parallel_loop3A_212 = tpu.vector_load_idx %arg17[%parallel_loop3A_211] : memref<256xf32, #tpu.memory_space<vmem>>[vector<16xi32>], vector<16xf32>,
        %parallel_loop3A_213 = tpu.vector_load_idx %arg16[%parallel_loop3A_211] : memref<256xi32, #tpu.memory_space<vmem>>[vector<16xi32>], vector<16xi32>,
        %parallel_loop3A_214 = arith.constant 128 : i32
        %parallel_loop3A_215 = arith.muli %parallel_loop3A_210, %parallel_loop3A_214 : i32
        %parallel_loop3A_216 = vector.broadcast %parallel_loop3A_215 : i32 to vector<16xi32>
        %parallel_loop3A_217 = arith.constant 128 : i32
        %parallel_loop3A_218 = vector.broadcast %parallel_loop3A_217 : i32 to vector<16xi32>
        %parallel_loop3A_219 = arith.muli %parallel_loop3A_213, %parallel_loop3A_218 : vector<16xi32>
        %parallel_loop3A_220 = arith.addi %parallel_loop3A_216, %add3A_117 : vector<16xi32>
        %parallel_loop3A_221 = tpu.vector_load_idx %arg10[%parallel_loop3A_220] : memref<32768xf32, #tpu.memory_space<vmem>>[vector<16xi32>], vector<16xf32>,
        %parallel_loop3A_222 = arith.addi %parallel_loop3A_219, %add3A_117 : vector<16xi32>
        %parallel_loop3A_223 = arith.mulf %parallel_loop3A_221, %parallel_loop3A_212 : vector<16xf32>
        tpu.vector_store_idx %arg9[%parallel_loop3A_222], %parallel_loop3A_223 {add = true} : memref<43008xf32, #tpu.memory_space<vmem>>[vector<16xi32>], vector<16xf32>,
        %parallel_loop3A_224 = arith.addi %parallel_loop3A_216, %add3A_120 : vector<16xi32>
        %parallel_loop3A_225 = tpu.vector_load_idx %arg10[%parallel_loop3A_224] : memref<32768xf32, #tpu.memory_space<vmem>>[vector<16xi32>], vector<16xf32>,
        %parallel_loop3A_226 = arith.addi %parallel_loop3A_219, %add3A_120 : vector<16xi32>
        %parallel_loop3A_227 = arith.mulf %parallel_loop3A_225, %parallel_loop3A_212 : vector<16xf32>
        tpu.vector_store_idx %arg9[%parallel_loop3A_226], %parallel_loop3A_227 {add = true} : memref<43008xf32, #tpu.memory_space<vmem>>[vector<16xi32>], vector<16xf32>,
        %parallel_loop3A_228 = arith.addi %parallel_loop3A_216, %add3A_123 : vector<16xi32>
        %parallel_loop3A_229 = tpu.vector_load_idx %arg10[%parallel_loop3A_228] : memref<32768xf32, #tpu.memory_space<vmem>>[vector<16xi32>], vector<16xf32>,
        %parallel_loop3A_230 = arith.addi %parallel_loop3A_219, %add3A_123 : vector<16xi32>
        %parallel_loop3A_231 = arith.mulf %parallel_loop3A_229, %parallel_loop3A_212 : vector<16xf32>
        tpu.vector_store_idx %arg9[%parallel_loop3A_230], %parallel_loop3A_231 {add = true} : memref<43008xf32, #tpu.memory_space<vmem>>[vector<16xi32>], vector<16xf32>,
        %parallel_loop3A_232 = arith.addi %parallel_loop3A_216, %add3A_126 : vector<16xi32>
        %parallel_loop3A_233 = tpu.vector_load_idx %arg10[%parallel_loop3A_232] : memref<32768xf32, #tpu.memory_space<vmem>>[vector<16xi32>], vector<16xf32>,
        %parallel_loop3A_234 = arith.addi %parallel_loop3A_219, %add3A_126 : vector<16xi32>
        %parallel_loop3A_235 = arith.mulf %parallel_loop3A_233, %parallel_loop3A_212 : vector<16xf32>
        tpu.vector_store_idx %arg9[%parallel_loop3A_234], %parallel_loop3A_235 {add = true} : memref<43008xf32, #tpu.memory_space<vmem>>[vector<16xi32>], vector<16xf32>,
        %parallel_loop3A_236 = arith.addi %parallel_loop3A_216, %add3A_129 : vector<16xi32>
        %parallel_loop3A_237 = tpu.vector_load_idx %arg10[%parallel_loop3A_236] : memref<32768xf32, #tpu.memory_space<vmem>>[vector<16xi32>], vector<16xf32>,
        %parallel_loop3A_238 = arith.addi %parallel_loop3A_219, %add3A_129 : vector<16xi32>
        %parallel_loop3A_239 = arith.mulf %parallel_loop3A_237, %parallel_loop3A_212 : vector<16xf32>
        tpu.vector_store_idx %arg9[%parallel_loop3A_238], %parallel_loop3A_239 {add = true} : memref<43008xf32, #tpu.memory_space<vmem>>[vector<16xi32>], vector<16xf32>,
        %parallel_loop3A_240 = arith.addi %parallel_loop3A_216, %add3A_132 : vector<16xi32>
        %parallel_loop3A_241 = tpu.vector_load_idx %arg10[%parallel_loop3A_240] : memref<32768xf32, #tpu.memory_space<vmem>>[vector<16xi32>], vector<16xf32>,
        %parallel_loop3A_242 = arith.addi %parallel_loop3A_219, %add3A_132 : vector<16xi32>
        %parallel_loop3A_243 = arith.mulf %parallel_loop3A_241, %parallel_loop3A_212 : vector<16xf32>
        tpu.vector_store_idx %arg9[%parallel_loop3A_242], %parallel_loop3A_243 {add = true} : memref<43008xf32, #tpu.memory_space<vmem>>[vector<16xi32>], vector<16xf32>,
        %parallel_loop3A_244 = arith.addi %parallel_loop3A_216, %add3A_135 : vector<16xi32>
        %parallel_loop3A_245 = tpu.vector_load_idx %arg10[%parallel_loop3A_244] : memref<32768xf32, #tpu.memory_space<vmem>>[vector<16xi32>], vector<16xf32>,
        %parallel_loop3A_246 = arith.addi %parallel_loop3A_219, %add3A_135 : vector<16xi32>
        %parallel_loop3A_247 = arith.mulf %parallel_loop3A_245, %parallel_loop3A_212 : vector<16xf32>
        tpu.vector_store_idx %arg9[%parallel_loop3A_246], %parallel_loop3A_247 {add = true} : memref<43008xf32, #tpu.memory_space<vmem>>[vector<16xi32>], vector<16xf32>,
        %parallel_loop3A_248 = arith.addi %parallel_loop3A_216, %add3A_138 : vector<16xi32>
        %parallel_loop3A_249 = tpu.vector_load_idx %arg10[%parallel_loop3A_248] : memref<32768xf32, #tpu.memory_space<vmem>>[vector<16xi32>], vector<16xf32>,
        %parallel_loop3A_250 = arith.addi %parallel_loop3A_219, %add3A_138 : vector<16xi32>
        %parallel_loop3A_251 = arith.mulf %parallel_loop3A_249, %parallel_loop3A_212 : vector<16xf32>
        tpu.vector_store_idx %arg9[%parallel_loop3A_250], %parallel_loop3A_251 {add = true} : memref<43008xf32, #tpu.memory_space<vmem>>[vector<16xi32>], vector<16xf32>,
      } {sc.loop_unroll_factor = 4 : i64, sc.parallel_access}
      %add3A_204 = arith.constant 1 : i32
      %add3A_205 = arith.addi %mul3A_179, %add3A_204 : i32
      %lt3A_206 = arith.cmpi slt, %add3A_205, %select_n3A_56 : i32
      %convert_element_type3A_207 = arith.extui %lt3A_206 : i1 to i32
      %cond3A_208 = arith.constant 0 : i32
      %cond3A_209 = arith.cmpi ne, %convert_element_type3A_207, %cond3A_208 : i32
      scf.if %cond3A_209 {
        %dma_wait3A_210 = arith.constant 0 : i32
        %dma_wait3A_211 = tpu.memref_slice %arg2[%dma_wait3A_210] : memref<40996864xf32, #tpu.memory_space<hbm>> -> memref<32768xf32, #tpu.memory_space<hbm>>
        %dma_wait3A_212 = arith.constant 0 : i32
        %dma_wait3A_213 = tpu.memref_slice %arg2[%dma_wait3A_212] : memref<40996864xf32, #tpu.memory_space<hbm>> -> memref<32768xf32, #tpu.memory_space<hbm>>
        tpu.wait_dma2 semaphore(%arg19 : memref<!tpu.dma_semaphore, #tpu.memory_space<semaphore_mem>>) src(%dma_wait3A_213 : memref<32768xf32, #tpu.memory_space<hbm>>) dst(%arg11 : memref<32768xf32, #tpu.memory_space<vmem>>)
        %dma_wait3A_214 = arith.constant 0 : i32
        %dma_wait3A_215 = tpu.memref_slice %arg3[%dma_wait3A_214] : memref<320288xf32, #tpu.memory_space<hbm>> -> memref<256xf32, #tpu.memory_space<hbm>>
        %dma_wait3A_216 = arith.constant 0 : i32
        %dma_wait3A_217 = tpu.memref_slice %arg3[%dma_wait3A_216] : memref<320288xf32, #tpu.memory_space<hbm>> -> memref<256xf32, #tpu.memory_space<hbm>>
        tpu.wait_dma2 semaphore(%arg19 : memref<!tpu.dma_semaphore, #tpu.memory_space<semaphore_mem>>) src(%dma_wait3A_217 : memref<256xf32, #tpu.memory_space<hbm>>) dst(%arg13 : memref<256xf32, #tpu.memory_space<vmem>>)
        %dma_wait3A_218 = arith.constant 0 : i32
        %dma_wait3A_219 = tpu.memref_slice %arg4[%dma_wait3A_218] : memref<320288xi32, #tpu.memory_space<hbm>> -> memref<256xi32, #tpu.memory_space<hbm>>
        %dma_wait3A_220 = arith.constant 0 : i32
        %dma_wait3A_221 = tpu.memref_slice %arg4[%dma_wait3A_220] : memref<320288xi32, #tpu.memory_space<hbm>> -> memref<256xi32, #tpu.memory_space<hbm>>
        tpu.wait_dma2 semaphore(%arg19 : memref<!tpu.dma_semaphore, #tpu.memory_space<semaphore_mem>>) src(%dma_wait3A_221 : memref<256xi32, #tpu.memory_space<hbm>>) dst(%arg15 : memref<256xi32, #tpu.memory_space<vmem>>)
        %add3A_222 = arith.constant 2 : i32
        %add3A_223 = arith.addi %mul3A_179, %add3A_222 : i32
        %lt3A_224 = arith.cmpi slt, %add3A_223, %select_n3A_56 : i32
        %convert_element_type3A_225 = arith.extui %lt3A_224 : i1 to i32
        %cond3A_226 = arith.constant 0 : i32
        %cond3A_227 = arith.cmpi ne, %convert_element_type3A_225, %cond3A_226 : i32
        scf.if %cond3A_227 {
          %add3A_239 = arith.constant 2 : i32
          %add3A_240 = arith.addi %mul3A_179, %add3A_239 : i32
          %mul3A_241 = arith.constant 256 : i32
          %mul3A_242 = arith.muli %add3A_240, %mul3A_241 : i32
          %add3A_243 = arith.addi %mul3A_27, %mul3A_242 : i32
          %mul3A_244 = arith.constant 128 : i32
          %mul3A_245 = arith.muli %add3A_243, %mul3A_244 : i32
          %dma_start3A = tpu.memref_slice %arg2[%mul3A_245] : memref<40996864xf32, #tpu.memory_space<hbm>> -> memref<32768xf32, #tpu.memory_space<hbm>>
          %dma_start3A_246 = tpu.memref_slice %arg2[%mul3A_245] : memref<40996864xf32, #tpu.memory_space<hbm>> -> memref<32768xf32, #tpu.memory_space<hbm>>
          tpu.enqueue_dma source(%dma_start3A_246 : memref<32768xf32, #tpu.memory_space<hbm>>) target(%arg10 : memref<32768xf32, #tpu.memory_space<vmem>>) target_semaphore(%arg18 : memref<!tpu.dma_semaphore, #tpu.memory_space<semaphore_mem>>)
          %dma_start3A_247 = tpu.memref_slice %arg3[%add3A_243] : memref<320288xf32, #tpu.memory_space<hbm>> -> memref<256xf32, #tpu.memory_space<hbm>>
          %dma_start3A_248 = tpu.memref_slice %arg3[%add3A_243] : memref<320288xf32, #tpu.memory_space<hbm>> -> memref<256xf32, #tpu.memory_space<hbm>>
          tpu.enqueue_dma source(%dma_start3A_248 : memref<256xf32, #tpu.memory_space<hbm>>) target(%arg12 : memref<256xf32, #tpu.memory_space<vmem>>) target_semaphore(%arg18 : memref<!tpu.dma_semaphore, #tpu.memory_space<semaphore_mem>>)
          %dma_start3A_249 = tpu.memref_slice %arg4[%add3A_243] : memref<320288xi32, #tpu.memory_space<hbm>> -> memref<256xi32, #tpu.memory_space<hbm>>
          %dma_start3A_250 = tpu.memref_slice %arg4[%add3A_243] : memref<320288xi32, #tpu.memory_space<hbm>> -> memref<256xi32, #tpu.memory_space<hbm>>
          tpu.enqueue_dma source(%dma_start3A_250 : memref<256xi32, #tpu.memory_space<hbm>>) target(%arg14 : memref<256xi32, #tpu.memory_space<vmem>>) target_semaphore(%arg18 : memref<!tpu.dma_semaphore, #tpu.memory_space<semaphore_mem>>)
        } else {
        }
        %add3A_228 = arith.constant 1 : i32
        %add3A_229 = arith.addi %mul3A_179, %add3A_228 : i32
        %mul3A_230 = arith.constant 256 : i32
        %mul3A_231 = arith.muli %add3A_229, %mul3A_230 : i32
        %add3A_232 = arith.addi %mul3A_27, %mul3A_231 : i32
        %parallel_loop3A_233 = arith.constant 0 : i32
        %parallel_loop3A_234 = arith.constant 16 : i32
        %parallel_loop3A_235 = arith.constant 1 : i32
        scf.for %parallel_loop3A_239 = %parallel_loop3A_233 to %parallel_loop3A_234 step %parallel_loop3A_235  : i32 {
          %parallel_loop3A_240 = arith.constant 16 : i32
          %parallel_loop3A_241 = arith.muli %parallel_loop3A_239, %parallel_loop3A_240 : i32
          %parallel_loop3A_242 = arith.addi %add3A_232, %parallel_loop3A_241 : i32
          %parallel_loop3A_243 = vector.broadcast %parallel_loop3A_242 : i32 to vector<16xi32>
          %parallel_loop3A_244 = arith.addi %parallel_loop3A_243, %iota3A : vector<16xi32>
          %parallel_loop3A_245 = vector.broadcast %squeeze3A : i32 to vector<16xi32>
          %parallel_loop3A_246 = arith.cmpi sge, %parallel_loop3A_244, %parallel_loop3A_245 : vector<16xi32>
          %parallel_loop3A_247 = vector.broadcast %squeeze3A_7 : i32 to vector<16xi32>
          %parallel_loop3A_248 = arith.cmpi slt, %parallel_loop3A_244, %parallel_loop3A_247 : vector<16xi32>
          %parallel_loop3A_249 = arith.andi %parallel_loop3A_246, %parallel_loop3A_248 : vector<16xi1>
          %parallel_loop3A_250 = arith.constant 16 : i32
          %parallel_loop3A_251 = arith.muli %parallel_loop3A_239, %parallel_loop3A_250 : i32
          %parallel_loop3A_252 = arith.index_cast %parallel_loop3A_251 : i32 to index
          %parallel_loop3A_253 = tpu.vector_load %arg15[%parallel_loop3A_252] {strides = array<i32>} : memref<256xi32, #tpu.memory_space<vmem>>, vector<16xi32>,
          %parallel_loop3A_254 = vector.broadcast %mul3A_9 : i32 to vector<16xi32>
          %parallel_loop3A_255 = arith.subi %parallel_loop3A_253, %parallel_loop3A_254 : vector<16xi32>
          %parallel_loop3A_256 = arith.constant 0 : i32
          %parallel_loop3A_257 = arith.constant 319 : i32
          %parallel_loop3A_258 = vector.broadcast %parallel_loop3A_256 : i32 to vector<16xi32>
          %parallel_loop3A_259 = arith.maxsi %parallel_loop3A_258, %parallel_loop3A_255 : vector<16xi32>
          %parallel_loop3A_260 = vector.broadcast %parallel_loop3A_257 : i32 to vector<16xi32>
          %parallel_loop3A_261 = arith.minsi %parallel_loop3A_260, %parallel_loop3A_259 : vector<16xi32>
          %parallel_loop3A_262 = arith.constant 332 : i32
          %parallel_loop3A_263 = vector.broadcast %parallel_loop3A_262 : i32 to vector<16xi32>
          %parallel_loop3A_264 = arith.select %parallel_loop3A_249, %parallel_loop3A_261, %parallel_loop3A_263 : vector<16xi1>, vector<16xi32>
          %parallel_loop3A_265 = arith.constant 16 : i32
          %parallel_loop3A_266 = arith.muli %parallel_loop3A_239, %parallel_loop3A_265 : i32
          %parallel_loop3A_267 = arith.index_cast %parallel_loop3A_266 : i32 to index
          %parallel_loop3A_268 = tpu.vector_load %arg13[%parallel_loop3A_267] {strides = array<i32>} : memref<256xf32, #tpu.memory_space<vmem>>, vector<16xf32>,
          %parallel_loop3A_269 = math.exp %parallel_loop3A_268 : vector<16xf32>
          %parallel_loop3A_270 = arith.constant 16 : i32
          %parallel_loop3A_271 = arith.muli %parallel_loop3A_239, %parallel_loop3A_270 : i32
          %parallel_loop3A_272 = arith.index_cast %parallel_loop3A_271 : i32 to index
          %parallel_loop3A_273 = tpu.vector_load %arg16[%parallel_loop3A_272] {strides = array<i32>} : memref<256xi32, #tpu.memory_space<vmem>>, vector<16xi32>,
          tpu.vector_store %arg16[%parallel_loop3A_272], %parallel_loop3A_264 {strides = array<i32>} : memref<256xi32, #tpu.memory_space<vmem>>, vector<16xi32>,
          %parallel_loop3A_274 = tpu.vector_load_idx %arg8[%parallel_loop3A_264] : memref<336xf32, #tpu.memory_space<vmem>>[vector<16xi32>], vector<16xf32>,
          %parallel_loop3A_275 = arith.divf %parallel_loop3A_269, %parallel_loop3A_274 : vector<16xf32>
          %parallel_loop3A_276 = arith.constant 16 : i32
          %parallel_loop3A_277 = arith.muli %parallel_loop3A_239, %parallel_loop3A_276 : i32
          %parallel_loop3A_278 = arith.index_cast %parallel_loop3A_277 : i32 to index
          %parallel_loop3A_279 = tpu.vector_load %arg17[%parallel_loop3A_278] {strides = array<i32>} : memref<256xf32, #tpu.memory_space<vmem>>, vector<16xf32>,
          tpu.vector_store %arg17[%parallel_loop3A_278], %parallel_loop3A_275 {strides = array<i32>} : memref<256xf32, #tpu.memory_space<vmem>>, vector<16xf32>,
        } {sc.loop_unroll_factor = 4 : i64, sc.parallel_access}
        %parallel_loop3A_236 = arith.constant 0 : i32
        %parallel_loop3A_237 = arith.constant 256 : i32
        %parallel_loop3A_238 = arith.constant 1 : i32
        scf.for %parallel_loop3A_239 = %parallel_loop3A_236 to %parallel_loop3A_237 step %parallel_loop3A_238  : i32 {
          %parallel_loop3A_240 = vector.broadcast %parallel_loop3A_239 : i32 to vector<16xi32>
          %parallel_loop3A_241 = tpu.vector_load_idx %arg17[%parallel_loop3A_240] : memref<256xf32, #tpu.memory_space<vmem>>[vector<16xi32>], vector<16xf32>,
          %parallel_loop3A_242 = tpu.vector_load_idx %arg16[%parallel_loop3A_240] : memref<256xi32, #tpu.memory_space<vmem>>[vector<16xi32>], vector<16xi32>,
          %parallel_loop3A_243 = arith.constant 128 : i32
          %parallel_loop3A_244 = arith.muli %parallel_loop3A_239, %parallel_loop3A_243 : i32
          %parallel_loop3A_245 = vector.broadcast %parallel_loop3A_244 : i32 to vector<16xi32>
          %parallel_loop3A_246 = arith.constant 128 : i32
          %parallel_loop3A_247 = vector.broadcast %parallel_loop3A_246 : i32 to vector<16xi32>
          %parallel_loop3A_248 = arith.muli %parallel_loop3A_242, %parallel_loop3A_247 : vector<16xi32>
          %parallel_loop3A_249 = arith.addi %parallel_loop3A_245, %add3A_117 : vector<16xi32>
          %parallel_loop3A_250 = tpu.vector_load_idx %arg11[%parallel_loop3A_249] : memref<32768xf32, #tpu.memory_space<vmem>>[vector<16xi32>], vector<16xf32>,
          %parallel_loop3A_251 = arith.addi %parallel_loop3A_248, %add3A_117 : vector<16xi32>
          %parallel_loop3A_252 = arith.mulf %parallel_loop3A_250, %parallel_loop3A_241 : vector<16xf32>
          tpu.vector_store_idx %arg9[%parallel_loop3A_251], %parallel_loop3A_252 {add = true} : memref<43008xf32, #tpu.memory_space<vmem>>[vector<16xi32>], vector<16xf32>,
          %parallel_loop3A_253 = arith.addi %parallel_loop3A_245, %add3A_120 : vector<16xi32>
          %parallel_loop3A_254 = tpu.vector_load_idx %arg11[%parallel_loop3A_253] : memref<32768xf32, #tpu.memory_space<vmem>>[vector<16xi32>], vector<16xf32>,
          %parallel_loop3A_255 = arith.addi %parallel_loop3A_248, %add3A_120 : vector<16xi32>
          %parallel_loop3A_256 = arith.mulf %parallel_loop3A_254, %parallel_loop3A_241 : vector<16xf32>
          tpu.vector_store_idx %arg9[%parallel_loop3A_255], %parallel_loop3A_256 {add = true} : memref<43008xf32, #tpu.memory_space<vmem>>[vector<16xi32>], vector<16xf32>,
          %parallel_loop3A_257 = arith.addi %parallel_loop3A_245, %add3A_123 : vector<16xi32>
          %parallel_loop3A_258 = tpu.vector_load_idx %arg11[%parallel_loop3A_257] : memref<32768xf32, #tpu.memory_space<vmem>>[vector<16xi32>], vector<16xf32>,
          %parallel_loop3A_259 = arith.addi %parallel_loop3A_248, %add3A_123 : vector<16xi32>
          %parallel_loop3A_260 = arith.mulf %parallel_loop3A_258, %parallel_loop3A_241 : vector<16xf32>
          tpu.vector_store_idx %arg9[%parallel_loop3A_259], %parallel_loop3A_260 {add = true} : memref<43008xf32, #tpu.memory_space<vmem>>[vector<16xi32>], vector<16xf32>,
          %parallel_loop3A_261 = arith.addi %parallel_loop3A_245, %add3A_126 : vector<16xi32>
          %parallel_loop3A_262 = tpu.vector_load_idx %arg11[%parallel_loop3A_261] : memref<32768xf32, #tpu.memory_space<vmem>>[vector<16xi32>], vector<16xf32>,
          %parallel_loop3A_263 = arith.addi %parallel_loop3A_248, %add3A_126 : vector<16xi32>
          %parallel_loop3A_264 = arith.mulf %parallel_loop3A_262, %parallel_loop3A_241 : vector<16xf32>
          tpu.vector_store_idx %arg9[%parallel_loop3A_263], %parallel_loop3A_264 {add = true} : memref<43008xf32, #tpu.memory_space<vmem>>[vector<16xi32>], vector<16xf32>,
          %parallel_loop3A_265 = arith.addi %parallel_loop3A_245, %add3A_129 : vector<16xi32>
          %parallel_loop3A_266 = tpu.vector_load_idx %arg11[%parallel_loop3A_265] : memref<32768xf32, #tpu.memory_space<vmem>>[vector<16xi32>], vector<16xf32>,
          %parallel_loop3A_267 = arith.addi %parallel_loop3A_248, %add3A_129 : vector<16xi32>
          %parallel_loop3A_268 = arith.mulf %parallel_loop3A_266, %parallel_loop3A_241 : vector<16xf32>
          tpu.vector_store_idx %arg9[%parallel_loop3A_267], %parallel_loop3A_268 {add = true} : memref<43008xf32, #tpu.memory_space<vmem>>[vector<16xi32>], vector<16xf32>,
          %parallel_loop3A_269 = arith.addi %parallel_loop3A_245, %add3A_132 : vector<16xi32>
          %parallel_loop3A_270 = tpu.vector_load_idx %arg11[%parallel_loop3A_269] : memref<32768xf32, #tpu.memory_space<vmem>>[vector<16xi32>], vector<16xf32>,
          %parallel_loop3A_271 = arith.addi %parallel_loop3A_248, %add3A_132 : vector<16xi32>
          %parallel_loop3A_272 = arith.mulf %parallel_loop3A_270, %parallel_loop3A_241 : vector<16xf32>
          tpu.vector_store_idx %arg9[%parallel_loop3A_271], %parallel_loop3A_272 {add = true} : memref<43008xf32, #tpu.memory_space<vmem>>[vector<16xi32>], vector<16xf32>,
          %parallel_loop3A_273 = arith.addi %parallel_loop3A_245, %add3A_135 : vector<16xi32>
          %parallel_loop3A_274 = tpu.vector_load_idx %arg11[%parallel_loop3A_273] : memref<32768xf32, #tpu.memory_space<vmem>>[vector<16xi32>], vector<16xf32>,
          %parallel_loop3A_275 = arith.addi %parallel_loop3A_248, %add3A_135 : vector<16xi32>
          %parallel_loop3A_276 = arith.mulf %parallel_loop3A_274, %parallel_loop3A_241 : vector<16xf32>
          tpu.vector_store_idx %arg9[%parallel_loop3A_275], %parallel_loop3A_276 {add = true} : memref<43008xf32, #tpu.memory_space<vmem>>[vector<16xi32>], vector<16xf32>,
          %parallel_loop3A_277 = arith.addi %parallel_loop3A_245, %add3A_138 : vector<16xi32>
          %parallel_loop3A_278 = tpu.vector_load_idx %arg11[%parallel_loop3A_277] : memref<32768xf32, #tpu.memory_space<vmem>>[vector<16xi32>], vector<16xf32>,
          %parallel_loop3A_279 = arith.addi %parallel_loop3A_248, %add3A_138 : vector<16xi32>
          %parallel_loop3A_280 = arith.mulf %parallel_loop3A_278, %parallel_loop3A_241 : vector<16xf32>
          tpu.vector_store_idx %arg9[%parallel_loop3A_279], %parallel_loop3A_280 {add = true} : memref<43008xf32, #tpu.memory_space<vmem>>[vector<16xi32>], vector<16xf32>,
        } {sc.loop_unroll_factor = 4 : i64, sc.parallel_access}
      } else {
      }
    }
    %while3A_174 = arith.constant 1 : i32
    scf.for %while3A_177 = %while3A_172 to %while3A_168 step %while3A_174  : i32 {
      %mul3A_178 = arith.constant 2 : i32
      %mul3A_179 = arith.muli %mul3A_178, %while3A_177 : i32
      %dma_wait3A = arith.constant 0 : i32
      %dma_wait3A_180 = tpu.memref_slice %arg2[%dma_wait3A] : memref<40996864xf32, #tpu.memory_space<hbm>> -> memref<32768xf32, #tpu.memory_space<hbm>>
      %dma_wait3A_181 = arith.constant 0 : i32
      %dma_wait3A_182 = tpu.memref_slice %arg2[%dma_wait3A_181] : memref<40996864xf32, #tpu.memory_space<hbm>> -> memref<32768xf32, #tpu.memory_space<hbm>>
      tpu.wait_dma2 semaphore(%arg18 : memref<!tpu.dma_semaphore, #tpu.memory_space<semaphore_mem>>) src(%dma_wait3A_182 : memref<32768xf32, #tpu.memory_space<hbm>>) dst(%arg10 : memref<32768xf32, #tpu.memory_space<vmem>>)
      %dma_wait3A_183 = arith.constant 0 : i32
      %dma_wait3A_184 = tpu.memref_slice %arg3[%dma_wait3A_183] : memref<320288xf32, #tpu.memory_space<hbm>> -> memref<256xf32, #tpu.memory_space<hbm>>
      %dma_wait3A_185 = arith.constant 0 : i32
      %dma_wait3A_186 = tpu.memref_slice %arg3[%dma_wait3A_185] : memref<320288xf32, #tpu.memory_space<hbm>> -> memref<256xf32, #tpu.memory_space<hbm>>
      tpu.wait_dma2 semaphore(%arg18 : memref<!tpu.dma_semaphore, #tpu.memory_space<semaphore_mem>>) src(%dma_wait3A_186 : memref<256xf32, #tpu.memory_space<hbm>>) dst(%arg12 : memref<256xf32, #tpu.memory_space<vmem>>)
      %dma_wait3A_187 = arith.constant 0 : i32
      %dma_wait3A_188 = tpu.memref_slice %arg4[%dma_wait3A_187] : memref<320288xi32, #tpu.memory_space<hbm>> -> memref<256xi32, #tpu.memory_space<hbm>>
      %dma_wait3A_189 = arith.constant 0 : i32
      %dma_wait3A_190 = tpu.memref_slice %arg4[%dma_wait3A_189] : memref<320288xi32, #tpu.memory_space<hbm>> -> memref<256xi32, #tpu.memory_space<hbm>>
      tpu.wait_dma2 semaphore(%arg18 : memref<!tpu.dma_semaphore, #tpu.memory_space<semaphore_mem>>) src(%dma_wait3A_190 : memref<256xi32, #tpu.memory_space<hbm>>) dst(%arg14 : memref<256xi32, #tpu.memory_space<vmem>>)
      %add3A_191 = arith.constant 1 : i32
      %add3A_192 = arith.addi %mul3A_179, %add3A_191 : i32
      %lt3A = arith.cmpi slt, %add3A_192, %select_n3A_56 : i32
      %convert_element_type3A_193 = arith.extui %lt3A : i1 to i32
      %cond3A_194 = arith.constant 0 : i32
      %cond3A_195 = arith.cmpi ne, %convert_element_type3A_193, %cond3A_194 : i32
      scf.if %cond3A_195 {
        %add3A_210 = arith.constant 1 : i32
        %add3A_211 = arith.addi %mul3A_179, %add3A_210 : i32
        %mul3A_212 = arith.constant 256 : i32
        %mul3A_213 = arith.muli %add3A_211, %mul3A_212 : i32
        %add3A_214 = arith.addi %mul3A_27, %mul3A_213 : i32
        %mul3A_215 = arith.constant 128 : i32
        %mul3A_216 = arith.muli %add3A_214, %mul3A_215 : i32
        %dma_start3A = tpu.memref_slice %arg2[%mul3A_216] : memref<40996864xf32, #tpu.memory_space<hbm>> -> memref<32768xf32, #tpu.memory_space<hbm>>
        %dma_start3A_217 = tpu.memref_slice %arg2[%mul3A_216] : memref<40996864xf32, #tpu.memory_space<hbm>> -> memref<32768xf32, #tpu.memory_space<hbm>>
        tpu.enqueue_dma source(%dma_start3A_217 : memref<32768xf32, #tpu.memory_space<hbm>>) target(%arg11 : memref<32768xf32, #tpu.memory_space<vmem>>) target_semaphore(%arg19 : memref<!tpu.dma_semaphore, #tpu.memory_space<semaphore_mem>>)
        %dma_start3A_218 = tpu.memref_slice %arg3[%add3A_214] : memref<320288xf32, #tpu.memory_space<hbm>> -> memref<256xf32, #tpu.memory_space<hbm>>
        %dma_start3A_219 = tpu.memref_slice %arg3[%add3A_214] : memref<320288xf32, #tpu.memory_space<hbm>> -> memref<256xf32, #tpu.memory_space<hbm>>
        tpu.enqueue_dma source(%dma_start3A_219 : memref<256xf32, #tpu.memory_space<hbm>>) target(%arg13 : memref<256xf32, #tpu.memory_space<vmem>>) target_semaphore(%arg19 : memref<!tpu.dma_semaphore, #tpu.memory_space<semaphore_mem>>)
        %dma_start3A_220 = tpu.memref_slice %arg4[%add3A_214] : memref<320288xi32, #tpu.memory_space<hbm>> -> memref<256xi32, #tpu.memory_space<hbm>>
        %dma_start3A_221 = tpu.memref_slice %arg4[%add3A_214] : memref<320288xi32, #tpu.memory_space<hbm>> -> memref<256xi32, #tpu.memory_space<hbm>>
        tpu.enqueue_dma source(%dma_start3A_221 : memref<256xi32, #tpu.memory_space<hbm>>) target(%arg15 : memref<256xi32, #tpu.memory_space<vmem>>) target_semaphore(%arg19 : memref<!tpu.dma_semaphore, #tpu.memory_space<semaphore_mem>>)
      } else {
      }
      %mul3A_196 = arith.constant 256 : i32
      %mul3A_197 = arith.muli %mul3A_179, %mul3A_196 : i32
      %add3A_198 = arith.addi %mul3A_27, %mul3A_197 : i32
      %parallel_loop3A = arith.constant 0 : i32
      %parallel_loop3A_199 = arith.constant 16 : i32
      %parallel_loop3A_200 = arith.constant 1 : i32
      scf.for %parallel_loop3A_210 = %parallel_loop3A to %parallel_loop3A_199 step %parallel_loop3A_200  : i32 {
        %parallel_loop3A_211 = arith.constant 16 : i32
        %parallel_loop3A_212 = arith.muli %parallel_loop3A_210, %parallel_loop3A_211 : i32
        %parallel_loop3A_213 = arith.addi %add3A_198, %parallel_loop3A_212 : i32
        %parallel_loop3A_214 = vector.broadcast %parallel_loop3A_213 : i32 to vector<16xi32>
        %parallel_loop3A_215 = arith.addi %parallel_loop3A_214, %iota3A : vector<16xi32>
        %parallel_loop3A_216 = vector.broadcast %squeeze3A : i32 to vector<16xi32>
        %parallel_loop3A_217 = arith.cmpi sge, %parallel_loop3A_215, %parallel_loop3A_216 : vector<16xi32>
        %parallel_loop3A_218 = vector.broadcast %squeeze3A_7 : i32 to vector<16xi32>
        %parallel_loop3A_219 = arith.cmpi slt, %parallel_loop3A_215, %parallel_loop3A_218 : vector<16xi32>
        %parallel_loop3A_220 = arith.andi %parallel_loop3A_217, %parallel_loop3A_219 : vector<16xi1>
        %parallel_loop3A_221 = arith.constant 16 : i32
        %parallel_loop3A_222 = arith.muli %parallel_loop3A_210, %parallel_loop3A_221 : i32
        %parallel_loop3A_223 = arith.index_cast %parallel_loop3A_222 : i32 to index
        %parallel_loop3A_224 = tpu.vector_load %arg14[%parallel_loop3A_223] {strides = array<i32>} : memref<256xi32, #tpu.memory_space<vmem>>, vector<16xi32>,
        %parallel_loop3A_225 = vector.broadcast %mul3A_9 : i32 to vector<16xi32>
        %parallel_loop3A_226 = arith.subi %parallel_loop3A_224, %parallel_loop3A_225 : vector<16xi32>
        %parallel_loop3A_227 = arith.constant 0 : i32
        %parallel_loop3A_228 = arith.constant 319 : i32
        %parallel_loop3A_229 = vector.broadcast %parallel_loop3A_227 : i32 to vector<16xi32>
        %parallel_loop3A_230 = arith.maxsi %parallel_loop3A_229, %parallel_loop3A_226 : vector<16xi32>
        %parallel_loop3A_231 = vector.broadcast %parallel_loop3A_228 : i32 to vector<16xi32>
        %parallel_loop3A_232 = arith.minsi %parallel_loop3A_231, %parallel_loop3A_230 : vector<16xi32>
        %parallel_loop3A_233 = arith.constant 332 : i32
        %parallel_loop3A_234 = vector.broadcast %parallel_loop3A_233 : i32 to vector<16xi32>
        %parallel_loop3A_235 = arith.select %parallel_loop3A_220, %parallel_loop3A_232, %parallel_loop3A_234 : vector<16xi1>, vector<16xi32>
        %parallel_loop3A_236 = arith.constant 16 : i32
        %parallel_loop3A_237 = arith.muli %parallel_loop3A_210, %parallel_loop3A_236 : i32
        %parallel_loop3A_238 = arith.index_cast %parallel_loop3A_237 : i32 to index
        %parallel_loop3A_239 = tpu.vector_load %arg12[%parallel_loop3A_238] {strides = array<i32>} : memref<256xf32, #tpu.memory_space<vmem>>, vector<16xf32>,
        %parallel_loop3A_240 = math.exp %parallel_loop3A_239 : vector<16xf32>
        %parallel_loop3A_241 = arith.constant 16 : i32
        %parallel_loop3A_242 = arith.muli %parallel_loop3A_210, %parallel_loop3A_241 : i32
        %parallel_loop3A_243 = arith.index_cast %parallel_loop3A_242 : i32 to index
        %parallel_loop3A_244 = tpu.vector_load %arg16[%parallel_loop3A_243] {strides = array<i32>} : memref<256xi32, #tpu.memory_space<vmem>>, vector<16xi32>,
        tpu.vector_store %arg16[%parallel_loop3A_243], %parallel_loop3A_235 {strides = array<i32>} : memref<256xi32, #tpu.memory_space<vmem>>, vector<16xi32>,
        %parallel_loop3A_245 = tpu.vector_load_idx %arg8[%parallel_loop3A_235] : memref<336xf32, #tpu.memory_space<vmem>>[vector<16xi32>], vector<16xf32>,
        %parallel_loop3A_246 = arith.divf %parallel_loop3A_240, %parallel_loop3A_245 : vector<16xf32>
        %parallel_loop3A_247 = arith.constant 16 : i32
        %parallel_loop3A_248 = arith.muli %parallel_loop3A_210, %parallel_loop3A_247 : i32
        %parallel_loop3A_249 = arith.index_cast %parallel_loop3A_248 : i32 to index
        %parallel_loop3A_250 = tpu.vector_load %arg17[%parallel_loop3A_249] {strides = array<i32>} : memref<256xf32, #tpu.memory_space<vmem>>, vector<16xf32>,
        tpu.vector_store %arg17[%parallel_loop3A_249], %parallel_loop3A_246 {strides = array<i32>} : memref<256xf32, #tpu.memory_space<vmem>>, vector<16xf32>,
      } {sc.loop_unroll_factor = 4 : i64, sc.parallel_access}
      %parallel_loop3A_201 = arith.constant 0 : i32
      %parallel_loop3A_202 = arith.constant 256 : i32
      %parallel_loop3A_203 = arith.constant 1 : i32
      scf.for %parallel_loop3A_210 = %parallel_loop3A_201 to %parallel_loop3A_202 step %parallel_loop3A_203  : i32 {
        %parallel_loop3A_211 = vector.broadcast %parallel_loop3A_210 : i32 to vector<16xi32>
        %parallel_loop3A_212 = tpu.vector_load_idx %arg17[%parallel_loop3A_211] : memref<256xf32, #tpu.memory_space<vmem>>[vector<16xi32>], vector<16xf32>,
        %parallel_loop3A_213 = tpu.vector_load_idx %arg16[%parallel_loop3A_211] : memref<256xi32, #tpu.memory_space<vmem>>[vector<16xi32>], vector<16xi32>,
        %parallel_loop3A_214 = arith.constant 128 : i32
        %parallel_loop3A_215 = arith.muli %parallel_loop3A_210, %parallel_loop3A_214 : i32
        %parallel_loop3A_216 = vector.broadcast %parallel_loop3A_215 : i32 to vector<16xi32>
        %parallel_loop3A_217 = arith.constant 128 : i32
        %parallel_loop3A_218 = vector.broadcast %parallel_loop3A_217 : i32 to vector<16xi32>
        %parallel_loop3A_219 = arith.muli %parallel_loop3A_213, %parallel_loop3A_218 : vector<16xi32>
        %parallel_loop3A_220 = arith.addi %parallel_loop3A_216, %add3A_117 : vector<16xi32>
        %parallel_loop3A_221 = tpu.vector_load_idx %arg10[%parallel_loop3A_220] : memref<32768xf32, #tpu.memory_space<vmem>>[vector<16xi32>], vector<16xf32>,
        %parallel_loop3A_222 = arith.addi %parallel_loop3A_219, %add3A_117 : vector<16xi32>
        %parallel_loop3A_223 = arith.mulf %parallel_loop3A_221, %parallel_loop3A_212 : vector<16xf32>
        tpu.vector_store_idx %arg9[%parallel_loop3A_222], %parallel_loop3A_223 {add = true} : memref<43008xf32, #tpu.memory_space<vmem>>[vector<16xi32>], vector<16xf32>,
        %parallel_loop3A_224 = arith.addi %parallel_loop3A_216, %add3A_120 : vector<16xi32>
        %parallel_loop3A_225 = tpu.vector_load_idx %arg10[%parallel_loop3A_224] : memref<32768xf32, #tpu.memory_space<vmem>>[vector<16xi32>], vector<16xf32>,
        %parallel_loop3A_226 = arith.addi %parallel_loop3A_219, %add3A_120 : vector<16xi32>
        %parallel_loop3A_227 = arith.mulf %parallel_loop3A_225, %parallel_loop3A_212 : vector<16xf32>
        tpu.vector_store_idx %arg9[%parallel_loop3A_226], %parallel_loop3A_227 {add = true} : memref<43008xf32, #tpu.memory_space<vmem>>[vector<16xi32>], vector<16xf32>,
        %parallel_loop3A_228 = arith.addi %parallel_loop3A_216, %add3A_123 : vector<16xi32>
        %parallel_loop3A_229 = tpu.vector_load_idx %arg10[%parallel_loop3A_228] : memref<32768xf32, #tpu.memory_space<vmem>>[vector<16xi32>], vector<16xf32>,
        %parallel_loop3A_230 = arith.addi %parallel_loop3A_219, %add3A_123 : vector<16xi32>
        %parallel_loop3A_231 = arith.mulf %parallel_loop3A_229, %parallel_loop3A_212 : vector<16xf32>
        tpu.vector_store_idx %arg9[%parallel_loop3A_230], %parallel_loop3A_231 {add = true} : memref<43008xf32, #tpu.memory_space<vmem>>[vector<16xi32>], vector<16xf32>,
        %parallel_loop3A_232 = arith.addi %parallel_loop3A_216, %add3A_126 : vector<16xi32>
        %parallel_loop3A_233 = tpu.vector_load_idx %arg10[%parallel_loop3A_232] : memref<32768xf32, #tpu.memory_space<vmem>>[vector<16xi32>], vector<16xf32>,
        %parallel_loop3A_234 = arith.addi %parallel_loop3A_219, %add3A_126 : vector<16xi32>
        %parallel_loop3A_235 = arith.mulf %parallel_loop3A_233, %parallel_loop3A_212 : vector<16xf32>
        tpu.vector_store_idx %arg9[%parallel_loop3A_234], %parallel_loop3A_235 {add = true} : memref<43008xf32, #tpu.memory_space<vmem>>[vector<16xi32>], vector<16xf32>,
        %parallel_loop3A_236 = arith.addi %parallel_loop3A_216, %add3A_129 : vector<16xi32>
        %parallel_loop3A_237 = tpu.vector_load_idx %arg10[%parallel_loop3A_236] : memref<32768xf32, #tpu.memory_space<vmem>>[vector<16xi32>], vector<16xf32>,
        %parallel_loop3A_238 = arith.addi %parallel_loop3A_219, %add3A_129 : vector<16xi32>
        %parallel_loop3A_239 = arith.mulf %parallel_loop3A_237, %parallel_loop3A_212 : vector<16xf32>
        tpu.vector_store_idx %arg9[%parallel_loop3A_238], %parallel_loop3A_239 {add = true} : memref<43008xf32, #tpu.memory_space<vmem>>[vector<16xi32>], vector<16xf32>,
        %parallel_loop3A_240 = arith.addi %parallel_loop3A_216, %add3A_132 : vector<16xi32>
        %parallel_loop3A_241 = tpu.vector_load_idx %arg10[%parallel_loop3A_240] : memref<32768xf32, #tpu.memory_space<vmem>>[vector<16xi32>], vector<16xf32>,
        %parallel_loop3A_242 = arith.addi %parallel_loop3A_219, %add3A_132 : vector<16xi32>
        %parallel_loop3A_243 = arith.mulf %parallel_loop3A_241, %parallel_loop3A_212 : vector<16xf32>
        tpu.vector_store_idx %arg9[%parallel_loop3A_242], %parallel_loop3A_243 {add = true} : memref<43008xf32, #tpu.memory_space<vmem>>[vector<16xi32>], vector<16xf32>,
        %parallel_loop3A_244 = arith.addi %parallel_loop3A_216, %add3A_135 : vector<16xi32>
        %parallel_loop3A_245 = tpu.vector_load_idx %arg10[%parallel_loop3A_244] : memref<32768xf32, #tpu.memory_space<vmem>>[vector<16xi32>], vector<16xf32>,
        %parallel_loop3A_246 = arith.addi %parallel_loop3A_219, %add3A_135 : vector<16xi32>
        %parallel_loop3A_247 = arith.mulf %parallel_loop3A_245, %parallel_loop3A_212 : vector<16xf32>
        tpu.vector_store_idx %arg9[%parallel_loop3A_246], %parallel_loop3A_247 {add = true} : memref<43008xf32, #tpu.memory_space<vmem>>[vector<16xi32>], vector<16xf32>,
        %parallel_loop3A_248 = arith.addi %parallel_loop3A_216, %add3A_138 : vector<16xi32>
        %parallel_loop3A_249 = tpu.vector_load_idx %arg10[%parallel_loop3A_248] : memref<32768xf32, #tpu.memory_space<vmem>>[vector<16xi32>], vector<16xf32>,
        %parallel_loop3A_250 = arith.addi %parallel_loop3A_219, %add3A_138 : vector<16xi32>
        %parallel_loop3A_251 = arith.mulf %parallel_loop3A_249, %parallel_loop3A_212 : vector<16xf32>
        tpu.vector_store_idx %arg9[%parallel_loop3A_250], %parallel_loop3A_251 {add = true} : memref<43008xf32, #tpu.memory_space<vmem>>[vector<16xi32>], vector<16xf32>,
      } {sc.loop_unroll_factor = 4 : i64, sc.parallel_access}
      %add3A_204 = arith.constant 1 : i32
      %add3A_205 = arith.addi %mul3A_179, %add3A_204 : i32
      %lt3A_206 = arith.cmpi slt, %add3A_205, %select_n3A_56 : i32
      %convert_element_type3A_207 = arith.extui %lt3A_206 : i1 to i32
      %cond3A_208 = arith.constant 0 : i32
      %cond3A_209 = arith.cmpi ne, %convert_element_type3A_207, %cond3A_208 : i32
      scf.if %cond3A_209 {
        %dma_wait3A_210 = arith.constant 0 : i32
        %dma_wait3A_211 = tpu.memref_slice %arg2[%dma_wait3A_210] : memref<40996864xf32, #tpu.memory_space<hbm>> -> memref<32768xf32, #tpu.memory_space<hbm>>
        %dma_wait3A_212 = arith.constant 0 : i32
        %dma_wait3A_213 = tpu.memref_slice %arg2[%dma_wait3A_212] : memref<40996864xf32, #tpu.memory_space<hbm>> -> memref<32768xf32, #tpu.memory_space<hbm>>
        tpu.wait_dma2 semaphore(%arg19 : memref<!tpu.dma_semaphore, #tpu.memory_space<semaphore_mem>>) src(%dma_wait3A_213 : memref<32768xf32, #tpu.memory_space<hbm>>) dst(%arg11 : memref<32768xf32, #tpu.memory_space<vmem>>)
        %dma_wait3A_214 = arith.constant 0 : i32
        %dma_wait3A_215 = tpu.memref_slice %arg3[%dma_wait3A_214] : memref<320288xf32, #tpu.memory_space<hbm>> -> memref<256xf32, #tpu.memory_space<hbm>>
        %dma_wait3A_216 = arith.constant 0 : i32
        %dma_wait3A_217 = tpu.memref_slice %arg3[%dma_wait3A_216] : memref<320288xf32, #tpu.memory_space<hbm>> -> memref<256xf32, #tpu.memory_space<hbm>>
        tpu.wait_dma2 semaphore(%arg19 : memref<!tpu.dma_semaphore, #tpu.memory_space<semaphore_mem>>) src(%dma_wait3A_217 : memref<256xf32, #tpu.memory_space<hbm>>) dst(%arg13 : memref<256xf32, #tpu.memory_space<vmem>>)
        %dma_wait3A_218 = arith.constant 0 : i32
        %dma_wait3A_219 = tpu.memref_slice %arg4[%dma_wait3A_218] : memref<320288xi32, #tpu.memory_space<hbm>> -> memref<256xi32, #tpu.memory_space<hbm>>
        %dma_wait3A_220 = arith.constant 0 : i32
        %dma_wait3A_221 = tpu.memref_slice %arg4[%dma_wait3A_220] : memref<320288xi32, #tpu.memory_space<hbm>> -> memref<256xi32, #tpu.memory_space<hbm>>
        tpu.wait_dma2 semaphore(%arg19 : memref<!tpu.dma_semaphore, #tpu.memory_space<semaphore_mem>>) src(%dma_wait3A_221 : memref<256xi32, #tpu.memory_space<hbm>>) dst(%arg15 : memref<256xi32, #tpu.memory_space<vmem>>)
        %add3A_222 = arith.constant 2 : i32
        %add3A_223 = arith.addi %mul3A_179, %add3A_222 : i32
        %lt3A_224 = arith.cmpi slt, %add3A_223, %select_n3A_56 : i32
        %convert_element_type3A_225 = arith.extui %lt3A_224 : i1 to i32
        %cond3A_226 = arith.constant 0 : i32
        %cond3A_227 = arith.cmpi ne, %convert_element_type3A_225, %cond3A_226 : i32
        scf.if %cond3A_227 {
          %add3A_239 = arith.constant 2 : i32
          %add3A_240 = arith.addi %mul3A_179, %add3A_239 : i32
          %mul3A_241 = arith.constant 256 : i32
          %mul3A_242 = arith.muli %add3A_240, %mul3A_241 : i32
          %add3A_243 = arith.addi %mul3A_27, %mul3A_242 : i32
          %mul3A_244 = arith.constant 128 : i32
          %mul3A_245 = arith.muli %add3A_243, %mul3A_244 : i32
          %dma_start3A = tpu.memref_slice %arg2[%mul3A_245] : memref<40996864xf32, #tpu.memory_space<hbm>> -> memref<32768xf32, #tpu.memory_space<hbm>>
          %dma_start3A_246 = tpu.memref_slice %arg2[%mul3A_245] : memref<40996864xf32, #tpu.memory_space<hbm>> -> memref<32768xf32, #tpu.memory_space<hbm>>
          tpu.enqueue_dma source(%dma_start3A_246 : memref<32768xf32, #tpu.memory_space<hbm>>) target(%arg10 : memref<32768xf32, #tpu.memory_space<vmem>>) target_semaphore(%arg18 : memref<!tpu.dma_semaphore, #tpu.memory_space<semaphore_mem>>)
          %dma_start3A_247 = tpu.memref_slice %arg3[%add3A_243] : memref<320288xf32, #tpu.memory_space<hbm>> -> memref<256xf32, #tpu.memory_space<hbm>>
          %dma_start3A_248 = tpu.memref_slice %arg3[%add3A_243] : memref<320288xf32, #tpu.memory_space<hbm>> -> memref<256xf32, #tpu.memory_space<hbm>>
          tpu.enqueue_dma source(%dma_start3A_248 : memref<256xf32, #tpu.memory_space<hbm>>) target(%arg12 : memref<256xf32, #tpu.memory_space<vmem>>) target_semaphore(%arg18 : memref<!tpu.dma_semaphore, #tpu.memory_space<semaphore_mem>>)
          %dma_start3A_249 = tpu.memref_slice %arg4[%add3A_243] : memref<320288xi32, #tpu.memory_space<hbm>> -> memref<256xi32, #tpu.memory_space<hbm>>
          %dma_start3A_250 = tpu.memref_slice %arg4[%add3A_243] : memref<320288xi32, #tpu.memory_space<hbm>> -> memref<256xi32, #tpu.memory_space<hbm>>
          tpu.enqueue_dma source(%dma_start3A_250 : memref<256xi32, #tpu.memory_space<hbm>>) target(%arg14 : memref<256xi32, #tpu.memory_space<vmem>>) target_semaphore(%arg18 : memref<!tpu.dma_semaphore, #tpu.memory_space<semaphore_mem>>)
        } else {
        }
        %add3A_228 = arith.constant 1 : i32
        %add3A_229 = arith.addi %mul3A_179, %add3A_228 : i32
        %mul3A_230 = arith.constant 256 : i32
        %mul3A_231 = arith.muli %add3A_229, %mul3A_230 : i32
        %add3A_232 = arith.addi %mul3A_27, %mul3A_231 : i32
        %parallel_loop3A_233 = arith.constant 0 : i32
        %parallel_loop3A_234 = arith.constant 16 : i32
        %parallel_loop3A_235 = arith.constant 1 : i32
        scf.for %parallel_loop3A_239 = %parallel_loop3A_233 to %parallel_loop3A_234 step %parallel_loop3A_235  : i32 {
          %parallel_loop3A_240 = arith.constant 16 : i32
          %parallel_loop3A_241 = arith.muli %parallel_loop3A_239, %parallel_loop3A_240 : i32
          %parallel_loop3A_242 = arith.addi %add3A_232, %parallel_loop3A_241 : i32
          %parallel_loop3A_243 = vector.broadcast %parallel_loop3A_242 : i32 to vector<16xi32>
          %parallel_loop3A_244 = arith.addi %parallel_loop3A_243, %iota3A : vector<16xi32>
          %parallel_loop3A_245 = vector.broadcast %squeeze3A : i32 to vector<16xi32>
          %parallel_loop3A_246 = arith.cmpi sge, %parallel_loop3A_244, %parallel_loop3A_245 : vector<16xi32>
          %parallel_loop3A_247 = vector.broadcast %squeeze3A_7 : i32 to vector<16xi32>
          %parallel_loop3A_248 = arith.cmpi slt, %parallel_loop3A_244, %parallel_loop3A_247 : vector<16xi32>
          %parallel_loop3A_249 = arith.andi %parallel_loop3A_246, %parallel_loop3A_248 : vector<16xi1>
          %parallel_loop3A_250 = arith.constant 16 : i32
          %parallel_loop3A_251 = arith.muli %parallel_loop3A_239, %parallel_loop3A_250 : i32
          %parallel_loop3A_252 = arith.index_cast %parallel_loop3A_251 : i32 to index
          %parallel_loop3A_253 = tpu.vector_load %arg15[%parallel_loop3A_252] {strides = array<i32>} : memref<256xi32, #tpu.memory_space<vmem>>, vector<16xi32>,
          %parallel_loop3A_254 = vector.broadcast %mul3A_9 : i32 to vector<16xi32>
          %parallel_loop3A_255 = arith.subi %parallel_loop3A_253, %parallel_loop3A_254 : vector<16xi32>
          %parallel_loop3A_256 = arith.constant 0 : i32
          %parallel_loop3A_257 = arith.constant 319 : i32
          %parallel_loop3A_258 = vector.broadcast %parallel_loop3A_256 : i32 to vector<16xi32>
          %parallel_loop3A_259 = arith.maxsi %parallel_loop3A_258, %parallel_loop3A_255 : vector<16xi32>
          %parallel_loop3A_260 = vector.broadcast %parallel_loop3A_257 : i32 to vector<16xi32>
          %parallel_loop3A_261 = arith.minsi %parallel_loop3A_260, %parallel_loop3A_259 : vector<16xi32>
          %parallel_loop3A_262 = arith.constant 332 : i32
          %parallel_loop3A_263 = vector.broadcast %parallel_loop3A_262 : i32 to vector<16xi32>
          %parallel_loop3A_264 = arith.select %parallel_loop3A_249, %parallel_loop3A_261, %parallel_loop3A_263 : vector<16xi1>, vector<16xi32>
          %parallel_loop3A_265 = arith.constant 16 : i32
          %parallel_loop3A_266 = arith.muli %parallel_loop3A_239, %parallel_loop3A_265 : i32
          %parallel_loop3A_267 = arith.index_cast %parallel_loop3A_266 : i32 to index
          %parallel_loop3A_268 = tpu.vector_load %arg13[%parallel_loop3A_267] {strides = array<i32>} : memref<256xf32, #tpu.memory_space<vmem>>, vector<16xf32>,
          %parallel_loop3A_269 = math.exp %parallel_loop3A_268 : vector<16xf32>
          %parallel_loop3A_270 = arith.constant 16 : i32
          %parallel_loop3A_271 = arith.muli %parallel_loop3A_239, %parallel_loop3A_270 : i32
          %parallel_loop3A_272 = arith.index_cast %parallel_loop3A_271 : i32 to index
          %parallel_loop3A_273 = tpu.vector_load %arg16[%parallel_loop3A_272] {strides = array<i32>} : memref<256xi32, #tpu.memory_space<vmem>>, vector<16xi32>,
          tpu.vector_store %arg16[%parallel_loop3A_272], %parallel_loop3A_264 {strides = array<i32>} : memref<256xi32, #tpu.memory_space<vmem>>, vector<16xi32>,
          %parallel_loop3A_274 = tpu.vector_load_idx %arg8[%parallel_loop3A_264] : memref<336xf32, #tpu.memory_space<vmem>>[vector<16xi32>], vector<16xf32>,
          %parallel_loop3A_275 = arith.divf %parallel_loop3A_269, %parallel_loop3A_274 : vector<16xf32>
          %parallel_loop3A_276 = arith.constant 16 : i32
          %parallel_loop3A_277 = arith.muli %parallel_loop3A_239, %parallel_loop3A_276 : i32
          %parallel_loop3A_278 = arith.index_cast %parallel_loop3A_277 : i32 to index
          %parallel_loop3A_279 = tpu.vector_load %arg17[%parallel_loop3A_278] {strides = array<i32>} : memref<256xf32, #tpu.memory_space<vmem>>, vector<16xf32>,
          tpu.vector_store %arg17[%parallel_loop3A_278], %parallel_loop3A_275 {strides = array<i32>} : memref<256xf32, #tpu.memory_space<vmem>>, vector<16xf32>,
        } {sc.loop_unroll_factor = 4 : i64, sc.parallel_access}
        %parallel_loop3A_236 = arith.constant 0 : i32
        %parallel_loop3A_237 = arith.constant 256 : i32
        %parallel_loop3A_238 = arith.constant 1 : i32
        scf.for %parallel_loop3A_239 = %parallel_loop3A_236 to %parallel_loop3A_237 step %parallel_loop3A_238  : i32 {
          %parallel_loop3A_240 = vector.broadcast %parallel_loop3A_239 : i32 to vector<16xi32>
          %parallel_loop3A_241 = tpu.vector_load_idx %arg17[%parallel_loop3A_240] : memref<256xf32, #tpu.memory_space<vmem>>[vector<16xi32>], vector<16xf32>,
          %parallel_loop3A_242 = tpu.vector_load_idx %arg16[%parallel_loop3A_240] : memref<256xi32, #tpu.memory_space<vmem>>[vector<16xi32>], vector<16xi32>,
          %parallel_loop3A_243 = arith.constant 128 : i32
          %parallel_loop3A_244 = arith.muli %parallel_loop3A_239, %parallel_loop3A_243 : i32
          %parallel_loop3A_245 = vector.broadcast %parallel_loop3A_244 : i32 to vector<16xi32>
          %parallel_loop3A_246 = arith.constant 128 : i32
          %parallel_loop3A_247 = vector.broadcast %parallel_loop3A_246 : i32 to vector<16xi32>
          %parallel_loop3A_248 = arith.muli %parallel_loop3A_242, %parallel_loop3A_247 : vector<16xi32>
          %parallel_loop3A_249 = arith.addi %parallel_loop3A_245, %add3A_117 : vector<16xi32>
          %parallel_loop3A_250 = tpu.vector_load_idx %arg11[%parallel_loop3A_249] : memref<32768xf32, #tpu.memory_space<vmem>>[vector<16xi32>], vector<16xf32>,
          %parallel_loop3A_251 = arith.addi %parallel_loop3A_248, %add3A_117 : vector<16xi32>
          %parallel_loop3A_252 = arith.mulf %parallel_loop3A_250, %parallel_loop3A_241 : vector<16xf32>
          tpu.vector_store_idx %arg9[%parallel_loop3A_251], %parallel_loop3A_252 {add = true} : memref<43008xf32, #tpu.memory_space<vmem>>[vector<16xi32>], vector<16xf32>,
          %parallel_loop3A_253 = arith.addi %parallel_loop3A_245, %add3A_120 : vector<16xi32>
          %parallel_loop3A_254 = tpu.vector_load_idx %arg11[%parallel_loop3A_253] : memref<32768xf32, #tpu.memory_space<vmem>>[vector<16xi32>], vector<16xf32>,
          %parallel_loop3A_255 = arith.addi %parallel_loop3A_248, %add3A_120 : vector<16xi32>
          %parallel_loop3A_256 = arith.mulf %parallel_loop3A_254, %parallel_loop3A_241 : vector<16xf32>
          tpu.vector_store_idx %arg9[%parallel_loop3A_255], %parallel_loop3A_256 {add = true} : memref<43008xf32, #tpu.memory_space<vmem>>[vector<16xi32>], vector<16xf32>,
          %parallel_loop3A_257 = arith.addi %parallel_loop3A_245, %add3A_123 : vector<16xi32>
          %parallel_loop3A_258 = tpu.vector_load_idx %arg11[%parallel_loop3A_257] : memref<32768xf32, #tpu.memory_space<vmem>>[vector<16xi32>], vector<16xf32>,
          %parallel_loop3A_259 = arith.addi %parallel_loop3A_248, %add3A_123 : vector<16xi32>
          %parallel_loop3A_260 = arith.mulf %parallel_loop3A_258, %parallel_loop3A_241 : vector<16xf32>
          tpu.vector_store_idx %arg9[%parallel_loop3A_259], %parallel_loop3A_260 {add = true} : memref<43008xf32, #tpu.memory_space<vmem>>[vector<16xi32>], vector<16xf32>,
          %parallel_loop3A_261 = arith.addi %parallel_loop3A_245, %add3A_126 : vector<16xi32>
          %parallel_loop3A_262 = tpu.vector_load_idx %arg11[%parallel_loop3A_261] : memref<32768xf32, #tpu.memory_space<vmem>>[vector<16xi32>], vector<16xf32>,
          %parallel_loop3A_263 = arith.addi %parallel_loop3A_248, %add3A_126 : vector<16xi32>
          %parallel_loop3A_264 = arith.mulf %parallel_loop3A_262, %parallel_loop3A_241 : vector<16xf32>
          tpu.vector_store_idx %arg9[%parallel_loop3A_263], %parallel_loop3A_264 {add = true} : memref<43008xf32, #tpu.memory_space<vmem>>[vector<16xi32>], vector<16xf32>,
          %parallel_loop3A_265 = arith.addi %parallel_loop3A_245, %add3A_129 : vector<16xi32>
          %parallel_loop3A_266 = tpu.vector_load_idx %arg11[%parallel_loop3A_265] : memref<32768xf32, #tpu.memory_space<vmem>>[vector<16xi32>], vector<16xf32>,
          %parallel_loop3A_267 = arith.addi %parallel_loop3A_248, %add3A_129 : vector<16xi32>
          %parallel_loop3A_268 = arith.mulf %parallel_loop3A_266, %parallel_loop3A_241 : vector<16xf32>
          tpu.vector_store_idx %arg9[%parallel_loop3A_267], %parallel_loop3A_268 {add = true} : memref<43008xf32, #tpu.memory_space<vmem>>[vector<16xi32>], vector<16xf32>,
          %parallel_loop3A_269 = arith.addi %parallel_loop3A_245, %add3A_132 : vector<16xi32>
          %parallel_loop3A_270 = tpu.vector_load_idx %arg11[%parallel_loop3A_269] : memref<32768xf32, #tpu.memory_space<vmem>>[vector<16xi32>], vector<16xf32>,
          %parallel_loop3A_271 = arith.addi %parallel_loop3A_248, %add3A_132 : vector<16xi32>
          %parallel_loop3A_272 = arith.mulf %parallel_loop3A_270, %parallel_loop3A_241 : vector<16xf32>
          tpu.vector_store_idx %arg9[%parallel_loop3A_271], %parallel_loop3A_272 {add = true} : memref<43008xf32, #tpu.memory_space<vmem>>[vector<16xi32>], vector<16xf32>,
          %parallel_loop3A_273 = arith.addi %parallel_loop3A_245, %add3A_135 : vector<16xi32>
          %parallel_loop3A_274 = tpu.vector_load_idx %arg11[%parallel_loop3A_273] : memref<32768xf32, #tpu.memory_space<vmem>>[vector<16xi32>], vector<16xf32>,
          %parallel_loop3A_275 = arith.addi %parallel_loop3A_248, %add3A_135 : vector<16xi32>
          %parallel_loop3A_276 = arith.mulf %parallel_loop3A_274, %parallel_loop3A_241 : vector<16xf32>
          tpu.vector_store_idx %arg9[%parallel_loop3A_275], %parallel_loop3A_276 {add = true} : memref<43008xf32, #tpu.memory_space<vmem>>[vector<16xi32>], vector<16xf32>,
          %parallel_loop3A_277 = arith.addi %parallel_loop3A_245, %add3A_138 : vector<16xi32>
          %parallel_loop3A_278 = tpu.vector_load_idx %arg11[%parallel_loop3A_277] : memref<32768xf32, #tpu.memory_space<vmem>>[vector<16xi32>], vector<16xf32>,
          %parallel_loop3A_279 = arith.addi %parallel_loop3A_248, %add3A_138 : vector<16xi32>
          %parallel_loop3A_280 = arith.mulf %parallel_loop3A_278, %parallel_loop3A_241 : vector<16xf32>
          tpu.vector_store_idx %arg9[%parallel_loop3A_279], %parallel_loop3A_280 {add = true} : memref<43008xf32, #tpu.memory_space<vmem>>[vector<16xi32>], vector<16xf32>,
        } {sc.loop_unroll_factor = 4 : i64, sc.parallel_access}
      } else {
      }
    }
    %mul3A_175 = arith.constant 128 : i32
    %mul3A_176 = arith.muli %mul3A_9, %mul3A_175 : i32
    "tpu.region"() ({
      %run_scoped3A = tpu.sem_alloc : memref<!tpu.dma_semaphore, #tpu.memory_space<semaphore_mem>>
      %dma_start3A = arith.constant 0 : i32
      %dma_start3A_177 = tpu.memref_slice %arg9[%dma_start3A] : memref<43008xf32, #tpu.memory_space<vmem>> -> memref<40960xf32, #tpu.memory_space<vmem>>
      %dma_start3A_178 = tpu.memref_slice %arg6[%mul3A_176] : memref<655360xf32, #tpu.memory_space<hbm>> -> memref<40960xf32, #tpu.memory_space<hbm>>
      %dma_start3A_179 = tpu.memref_slice %arg6[%mul3A_176] : memref<655360xf32, #tpu.memory_space<hbm>> -> memref<40960xf32, #tpu.memory_space<hbm>>
      %dma_start3A_180 = arith.constant 0 : i32
      %dma_start3A_181 = tpu.memref_slice %arg9[%dma_start3A_180] : memref<43008xf32, #tpu.memory_space<vmem>> -> memref<40960xf32, #tpu.memory_space<vmem>>
      tpu.enqueue_dma source(%dma_start3A_181 : memref<40960xf32, #tpu.memory_space<vmem>>) target(%dma_start3A_179 : memref<40960xf32, #tpu.memory_space<hbm>>) target_semaphore(%run_scoped3A : memref<!tpu.dma_semaphore, #tpu.memory_space<semaphore_mem>>)
      %dma_wait3A = arith.constant 0 : i32
      %dma_wait3A_182 = tpu.memref_slice %arg9[%dma_wait3A] : memref<43008xf32, #tpu.memory_space<vmem>> -> memref<40960xf32, #tpu.memory_space<vmem>>
      %dma_wait3A_183 = tpu.memref_slice %arg6[%mul3A_176] : memref<655360xf32, #tpu.memory_space<hbm>> -> memref<40960xf32, #tpu.memory_space<hbm>>
      %dma_wait3A_184 = tpu.memref_slice %arg6[%mul3A_176] : memref<655360xf32, #tpu.memory_space<hbm>> -> memref<40960xf32, #tpu.memory_space<hbm>>
      %dma_wait3A_185 = arith.constant 0 : i32
      %dma_wait3A_186 = tpu.memref_slice %arg9[%dma_wait3A_185] : memref<43008xf32, #tpu.memory_space<vmem>> -> memref<40960xf32, #tpu.memory_space<vmem>>
      tpu.wait_dma2 semaphore(%run_scoped3A : memref<!tpu.dma_semaphore, #tpu.memory_space<semaphore_mem>>) src(%dma_wait3A_186 : memref<40960xf32, #tpu.memory_space<vmem>>) dst(%dma_wait3A_184 : memref<40960xf32, #tpu.memory_space<hbm>>)
      tpu.yield
    }) : () -> ()
    return
  }
}

module attributes {stable_mosaic.version = 14 : i64} {
  func.func @body(%arg0: i32, %arg1: memref<512x128xf32, #tpu.memory_space<vmem>>, %arg2: memref<128x1xf32, #tpu.memory_space<vmem>>, %arg3: memref<1x1xf32, #tpu.memory_space<vmem>>, %arg4: memref<1x512xf32, #tpu.memory_space<vmem>>) attributes {dimension_semantics = [#tpu.dimension_semantics<arbitrary>], iteration_bounds = array<i64: 625>, scalar_prefetch = 0 : i64, scratch_operands = 0 : i64, tpu.core_type = #tpu.core_type<tc>, window_params = [{transform_indices = @transform_0, window_bounds = array<i64: 512, 128>}, {pipeline_mode = #tpu.pipeline_mode<synchronous>, transform_indices = @transform_1, window_bounds = array<i64: 128, 1>}, {pipeline_mode = #tpu.pipeline_mode<synchronous>, transform_indices = @transform_2, window_bounds = array<i64: 1, 1>}, {transform_indices = @transform_3, window_bounds = array<i64: 1, 512>}]} {
    %get3A = arith.constant 0 : index
    %get3A_0 = arith.constant 0 : index
    %get3A_1 = vector.load %arg2[%get3A, %get3A_0] : memref<128x1xf32, #tpu.memory_space<vmem>>, vector<128x1xf32>
    %get3A_2 = arith.constant 0 : index
    %get3A_3 = arith.constant 0 : index
    %get3A_4 = vector.load %arg1[%get3A_2, %get3A_3] : memref<512x128xf32, #tpu.memory_space<vmem>>, vector<512x128xf32>
    %dot_general3A = arith.constant dense<0.000000e+00> : vector<1x512xf32>
    %dot_general3A_5 = tpu.matmul %get3A_1, %get3A_4, %dot_general3A {dimension_numbers = #tpu.dot_dimension_numbers<[0], [1], [1], [0], [0, 1, 1, 0], [], []>, transpose_lhs_hint = false} : vector<128x1xf32>, vector<512x128xf32>, vector<1x512xf32> -> vector<1x512xf32>
    %get3A_6 = arith.constant 0 : index
    %get3A_7 = arith.constant 0 : index
    %get3A_8 = vector.load %arg3[%get3A_6, %get3A_7] : memref<1x1xf32, #tpu.memory_space<vmem>>, vector<1x1xf32>
    %get3A_9 = vector.extract %get3A_8[0, 0] : f32 from vector<1x1xf32>
    %add3A = vector.broadcast %get3A_9 : f32 to vector<1x512xf32>
    %add3A_10 = arith.addf %dot_general3A_5, %add3A : vector<1x512xf32>
    %swap3A = arith.constant 0 : index
    %swap3A_11 = arith.constant 0 : index
    %swap3A_12 = vector.load %arg4[%swap3A, %swap3A_11] : memref<1x512xf32, #tpu.memory_space<vmem>>, vector<1x512xf32>
    tpu.vector_store %arg4[%swap3A, %swap3A_11], %add3A_10 {strides = array<i32>} : memref<1x512xf32, #tpu.memory_space<vmem>>, vector<1x512xf32>,
    return
  }
  func.func @transform_0(%arg0: i32) -> (i32, i32) {
    %c0_i32 = arith.constant 0 : i32
    %c0_i32_0 = arith.constant 0 : i32
    return %arg0, %c0_i32 : i32, i32
  }
  func.func @transform_1(%arg0: i32) -> (i32, i32) {
    %c0_i32 = arith.constant 0 : i32
    %c0_i32_0 = arith.constant 0 : i32
    %c0_i32_1 = arith.constant 0 : i32
    return %c0_i32, %c0_i32_0 : i32, i32
  }
  func.func @transform_2(%arg0: i32) -> (i32, i32) {
    %c0_i32 = arith.constant 0 : i32
    %c0_i32_0 = arith.constant 0 : i32
    %c0_i32_1 = arith.constant 0 : i32
    return %c0_i32, %c0_i32_0 : i32, i32
  }
  func.func @transform_3(%arg0: i32) -> (i32, i32) {
    %c0_i32 = arith.constant 0 : i32
    %c0_i32_0 = arith.constant 0 : i32
    return %c0_i32, %arg0 : i32, i32
  }
}

</mosaic_0001>

<sc_bundles>
// kernel: kernel.5.cloned.1.call-start
scs
__scs_entry_jumppad:
0x0: {  	(pc) =	sbr.rel $0x88, $3  }
0x1: {  	(tag) =	ssettag $0x0;
	lr =	simm.s32 $0x1  }
0x2: {  	[smem:$0x3F9D] =	sst lr;
	_ =	strace $0xD0000000  }
0x3: {  	_ = 	snop  }
0x4: {  	_ = 	snop  }
0x5: {  	_ = 	snop  }
0x6: {  	_ = 	snop  }
0x7: {  	_ = 	snop  }
__scs_overlays_trampoline_lowered:
0x8: {  	[smem:$0x3FAC] =	sst s0  }
0x9: {  	[smem:$0x3FAD] =	sst s1  }
0xa: {  	[smem:$0x3FAE] =	sst s2  }
0xb: {  	[smem:$0x3FAF] =	sst s3  }
0xc: {  	[smem:$0x3FB0] =	sst s4  }
0xd: {  	[smem:$0x3FB1] =	sst s5  }
0xe: {  	[smem:$0x3FB2] =	sst s6  }
0xf: {  	[smem:$0x3FB3] =	sst s7  }
0x10: {  	[smem:$0x3FB4] =	sst s8  }
0x11: {  	[smem:$0x3FB5] =	sst s9;
	s0 =	simm.s32 @!p0 $0x0  }
0x12: {  	s1 =	sld [smem:$0x3F9B];
	s0 =	simm.s32 @p0 $0x1  }
0x13: {  	[smem:$0x3FB6] =	sst s0;
	s0 =	simm.s32 @!p1 $0x0  }
0x14: {  	s2 =	sld [smem:$0x3F9A];
	s0 =	simm.s32 @p1 $0x1  }
0x15: {  	[smem:$0x3FB7] =	sst s0;
	s0 =	simm.s32 @!p2 $0x0  }
0x16: {  	s3 =	sld [smem:$0x3FDB];
	s0 =	simm.s32 @p2 $0x1  }
0x17: {  	s4 =	simm.s32 $0x1BF5;
	[smem:$0x3FB9] =	sst s0  }
0x18: {  	s0 =	sld [smem:$0x3F9C];
	_ =	swait.ge [sflag:s4], $0x0  }
0x19: {  	s7 =	sld [smem:$0x3F9D]  }
0x1a: {  	s8 =	sadd.s32 $0xFFFFE003, lr  }
0x1b: {  	s9 =	sadd.s32 $0xFFFFFEF7, lr;
	s5 =	simm.s32 $0xFFFFFFFF;
	p2 =	slt.u32 s8, $0xFFFFF086  }
0x1c: {  	p1 =	slt.u32 s9, $0xF7A;
	s5 =	simm.s32 @!p2 $0x0  }
0x1d: {  	s5 =	simm.s32 @p1 $0x1;
	p0 =	seq.s32 s7, s2  }
0x1e: {  	s7 =	smul.u32 @!p0 $0xF7A, s2;
	p2 =	seq.s32 @!p0 s5, $0x0  }
0x1f: {  	s9 =	smul.u32 $0xF7A, s1;
	s8 =	simm.s32 @!p0 $0x1BF5;
	p2 =	por !p2, p0  }
0x20: {  	[sflag:s8] =	ssyncset.s32 @!p0 $0xFFFFF086;
	s6 =	sadd.s32 @!p0 s3, s7;
	s7 =	simm.s32 @!p0 $0x108  }
0x21: {  	s3 =	sadd.s32 s3, s9;
	s6 =	sadd.s32 @!p0 $0x88, s6;
	s7 =	simm.s32 @p2 $0x1082  }
0x22: {  	[simem:s7], [sflag:s8] =	dma.local @!p0 [hbm:s6], $0xF7A  }
0x23: {  	s9 =	sor.u32 $0xD0000000, s2;
	s6 =	simm.s32 $0x108;
	_ =	swait.ge @!p0 [sflag:s8], $0x0  }
0x24: {  	s3 =	sadd.s32 $0x88, s3;
	s6 =	simm.s32 @!p1 $0x1082;
	[sflag:s4] =	ssyncset.s32 $0xFFFFF086  }
0x25: {  	[simem:s6], [sflag:s4] =	dma.local [hbm:s3], $0xF7A  }
0x26: {  	[smem:$0x3F9D] =	sst s1;
	(tag) =	ssettag s2;
	_ =	strace s9  }
0x27: {  	s1 =	sld [smem:$0x3FAD]  }
0x28: {  	s2 =	sld [smem:$0x3FAE]  }
0x29: {  	s4 =	sld [smem:$0x3FB0]  }
0x2a: {  	p0 =	seq.s32 s5, $0x0;
	s5 =	sld [smem:$0x3FB1]  }
0x2b: {  	s6 =	sld [smem:$0x3FB2]  }
0x2c: {  	s7 =	sld [smem:$0x3FB3]  }
0x2d: {  	s3 =	simm.s32 $0x108;
	s8 =	sld [smem:$0x3FB4]  }
0x2e: {  	s3 =	simm.s32 @!p0 $0x1082;
	s9 =	sld [smem:$0x3FB5]  }
0x2f: {  	lr =	sadd.s32 s0, s3;
	s0 =	sld [smem:$0x3FAC]  }
0x30: {  	s3 =	sld [smem:$0x3FAF]  }
0x31: {  	[smem:$0x3FB8] =	sst s10  }
0x32: {  	s10 =	sld [smem:$0x3FB6];
	_ =	sdelay $0x3  }
0x33: {  	p0 =	seq.s32 s10, $0x1;
	s10 =	sld [smem:$0x3FB8];
	_ =	sdelay $0x3  }
0x34: {  	[smem:$0x3FB8] =	sst s10  }
0x35: {  	s10 =	sld [smem:$0x3FB7];
	_ =	sdelay $0x3  }
0x36: {  	p1 =	seq.s32 s10, $0x1;
	s10 =	sld [smem:$0x3FB8];
	_ =	sdelay $0x3  }
0x37: {  	[smem:$0x3FB8] =	sst s10  }
0x38: {  	s10 =	sld [smem:$0x3FB9]  }
0x39: {  	_ = 	snop;
	(pc) =	sbr.ind lr, $3  }
0x3a: {  	_ = 	snop  }
0x3b: {  	_ = 	snop  }
0x3c: {  	p2 =	seq.s32 s10, $0x1;
	s10 =	sld [smem:$0x3FB8]  }
0x3d: {  	_ =	shalt  }
0x3e: {  	_ =	shalt  }
0x3f: {  	_ =	shalt  }
0x40: {  	_ =	shalt  }
0x41: {  	_ =	shalt  }
0x42: {  	_ =	shalt  }
0x43: {  	_ =	shalt  }
0x44: {  	_ =	shalt  }
0x45: {  	_ =	shalt  }
0x46: {  	_ =	shalt  }
0x47: {  	_ =	shalt  }
0x48: {  	_ =	shalt  }
0x49: {  	_ =	shalt  }
0x4a: {  	_ =	shalt  }
0x4b: {  	_ =	shalt  }
0x4c: {  	_ =	shalt  }
0x4d: {  	_ =	shalt  }
0x4e: {  	_ =	shalt  }
0x4f: {  	_ =	shalt  }
0x50: {  	_ =	shalt  }
0x51: {  	_ =	shalt  }
0x52: {  	_ =	shalt  }
0x53: {  	_ =	shalt  }
0x54: {  	_ =	shalt  }
0x55: {  	_ =	shalt  }
0x56: {  	_ =	shalt  }
0x57: {  	_ =	shalt  }
0x58: {  	_ =	shalt  }
0x59: {  	_ =	shalt  }
0x5a: {  	_ =	shalt  }
0x5b: {  	_ =	shalt  }
0x5c: {  	_ =	shalt  }
0x5d: {  	_ =	shalt  }
0x5e: {  	_ =	shalt  }
0x5f: {  	_ =	shalt  }
0x60: {  	_ =	shalt  }
0x61: {  	_ =	shalt  }
0x62: {  	_ =	shalt  }
0x63: {  	_ =	shalt  }
0x64: {  	_ =	shalt  }
0x65: {  	_ =	shalt  }
0x66: {  	_ =	shalt  }
0x67: {  	_ =	shalt  }
0x68: {  	_ =	shalt  }
0x69: {  	_ =	shalt  }
0x6a: {  	_ =	shalt  }
0x6b: {  	_ =	shalt  }
0x6c: {  	_ =	shalt  }
0x6d: {  	_ =	shalt  }
0x6e: {  	_ =	shalt  }
0x6f: {  	_ =	shalt  }
0x70: {  	_ =	shalt  }
0x71: {  	_ =	shalt  }
0x72: {  	_ =	shalt  }
0x73: {  	_ =	shalt  }
0x74: {  	_ =	shalt  }
0x75: {  	_ =	shalt  }
0x76: {  	_ =	shalt  }
0x77: {  	_ =	shalt  }
0x78: {  	_ =	shalt  }
0x79: {  	_ =	shalt  }
0x7a: {  	_ =	shalt  }
0x7b: {  	_ =	shalt  }
0x7c: {  	_ =	shalt  }
0x7d: {  	_ =	shalt  }
0x7e: {  	_ =	shalt  }
0x7f: {  	_ =	shalt  }
0x80: {  	_ =	shalt  }
0x81: {  	_ =	shalt  }
0x82: {  	_ =	shalt  }
0x83: {  	_ =	shalt  }
0x84: {  	_ =	shalt  }
0x85: {  	_ =	shalt  }
0x86: {  	_ =	shalt  }
0x87: {  	_ =	shalt  }
.Lfunc_end0:
.L_simem_size_0:
called_computation_lowered:
.L_overlay_start_0:
0x88: {  	s0 =	sld [smem:$0x3FD9]  }
0x89: {  	s1 =	sld [smem:$0x3FFE];
	_ =	sdelay $0x3  }
0x8a: {  	s0 =	sadd.s32 s1, s0  }
0x8b: {  	[smem:$0x3FC4] =	sst s0  }
0x8c: {  	_ = 	snop  }
0x8d: {  	s0 =	sld [smem:$0x3FD0];
	(tm) =	ssettm $0x1  }
0x8e: {  	s16 =	sld [smem:$0x3FFB];
	_ =	sdelay $0x3  }
0x8f: {  	_ =	strace s16  }
0x90: {  	s1 =	sld [smem:$0x3FFC];
	_ =	sdelay $0x3  }
0x91: {  	_ =	strace s1  }
0x92: {  	s1 =	sld [smem:$0x3FFD];
	_ =	sdelay $0x3  }
0x93: {  	_ =	strace s1  }
0x94: {  	_ =	strace $0x8FFFFFFF  }
0x95: {  	s17 =	sld [smem:$0x3FDB];
	_ =	sdelay $0x1  }
0x96: {  	s2 =	simm.s32 $_scs_section_size  }
0x97: {  	s3 =	simm.s32 $_size__tile_overlayer_lowered;
	s4 =	simm.s32 $_tile_overlayer_lowered  }
0x98: {  	s20 =	simm.s32 $0x1BFF;
	s19 =	sshll.u32 s4, $0x1;
	s1 =	sadd.s32 s2, s17  }
0x99: {  	s5 =	simm.s32 $0x0;
	s18 =	sshll.u32 s3, $0x1;
	s3 =	sadd.s32 s19, s1  }
0x9a: {  	[timem:s5], [sflag:s20] =	dma.local [hbm:s3], s18  }
0x9b: {  	_ =	swait.ge [sflag:s20], s18  }
0x9c: {  	s2 =	ssub.s32 $0x0, s18;
	[sflag:s20] =	ssyncset.done $0x0  }
0x9d: {  	[sflag:s20] =	ssyncadd.s32 s2;
	_ =	sdelay $0x1  }
0x9e: {  	s21 =	simm.s32 $0x1B8B  }
0x9f: {  	_ =	swait.ge [sflag:s21], $0x1  }
0xa0: {  	[sflag:s21] =	ssyncset.done $0x0  }
0xa1: {  	s23 =	simm.s32 $0x1B8E;
	s22 =	sld [smem:$0x3FFE];
	[sflag:s21] =	ssyncadd.s32 $0xFFFFFFFF  }
0xa2: {  	s24 =	simm.s32 $execute0_lowered;
	[smem:$0x3FD2] =	sst s23  }
0xa3: {  	s3 =	sshll.u32 s24, $0x1;
	_ =	strace $0x80000049;
	[dreg:$0x1] =	wrdreg $0xFFFFFFFF  }
0xa4: {  	s25 =	simm.s32 $_size_execute0_lowered;
	s1 =	sadd.s32 s1, s3;
	[dreg:$0x0] =	wrdreg $0x0  }
0xa5: {  	s3 =	sshll.u32 s25, $0x1;
	[dreg:$0x2] =	wrdreg s1  }
0xa6: {  	[dreg:$0x3] =	wrdreg s3  }
0xa7: {  	[dreg:$0x4] =	wrdreg $0xC0  }
0xa8: {  	_ =	task [dreg:s5], $0x5FFFF  }
0xa9: {  	[dreg:$0x1] =	wrdreg $0xFFFFFFFF  }
0xaa: {  	[dreg:$0x0] =	wrdreg $0x60  }
0xab: {  	[dreg:$0x2] =	wrdreg s22  }
0xac: {  	[dreg:$0x3] =	wrdreg s0  }
0xad: {  	[dreg:$0x4] =	wrdreg $0x9  }
0xae: {  	_ =	task.clear_ibuf [dreg:s5], $0x5FFFF;
	_ =	strace $0x90000049  }
0xaf: {  	s26 =	simm.s32 $0x9;
	_ =	strace $0x8000004B  }
0xb0: {  	_ =	swait.ge [sflag:s26], $0x1  }
0xb1: {  	[sflag:s26] =	ssyncadd.s32 $0xFFFFFFFF  }
0xb2: {  	_ =	strace $0x9000004B  }
0xb3: {  	_ =	sfence  }
0xb4: {  	s28 =	sld [smem:$0x0];
	_ =	sdelay $0x1  }
0xb5: {  	s29 =	srdreg.scid  }
0xb6: {  	s30 =	sshll.u32 s29, $0xD;
	s31 =	sshrl.u32 s29, $0x2  }
0xb7: {  	s2 =	sand.u32 $0x4000, s30;
	s1 =	sand.u32 $0x1, s29;
	s0 =	sadd.s32 s31, s28  }
0xb8: {  	s1 =	sor.u32 s2, s1;
	s0 =	sshll.u32 s0, $0x11  }
0xb9: {  	s0 =	sor.u32 s0, s1  }
0xba: {  	s0 =	sadd.s32 $0x8F2B, s0  }
0xbb: {  	[sflag:s0] =	ssyncadd.remote.s32 $0x1  }
0xbc: {  	_ =	sfence.sel $0xFFFF  }
0xbd: {  	[dreg:$0x0] =	wrdreg $0xFFFFFFFF;
	(pc) =	sbr.abs _section_cstart, $3  }
0xbe: {  	[dreg:$0x1] =	wrdreg $0xFFFFFFFF  }
0xbf: {  	_ =	task.clear_ibuf [dreg:s5], $0x2FFFF;
	_ =	strace $0x9FFFFFFF  }
0xc0: {  	(tm) =	ssettm $0x7FFFFFFF  }
0xc1: {  	_ =	shalt  }
tec
execute0_lowered:
.L_overlay_start_1:
0x0: {  	(tag) =	ssettag $0x1  }
0x1: {  	s7 =	rddreg [dreg:$0x0]  }
0x2: {  	s2 =	rddreg [dreg:$0x1]  }
0x3: {  	s0 =	rddreg [dreg:$0x2];
	s1 =	simm.s32 $0x0  }
0x4: {  	[smem:$0x7FF] =	sst s1  }
0x5: {  	s24 =	simm.s32 $0x3;
	s3 =	sadd.s32 $0xC00, s7;
	_ =	strace $0x8000004A  }
0x6: {  	[tilespmem:s1], [sflag:$0x3] =	stream.linear.gather [hbm4b:s3+s1], $0x80, $0x38;
	[tilespmem:$0x1B000] =	vst v63  }
0x7: {  	_ =	swait.ge [sflag:s24], $0x80  }
0x8: {  	[sflag:s24] =	ssyncset.done $0x0  }
0x9: {  	s1 =	stileid.u32;
	[sflag:s24] =	ssyncadd.s32 $0xFFFFFF80  }
0xa: {  	v1 =	vld [tilespmem:s1+$0x0];
	_ =	sdelay $0x4  }
0xb: {  	(v2sf) =	vpush v1, $0x0;
	_ =	sdelay $0x1  }
0xc: {  	v2 =	vld [tilespmem:s1+$0x1];
	_ =	sdelay $0x4  }
0xd: {  	(v2sf) =	vpush v2, $0x0;
	_ =	sdelay $0x7  }
0xe: {  	s25 =	spop (v2sf)  }
0xf: {  	s4 =	sand.u32 $0x1F, s25  }
0x10: {  	s5 =	sshra.s32 s25, $0x1F;
	p0 =	slt.s32 s25, $0x1;
	p1 =	sne.s32 s4, $0x0  }
0x11: {  	s26 =	sshrl.u32 s5, $0x1B;
	p0 =	por !p0, !p1  }
0x12: {  	s4 =	simm.s32 $0x1;
	s3 =	sadd.s32 s26, s25;
	p0 =	por !p0, !p0  }
0x13: {  	s3 =	sshra.s32 s3, $0x5;
	s4 =	simm.s32 @!p0 $0x0  }
0x14: {  	s5 =	ssub.s32 s3, s4  }
0x15: {  	s28 =	spop (v2sf);
	s3 =	sshll.u32 s5, $0x5  }
0x16: {  	s4 =	ssub.s32 s28, s3  }
0x17: {  	s4 =	sadd.s32 $0xFF, s4  }
0x18: {  	s6 =	sand.u32 $0xFF, s4  }
0x19: {  	s8 =	sshra.s32 s4, $0x1F;
	p5 =	slt.s32 s4, $0x1;
	p6 =	sne.s32 s6, $0x0  }
0x1a: {  	s29 =	sshrl.u32 s8, $0x18;
	p0 =	por !p5, !p6  }
0x1b: {  	s8 =	simm.s32 $0x1;
	s4 =	sadd.s32 s29, s4;
	p0 =	por !p0, !p0  }
0x1c: {  	s4 =	sshra.s32 s4, $0x8;
	s8 =	simm.s32 @!p0 $0x0  }
0x1d: {  	s4 =	ssub.s32 s4, s8  }
0x1e: {  	p0 =	slt.s32 s4, $0x1  }
0x1f: {  	s6 =	sshll.u32 @!p0 s5, $0x9  }
0x20: {  	s5 =	sadd.s32 $0xAE00, s7;
	s6 =	sand.u32 @!p0 $0x1FFFFE00, s6  }
0x21: {  	s8 =	simm.s32 @!p0 $0x0;
	s9 =	simm.s32 @!p0 $0xAA00;
	s6 =	sadd.s32 @!p0 s5, s6  }
0x22: {  	[tilespmem:s9], [sflag:$0x1] =	stream.linear.gather @!p0 [hbm4b:s6+s8], $0x8000, $0x38;
	[tilespmem:$0x1B000] =	vst v63  }
0x23: {  	s9 =	sshrl.u32 @!p0 s3, $0x3  }
0x24: {  	s11 =	simm.s32 @!p0 $0x1AA00;
	s6 =	sadd.s32 $0xE00, s7;
	s10 =	sadd.s32 @!p0 s2, s9  }
0x25: {  	[tilespmem:s11], [sflag:$0x1] =	stream.linear.gather @!p0 [hbm4b:s10+s8], $0x100, $0x38;
	[tilespmem:$0x1B000] =	vst v63  }
0x26: {  	s9 =	sadd.s32 @!p0 s6, s9;
	s10 =	simm.s32 @!p0 $0x1AC00  }
0x27: {  	v3 =	vimm.f32 $0.0e+00;
	[tilespmem:s10], [sflag:$0x1] =	stream.linear.gather @!p0 [hbm4b:s9+s8], $0x100, $0x38;
	[tilespmem:$0x1B000] =	vst v63  }
0x28: {  	[tilespmem:$0x80] =	vst v3  }
0x29: {  	[tilespmem:$0x90] =	vst v3  }
0x2a: {  	[tilespmem:$0xA0] =	vst v3  }
0x2b: {  	[tilespmem:$0xB0] =	vst v3  }
0x2c: {  	[tilespmem:$0xC0] =	vst v3  }
0x2d: {  	[tilespmem:$0xD0] =	vst v3  }
0x2e: {  	[tilespmem:$0xE0] =	vst v3  }
0x2f: {  	[tilespmem:$0xF0] =	vst v3  }
0x30: {  	[tilespmem:$0x100] =	vst v3  }
0x31: {  	[tilespmem:$0x110] =	vst v3  }
0x32: {  	[tilespmem:$0x120] =	vst v3  }
0x33: {  	[tilespmem:$0x130] =	vst v3  }
0x34: {  	[tilespmem:$0x140] =	vst v3  }
0x35: {  	[tilespmem:$0x150] =	vst v3  }
0x36: {  	[tilespmem:$0x160] =	vst v3  }
0x37: {  	[tilespmem:$0x170] =	vst v3  }
0x38: {  	[tilespmem:$0x180] =	vst v3  }
0x39: {  	s30 =	smul.u32 $0x1400, s1;
	[tilespmem:$0x190] =	vst v3  }
0x3a: {  	s31 =	smul.u32 $0x140, s1;
	[tilespmem:$0x1A0] =	vst v3  }
0x3b: {  	s7 =	sadd.s32 s30, s7;
	[tilespmem:$0x1B0] =	vst v3  }
0x3c: {  	v0 =	vmov s31;
	s7 =	sadd.s32 $0x502000, s7;
	s8 =	simm.s32 $0x0;
	s9 =	simm.s32 $0x200;
	[tilespmem:$0x1C0] =	vst v3  }
.LBB2_1:
0x3d: {  	p1 =	seq.s32 s9, $0x29E00;
	[tilespmem:s8+$0x270] =	vst v3  }
0x3e: {  	[tilespmem:s8+$0x200] =	vst v3  }
0x3f: {  	[tilespmem:s8+$0x210] =	vst v3  }
.Ltmp0:
0x40: {  	[tilespmem:s8+$0x220] =	vst v3;
	(pc) =	sbr.rel @!p1 .LBB2_1-.Ltmp0, $4  }
0x41: {  	[tilespmem:s8+$0x230] =	vst v3  }
0x42: {  	[tilespmem:s8+$0x240] =	vst v3  }
0x43: {  	[tilespmem:s8+$0x250] =	vst v3  }
0x44: {  	[tilespmem:s8+$0x260] =	vst v3;
	s8 =	sshra.s32 s9, $0x2;
	s9 =	sadd.s32 $0x200, s9  }
0x45: {  	[tilespmem:s8+$0x270] =	vst v3  }
0x46: {  	[tilespmem:s8+$0x200] =	vst v3  }
0x47: {  	[tilespmem:s8+$0x210] =	vst v3  }
.Ltmp1:
0x48: {  	[tilespmem:s8+$0x220] =	vst v3;
	(pc) =	sbr.rel @p0 .LBB2_7-.Ltmp1, $4  }
0x49: {  	[tilespmem:s8+$0x230] =	vst v3  }
0x4a: {  	[tilespmem:s8+$0x240] =	vst v3  }
0x4b: {  	[tilespmem:s8+$0x250] =	vst v3  }
0x4c: {  	[tilespmem:s8+$0x260] =	vst v3;
	v1 =	vbroadcast v1, $0x0;
	v2 =	vbroadcast v2, $0x0;
	s8 =	sadd.s32 $0x30, s3  }
0x4d: {  	s9 =	sadd.s32 $0x30, s3  }
0x4e: {  	s10 =	simm.s32 $0x0;
	s11 =	simm.s32 $0x1AB00;
	s12 =	simm.s32 $0x3  }
0x4f: {  	s13 =	simm.s32 $0x1AD00;
	v3 =	vlaneseq.u32;
	s14 =	simm.s32 $0x80;
	s15 =	simm.s32 $0x0  }
.LBB2_4:
0x50: {  	s16 =	sshll.u32 s15, $0x8  }
0x51: {  	s16 =	sadd.s32 s3, s16  }
0x52: {  	s16 =	sshrl.u32 s16, $0x3  }
0x53: {  	s17 =	sadd.s32 s2, s16  }
0x54: {  	[tilespmem:s11], [sflag:$0x3] =	stream.linear.gather [hbm4b:s17+s10], $0x100, $0x38;
	[tilespmem:$0x1B000] =	vst v63  }
0x55: {  	_ =	swait.ge [sflag:s12], $0x100  }
0x56: {  	[sflag:s12] =	ssyncset.done $0x0  }
0x57: {  	s16 =	sadd.s32 s6, s16;
	[sflag:s12] =	ssyncadd.s32 $0xFFFFFF00  }
0x58: {  	[tilespmem:s13], [sflag:$0x3] =	stream.linear.gather [hbm4b:s16+s10], $0x100, $0x38;
	[tilespmem:$0x1B000] =	vst v63  }
0x59: {  	_ =	swait.ge [sflag:s12], $0x100  }
0x5a: {  	[sflag:s12] =	ssyncset.done $0x0  }
0x5b: {  	s31 =	simm.s32 $0x1AB20;
	[sflag:s12] =	ssyncadd.s32 $0xFFFFFF00  }
0x5c: {  	v4 =	vld [tilespmem:s31+$0x10]  }
0x5d: {  	v5 =	vld [tilespmem:s31+$0xFFFFFFE0]  }
0x5e: {  	s16 =	simm.s32 $0x1AD20  }
0x5f: {  	v6 =	vld [tilespmem:s16+$0x10]  }
0x60: {  	v7 =	vld [tilespmem:s31+$0xFFFFFFF0]  }
0x61: {  	v8 =	vld [tilespmem:s31+$0x0];
	v4 =	vmul.f32 $1.442695020e+00, v4  }
0x62: {  	v9 =	vld [tilespmem:s16+$0xFFFFFFE0];
	v5 =	vmul.f32 $1.442695020e+00, v5  }
0x63: {  	v11 =	vld [tilespmem:s16+$0x0];
	(erf) = vpow2.f32 v4  }
0x64: {  	v10 =	vld [tilespmem:s16+$0xFFFFFFF0];
	v4 =	vsub.s32 v6, v0;
	(erf) = vpow2.f32 v5  }
0x65: {  	v6 =	vmul.f32 $1.442695020e+00, v7;
	v5 =	vor.u32 s9, v3;
	vm0 =	vgt.s32 v4, $0x0  }
0x66: {  	vm1 =	vge.s32 v5, v1;
	vm2 =	vlt.s32 v5, v2;
	v4 =	vnsel vm0, $0x0, v4  }
0x67: {  	v8 =	vmul.f32 $1.442695020e+00, v8;
	vm0 =	vmand vm1, vm2;
	v4 =	vmin.u32 v4, $0x13F  }
0x68: {  	v7 =	vsub.s32 v11, v0;
	(erf) = vpow2.f32 v6;
	v4 =	vnsel vm0, $0x14C, v4  }
0x69: {  	s20 =	sadd.s32 $0xFFFFFFD0, s9;
	s21 =	sadd.s32 $0xFFFFFFE0, s9;
	s22 =	sadd.s32 $0xFFFFFFF0, s9;
	v5 =	vsub.s32 v9, v0;
	v6 =	vsub.s32 v10, v0;
	(erf) = vpow2.f32 v8  }
0x6a: {  	s18 =	simm.s32 $0x1AB60;
	s19 =	smov.u32 s9;
	s17 =	simm.s32 $0x0;
	vm1 =	vgt.s32 v6, $0x0;
	vm2 =	vgt.s32 v7, $0x0;
	vm0 =	vgt.s32 v5, $0x0  }
.LBB2_5:
0x6b: {  	v8 =	vld [tilespmem:s18+$0x10];
	s17 =	sadd.s32 $0x4, s17;
	v9 =	vor.u32 s20, v3;
	v10 =	vor.u32 s21, v3;
	v11 =	vor.u32 s22, v3  }
0x6c: {  	v5 =	vnsel vm0, $0x0, v5;
	v6 =	vnsel vm1, $0x0, v6;
	v7 =	vnsel vm2, $0x0, v7;
	v12 =	vld [tilespmem:s18+$0xFFFFFFE0];
	p0 =	slt.u32 s17, $0xC;
	v13 =	vpop (erf)  }
0x6d: {  	s16 =	sadd.s32 $0x40, s16;
	vm0 =	vge.s32 v9, v1;
	vm1 =	vlt.s32 v9, v2;
	v5 =	vmin.u32 v5, $0x13F;
	[tilespmem:v4+s14+$0x0] =	vst.idx.add.f32.msk $0xffff, v13;
	v4 =	vpop (erf)  }
0x6e: {  	vm2 =	vge.s32 v10, v1;
	vm3 =	vlt.s32 v10, v2;
	vm4 =	vge.s32 v11, v1;
	v9 =	vld [tilespmem:s16+$0x10]  }
0x6f: {  	v6 =	vmin.u32 v6, $0x13F;
	vm5 =	vlt.s32 v11, v2;
	v7 =	vmin.u32 v7, $0x13F;
	v10 =	vld [tilespmem:s18+$0xFFFFFFF0]  }
0x70: {  	vm0 =	vmand vm0, vm1;
	vm1 =	vmand vm2, vm3;
	v11 =	vld [tilespmem:s18+$0x0];
	v8 =	vmul.f32 $1.442695020e+00, v8  }
0x71: {  	v5 =	vnsel vm0, $0x14C, v5;
	vm0 =	vmand vm4, vm5;
	v13 =	vld [tilespmem:s16+$0xFFFFFFE0];
	v12 =	vmul.f32 $1.442695020e+00, v12;
	v14 =	vpop (erf)  }
0x72: {  	v6 =	vnsel vm1, $0x14C, v6;
	v15 =	vld [tilespmem:s16+$0xFFFFFFF0];
	(erf) = vpow2.f32 v8;
	v8 =	vnsel vm0, $0x14C, v7;
	v16 =	vpop (erf)  }
0x73: {  	s19 =	sadd.s32 $0x40, s19;
	v7 =	vld [tilespmem:s16+$0x0];
	v9 =	vsub.s32 v9, v0;
	(erf) = vpow2.f32 v12  }
0x74: {  	s20 =	sadd.s32 $0xFFFFFFD0, s19;
	s21 =	sadd.s32 $0xFFFFFFE0, s19;
	s22 =	sadd.s32 $0xFFFFFFF0, s19;
	v12 =	vor.u32 s19, v3;
	v10 =	vmul.f32 $1.442695020e+00, v10;
	vm0 =	vgt.s32 v9, $0x0  }
.Ltmp2:
0x75: {  	vm1 =	vge.s32 v12, v1;
	vm2 =	vlt.s32 v12, v2;
	v9 =	vnsel vm0, $0x0, v9;
	(pc) =	sbr.rel @p0 .LBB2_5-.Ltmp2, $4  }
0x76: {  	v11 =	vmul.f32 $1.442695020e+00, v11;
	vm0 =	vmand vm1, vm2;
	v9 =	vmin.u32 v9, $0x13F;
	[tilespmem:v5+s14+$0x0] =	vst.idx.add.f32.msk $0xffff, v4  }
0x77: {  	v5 =	vsub.s32 v13, v0;
	v4 =	vnsel vm0, $0x14C, v9;
	(erf) = vpow2.f32 v10;
	[tilespmem:v6+s14+$0x0] =	vst.idx.add.f32.msk $0xffff, v14  }
0x78: {  	v6 =	vsub.s32 v15, v0;
	v7 =	vsub.s32 v7, v0;
	(erf) = vpow2.f32 v11;
	[tilespmem:v8+s14+$0x0] =	vst.idx.add.f32.msk $0xffff, v16  }
0x79: {  	s18 =	sadd.s32 $0x40, s18;
	vm0 =	vgt.s32 v5, $0x0;
	vm1 =	vgt.s32 v6, $0x0;
	vm2 =	vgt.s32 v7, $0x0  }
0x7a: {  	v8 =	vor.u32 s20, v3;
	v9 =	vor.u32 s21, v3  }
0x7b: {  	v10 =	vor.u32 s22, v3;
	v5 =	vnsel vm0, $0x0, v5;
	v6 =	vnsel vm1, $0x0, v6  }
0x7c: {  	v7 =	vnsel vm2, $0x0, v7;
	vm11 =	vge.s32 v8, v1;
	vm12 =	vlt.s32 v8, v2  }
0x7d: {  	v5 =	vmin.u32 v5, $0x13F;
	vm13 =	vge.s32 v9, v1;
	vm3 =	vlt.s32 v9, v2  }
0x7e: {  	vm4 =	vge.s32 v10, v1;
	v6 =	vmin.u32 v6, $0x13F;
	vm0 =	vmand vm11, vm12  }
0x7f: {  	vm14 =	vlt.s32 v10, v2;
	vm2 =	vmand vm13, vm3;
	v5 =	vnsel vm0, $0x14C, v5  }
0x80: {  	s15 =	sadd.s32 $0x1, s15;
	v7 =	vmin.u32 v7, $0x13F;
	vm15 =	vmand vm4, vm14;
	v6 =	vnsel vm2, $0x14C, v6  }
0x81: {  	p0 =	sne.s32 s15, s4;
	v7 =	vnsel vm15, $0x14C, v7  }
.Ltmp3:
0x82: {  	v62 =	vpop (erf);
	(pc) =	sbr.rel @p0 .LBB2_4-.Ltmp3, $4  }
0x83: {  	[tilespmem:v4+s14+$0x0] =	vst.idx.add.f32.msk $0xffff, v62;
	v4 =	vpop (erf)  }
0x84: {  	v63 =	vpop (erf);
	[tilespmem:v5+s14+$0x0] =	vst.idx.add.f32.msk $0xffff, v4  }
0x85: {  	v4 =	vpop (erf);
	[tilespmem:v6+s14+$0x0] =	vst.idx.add.f32.msk $0xffff, v63  }
0x86: {  	s9 =	sadd.s32 $0x100, s9;
	[tilespmem:v7+s14+$0x0] =	vst.idx.add.f32.msk $0xffff, v4  }
.LBB2_7:
0x87: {  	s9 =	sadd.s32 $0x1, s4  }
0x88: {  	s10 =	sand.u32 $0x1, s9  }
0x89: {  	p0 =	slt.s32 s4, $0x0;
	p1 =	seq.s32 s10, $0x1  }
0x8a: {  	s31 =	sshrl.u32 s9, $0x1F;
	p0 =	por !p0, !p1  }
0x8b: {  	s9 =	sadd.s32 s31, s9;
	s10 =	simm.s32 $0x1;
	p0 =	por !p0, !p0  }
0x8c: {  	s9 =	sshra.s32 s9, $0x1;
	s10 =	simm.s32 @!p0 $0x0  }
0x8d: {  	s9 =	ssub.s32 s9, s10  }
0x8e: {  	p0 =	slt.s32 s9, $0x1  }
.Ltmp4:
0x8f: {  	_ = 	snop;
	(pc) =	sbr.rel @p0 .LBB2_28-.Ltmp4, $2  }
0x90: {  	_ =	sdelay $0x2  }
0x91: {  	s10 =	simm.s32 $0x1  }
.Ltmp5:
0x92: {  	(pc) =	sbr.rel .LBB2_9-.Ltmp5, $4  }
0x93: {  	v3 =	vlaneseq.u32  }
0x94: {  	s11 =	sadd.s32 $0x130, s3;
	s12 =	simm.s32 $0x0;
	s13 =	simm.s32 $0x80;
	v4 =	vor.u32 $0x10, v3  }
0x95: {  	s14 =	simm.s32 $0x1AF00;
	s15 =	simm.s32 $0x1AE00;
	s16 =	simm.s32 $0xAA00;
	v5 =	vor.u32 $0x20, v3;
	v6 =	vor.u32 $0x30, v3;
	v7 =	vor.u32 $0x40, v3  }
0x96: {  	s17 =	simm.s32 $0x200;
	s18 =	simm.s32 $0x2;
	s19 =	simm.s32 $0x12A00;
	v8 =	vor.u32 $0x50, v3;
	v9 =	vor.u32 $0x60, v3;
	v10 =	vor.u32 $0x70, v3  }
.LBB2_21:
0x97: {  	s21 =	simm.s32 $0x180  }
.LBB2_26:
0x98: {  	_ =	sdelay $0x3  }
0x99: {  	[tilespmem:v34+s17+$0x0] =	vst.idx.add.f32.msk @p0 $0xffff, v38;
	v28 =	vmul.f32 @p0 v32, v18;
	v32 =	vor.u32 @p0 v8, v13  }
0x9a: {  	v25 =	vmov s23;
	s21 =	sadd.s32 @p0 $0x200, s21;
	v52 =	vld.idx.msk [tilespmem:v31+s15+$0x0], $0xffff  }
0x9b: {  	v25 =	vand.u32 $0xFFFFFFFE, v25;
	s20 =	smov.u32 @p0 s21;
	[tilespmem:v35+s17+$0x0] =	vst.idx.add.f32.msk @p0 $0xffff, v28;
	v28 =	vor.u32 @p0 v8, v16  }
0x9c: {  	v51 =	vbroadcast v25, $0x0;
	v25 =	vld.idx.msk [tilespmem:v31+s14+$0x0], $0xffff;
	v33 =	vmul.f32 @p0 v33, v29;
	v57 =	vor.u32 s20, v3  }
0x9d: {  	s21 =	sadd.s32 $0xFFFFFE80, s20;
	v35 =	vld.idx.msk @p0 [tilespmem:v37+s19+$0x0], $0xffff  }
0x9e: {  	s22 =	sadd.s32 $0xFFFFFF00, s20;
	v36 =	vmul.f32 @p0 v36, v30;
	v54 =	vor.u32 s21, v3;
	[tilespmem:v32+s17+$0x0] =	vst.idx.add.f32.msk @p0 $0xffff, v33  }
0x9f: {  	v56 =	vor.u32 s22, v3;
	v24 =	vld.idx.msk @p0 [tilespmem:v24+s19+$0x0], $0xffff  }
0xa0: {  	[tilespmem:v28+s17+$0x0] =	vst.idx.add.f32.msk @p0 $0xffff, v36  }
0xa1: {  	s31 =	sadd.s32 $0xFFFFFF80, s20;
	v37 =	vld.idx.msk [tilespmem:v57+s19+$0x0], $0xffff  }
0xa2: {  	v53 =	vor.u32 s31, v3;
	v55 =	vld.idx.msk [tilespmem:v51+s15+$0x0], $0xffff  }
0xa3: {  	v19 =	vor.u32 @p0 v10, v19;
	v28 =	vld.idx.msk [tilespmem:v54+s19+$0x0], $0xffff  }
0xa4: {  	v23 =	vshll.u32 v23, $0x7;
	v36 =	vld.idx.msk [tilespmem:v56+s19+$0x0], $0xffff  }
0xa5: {  	v61 =	vor.u32 v3, v23;
	v35 =	vmul.f32 @p0 v35, v18;
	v39 =	vld.idx.msk @p0 [tilespmem:v22+s19+$0x0], $0xffff;
	v22 =	vshll.u32 v27, $0x7  }
0xa6: {  	v18 =	vld.idx.msk [tilespmem:v51+s14+$0x0], $0xffff;
	v60 =	vor.u32 v3, v22;
	v38 =	vmul.f32 @p0 v24, v29;
	v24 =	vshll.u32 v52, $0x7  }
0xa7: {  	v32 =	vld.idx.msk [tilespmem:v53+s19+$0x0], $0xffff;
	v59 =	vor.u32 v3, v24  }
0xa8: {  	v62 =	vor.u32 s22, v4;
	[tilespmem:v19+s17+$0x0] =	vst.idx.add.f32.msk @p0 $0xffff, v35;
	v37 =	vmul.f32 v37, v11;
	v19 =	vshll.u32 v55, $0x7  }
0xa9: {  	v26 =	vld.idx.msk @p0 [tilespmem:v26+s19+$0x0], $0xffff;
	v28 =	vmul.f32 v28, v12;
	v33 =	vor.u32 v3, v19  }
0xaa: {  	v63 =	vor.u32 s21, v4;
	v36 =	vmul.f32 v36, v25;
	[tilespmem:v61+s17+$0x0] =	vst.idx.add.f32.msk $0xffff, v37  }
0xab: {  	v40 =	vor.u32 s20, v4;
	[tilespmem:v60+s17+$0x0] =	vst.idx.add.f32.msk $0xffff, v28  }
0xac: {  	v32 =	vmul.f32 v32, v18;
	[tilespmem:v59+s17+$0x0] =	vst.idx.add.f32.msk $0xffff, v36  }
0xad: {  	v34 =	vor.u32 @p0 v9, v15;
	v42 =	vld.idx.msk [tilespmem:v62+s19+$0x0], $0xffff  }
0xae: {  	v58 =	vor.u32 s31, v4;
	[tilespmem:v33+s17+$0x0] =	vst.idx.add.f32.msk $0xffff, v32  }
0xaf: {  	v44 =	vor.u32 v4, v24;
	v32 =	vld.idx.msk [tilespmem:v63+s19+$0x0], $0xffff  }
0xb0: {  	v45 =	vor.u32 s22, v5;
	v26 =	vmul.f32 @p0 v26, v14;
	v33 =	vld.idx.msk [tilespmem:v40+s19+$0x0], $0xffff  }
0xb1: {  	v46 =	vor.u32 v4, v22  }
0xb2: {  	v48 =	vor.u32 v4, v23;
	[tilespmem:v34+s17+$0x0] =	vst.idx.add.f32.msk @p0 $0xffff, v26;
	v28 =	vmul.f32 v42, v25  }
0xb3: {  	v47 =	vor.u32 s21, v5;
	v31 =	vld.idx.msk [tilespmem:v58+s19+$0x0], $0xffff  }
0xb4: {  	v49 =	vor.u32 s20, v5;
	v32 =	vmul.f32 v32, v12;
	[tilespmem:v44+s17+$0x0] =	vst.idx.add.f32.msk $0xffff, v28  }
0xb5: {  	v35 =	vor.u32 @p0 v9, v13;
	v33 =	vmul.f32 v33, v11;
	v36 =	vld.idx.msk [tilespmem:v45+s19+$0x0], $0xffff  }
0xb6: {  	v41 =	vor.u32 v4, v19;
	[tilespmem:v46+s17+$0x0] =	vst.idx.add.f32.msk $0xffff, v32  }
0xb7: {  	v43 =	vor.u32 s31, v5;
	[tilespmem:v48+s17+$0x0] =	vst.idx.add.f32.msk $0xffff, v33  }
0xb8: {  	v52 =	vor.u32 v5, v24;
	v27 =	vld.idx.msk [tilespmem:v47+s19+$0x0], $0xffff  }
0xb9: {  	v53 =	vor.u32 s22, v6;
	v31 =	vmul.f32 v31, v18;
	v34 =	vld.idx.msk [tilespmem:v49+s19+$0x0], $0xffff  }
0xba: {  	v54 =	vor.u32 v5, v22;
	[tilespmem:v35+s17+$0x0] =	vst.idx.add.f32.msk @p0 $0xffff, v38  }
0xbb: {  	v57 =	vor.u32 v5, v23;
	[tilespmem:v41+s17+$0x0] =	vst.idx.add.f32.msk $0xffff, v31;
	v56 =	vmul.f32 v36, v25  }
0xbc: {  	v55 =	vor.u32 s21, v6;
	v31 =	vld.idx.msk [tilespmem:v43+s19+$0x0], $0xffff  }
0xbd: {  	v58 =	vor.u32 s20, v6;
	v27 =	vmul.f32 v27, v12;
	[tilespmem:v52+s17+$0x0] =	vst.idx.add.f32.msk $0xffff, v56  }
0xbe: {  	v26 =	vor.u32 @p0 v9, v16;
	v61 =	vmul.f32 v34, v11;
	v32 =	vld.idx.msk [tilespmem:v53+s19+$0x0], $0xffff  }
0xbf: {  	v50 =	vor.u32 v5, v19;
	[tilespmem:v54+s17+$0x0] =	vst.idx.add.f32.msk $0xffff, v27  }
0xc0: {  	v51 =	vor.u32 s31, v6;
	[tilespmem:v57+s17+$0x0] =	vst.idx.add.f32.msk $0xffff, v61  }
0xc1: {  	v35 =	vmul.f32 @p0 v39, v30;
	v62 =	vor.u32 v6, v24;
	v63 =	vld.idx.msk [tilespmem:v55+s19+$0x0], $0xffff  }
0xc2: {  	v40 =	vor.u32 s22, v7;
	v31 =	vmul.f32 v31, v18;
	v27 =	vld.idx.msk [tilespmem:v58+s19+$0x0], $0xffff  }
0xc3: {  	[tilespmem:v26+s17+$0x0] =	vst.idx.add.f32.msk @p0 $0xffff, v35;
	v41 =	vor.u32 v6, v22  }
0xc4: {  	v44 =	vor.u32 v6, v23;
	[tilespmem:v50+s17+$0x0] =	vst.idx.add.f32.msk $0xffff, v31;
	v43 =	vmul.f32 v32, v25  }
0xc5: {  	v42 =	vor.u32 s21, v7;
	v26 =	vld.idx.msk [tilespmem:v51+s19+$0x0], $0xffff  }
0xc6: {  	v45 =	vor.u32 s20, v7;
	v46 =	vmul.f32 v63, v12;
	[tilespmem:v62+s17+$0x0] =	vst.idx.add.f32.msk $0xffff, v43  }
0xc7: {  	v27 =	vmul.f32 v27, v11;
	v48 =	vld.idx.msk [tilespmem:v40+s19+$0x0], $0xffff  }
0xc8: {  	v59 =	vor.u32 v6, v19;
	[tilespmem:v41+s17+$0x0] =	vst.idx.add.f32.msk $0xffff, v46  }
0xc9: {  	v60 =	vor.u32 s31, v7;
	[tilespmem:v44+s17+$0x0] =	vst.idx.add.f32.msk $0xffff, v27  }
0xca: {  	v50 =	vor.u32 v7, v24;
	v31 =	vld.idx.msk [tilespmem:v42+s19+$0x0], $0xffff  }
0xcb: {  	v51 =	vor.u32 s22, v8;
	v26 =	vmul.f32 v26, v18;
	v27 =	vld.idx.msk [tilespmem:v45+s19+$0x0], $0xffff  }
0xcc: {  	v52 =	vor.u32 v7, v22  }
0xcd: {  	v55 =	vor.u32 v7, v23;
	[tilespmem:v59+s17+$0x0] =	vst.idx.add.f32.msk $0xffff, v26;
	v54 =	vmul.f32 v48, v25  }
0xce: {  	v53 =	vor.u32 s21, v8;
	v28 =	vld.idx.msk [tilespmem:v60+s19+$0x0], $0xffff  }
0xcf: {  	v56 =	vor.u32 s20, v8;
	v57 =	vmul.f32 v31, v12;
	[tilespmem:v50+s17+$0x0] =	vst.idx.add.f32.msk $0xffff, v54  }
0xd0: {  	v47 =	vor.u32 v7, v19;
	v27 =	vmul.f32 v27, v11;
	v59 =	vld.idx.msk [tilespmem:v51+s19+$0x0], $0xffff  }
0xd1: {  	v49 =	vor.u32 s31, v8;
	[tilespmem:v52+s17+$0x0] =	vst.idx.add.f32.msk $0xffff, v57  }
0xd2: {  	[tilespmem:v55+s17+$0x0] =	vst.idx.add.f32.msk $0xffff, v27  }
0xd3: {  	v61 =	vor.u32 v8, v24;
	v28 =	vmul.f32 v28, v18;
	v32 =	vld.idx.msk [tilespmem:v53+s19+$0x0], $0xffff  }
0xd4: {  	v62 =	vor.u32 s22, v9;
	v27 =	vld.idx.msk [tilespmem:v56+s19+$0x0], $0xffff  }
0xd5: {  	v63 =	vor.u32 v8, v22;
	[tilespmem:v47+s17+$0x0] =	vst.idx.add.f32.msk $0xffff, v28  }
0xd6: {  	v43 =	vor.u32 v8, v23;
	v33 =	vld.idx.msk [tilespmem:v49+s19+$0x0], $0xffff;
	v41 =	vmul.f32 v59, v25  }
0xd7: {  	v21 =	vld.idx.msk @p0 [tilespmem:v21+s19+$0x0], $0xffff;
	v40 =	vor.u32 s21, v9  }
0xd8: {  	v58 =	vor.u32 v8, v19;
	v45 =	vmul.f32 v32, v12;
	[tilespmem:v61+s17+$0x0] =	vst.idx.add.f32.msk $0xffff, v41  }
0xd9: {  	v44 =	vor.u32 s20, v9;
	v27 =	vmul.f32 v27, v11;
	v28 =	vld.idx.msk [tilespmem:v62+s19+$0x0], $0xffff  }
0xda: {  	v60 =	vor.u32 s31, v9;
	[tilespmem:v63+s17+$0x0] =	vst.idx.add.f32.msk $0xffff, v45  }
0xdb: {  	v33 =	vmul.f32 v33, v18;
	[tilespmem:v43+s17+$0x0] =	vst.idx.add.f32.msk $0xffff, v27  }
0xdc: {  	v34 =	vld.idx.msk [tilespmem:v40+s19+$0x0], $0xffff  }
0xdd: {  	v48 =	vor.u32 v9, v24;
	[tilespmem:v58+s17+$0x0] =	vst.idx.add.f32.msk $0xffff, v33  }
0xde: {  	v50 =	vor.u32 v9, v22;
	v33 =	vld.idx.msk [tilespmem:v44+s19+$0x0], $0xffff  }
0xdf: {  	v51 =	vor.u32 s22, v10;
	v42 =	vld.idx.msk [tilespmem:v60+s19+$0x0], $0xffff  }
0xe0: {  	v20 =	vld.idx.msk @p0 [tilespmem:v20+s19+$0x0], $0xffff;
	v53 =	vor.u32 v9, v23;
	v52 =	vmul.f32 v28, v25  }
0xe1: {  	v17 =	vld.idx.msk @p0 [tilespmem:v17+s19+$0x0], $0xffff;
	v46 =	vor.u32 v9, v19;
	v34 =	vmul.f32 v34, v12  }
0xe2: {  	v54 =	vor.u32 s21, v10;
	[tilespmem:v48+s17+$0x0] =	vst.idx.add.f32.msk $0xffff, v52  }
0xe3: {  	v55 =	vor.u32 s20, v10;
	v56 =	vmul.f32 v33, v11;
	[tilespmem:v50+s17+$0x0] =	vst.idx.add.f32.msk $0xffff, v34  }
0xe4: {  	v47 =	vor.u32 s31, v10;
	v49 =	vmul.f32 v42, v18;
	v57 =	vld.idx.msk [tilespmem:v51+s19+$0x0], $0xffff  }
0xe5: {  	v15 =	vor.u32 @p0 v10, v15;
	[tilespmem:v53+s17+$0x0] =	vst.idx.add.f32.msk $0xffff, v56  }
0xe6: {  	v13 =	vor.u32 @p0 v10, v13;
	[tilespmem:v46+s17+$0x0] =	vst.idx.add.f32.msk $0xffff, v49  }
0xe7: {  	v16 =	vor.u32 @p0 v10, v16;
	v58 =	vld.idx.msk [tilespmem:v54+s19+$0x0], $0xffff  }
0xe8: {  	v14 =	vmul.f32 @p0 v21, v14;
	v24 =	vor.u32 v10, v24;
	v27 =	vld.idx.msk [tilespmem:v55+s19+$0x0], $0xffff  }
0xe9: {  	v20 =	vmul.f32 @p0 v20, v29;
	v59 =	vor.u32 v10, v22;
	v26 =	vld.idx.msk [tilespmem:v47+s19+$0x0], $0xffff  }
0xea: {  	[tilespmem:v15+s17+$0x0] =	vst.idx.add.f32.msk @p0 $0xffff, v14;
	v17 =	vmul.f32 @p0 v17, v30;
	v61 =	vor.u32 v10, v23  }
0xeb: {  	[tilespmem:v13+s17+$0x0] =	vst.idx.add.f32.msk @p0 $0xffff, v20;
	v19 =	vor.u32 v10, v19;
	v62 =	vmul.f32 v57, v25  }
0xec: {  	[tilespmem:v16+s17+$0x0] =	vst.idx.add.f32.msk @p0 $0xffff, v17;
	v63 =	vmul.f32 v58, v12  }
0xed: {  	v11 =	vmul.f32 v27, v11;
	[tilespmem:v24+s17+$0x0] =	vst.idx.add.f32.msk $0xffff, v62  }
0xee: {  	v60 =	vmul.f32 v26, v18;
	[tilespmem:v59+s17+$0x0] =	vst.idx.add.f32.msk $0xffff, v63  }
0xef: {  	[tilespmem:v61+s17+$0x0] =	vst.idx.add.f32.msk $0xffff, v11  }
0xf0: {  	[tilespmem:v19+s17+$0x0] =	vst.idx.add.f32.msk $0xffff, v60  }
.LBB2_27:
0xf1: {  	s12 =	sadd.s32 $0x1, s12  }
0xf2: {  	p0 =	sne.s32 s12, s9  }
.Ltmp6:
0xf3: {  	_ = 	snop;
	(pc) =	sbr.rel @!p0 .LBB2_28-.Ltmp6, $2  }
0xf4: {  	_ =	sdelay $0x2  }
0xf5: {  	s8 =	sadd.s32 $0x200, s8;
	s11 =	sadd.s32 $0x200, s11  }
.LBB2_9:
0xf6: {  	_ =	swait.ge [sflag:s10], $0x8000  }
0xf7: {  	[sflag:s10] =	ssyncset.done $0x0  }
0xf8: {  	s20 =	sshllo.u32 s12, $0x1;
	[sflag:s10] =	ssyncadd.s32 $0xFFFF8000  }
0xf9: {  	p0 =	sge.s32 s20, s4;
	_ =	swait.ge [sflag:s10], $0x100  }
0xfa: {  	s20 =	sshll.u32 @!p0 s20, $0x8;
	[sflag:s10] =	ssyncset.done $0x0  }
0xfb: {  	s20 =	sadd.s32 @!p0 s3, s20;
	[sflag:s10] =	ssyncadd.s32 $0xFFFFFF00  }
0xfc: {  	s22 =	simm.s32 @!p0 $0x0;
	s21 =	sshll.u32 @!p0 s20, $0x4;
	_ =	swait.ge [sflag:s10], $0x100  }
0xfd: {  	s23 =	simm.s32 @!p0 $0x12A00;
	s21 =	sand.u32 @!p0 $0x1FFFFE00, s21;
	[sflag:s10] =	ssyncset.done $0x0  }
0xfe: {  	s20 =	sshrl.u32 @!p0 s20, $0x3;
	s21 =	sadd.s32 @!p0 s5, s21;
	[sflag:s10] =	ssyncadd.s32 $0xFFFFFF00  }
0xff: {  	[tilespmem:s23], [sflag:$0x2] =	stream.linear.gather @!p0 [hbm4b:s21+s22], $0x8000, $0x38;
	[tilespmem:$0x1B000] =	vst v63  }
0x100: {  	s21 =	sadd.s32 @!p0 s2, s20;
	s23 =	simm.s32 @!p0 $0x1AB00  }
0x101: {  	[tilespmem:s23], [sflag:$0x2] =	stream.linear.gather @!p0 [hbm4b:s21+s22], $0x100, $0x38;
	[tilespmem:$0x1B000] =	vst v63  }
0x102: {  	s30 =	simm.s32 $0x1AC20;
	s20 =	sadd.s32 @!p0 s6, s20;
	s21 =	simm.s32 @!p0 $0x1AD00  }
0x103: {  	[tilespmem:s21], [sflag:$0x2] =	stream.linear.gather @!p0 [hbm4b:s20+s22], $0x100, $0x38;
	[tilespmem:$0x1B000] =	vst v63  }
0x104: {  	s31 =	simm.s32 $0x1AA20;
	v11 =	vld [tilespmem:s30+$0xFFFFFFE0]  }
0x105: {  	s24 =	sadd.s32 $0xFFFFFFE0, s8;
	v12 =	vld [tilespmem:s31+$0x10]  }
0x106: {  	v14 =	vor.u32 s24, v3;
	v15 =	vld [tilespmem:s31+$0xFFFFFFF0]  }
0x107: {  	vm0 =	vge.s32 v14, v1;
	vm2 =	vlt.s32 v14, v2;
	s23 =	sadd.s32 $0xFFFFFFD0, s8;
	v14 =	vld [tilespmem:s30+$0x10]  }
0x108: {  	v13 =	vor.u32 s23, v3;
	v16 =	vld [tilespmem:s30+$0x0]  }
0x109: {  	s25 =	sadd.s32 $0xFFFFFFF0, s8;
	vm1 =	vge.s32 v13, v1;
	vm3 =	vlt.s32 v13, v2;
	v17 =	vld [tilespmem:s30+$0xFFFFFFF0]  }
0x10a: {  	vm0 =	vmand vm0, vm2;
	v13 =	vor.u32 s25, v3;
	vm1 =	vmand vm1, vm3;
	v18 =	vld [tilespmem:s31+$0xFFFFFFE0]  }
0x10b: {  	vm2 =	vlt.s32 v13, v2;
	vm3 =	vge.s32 v13, v1;
	v19 =	vld [tilespmem:s31+$0x0];
	v11 =	vsub.s32 v11, v0  }
0x10c: {  	vm2 =	vmand vm3, vm2;
	vm4 =	vgt.s32 v11, $0x0  }
0x10d: {  	v12 =	vmul.f32 $1.442695020e+00, v12;
	v13 =	vmul.f32 $1.442695020e+00, v15;
	v11 =	vnsel vm4, $0x0, v11  }
0x10e: {  	v15 =	vor.u32 s8, v3;
	v14 =	vsub.s32 v14, v0;
	v11 =	vmin.u32 v11, $0x13F  }
0x10f: {  	v16 =	vsub.s32 v16, v0;
	v17 =	vsub.s32 v17, v0;
	v11 =	vnsel vm1, $0x14C, v11  }
0x110: {  	v18 =	vmul.f32 $1.442695020e+00, v18;
	v19 =	vmul.f32 $1.442695020e+00, v19;
	vm3 =	vlt.s32 v15, v2  }
0x111: {  	s25 =	sadd.s32 $0x40, s8;
	vm5 =	vgt.s32 v17, $0x0;
	vm4 =	vgt.s32 v14, $0x0;
	vm1 =	vgt.s32 v16, $0x0  }
0x112: {  	s26 =	simm.s32 $0x1AC60;
	s22 =	simm.s32 $0x1AE20;
	s24 =	sadd.s32 $0xFFFFFFE0, s25;
	v17 =	vnsel vm5, $0x0, v17;
	(erf) = vpow2.f32 v18;
	v16 =	vnsel vm1, $0x0, v16  }
0x113: {  	v18 =	vor.u32 s24, v3;
	[tilespmem:s22+$0xFFFFFFE0] =	vst v11;
	vm1 =	vge.s32 v15, v1;
	v15 =	vmin.u32 v16, $0x13F;
	v16 =	vld [tilespmem:s26+$0xFFFFFFE0]  }
0x114: {  	s30 =	sadd.s32 $0xFFFFFFD0, s25;
	v14 =	vnsel vm4, $0x0, v14;
	v17 =	vmin.u32 v17, $0x13F;
	(erf) = vpow2.f32 v12;
	v11 =	vld.idx.msk [tilespmem:v11+s13+$0x0], $0xffff  }
0x115: {  	s29 =	simm.s32 $0x1AA60;
	v14 =	vmin.u32 v14, $0x13F;
	v20 =	vnsel vm0, $0x14C, v17;
	v17 =	vor.u32 s30, v3  }
0x116: {  	v22 =	vld [tilespmem:s29+$0xFFFFFFF0];
	vm0 =	vge.s32 v18, v1;
	(erf) = vpow2.f32 v13;
	v15 =	vnsel vm2, $0x14C, v15  }
0x117: {  	vm4 =	vlt.s32 v17, v2;
	vm1 =	vmand vm1, vm3;
	vm3 =	vlt.s32 v18, v2;
	v18 =	vld [tilespmem:s26+$0x10]  }
0x118: {  	v21 =	vld [tilespmem:s29+$0x10];
	s31 =	sadd.s32 $0xFFFFFFF0, s25;
	(erf) = vpow2.f32 v19;
	vm2 =	vge.s32 v17, v1;
	vm0 =	vmand vm0, vm3  }
0x119: {  	v19 =	vld [tilespmem:s26+$0xFFFFFFF0];
	v17 =	vor.u32 s31, v3;
	(erf) = vrcp.f32 v11;
	v11 =	vsub.s32 v16, v0  }
0x11a: {  	v13 =	vld [tilespmem:s26+$0x0];
	v23 =	vnsel vm1, $0x14C, v14;
	vm3 =	vmand vm2, vm4;
	[tilespmem:s22+$0x0] =	vst v15;
	vm4 =	vgt.s32 v11, $0x0  }
0x11b: {  	vm1 =	vlt.s32 v17, v2;
	vm2 =	vge.s32 v17, v1;
	v17 =	vld.idx.msk [tilespmem:v15+s13+$0x0], $0xffff;
	v11 =	vnsel vm4, $0x0, v11  }
0x11c: {  	v14 =	vmul.f32 $1.442695020e+00, v22;
	v22 =	vld [tilespmem:s29+$0xFFFFFFE0];
	v15 =	vsub.s32 v18, v0;
	v11 =	vmin.u32 v11, $0x13F  }
0x11d: {  	v12 =	vmul.f32 $1.442695020e+00, v21;
	v18 =	vnsel vm3, $0x14C, v11;
	vm3 =	vgt.s32 v15, $0x0  }
0x11e: {  	v21 =	vor.u32 s25, v3;
	v19 =	vsub.s32 v19, v0;
	v25 =	vpop (erf);
	v15 =	vnsel vm3, $0x0, v15  }
0x11f: {  	[tilespmem:s22+$0x10] =	vst v23;
	vm1 =	vmand vm2, vm1;
	vm5 =	vgt.s32 v19, $0x0;
	v16 =	vsub.s32 v13, v0;
	v13 =	vpop (erf)  }
0x120: {  	vm2 =	vlt.s32 v21, v2;
	v26 =	vnsel vm5, $0x0, v19;
	(erf) = vrcp.f32 v17;
	v17 =	vld.idx.msk [tilespmem:v23+s13+$0x0], $0xffff;
	v11 =	vpop (erf)  }
0x121: {  	s28 =	simm.s32 $0x1AAA0;
	s23 =	simm.s32 $0x1AE60;
	[tilespmem:s22+$0xFFFFFFF0] =	vst v20;
	v22 =	vmul.f32 $1.442695020e+00, v22;
	vm4 =	vgt.s32 v16, $0x0;
	v19 =	vmin.u32 v15, $0x13F;
	v15 =	vpop (erf)  }
0x122: {  	s20 =	sshll.u32 s12, $0x1;
	s21 =	simm.s32 $0x1AF20;
	s24 =	simm.s32 $0x4;
	v20 =	vld.idx.msk [tilespmem:v20+s13+$0x0], $0xffff;
	v24 =	vnsel vm4, $0x0, v16;
	v23 =	vmin.u32 v26, $0x13F;
	vm3 =	vge.s32 v21, v1;
	v21 =	vpop (erf)  }
0x123: {  	s25 =	sadd.s32 $0x40, s25;
	s26 =	simm.s32 $0x1ACA0;
	s22 =	simm.s32 $0x1AF60;
	v16 =	vld [tilespmem:s29+$0x0];
	v24 =	vmin.u32 v24, $0x13F;
	[tilespmem:s23+$0xFFFFFFE0] =	vst v18;
	vm3 =	vmand vm3, vm2;
	v21 =	vmul.f32 v21, v25  }
.LBB2_10:
0x124: {  	s29 =	sadd.s32 $0xFFFFFFD0, s25;
	v25 =	vld [tilespmem:s26+$0xFFFFFFE0];
	s30 =	sadd.s32 $0xFFFFFFE0, s25;
	s31 =	sadd.s32 $0xFFFFFFF0, s25;
	v23 =	vnsel vm0, $0x14C, v23;
	v24 =	vnsel vm1, $0x14C, v24;
	(erf) = vpow2.f32 v22  }
0x125: {  	s24 =	sadd.s32 $0x4, s24;
	v22 =	vor.u32 s29, v3;
	v26 =	vor.u32 s30, v3;
	v18 =	vld.idx.msk [tilespmem:v18+s13+$0x0], $0xffff;
	[tilespmem:s23+$0xFFFFFFF0] =	vst v23;
	(erf) = vrcp.f32 v17  }
0x126: {  	p1 =	slt.u32 s24, $0xC;
	vm1 =	vge.s32 v22, v1;
	vm0 =	vge.s32 v26, v1;
	vm2 =	vlt.s32 v26, v2;
	v17 =	vld [tilespmem:s28+$0x10]  }
0x127: {  	vm4 =	vlt.s32 v22, v2;
	vm0 =	vmand vm0, vm2;
	v22 =	vld [tilespmem:s28+$0x0];
	[tilespmem:s21+$0xFFFFFFE0] =	vst v21;
	(erf) = vrcp.f32 v20  }
0x128: {  	v27 =	vmul.f32 $1.442695020e+00, v16;
	vm2 =	vmand vm1, vm4;
	v20 =	vld [tilespmem:s28+$0xFFFFFFF0];
	[tilespmem:s23+$0x0] =	vst v24;
	(erf) = vpow2.f32 v12  }
0x129: {  	v19 =	vnsel vm3, $0x14C, v19;
	v21 =	vld [tilespmem:s26+$0x10];
	(erf) = vpow2.f32 v14  }
0x12a: {  	v14 =	vor.u32 s31, v3;
	v26 =	vld [tilespmem:s26+$0x0];
	(erf) = vpow2.f32 v27;
	v16 =	vpop (erf)  }
0x12b: {  	vm1 =	vlt.s32 v14, v2;
	v27 =	vld [tilespmem:s26+$0xFFFFFFF0];
	v12 =	vmul.f32 $1.442695020e+00, v17;
	(erf) = vrcp.f32 v18  }
0x12c: {  	vm3 =	vge.s32 v14, v1;
	v18 =	vsub.s32 v25, v0;
	v30 =	vmul.f32 v16, v15;
	[tilespmem:s23+$0x10] =	vst v19  }
0x12d: {  	vm1 =	vmand vm3, vm1;
	v25 =	vor.u32 s25, v3;
	v14 =	vmul.f32 $1.442695020e+00, v20;
	v24 =	vld.idx.msk [tilespmem:v24+s13+$0x0], $0xffff;
	v28 =	vpop (erf)  }
0x12e: {  	vm4 =	vgt.s32 v18, $0x0;
	vm3 =	vlt.s32 v25, v2;
	v21 =	vsub.s32 v21, v0;
	v17 =	vld.idx.msk [tilespmem:v19+s13+$0x0], $0xffff;
	[tilespmem:s21+$0x0] =	vst v30;
	v15 =	vpop (erf)  }
0x12f: {  	v16 =	vmovc v22;
	v18 =	vnsel vm4, $0x0, v18;
	v29 =	vld [tilespmem:s28+$0xFFFFFFE0];
	v19 =	vsub.s32 v26, v0;
	v15 =	vmul.f32 v15, v13  }
0x130: {  	s23 =	sadd.s32 $0x40, s23;
	v30 =	vmin.u32 v18, $0x13F;
	v22 =	vsub.s32 v27, v0;
	vm4 =	vgt.s32 v19, $0x0;
	v26 =	vpop (erf)  }
.Ltmp7:
0x131: {  	v18 =	vnsel vm2, $0x14C, v30;
	vm2 =	vgt.s32 v21, $0x0;
	v20 =	vld.idx.msk [tilespmem:v23+s13+$0x0], $0xffff;
	v13 =	vpop (erf);
	v23 =	vmul.f32 v26, v11;
	[tilespmem:s21+$0x10] =	vst v15;
	(pc) =	sbr.rel @p1 .LBB2_10-.Ltmp7, $4  }
0x132: {  	v27 =	vnsel vm2, $0x0, v21;
	vm5 =	vgt.s32 v22, $0x0;
	v26 =	vnsel vm4, $0x0, v19;
	[tilespmem:s23+$0xFFFFFFE0] =	vst v18;
	v11 =	vpop (erf)  }
0x133: {  	v19 =	vmin.u32 v27, $0x13F;
	v30 =	vnsel vm5, $0x0, v22;
	v15 =	vpop (erf);
	(erf) = vrcp.f32 v24;
	[tilespmem:s21+$0xFFFFFFF0] =	vst v23;
	s21 =	smov.u32 s22  }
0x134: {  	vm2 =	vge.s32 v25, v1;
	v23 =	vmin.u32 v30, $0x13F;
	s22 =	sadd.s32 $0x40, s22;
	v22 =	vmul.f32 $1.442695020e+00, v29;
	v21 =	vpop (erf)  }
0x135: {  	s25 =	sadd.s32 $0x40, s25;
	s26 =	sadd.s32 $0x40, s26;
	s28 =	sadd.s32 $0x40, s28;
	vm3 =	vmand vm2, vm3;
	v24 =	vmin.u32 v26, $0x13F;
	v21 =	vmul.f32 v21, v28  }
0x136: {  	v24 =	vnsel vm1, $0x14C, v24  }
0x137: {  	v19 =	vnsel vm3, $0x14C, v19  }
0x138: {  	v23 =	vnsel vm0, $0x14C, v23  }
0x139: {  	(erf) = vpow2.f32 v22  }
0x13a: {  	v18 =	vld.idx.msk [tilespmem:v18+s13+$0x0], $0xffff;
	(erf) = vrcp.f32 v17;
	[tilespmem:s23+$0x0] =	vst v24  }
0x13b: {  	[tilespmem:s23+$0x10] =	vst v19;
	(erf) = vrcp.f32 v20;
	v59 =	vld.idx.msk [tilespmem:v24+s13+$0x0], $0xffff  }
0x13c: {  	v16 =	vmul.f32 $1.442695020e+00, v16;
	[tilespmem:s23+$0xFFFFFFF0] =	vst v23;
	(erf) = vpow2.f32 v12;
	v12 =	vld.idx.msk [tilespmem:v19+s13+$0x0], $0xffff  }
0x13d: {  	(erf) = vpow2.f32 v14;
	v14 =	vld.idx.msk [tilespmem:v23+s13+$0x0], $0xffff  }
0x13e: {  	(erf) = vpow2.f32 v16  }
0x13f: {  	(erf) = vrcp.f32 v18  }
0x140: {  	(erf) = vrcp.f32 v59  }
0x141: {  	v60 =	vpop (erf);
	(erf) = vrcp.f32 v12  }
0x142: {  	v12 =	vpop (erf);
	(erf) = vrcp.f32 v14  }
0x143: {  	v14 =	vpop (erf)  }
0x144: {  	v15 =	vmul.f32 v60, v15;
	v61 =	vpop (erf)  }
0x145: {  	v13 =	vmul.f32 v14, v13;
	v62 =	vpop (erf)  }
0x146: {  	v63 =	vpop (erf)  }
0x147: {  	[tilespmem:s21+$0xFFFFFFE0] =	vst v21;
	v14 =	vpop (erf)  }
0x148: {  	s29 =	simm.s32 $0x0;
	[tilespmem:s21+$0x0] =	vst v15;
	v11 =	vmul.f32 v61, v11;
	v15 =	vpop (erf)  }
0x149: {  	s30 =	simm.s32 $0x3;
	[tilespmem:s21+$0x10] =	vst v13;
	v12 =	vmul.f32 v15, v12;
	v15 =	vmov s29;
	v13 =	vpop (erf)  }
0x14a: {  	[tilespmem:s21+$0xFFFFFFF0] =	vst v11;
	v15 =	vand.u32 $0xFFFFFFFC, v15;
	v11 =	vmul.f32 v13, v14;
	v13 =	vpop (erf);
	v14 =	vmov s30  }
0x14b: {  	[tilespmem:s22+$0xFFFFFFE0] =	vst v12;
	v15 =	vbroadcast v15, $0x0;
	v12 =	vmul.f32 v13, v62;
	v13 =	vpop (erf)  }
0x14c: {  	[tilespmem:s22+$0x0] =	vst v11;
	v11 =	vmul.f32 v13, v63  }
0x14d: {  	p2 =	por $0x1, $0x1;
	[tilespmem:s22+$0x10] =	vst v12  }
.Ltmp8:
0x14e: {  	[tilespmem:s22+$0xFFFFFFF0] =	vst v11;
	(pc) =	sbr.rel @!p2 .LBB2_12-.Ltmp8, $4  }
0x14f: {  	s31 =	simm.s32 $0x1;
	v11 =	vld.idx.msk [tilespmem:v14+s14+$0x0], $0xffff  }
0x150: {  	v13 =	vmov s31;
	v23 =	vld.idx.msk [tilespmem:v14+s15+$0x0], $0xffff  }
0x151: {  	s24 =	simm.s32 $0x2;
	v13 =	vand.u32 $0xFFFFFFFD, v13;
	v12 =	vld.idx.msk [tilespmem:v15+s14+$0x0], $0xffff  }
0x152: {  	s25 =	simm.s32 $0x4;
	p1 =	por $0x0, $0x0;
	s21 =	simm.s32 $0x180;
	v31 =	vbroadcast v13, $0x0;
	v27 =	vld.idx.msk [tilespmem:v15+s15+$0x0], $0xffff  }
0x153: {  	v13 =	vmov s24  }
0x154: {  	v13 =	vand.u32 $0xFFFFFFFE, v13  }
0x155: {  	v13 =	vbroadcast v13, $0x0;
	_ =	sdelay $0x2  }
0x156: {  	s22 =	simm.s32 $0x100  }
0x157: {  	v14 =	vor.u32 s22, v3;
	_ =	sdelay $0x1  }
0x158: {  	s23 =	simm.s32 $0x80;
	v15 =	vld.idx.msk [tilespmem:v13+s15+$0x0], $0xffff  }
0x159: {  	v17 =	vor.u32 s23, v3  }
0x15a: {  	s30 =	simm.s32 $0x0;
	v16 =	vld.idx.msk [tilespmem:v31+s15+$0x0], $0xffff  }
0x15b: {  	v20 =	vor.u32 s30, v3;
	v21 =	vld.idx.msk [tilespmem:v14+s16+$0x0], $0xffff  }
0x15c: {  	v18 =	vld.idx.msk [tilespmem:v13+s14+$0x0], $0xffff  }
0x15d: {  	v14 =	vld.idx.msk [tilespmem:v31+s14+$0x0], $0xffff;
	v19 =	vshll.u32 v15, $0x7  }
0x15e: {  	v17 =	vld.idx.msk [tilespmem:v17+s16+$0x0], $0xffff;
	v22 =	vor.u32 v3, v19  }
0x15f: {  	v24 =	vor.u32 s22, v4;
	v15 =	vshll.u32 v16, $0x7  }
0x160: {  	v20 =	vld.idx.msk [tilespmem:v20+s16+$0x0], $0xffff;
	v16 =	vor.u32 v3, v15  }
0x161: {  	v25 =	vor.u32 s21, v3;
	v13 =	vshll.u32 v27, $0x7;
	v21 =	vmul.f32 v21, v18  }
0x162: {  	v26 =	vor.u32 v3, v13  }
0x163: {  	v27 =	vor.u32 s23, v4;
	v17 =	vmul.f32 v17, v14;
	[tilespmem:v22+s17+$0x0] =	vst.idx.add.f32.msk $0xffff, v21  }
0x164: {  	v21 =	vor.u32 s30, v4;
	v22 =	vld.idx.msk [tilespmem:v24+s16+$0x0], $0xffff  }
0x165: {  	v20 =	vmul.f32 v20, v12;
	[tilespmem:v16+s17+$0x0] =	vst.idx.add.f32.msk $0xffff, v17  }
0x166: {  	v17 =	vor.u32 v4, v19;
	v24 =	vld.idx.msk [tilespmem:v25+s16+$0x0], $0xffff  }
0x167: {  	[tilespmem:v26+s17+$0x0] =	vst.idx.add.f32.msk $0xffff, v20;
	v20 =	vor.u32 s22, v5;
	v16 =	vshll.u32 v23, $0x7  }
0x168: {  	v23 =	vor.u32 v3, v16;
	v25 =	vld.idx.msk [tilespmem:v27+s16+$0x0], $0xffff  }
0x169: {  	v26 =	vor.u32 s21, v4;
	v21 =	vld.idx.msk [tilespmem:v21+s16+$0x0], $0xffff;
	v22 =	vmul.f32 v22, v18  }
0x16a: {  	v27 =	vor.u32 v4, v15  }
0x16b: {  	v28 =	vor.u32 v4, v13;
	v24 =	vmul.f32 v24, v11;
	[tilespmem:v17+s17+$0x0] =	vst.idx.add.f32.msk $0xffff, v22  }
0x16c: {  	v17 =	vor.u32 s23, v5;
	v20 =	vld.idx.msk [tilespmem:v20+s16+$0x0], $0xffff  }
0x16d: {  	v22 =	vor.u32 s30, v5;
	[tilespmem:v23+s17+$0x0] =	vst.idx.add.f32.msk $0xffff, v24;
	v23 =	vmul.f32 v25, v14  }
0x16e: {  	v25 =	vor.u32 v5, v19;
	v24 =	vld.idx.msk [tilespmem:v26+s16+$0x0], $0xffff;
	v21 =	vmul.f32 v21, v12  }
0x16f: {  	[tilespmem:v27+s17+$0x0] =	vst.idx.add.f32.msk $0xffff, v23  }
0x170: {  	v23 =	vor.u32 s22, v6;
	[tilespmem:v28+s17+$0x0] =	vst.idx.add.f32.msk $0xffff, v21  }
0x171: {  	v26 =	vor.u32 v4, v16;
	v17 =	vld.idx.msk [tilespmem:v17+s16+$0x0], $0xffff;
	v20 =	vmul.f32 v20, v18  }
0x172: {  	v21 =	vor.u32 s21, v5;
	v22 =	vld.idx.msk [tilespmem:v22+s16+$0x0], $0xffff  }
0x173: {  	[tilespmem:v25+s17+$0x0] =	vst.idx.add.f32.msk $0xffff, v20;
	v20 =	vor.u32 v5, v15  }
0x174: {  	s26 =	simm.s32 $0x7;
	v24 =	vmul.f32 v24, v11;
	v25 =	vor.u32 v5, v13  }
0x175: {  	v28 =	vmov s26;
	v23 =	vld.idx.msk [tilespmem:v23+s16+$0x0], $0xffff  }
0x176: {  	v27 =	vor.u32 s23, v6;
	[tilespmem:v26+s17+$0x0] =	vst.idx.add.f32.msk $0xffff, v24;
	v17 =	vmul.f32 v17, v14  }
0x177: {  	v24 =	vor.u32 v6, v19;
	v21 =	vld.idx.msk [tilespmem:v21+s16+$0x0], $0xffff;
	v22 =	vmul.f32 v22, v12  }
0x178: {  	v26 =	vor.u32 s22, v7;
	[tilespmem:v20+s17+$0x0] =	vst.idx.add.f32.msk $0xffff, v17  }
0x179: {  	v17 =	vor.u32 v5, v16;
	[tilespmem:v25+s17+$0x0] =	vst.idx.add.f32.msk $0xffff, v22  }
0x17a: {  	v20 =	vor.u32 s30, v6;
	v25 =	vld.idx.msk [tilespmem:v28+s14+$0x0], $0xffff;
	v22 =	vmul.f32 v23, v18  }
0x17b: {  	v23 =	vor.u32 s21, v6;
	v27 =	vld.idx.msk [tilespmem:v27+s16+$0x0], $0xffff  }
0x17c: {  	v21 =	vmul.f32 v21, v11;
	[tilespmem:v24+s17+$0x0] =	vst.idx.add.f32.msk $0xffff, v22  }
0x17d: {  	v24 =	vor.u32 v6, v15;
	v22 =	vld.idx.msk [tilespmem:v26+s16+$0x0], $0xffff  }
0x17e: {  	[tilespmem:v17+s17+$0x0] =	vst.idx.add.f32.msk $0xffff, v21;
	v17 =	vor.u32 s23, v7  }
0x17f: {  	v30 =	vmov s25;
	v20 =	vld.idx.msk [tilespmem:v20+s16+$0x0], $0xffff;
	v21 =	vor.u32 v7, v19  }
0x180: {  	v29 =	vor.u32 s22, v8;
	v30 =	vand.u32 $0xFFFFFFFC, v30;
	v26 =	vld.idx.msk [tilespmem:v23+s16+$0x0], $0xffff;
	v27 =	vmul.f32 v27, v14  }
0x181: {  	v30 =	vbroadcast v30, $0x0;
	v23 =	vld.idx.msk [tilespmem:v28+s15+$0x0], $0xffff;
	v28 =	vor.u32 v6, v13  }
0x182: {  	[tilespmem:v24+s17+$0x0] =	vst.idx.add.f32.msk $0xffff, v27;
	v22 =	vmul.f32 v22, v18  }
0x183: {  	v24 =	vor.u32 v6, v16;
	v17 =	vld.idx.msk [tilespmem:v17+s16+$0x0], $0xffff  }
0x184: {  	v27 =	vor.u32 s30, v7;
	v20 =	vmul.f32 v20, v12;
	[tilespmem:v21+s17+$0x0] =	vst.idx.add.f32.msk $0xffff, v22  }
0x185: {  	v31 =	vor.u32 s21, v7;
	v21 =	vld.idx.msk [tilespmem:v29+s16+$0x0], $0xffff  }
0x186: {  	v22 =	vmul.f32 v26, v11;
	[tilespmem:v28+s17+$0x0] =	vst.idx.add.f32.msk $0xffff, v20;
	v20 =	vor.u32 v7, v15  }
0x187: {  	v26 =	vor.u32 s23, v8;
	v28 =	vld.idx.msk [tilespmem:v30+s14+$0x0], $0xffff  }
0x188: {  	[tilespmem:v24+s17+$0x0] =	vst.idx.add.f32.msk $0xffff, v22;
	v24 =	vor.u32 v8, v19  }
0x189: {  	v22 =	vld.idx.msk [tilespmem:v27+s16+$0x0], $0xffff;
	v27 =	vor.u32 s22, v9;
	v17 =	vmul.f32 v17, v14  }
0x18a: {  	v29 =	vld.idx.msk [tilespmem:v31+s16+$0x0], $0xffff  }
0x18b: {  	v31 =	vor.u32 v7, v13;
	[tilespmem:v20+s17+$0x0] =	vst.idx.add.f32.msk $0xffff, v17;
	v17 =	vmul.f32 v21, v18  }
0x18c: {  	v33 =	vor.u32 v7, v16;
	v36 =	vld.idx.msk [tilespmem:v26+s16+$0x0], $0xffff  }
0x18d: {  	v37 =	vor.u32 s30, v8;
	[tilespmem:v24+s17+$0x0] =	vst.idx.add.f32.msk $0xffff, v17  }
0x18e: {  	v39 =	vor.u32 s21, v8;
	p2 =	por $0x1, $0x1;
	v17 =	vmul.f32 v22, v12;
	v32 =	vld.idx.msk [tilespmem:v27+s16+$0x0], $0xffff  }
.Ltmp9:
0x18f: {  	s31 =	simm.s32 $0x5;
	v34 =	vor.u32 v8, v15;
	v29 =	vmul.f32 v29, v11;
	v27 =	vld.idx.msk [tilespmem:v30+s15+$0x0], $0xffff;
	(pc) =	sbr.rel @!p2 .LBB2_14-.Ltmp9, $4  }
0x190: {  	v35 =	vor.u32 v9, v19;
	v26 =	vor.u32 s23, v9;
	v30 =	vmov s31;
	[tilespmem:v31+s17+$0x0] =	vst.idx.add.f32.msk $0xffff, v17  }
0x191: {  	v20 =	vor.u32 s30, v10;
	v21 =	vor.u32 s23, v10;
	[tilespmem:v33+s17+$0x0] =	vst.idx.add.f32.msk $0xffff, v29;
	v29 =	vand.u32 $0xFFFFFFFD, v30  }
0x192: {  	s24 =	simm.s32 $0x6;
	v33 =	vld.idx.msk [tilespmem:v37+s16+$0x0], $0xffff;
	v31 =	vbroadcast v29, $0x0;
	v37 =	vor.u32 s22, v10;
	v38 =	vmul.f32 v36, v14  }
0x193: {  	p1 =	por $0x1, $0x1;
	s23 =	simm.s32 $0x8;
	v24 =	vor.u32 s30, v9;
	v22 =	vor.u32 s21, v9;
	v17 =	vor.u32 s21, v10;
	s22 =	simm.s32 $0x180;
	v36 =	vld.idx.msk [tilespmem:v39+s16+$0x0], $0xffff  }
.LBB2_15:
0x194: {  	p2 =	slt.u32 s23, $0xFC;
	v29 =	vmov s24;
	[tilespmem:v34+s17+$0x0] =	vst.idx.add.f32.msk $0xffff, v38;
	v30 =	vmul.f32 v32, v18  }
0x195: {  	v32 =	vor.u32 v8, v13;
	v29 =	vand.u32 $0xFFFFFFFE, v29;
	v38 =	vld.idx.msk [tilespmem:v26+s16+$0x0], $0xffff  }
0x196: {  	v26 =	vbroadcast v29, $0x0;
	[tilespmem:v35+s17+$0x0] =	vst.idx.add.f32.msk $0xffff, v30;
	v29 =	vor.u32 v8, v16  }
0x197: {  	v30 =	vld.idx.msk [tilespmem:v37+s16+$0x0], $0xffff  }
0x198: {  	v33 =	vmul.f32 v33, v12;
	v39 =	vld.idx.msk [tilespmem:v31+s14+$0x0], $0xffff  }
0x199: {  	v41 =	vor.u32 v9, v13;
	v42 =	vor.u32 v9, v15;
	s22 =	sadd.s32 $0x200, s22;
	v40 =	vld.idx.msk [tilespmem:v31+s15+$0x0], $0xffff;
	v31 =	vmul.f32 v36, v11  }
0x19a: {  	v19 =	vor.u32 v10, v19;
	s25 =	sadd.s32 $0xFFFFFE80, s22;
	s26 =	sadd.s32 $0xFFFFFF00, s22;
	s24 =	sadd.s32 $0xFFFFFF80, s22;
	v43 =	vor.u32 s22, v3;
	v44 =	vor.u32 s22, v4;
	[tilespmem:v32+s17+$0x0] =	vst.idx.add.f32.msk $0xffff, v33  }
0x19b: {  	v45 =	vor.u32 s25, v3;
	v46 =	vor.u32 s26, v3;
	v47 =	vor.u32 s24, v3;
	[tilespmem:v29+s17+$0x0] =	vst.idx.add.f32.msk $0xffff, v31  }
0x19c: {  	v48 =	vor.u32 s25, v4;
	v49 =	vor.u32 s25, v5;
	v50 =	vor.u32 s26, v4;
	v51 =	vld.idx.msk [tilespmem:v26+s15+$0x0], $0xffff  }
0x19d: {  	v53 =	vor.u32 s22, v5;
	v52 =	vor.u32 s26, v5;
	v54 =	vld.idx.msk [tilespmem:v24+s16+$0x0], $0xffff;
	v24 =	vmul.f32 v30, v18  }
0x19e: {  	v35 =	vor.u32 s25, v6;
	v37 =	vor.u32 s26, v6;
	v36 =	vor.u32 s22, v6;
	v18 =	vld.idx.msk [tilespmem:v26+s14+$0x0], $0xffff  }
0x19f: {  	v34 =	vor.u32 s26, v7;
	v33 =	vor.u32 s25, v7;
	v32 =	vor.u32 s22, v7;
	[tilespmem:v19+s17+$0x0] =	vst.idx.add.f32.msk $0xffff, v24  }
0x1a0: {  	v31 =	vor.u32 s26, v8;
	v29 =	vor.u32 s22, v8;
	v30 =	vor.u32 s25, v8;
	v47 =	vld.idx.msk [tilespmem:v47+s16+$0x0], $0xffff  }
0x1a1: {  	v55 =	vor.u32 s22, v9;
	v26 =	vor.u32 s26, v9;
	v24 =	vor.u32 s25, v9;
	v45 =	vld.idx.msk [tilespmem:v45+s16+$0x0], $0xffff  }
0x1a2: {  	v56 =	vor.u32 s25, v10;
	v38 =	vmul.f32 v38, v14;
	v19 =	vshll.u32 v51, $0x7;
	v46 =	vld.idx.msk [tilespmem:v46+s16+$0x0], $0xffff  }
0x1a3: {  	v51 =	vor.u32 s26, v10;
	v57 =	vor.u32 v3, v19;
	v54 =	vmul.f32 v54, v12;
	v43 =	vld.idx.msk [tilespmem:v43+s16+$0x0], $0xffff  }
0x1a4: {  	v59 =	vor.u32 s22, v10;
	v58 =	vor.u32 s24, v4;
	v40 =	vshll.u32 v40, $0x7;
	v60 =	vld.idx.msk [tilespmem:v22+s16+$0x0], $0xffff;
	v22 =	vmovc v55  }
0x1a5: {  	v27 =	vshll.u32 v27, $0x7;
	v55 =	vor.u32 v3, v40;
	[tilespmem:v42+s17+$0x0] =	vst.idx.add.f32.msk $0xffff, v38  }
0x1a6: {  	v23 =	vshll.u32 v23, $0x7;
	v38 =	vor.u32 v3, v27;
	v42 =	vmul.f32 v47, v18;
	[tilespmem:v41+s17+$0x0] =	vst.idx.add.f32.msk $0xffff, v54  }
0x1a7: {  	v41 =	vmul.f32 v45, v28;
	v45 =	vor.u32 v3, v23;
	v47 =	vld.idx.msk [tilespmem:v21+s16+$0x0], $0xffff;
	v21 =	vmov v51  }
0x1a8: {  	v46 =	vmul.f32 v46, v39;
	[tilespmem:v57+s17+$0x0] =	vst.idx.add.f32.msk $0xffff, v42  }
0x1a9: {  	v43 =	vmul.f32 v43, v25;
	v42 =	vld.idx.msk [tilespmem:v58+s16+$0x0], $0xffff  }
0x1aa: {  	[tilespmem:v55+s17+$0x0] =	vst.idx.add.f32.msk $0xffff, v46;
	v46 =	vmul.f32 v60, v11  }
0x1ab: {  	[tilespmem:v38+s17+$0x0] =	vst.idx.add.f32.msk $0xffff, v41;
	v38 =	vor.u32 v9, v16  }
0x1ac: {  	v41 =	vor.u32 v4, v19;
	[tilespmem:v45+s17+$0x0] =	vst.idx.add.f32.msk $0xffff, v43  }
0x1ad: {  	v45 =	vor.u32 s24, v5;
	v47 =	vmul.f32 v47, v14;
	v14 =	vmov v39;
	v43 =	vld.idx.msk [tilespmem:v50+s16+$0x0], $0xffff  }
0x1ae: {  	v39 =	vld.idx.msk [tilespmem:v48+s16+$0x0], $0xffff  }
0x1af: {  	v42 =	vmul.f32 v42, v18;
	v44 =	vld.idx.msk [tilespmem:v44+s16+$0x0], $0xffff  }
0x1b0: {  	v48 =	vor.u32 v4, v40;
	[tilespmem:v38+s17+$0x0] =	vst.idx.add.f32.msk $0xffff, v46  }
0x1b1: {  	v38 =	vor.u32 v4, v27;
	[tilespmem:v41+s17+$0x0] =	vst.idx.add.f32.msk $0xffff, v42  }
0x1b2: {  	v42 =	vor.u32 v4, v23;
	v41 =	vld.idx.msk [tilespmem:v45+s16+$0x0], $0xffff  }
0x1b3: {  	v43 =	vmul.f32 v43, v14;
	v45 =	vld.idx.msk [tilespmem:v20+s16+$0x0], $0xffff;
	v20 =	vmov v56  }
0x1b4: {  	v39 =	vmul.f32 v39, v28;
	v46 =	vld.idx.msk [tilespmem:v17+s16+$0x0], $0xffff;
	v17 =	vmov v59  }
0x1b5: {  	v44 =	vmul.f32 v44, v25;
	[tilespmem:v48+s17+$0x0] =	vst.idx.add.f32.msk $0xffff, v43;
	v43 =	vor.u32 v5, v19  }
0x1b6: {  	[tilespmem:v38+s17+$0x0] =	vst.idx.add.f32.msk $0xffff, v39;
	v38 =	vor.u32 s24, v6  }
0x1b7: {  	[tilespmem:v42+s17+$0x0] =	vst.idx.add.f32.msk $0xffff, v44  }
0x1b8: {  	v41 =	vmul.f32 v41, v18;
	v42 =	vor.u32 v10, v15;
	v15 =	vmov v40;
	v39 =	vld.idx.msk [tilespmem:v52+s16+$0x0], $0xffff  }
0x1b9: {  	v44 =	vmul.f32 v45, v12;
	v45 =	vor.u32 v10, v13;
	v13 =	vmovc v27;
	v12 =	vmov v28;
	v40 =	vld.idx.msk [tilespmem:v49+s16+$0x0], $0xffff  }
0x1ba: {  	v28 =	vor.u32 v10, v16;
	v16 =	vmov v23;
	v27 =	vmul.f32 v46, v11;
	[tilespmem:v43+s17+$0x0] =	vst.idx.add.f32.msk $0xffff, v41  }
0x1bb: {  	v23 =	vor.u32 v5, v15;
	v11 =	vmov v25;
	v38 =	vld.idx.msk [tilespmem:v38+s16+$0x0], $0xffff  }
0x1bc: {  	v25 =	vor.u32 v5, v13;
	v41 =	vld.idx.msk [tilespmem:v53+s16+$0x0], $0xffff  }
0x1bd: {  	[tilespmem:v42+s17+$0x0] =	vst.idx.add.f32.msk $0xffff, v47  }
0x1be: {  	v39 =	vmul.f32 v39, v14;
	v42 =	vor.u32 v6, v19;
	[tilespmem:v45+s17+$0x0] =	vst.idx.add.f32.msk $0xffff, v44  }
0x1bf: {  	v43 =	vor.u32 s24, v7;
	v40 =	vmul.f32 v40, v12;
	[tilespmem:v28+s17+$0x0] =	vst.idx.add.f32.msk $0xffff, v27  }
0x1c0: {  	[tilespmem:v23+s17+$0x0] =	vst.idx.add.f32.msk $0xffff, v39;
	v23 =	vor.u32 v5, v16  }
0x1c1: {  	[tilespmem:v25+s17+$0x0] =	vst.idx.add.f32.msk $0xffff, v40;
	v25 =	vmul.f32 v38, v18  }
0x1c2: {  	s25 =	sadd.s32 $0x3, s23;
	v28 =	vmul.f32 v41, v11;
	v27 =	vld.idx.msk [tilespmem:v37+s16+$0x0], $0xffff  }
0x1c3: {  	v37 =	vmov s25;
	[tilespmem:v42+s17+$0x0] =	vst.idx.add.f32.msk $0xffff, v25  }
0x1c4: {  	v38 =	vld.idx.msk [tilespmem:v43+s16+$0x0], $0xffff  }
0x1c5: {  	v39 =	vor.u32 v6, v15;
	[tilespmem:v23+s17+$0x0] =	vst.idx.add.f32.msk $0xffff, v28  }
0x1c6: {  	v28 =	vld.idx.msk [tilespmem:v35+s16+$0x0], $0xffff  }
0x1c7: {  	v35 =	vor.u32 v7, v19;
	v36 =	vld.idx.msk [tilespmem:v36+s16+$0x0], $0xffff  }
0x1c8: {  	v40 =	vor.u32 s24, v8;
	v27 =	vmul.f32 v27, v14;
	v25 =	vld.idx.msk [tilespmem:v37+s14+$0x0], $0xffff  }
0x1c9: {  	v23 =	vld.idx.msk [tilespmem:v37+s15+$0x0], $0xffff;
	v37 =	vor.u32 v6, v13  }
0x1ca: {  	v41 =	vmov s23;
	[tilespmem:v39+s17+$0x0] =	vst.idx.add.f32.msk $0xffff, v27;
	v27 =	vmul.f32 v38, v18;
	v38 =	vor.u32 v6, v16  }
0x1cb: {  	v39 =	vand.u32 $0xFFFFFFFC, v41;
	v34 =	vld.idx.msk [tilespmem:v34+s16+$0x0], $0xffff  }
0x1cc: {  	v39 =	vbroadcast v39, $0x0;
	v28 =	vmul.f32 v28, v12;
	[tilespmem:v35+s17+$0x0] =	vst.idx.add.f32.msk $0xffff, v27  }
0x1cd: {  	v35 =	vmul.f32 v36, v11;
	v27 =	vld.idx.msk [tilespmem:v40+s16+$0x0], $0xffff  }
0x1ce: {  	v36 =	vor.u32 v7, v15;
	[tilespmem:v37+s17+$0x0] =	vst.idx.add.f32.msk $0xffff, v28  }
0x1cf: {  	[tilespmem:v38+s17+$0x0] =	vst.idx.add.f32.msk $0xffff, v35  }
0x1d0: {  	v35 =	vor.u32 v8, v19;
	v33 =	vld.idx.msk [tilespmem:v33+s16+$0x0], $0xffff  }
0x1d1: {  	v37 =	vor.u32 s24, v9;
	v34 =	vmul.f32 v34, v14;
	v38 =	vld.idx.msk [tilespmem:v32+s16+$0x0], $0xffff  }
0x1d2: {  	v28 =	vld.idx.msk [tilespmem:v39+s14+$0x0], $0xffff  }
0x1d3: {  	v40 =	vor.u32 v7, v13;
	v27 =	vmul.f32 v27, v18;
	[tilespmem:v36+s17+$0x0] =	vst.idx.add.f32.msk $0xffff, v34  }
0x1d4: {  	v36 =	vld.idx.msk [tilespmem:v31+s16+$0x0], $0xffff;
	v31 =	vor.u32 v7, v16  }
0x1d5: {  	[tilespmem:v35+s17+$0x0] =	vst.idx.add.f32.msk $0xffff, v27  }
0x1d6: {  	v33 =	vmul.f32 v33, v12;
	v32 =	vld.idx.msk [tilespmem:v37+s16+$0x0], $0xffff  }
.Ltmp10:
0x1d7: {  	s25 =	sadd.s32 $0x1, s23;
	v34 =	vor.u32 v8, v15;
	v37 =	vmul.f32 v38, v11;
	v27 =	vld.idx.msk [tilespmem:v39+s15+$0x0], $0xffff;
	(pc) =	sbr.rel @p2 .LBB2_15-.Ltmp10, $4  }
0x1d8: {  	v35 =	vmov s25;
	[tilespmem:v40+s17+$0x0] =	vst.idx.add.f32.msk $0xffff, v33  }
0x1d9: {  	v33 =	vand.u32 $0xFFFFFFFD, v35;
	v35 =	vor.u32 v9, v19;
	[tilespmem:v31+s17+$0x0] =	vst.idx.add.f32.msk $0xffff, v37  }
0x1da: {  	v31 =	vbroadcast v33, $0x0;
	v38 =	vmul.f32 v36, v14;
	v37 =	vor.u32 s24, v10;
	v33 =	vld.idx.msk [tilespmem:v30+s16+$0x0], $0xffff  }
0x1db: {  	s24 =	sadd.s32 $0x2, s23;
	s23 =	sadd.s32 $0x4, s23;
	v36 =	vld.idx.msk [tilespmem:v29+s16+$0x0], $0xffff  }
0x1dc: {  	v29 =	vmovc v12;
	v30 =	vmov v11;
	v12 =	vmov v28;
	v11 =	vmov v25  }
.LBB2_17:
0x1dd: {  	_ =	sdelay $0x3  }
0x1de: {  	[tilespmem:v34+s17+$0x0] =	vst.idx.add.f32.msk @p1 $0xffff, v38;
	v28 =	vmul.f32 @p1 v32, v18;
	v32 =	vor.u32 @p1 v8, v13  }
0x1df: {  	v25 =	vmov s24;
	s22 =	sadd.s32 @p1 $0x200, s22;
	v52 =	vld.idx.msk [tilespmem:v31+s15+$0x0], $0xffff  }
0x1e0: {  	v25 =	vand.u32 $0xFFFFFFFE, v25;
	s21 =	smov.u32 @p1 s22;
	[tilespmem:v35+s17+$0x0] =	vst.idx.add.f32.msk @p1 $0xffff, v28;
	v28 =	vor.u32 @p1 v8, v16  }
0x1e1: {  	v51 =	vbroadcast v25, $0x0;
	v25 =	vld.idx.msk [tilespmem:v31+s14+$0x0], $0xffff;
	v33 =	vmul.f32 @p1 v33, v29;
	v57 =	vor.u32 s21, v3  }
0x1e2: {  	s22 =	sadd.s32 $0xFFFFFE80, s21;
	v35 =	vld.idx.msk @p1 [tilespmem:v37+s16+$0x0], $0xffff  }
0x1e3: {  	s23 =	sadd.s32 $0xFFFFFF00, s21;
	v36 =	vmul.f32 @p1 v36, v30;
	v54 =	vor.u32 s22, v3;
	[tilespmem:v32+s17+$0x0] =	vst.idx.add.f32.msk @p1 $0xffff, v33  }
0x1e4: {  	v56 =	vor.u32 s23, v3;
	v24 =	vld.idx.msk @p1 [tilespmem:v24+s16+$0x0], $0xffff  }
0x1e5: {  	[tilespmem:v28+s17+$0x0] =	vst.idx.add.f32.msk @p1 $0xffff, v36  }
0x1e6: {  	s31 =	sadd.s32 $0xFFFFFF80, s21;
	v37 =	vld.idx.msk [tilespmem:v57+s16+$0x0], $0xffff  }
0x1e7: {  	v53 =	vor.u32 s31, v3;
	v55 =	vld.idx.msk [tilespmem:v51+s15+$0x0], $0xffff  }
0x1e8: {  	v19 =	vor.u32 @p1 v10, v19;
	v28 =	vld.idx.msk [tilespmem:v54+s16+$0x0], $0xffff  }
0x1e9: {  	v23 =	vshll.u32 v23, $0x7;
	v36 =	vld.idx.msk [tilespmem:v56+s16+$0x0], $0xffff  }
0x1ea: {  	v61 =	vor.u32 v3, v23;
	v35 =	vmul.f32 @p1 v35, v18;
	v39 =	vld.idx.msk @p1 [tilespmem:v22+s16+$0x0], $0xffff;
	v22 =	vshll.u32 v27, $0x7  }
0x1eb: {  	v18 =	vld.idx.msk [tilespmem:v51+s14+$0x0], $0xffff;
	v60 =	vor.u32 v3, v22;
	v38 =	vmul.f32 @p1 v24, v29;
	v24 =	vshll.u32 v52, $0x7  }
0x1ec: {  	v32 =	vld.idx.msk [tilespmem:v53+s16+$0x0], $0xffff;
	v59 =	vor.u32 v3, v24  }
0x1ed: {  	v62 =	vor.u32 s23, v4;
	[tilespmem:v19+s17+$0x0] =	vst.idx.add.f32.msk @p1 $0xffff, v35;
	v37 =	vmul.f32 v37, v11;
	v19 =	vshll.u32 v55, $0x7  }
0x1ee: {  	v26 =	vld.idx.msk @p1 [tilespmem:v26+s16+$0x0], $0xffff;
	v28 =	vmul.f32 v28, v12;
	v33 =	vor.u32 v3, v19  }
0x1ef: {  	v63 =	vor.u32 s22, v4;
	v36 =	vmul.f32 v36, v25;
	[tilespmem:v61+s17+$0x0] =	vst.idx.add.f32.msk $0xffff, v37  }
0x1f0: {  	v40 =	vor.u32 s21, v4;
	[tilespmem:v60+s17+$0x0] =	vst.idx.add.f32.msk $0xffff, v28  }
0x1f1: {  	v32 =	vmul.f32 v32, v18;
	[tilespmem:v59+s17+$0x0] =	vst.idx.add.f32.msk $0xffff, v36  }
0x1f2: {  	v34 =	vor.u32 @p1 v9, v15;
	v42 =	vld.idx.msk [tilespmem:v62+s16+$0x0], $0xffff  }
0x1f3: {  	v58 =	vor.u32 s31, v4;
	[tilespmem:v33+s17+$0x0] =	vst.idx.add.f32.msk $0xffff, v32  }
0x1f4: {  	v44 =	vor.u32 v4, v24;
	v32 =	vld.idx.msk [tilespmem:v63+s16+$0x0], $0xffff  }
0x1f5: {  	v45 =	vor.u32 s23, v5;
	v26 =	vmul.f32 @p1 v26, v14;
	v33 =	vld.idx.msk [tilespmem:v40+s16+$0x0], $0xffff  }
0x1f6: {  	v46 =	vor.u32 v4, v22  }
0x1f7: {  	v48 =	vor.u32 v4, v23;
	[tilespmem:v34+s17+$0x0] =	vst.idx.add.f32.msk @p1 $0xffff, v26;
	v28 =	vmul.f32 v42, v25  }
0x1f8: {  	v47 =	vor.u32 s22, v5;
	v31 =	vld.idx.msk [tilespmem:v58+s16+$0x0], $0xffff  }
0x1f9: {  	v49 =	vor.u32 s21, v5;
	v32 =	vmul.f32 v32, v12;
	[tilespmem:v44+s17+$0x0] =	vst.idx.add.f32.msk $0xffff, v28  }
0x1fa: {  	v35 =	vor.u32 @p1 v9, v13;
	v33 =	vmul.f32 v33, v11;
	v36 =	vld.idx.msk [tilespmem:v45+s16+$0x0], $0xffff  }
0x1fb: {  	v41 =	vor.u32 v4, v19;
	[tilespmem:v46+s17+$0x0] =	vst.idx.add.f32.msk $0xffff, v32  }
0x1fc: {  	v43 =	vor.u32 s31, v5;
	[tilespmem:v48+s17+$0x0] =	vst.idx.add.f32.msk $0xffff, v33  }
0x1fd: {  	v52 =	vor.u32 v5, v24;
	v27 =	vld.idx.msk [tilespmem:v47+s16+$0x0], $0xffff  }
0x1fe: {  	v53 =	vor.u32 s23, v6;
	v31 =	vmul.f32 v31, v18;
	v34 =	vld.idx.msk [tilespmem:v49+s16+$0x0], $0xffff  }
0x1ff: {  	v54 =	vor.u32 v5, v22;
	[tilespmem:v35+s17+$0x0] =	vst.idx.add.f32.msk @p1 $0xffff, v38  }
0x200: {  	v57 =	vor.u32 v5, v23;
	[tilespmem:v41+s17+$0x0] =	vst.idx.add.f32.msk $0xffff, v31;
	v56 =	vmul.f32 v36, v25  }
0x201: {  	v55 =	vor.u32 s22, v6;
	v31 =	vld.idx.msk [tilespmem:v43+s16+$0x0], $0xffff  }
0x202: {  	v58 =	vor.u32 s21, v6;
	v27 =	vmul.f32 v27, v12;
	[tilespmem:v52+s17+$0x0] =	vst.idx.add.f32.msk $0xffff, v56  }
0x203: {  	v26 =	vor.u32 @p1 v9, v16;
	v61 =	vmul.f32 v34, v11;
	v32 =	vld.idx.msk [tilespmem:v53+s16+$0x0], $0xffff  }
0x204: {  	v50 =	vor.u32 v5, v19;
	[tilespmem:v54+s17+$0x0] =	vst.idx.add.f32.msk $0xffff, v27  }
0x205: {  	v51 =	vor.u32 s31, v6;
	[tilespmem:v57+s17+$0x0] =	vst.idx.add.f32.msk $0xffff, v61  }
0x206: {  	v35 =	vmul.f32 @p1 v39, v30;
	v62 =	vor.u32 v6, v24;
	v63 =	vld.idx.msk [tilespmem:v55+s16+$0x0], $0xffff  }
0x207: {  	v40 =	vor.u32 s23, v7;
	v31 =	vmul.f32 v31, v18;
	v27 =	vld.idx.msk [tilespmem:v58+s16+$0x0], $0xffff  }
0x208: {  	[tilespmem:v26+s17+$0x0] =	vst.idx.add.f32.msk @p1 $0xffff, v35;
	v41 =	vor.u32 v6, v22  }
0x209: {  	v44 =	vor.u32 v6, v23;
	[tilespmem:v50+s17+$0x0] =	vst.idx.add.f32.msk $0xffff, v31;
	v43 =	vmul.f32 v32, v25  }
0x20a: {  	v42 =	vor.u32 s22, v7;
	v26 =	vld.idx.msk [tilespmem:v51+s16+$0x0], $0xffff  }
0x20b: {  	v45 =	vor.u32 s21, v7;
	v46 =	vmul.f32 v63, v12;
	[tilespmem:v62+s17+$0x0] =	vst.idx.add.f32.msk $0xffff, v43  }
0x20c: {  	v27 =	vmul.f32 v27, v11;
	v48 =	vld.idx.msk [tilespmem:v40+s16+$0x0], $0xffff  }
0x20d: {  	v59 =	vor.u32 v6, v19;
	[tilespmem:v41+s17+$0x0] =	vst.idx.add.f32.msk $0xffff, v46  }
0x20e: {  	v60 =	vor.u32 s31, v7;
	[tilespmem:v44+s17+$0x0] =	vst.idx.add.f32.msk $0xffff, v27  }
0x20f: {  	v50 =	vor.u32 v7, v24;
	v31 =	vld.idx.msk [tilespmem:v42+s16+$0x0], $0xffff  }
0x210: {  	v51 =	vor.u32 s23, v8;
	v26 =	vmul.f32 v26, v18;
	v27 =	vld.idx.msk [tilespmem:v45+s16+$0x0], $0xffff  }
0x211: {  	v52 =	vor.u32 v7, v22  }
0x212: {  	v55 =	vor.u32 v7, v23;
	[tilespmem:v59+s17+$0x0] =	vst.idx.add.f32.msk $0xffff, v26;
	v54 =	vmul.f32 v48, v25  }
0x213: {  	v53 =	vor.u32 s22, v8;
	v28 =	vld.idx.msk [tilespmem:v60+s16+$0x0], $0xffff  }
0x214: {  	v56 =	vor.u32 s21, v8;
	v57 =	vmul.f32 v31, v12;
	[tilespmem:v50+s17+$0x0] =	vst.idx.add.f32.msk $0xffff, v54  }
0x215: {  	v47 =	vor.u32 v7, v19;
	v27 =	vmul.f32 v27, v11;
	v59 =	vld.idx.msk [tilespmem:v51+s16+$0x0], $0xffff  }
0x216: {  	v49 =	vor.u32 s31, v8;
	[tilespmem:v52+s17+$0x0] =	vst.idx.add.f32.msk $0xffff, v57  }
0x217: {  	[tilespmem:v55+s17+$0x0] =	vst.idx.add.f32.msk $0xffff, v27  }
0x218: {  	v61 =	vor.u32 v8, v24;
	v28 =	vmul.f32 v28, v18;
	v32 =	vld.idx.msk [tilespmem:v53+s16+$0x0], $0xffff  }
0x219: {  	v62 =	vor.u32 s23, v9;
	v27 =	vld.idx.msk [tilespmem:v56+s16+$0x0], $0xffff  }
0x21a: {  	v63 =	vor.u32 v8, v22;
	[tilespmem:v47+s17+$0x0] =	vst.idx.add.f32.msk $0xffff, v28  }
0x21b: {  	v43 =	vor.u32 v8, v23;
	v33 =	vld.idx.msk [tilespmem:v49+s16+$0x0], $0xffff;
	v41 =	vmul.f32 v59, v25  }
0x21c: {  	v21 =	vld.idx.msk @p1 [tilespmem:v21+s16+$0x0], $0xffff;
	v40 =	vor.u32 s22, v9  }
0x21d: {  	v58 =	vor.u32 v8, v19;
	v45 =	vmul.f32 v32, v12;
	[tilespmem:v61+s17+$0x0] =	vst.idx.add.f32.msk $0xffff, v41  }
0x21e: {  	v44 =	vor.u32 s21, v9;
	v27 =	vmul.f32 v27, v11;
	v28 =	vld.idx.msk [tilespmem:v62+s16+$0x0], $0xffff  }
0x21f: {  	v60 =	vor.u32 s31, v9;
	[tilespmem:v63+s17+$0x0] =	vst.idx.add.f32.msk $0xffff, v45  }
0x220: {  	v33 =	vmul.f32 v33, v18;
	[tilespmem:v43+s17+$0x0] =	vst.idx.add.f32.msk $0xffff, v27  }
0x221: {  	v34 =	vld.idx.msk [tilespmem:v40+s16+$0x0], $0xffff  }
0x222: {  	v48 =	vor.u32 v9, v24;
	[tilespmem:v58+s17+$0x0] =	vst.idx.add.f32.msk $0xffff, v33  }
0x223: {  	v50 =	vor.u32 v9, v22;
	v33 =	vld.idx.msk [tilespmem:v44+s16+$0x0], $0xffff  }
0x224: {  	v51 =	vor.u32 s23, v10;
	v42 =	vld.idx.msk [tilespmem:v60+s16+$0x0], $0xffff  }
0x225: {  	v20 =	vld.idx.msk @p1 [tilespmem:v20+s16+$0x0], $0xffff;
	v53 =	vor.u32 v9, v23;
	v52 =	vmul.f32 v28, v25  }
0x226: {  	v17 =	vld.idx.msk @p1 [tilespmem:v17+s16+$0x0], $0xffff;
	v46 =	vor.u32 v9, v19;
	v34 =	vmul.f32 v34, v12  }
0x227: {  	v54 =	vor.u32 s22, v10;
	[tilespmem:v48+s17+$0x0] =	vst.idx.add.f32.msk $0xffff, v52  }
0x228: {  	v55 =	vor.u32 s21, v10;
	v56 =	vmul.f32 v33, v11;
	[tilespmem:v50+s17+$0x0] =	vst.idx.add.f32.msk $0xffff, v34  }
0x229: {  	v47 =	vor.u32 s31, v10;
	v49 =	vmul.f32 v42, v18;
	v57 =	vld.idx.msk [tilespmem:v51+s16+$0x0], $0xffff  }
0x22a: {  	v15 =	vor.u32 @p1 v10, v15;
	[tilespmem:v53+s17+$0x0] =	vst.idx.add.f32.msk $0xffff, v56  }
0x22b: {  	v13 =	vor.u32 @p1 v10, v13;
	[tilespmem:v46+s17+$0x0] =	vst.idx.add.f32.msk $0xffff, v49  }
0x22c: {  	v16 =	vor.u32 @p1 v10, v16;
	v58 =	vld.idx.msk [tilespmem:v54+s16+$0x0], $0xffff  }
0x22d: {  	v14 =	vmul.f32 @p1 v21, v14;
	v24 =	vor.u32 v10, v24;
	v27 =	vld.idx.msk [tilespmem:v55+s16+$0x0], $0xffff  }
0x22e: {  	v20 =	vmul.f32 @p1 v20, v29;
	v59 =	vor.u32 v10, v22;
	v26 =	vld.idx.msk [tilespmem:v47+s16+$0x0], $0xffff  }
0x22f: {  	[tilespmem:v15+s17+$0x0] =	vst.idx.add.f32.msk @p1 $0xffff, v14;
	v17 =	vmul.f32 @p1 v17, v30;
	v61 =	vor.u32 v10, v23  }
0x230: {  	[tilespmem:v13+s17+$0x0] =	vst.idx.add.f32.msk @p1 $0xffff, v20;
	v19 =	vor.u32 v10, v19;
	v62 =	vmul.f32 v57, v25  }
.Ltmp11:
0x231: {  	[tilespmem:v16+s17+$0x0] =	vst.idx.add.f32.msk @p1 $0xffff, v17;
	v63 =	vmul.f32 v58, v12;
	(pc) =	sbr.rel @p0 .LBB2_27-.Ltmp11, $4  }
0x232: {  	v11 =	vmul.f32 v27, v11;
	[tilespmem:v24+s17+$0x0] =	vst.idx.add.f32.msk $0xffff, v62  }
0x233: {  	v60 =	vmul.f32 v26, v18;
	[tilespmem:v59+s17+$0x0] =	vst.idx.add.f32.msk $0xffff, v63  }
0x234: {  	[tilespmem:v61+s17+$0x0] =	vst.idx.add.f32.msk $0xffff, v11  }
0x235: {  	[tilespmem:v19+s17+$0x0] =	vst.idx.add.f32.msk $0xffff, v60  }
0x236: {  	_ =	swait.ge [sflag:s18], $0x8000  }
0x237: {  	[sflag:s18] =	ssyncset.done $0x0  }
0x238: {  	s20 =	sadd.s32 $0x2, s20;
	[sflag:s18] =	ssyncadd.s32 $0xFFFF8000  }
0x239: {  	p0 =	sge.s32 s20, s4;
	_ =	swait.ge [sflag:s18], $0x100  }
0x23a: {  	s20 =	sshll.u32 @!p0 s20, $0x8;
	[sflag:s18] =	ssyncset.done $0x0  }
0x23b: {  	s20 =	sadd.s32 @!p0 s3, s20;
	[sflag:s18] =	ssyncadd.s32 $0xFFFFFF00  }
0x23c: {  	s22 =	simm.s32 @!p0 $0x0;
	s21 =	sshll.u32 @!p0 s20, $0x4;
	_ =	swait.ge [sflag:s18], $0x100  }
0x23d: {  	s23 =	simm.s32 @!p0 $0xAA00;
	s21 =	sand.u32 @!p0 $0x1FFFFE00, s21;
	[sflag:s18] =	ssyncset.done $0x0  }
0x23e: {  	s20 =	sshrl.u32 @!p0 s20, $0x3;
	s21 =	sadd.s32 @!p0 s5, s21;
	[sflag:s18] =	ssyncadd.s32 $0xFFFFFF00  }
0x23f: {  	[tilespmem:s23], [sflag:$0x1] =	stream.linear.gather @!p0 [hbm4b:s21+s22], $0x8000, $0x38;
	[tilespmem:$0x1B000] =	vst v63  }
0x240: {  	s21 =	sadd.s32 @!p0 s2, s20;
	s23 =	simm.s32 @!p0 $0x1AA00  }
0x241: {  	[tilespmem:s23], [sflag:$0x1] =	stream.linear.gather @!p0 [hbm4b:s21+s22], $0x100, $0x38;
	[tilespmem:$0x1B000] =	vst v63  }
0x242: {  	s30 =	simm.s32 $0x1AD20;
	s20 =	sadd.s32 @!p0 s6, s20;
	s21 =	simm.s32 @!p0 $0x1AC00  }
0x243: {  	[tilespmem:s21], [sflag:$0x1] =	stream.linear.gather @!p0 [hbm4b:s20+s22], $0x100, $0x38;
	[tilespmem:$0x1B000] =	vst v63  }
0x244: {  	s31 =	simm.s32 $0x1AB20;
	v11 =	vld [tilespmem:s30+$0xFFFFFFE0]  }
0x245: {  	s24 =	sadd.s32 $0xFFFFFFE0, s11;
	v12 =	vld [tilespmem:s31+$0x10]  }
0x246: {  	v14 =	vor.u32 s24, v3;
	v15 =	vld [tilespmem:s31+$0xFFFFFFF0]  }
0x247: {  	vm0 =	vge.s32 v14, v1;
	vm2 =	vlt.s32 v14, v2;
	s23 =	sadd.s32 $0xFFFFFFD0, s11;
	v14 =	vld [tilespmem:s30+$0x10]  }
0x248: {  	v13 =	vor.u32 s23, v3;
	v16 =	vld [tilespmem:s30+$0x0]  }
0x249: {  	s25 =	sadd.s32 $0xFFFFFFF0, s11;
	vm1 =	vge.s32 v13, v1;
	vm3 =	vlt.s32 v13, v2;
	v17 =	vld [tilespmem:s30+$0xFFFFFFF0]  }
0x24a: {  	vm0 =	vmand vm0, vm2;
	v13 =	vor.u32 s25, v3;
	vm1 =	vmand vm1, vm3;
	v18 =	vld [tilespmem:s31+$0xFFFFFFE0]  }
0x24b: {  	vm2 =	vlt.s32 v13, v2;
	vm3 =	vge.s32 v13, v1;
	v19 =	vld [tilespmem:s31+$0x0];
	v11 =	vsub.s32 v11, v0  }
0x24c: {  	vm2 =	vmand vm3, vm2;
	vm4 =	vgt.s32 v11, $0x0  }
0x24d: {  	v12 =	vmul.f32 $1.442695020e+00, v12;
	v13 =	vmul.f32 $1.442695020e+00, v15;
	v11 =	vnsel vm4, $0x0, v11  }
0x24e: {  	v15 =	vor.u32 s11, v3;
	v14 =	vsub.s32 v14, v0;
	v11 =	vmin.u32 v11, $0x13F  }
0x24f: {  	v16 =	vsub.s32 v16, v0;
	v17 =	vsub.s32 v17, v0;
	v11 =	vnsel vm1, $0x14C, v11  }
0x250: {  	v18 =	vmul.f32 $1.442695020e+00, v18;
	v19 =	vmul.f32 $1.442695020e+00, v19;
	vm3 =	vlt.s32 v15, v2  }
0x251: {  	s24 =	sadd.s32 $0x40, s11;
	vm5 =	vgt.s32 v17, $0x0;
	vm4 =	vgt.s32 v14, $0x0;
	vm1 =	vgt.s32 v16, $0x0  }
0x252: {  	s26 =	simm.s32 $0x1AE20;
	s28 =	simm.s32 $0x1AD60;
	s25 =	sadd.s32 $0xFFFFFFE0, s24;
	v17 =	vnsel vm5, $0x0, v17;
	(erf) = vpow2.f32 v18;
	v16 =	vnsel vm1, $0x0, v16  }
0x253: {  	v18 =	vor.u32 s25, v3;
	[tilespmem:s26+$0xFFFFFFE0] =	vst v11;
	vm1 =	vge.s32 v15, v1;
	v15 =	vmin.u32 v16, $0x13F;
	v16 =	vld [tilespmem:s28+$0xFFFFFFE0]  }
0x254: {  	s30 =	sadd.s32 $0xFFFFFFD0, s24;
	v14 =	vnsel vm4, $0x0, v14;
	v17 =	vmin.u32 v17, $0x13F;
	(erf) = vpow2.f32 v12;
	v11 =	vld.idx.msk [tilespmem:v11+s13+$0x0], $0xffff  }
0x255: {  	s29 =	simm.s32 $0x1AB60;
	v14 =	vmin.u32 v14, $0x13F;
	v20 =	vnsel vm0, $0x14C, v17;
	v17 =	vor.u32 s30, v3  }
0x256: {  	v22 =	vld [tilespmem:s29+$0xFFFFFFF0];
	vm0 =	vge.s32 v18, v1;
	(erf) = vpow2.f32 v13;
	v15 =	vnsel vm2, $0x14C, v15  }
0x257: {  	vm4 =	vlt.s32 v17, v2;
	vm1 =	vmand vm1, vm3;
	vm3 =	vlt.s32 v18, v2;
	v18 =	vld [tilespmem:s28+$0x10]  }
0x258: {  	v21 =	vld [tilespmem:s29+$0x10];
	s31 =	sadd.s32 $0xFFFFFFF0, s24;
	(erf) = vpow2.f32 v19;
	vm2 =	vge.s32 v17, v1;
	vm0 =	vmand vm0, vm3  }
0x259: {  	v19 =	vld [tilespmem:s28+$0xFFFFFFF0];
	v17 =	vor.u32 s31, v3;
	(erf) = vrcp.f32 v11;
	v11 =	vsub.s32 v16, v0  }
0x25a: {  	v13 =	vld [tilespmem:s28+$0x0];
	v23 =	vnsel vm1, $0x14C, v14;
	vm3 =	vmand vm2, vm4;
	[tilespmem:s26+$0x0] =	vst v15;
	vm4 =	vgt.s32 v11, $0x0  }
0x25b: {  	vm1 =	vlt.s32 v17, v2;
	vm2 =	vge.s32 v17, v1;
	v17 =	vld.idx.msk [tilespmem:v15+s13+$0x0], $0xffff;
	v11 =	vnsel vm4, $0x0, v11  }
0x25c: {  	v14 =	vmul.f32 $1.442695020e+00, v22;
	v22 =	vld [tilespmem:s29+$0xFFFFFFE0];
	v15 =	vsub.s32 v18, v0;
	v11 =	vmin.u32 v11, $0x13F  }
0x25d: {  	v12 =	vmul.f32 $1.442695020e+00, v21;
	v18 =	vnsel vm3, $0x14C, v11;
	vm3 =	vgt.s32 v15, $0x0  }
0x25e: {  	v21 =	vor.u32 s24, v3;
	v19 =	vsub.s32 v19, v0;
	v25 =	vpop (erf);
	v15 =	vnsel vm3, $0x0, v15  }
0x25f: {  	[tilespmem:s26+$0x10] =	vst v23;
	vm1 =	vmand vm2, vm1;
	vm5 =	vgt.s32 v19, $0x0;
	v16 =	vsub.s32 v13, v0;
	v13 =	vpop (erf)  }
0x260: {  	vm2 =	vlt.s32 v21, v2;
	v26 =	vnsel vm5, $0x0, v19;
	(erf) = vrcp.f32 v17;
	v17 =	vld.idx.msk [tilespmem:v23+s13+$0x0], $0xffff;
	v11 =	vpop (erf)  }
0x261: {  	s23 =	simm.s32 $0x4;
	[tilespmem:s26+$0xFFFFFFF0] =	vst v20;
	v22 =	vmul.f32 $1.442695020e+00, v22;
	vm4 =	vgt.s32 v16, $0x0;
	v19 =	vmin.u32 v15, $0x13F;
	v15 =	vpop (erf)  }
0x262: {  	s20 =	simm.s32 $0x1AF20;
	s22 =	simm.s32 $0x1AE60;
	s21 =	simm.s32 $0x1AF60;
	v20 =	vld.idx.msk [tilespmem:v20+s13+$0x0], $0xffff;
	v24 =	vnsel vm4, $0x0, v16;
	v23 =	vmin.u32 v26, $0x13F;
	vm3 =	vge.s32 v21, v1;
	v21 =	vpop (erf)  }
0x263: {  	s25 =	simm.s32 $0x1ADA0;
	s24 =	sadd.s32 $0x40, s24;
	s26 =	simm.s32 $0x1ABA0;
	v16 =	vld [tilespmem:s29+$0x0];
	v24 =	vmin.u32 v24, $0x13F;
	[tilespmem:s22+$0xFFFFFFE0] =	vst v18;
	vm3 =	vmand vm3, vm2;
	v21 =	vmul.f32 v21, v25  }
.LBB2_19:
0x264: {  	s28 =	sadd.s32 $0xFFFFFFD0, s24;
	v25 =	vld [tilespmem:s25+$0xFFFFFFE0];
	s29 =	sadd.s32 $0xFFFFFFE0, s24;
	s30 =	sadd.s32 $0xFFFFFFF0, s24;
	v23 =	vnsel vm0, $0x14C, v23;
	v24 =	vnsel vm1, $0x14C, v24;
	(erf) = vpow2.f32 v22  }
0x265: {  	s23 =	sadd.s32 $0x4, s23;
	v22 =	vor.u32 s28, v3;
	v26 =	vor.u32 s29, v3;
	v18 =	vld.idx.msk [tilespmem:v18+s13+$0x0], $0xffff;
	[tilespmem:s22+$0xFFFFFFF0] =	vst v23;
	(erf) = vrcp.f32 v17  }
0x266: {  	p0 =	slt.u32 s23, $0xC;
	vm1 =	vge.s32 v22, v1;
	vm0 =	vge.s32 v26, v1;
	vm2 =	vlt.s32 v26, v2;
	v17 =	vld [tilespmem:s26+$0x10]  }
0x267: {  	vm4 =	vlt.s32 v22, v2;
	vm0 =	vmand vm0, vm2;
	v22 =	vld [tilespmem:s26+$0x0];
	[tilespmem:s20+$0xFFFFFFE0] =	vst v21;
	(erf) = vrcp.f32 v20  }
0x268: {  	v27 =	vmul.f32 $1.442695020e+00, v16;
	vm2 =	vmand vm1, vm4;
	v20 =	vld [tilespmem:s26+$0xFFFFFFF0];
	[tilespmem:s22+$0x0] =	vst v24;
	(erf) = vpow2.f32 v12  }
0x269: {  	v19 =	vnsel vm3, $0x14C, v19;
	v21 =	vld [tilespmem:s25+$0x10];
	(erf) = vpow2.f32 v14  }
0x26a: {  	v14 =	vor.u32 s30, v3;
	v26 =	vld [tilespmem:s25+$0x0];
	(erf) = vpow2.f32 v27;
	v16 =	vpop (erf)  }
0x26b: {  	vm1 =	vlt.s32 v14, v2;
	v27 =	vld [tilespmem:s25+$0xFFFFFFF0];
	v12 =	vmul.f32 $1.442695020e+00, v17;
	(erf) = vrcp.f32 v18  }
0x26c: {  	vm3 =	vge.s32 v14, v1;
	v18 =	vsub.s32 v25, v0;
	v30 =	vmul.f32 v16, v15;
	[tilespmem:s22+$0x10] =	vst v19  }
0x26d: {  	vm1 =	vmand vm3, vm1;
	v25 =	vor.u32 s24, v3;
	v14 =	vmul.f32 $1.442695020e+00, v20;
	v24 =	vld.idx.msk [tilespmem:v24+s13+$0x0], $0xffff;
	v28 =	vpop (erf)  }
0x26e: {  	vm4 =	vgt.s32 v18, $0x0;
	vm3 =	vlt.s32 v25, v2;
	v21 =	vsub.s32 v21, v0;
	v17 =	vld.idx.msk [tilespmem:v19+s13+$0x0], $0xffff;
	[tilespmem:s20+$0x0] =	vst v30;
	v15 =	vpop (erf)  }
0x26f: {  	v16 =	vmovc v22;
	v18 =	vnsel vm4, $0x0, v18;
	v29 =	vld [tilespmem:s26+$0xFFFFFFE0];
	v19 =	vsub.s32 v26, v0;
	v15 =	vmul.f32 v15, v13  }
0x270: {  	s22 =	sadd.s32 $0x40, s22;
	v30 =	vmin.u32 v18, $0x13F;
	v22 =	vsub.s32 v27, v0;
	vm4 =	vgt.s32 v19, $0x0;
	v26 =	vpop (erf)  }
.Ltmp12:
0x271: {  	v18 =	vnsel vm2, $0x14C, v30;
	vm2 =	vgt.s32 v21, $0x0;
	v20 =	vld.idx.msk [tilespmem:v23+s13+$0x0], $0xffff;
	v13 =	vpop (erf);
	v23 =	vmul.f32 v26, v11;
	[tilespmem:s20+$0x10] =	vst v15;
	(pc) =	sbr.rel @p0 .LBB2_19-.Ltmp12, $4  }
0x272: {  	v27 =	vnsel vm2, $0x0, v21;
	vm5 =	vgt.s32 v22, $0x0;
	v26 =	vnsel vm4, $0x0, v19;
	[tilespmem:s22+$0xFFFFFFE0] =	vst v18;
	v11 =	vpop (erf)  }
0x273: {  	v19 =	vmin.u32 v27, $0x13F;
	v30 =	vnsel vm5, $0x0, v22;
	v15 =	vpop (erf);
	(erf) = vrcp.f32 v24;
	[tilespmem:s20+$0xFFFFFFF0] =	vst v23;
	s20 =	smov.u32 s21  }
0x274: {  	vm2 =	vge.s32 v25, v1;
	v23 =	vmin.u32 v30, $0x13F;
	s21 =	sadd.s32 $0x40, s21;
	v22 =	vmul.f32 $1.442695020e+00, v29;
	v21 =	vpop (erf)  }
0x275: {  	s24 =	sadd.s32 $0x40, s24;
	s25 =	sadd.s32 $0x40, s25;
	s26 =	sadd.s32 $0x40, s26;
	vm3 =	vmand vm2, vm3;
	v24 =	vmin.u32 v26, $0x13F;
	v21 =	vmul.f32 v21, v28  }
0x276: {  	v24 =	vnsel vm1, $0x14C, v24  }
0x277: {  	v19 =	vnsel vm3, $0x14C, v19  }
0x278: {  	v23 =	vnsel vm0, $0x14C, v23  }
0x279: {  	(erf) = vpow2.f32 v22  }
0x27a: {  	v18 =	vld.idx.msk [tilespmem:v18+s13+$0x0], $0xffff;
	(erf) = vrcp.f32 v17;
	[tilespmem:s22+$0x0] =	vst v24  }
0x27b: {  	[tilespmem:s22+$0x10] =	vst v19;
	(erf) = vrcp.f32 v20;
	v59 =	vld.idx.msk [tilespmem:v24+s13+$0x0], $0xffff  }
0x27c: {  	v16 =	vmul.f32 $1.442695020e+00, v16;
	[tilespmem:s22+$0xFFFFFFF0] =	vst v23;
	(erf) = vpow2.f32 v12;
	v12 =	vld.idx.msk [tilespmem:v19+s13+$0x0], $0xffff  }
0x27d: {  	(erf) = vpow2.f32 v14;
	v14 =	vld.idx.msk [tilespmem:v23+s13+$0x0], $0xffff  }
0x27e: {  	(erf) = vpow2.f32 v16  }
0x27f: {  	(erf) = vrcp.f32 v18  }
0x280: {  	(erf) = vrcp.f32 v59  }
0x281: {  	v60 =	vpop (erf);
	(erf) = vrcp.f32 v12  }
0x282: {  	v12 =	vpop (erf);
	(erf) = vrcp.f32 v14  }
0x283: {  	v14 =	vpop (erf)  }
0x284: {  	v15 =	vmul.f32 v60, v15;
	v61 =	vpop (erf)  }
0x285: {  	v13 =	vmul.f32 v14, v13;
	v62 =	vpop (erf)  }
0x286: {  	v63 =	vpop (erf)  }
0x287: {  	[tilespmem:s20+$0xFFFFFFE0] =	vst v21;
	v14 =	vpop (erf)  }
0x288: {  	s29 =	simm.s32 $0x0;
	[tilespmem:s20+$0x0] =	vst v15;
	v11 =	vmul.f32 v61, v11;
	v15 =	vpop (erf)  }
0x289: {  	s30 =	simm.s32 $0x3;
	[tilespmem:s20+$0x10] =	vst v13;
	v12 =	vmul.f32 v15, v12;
	v15 =	vmov s29;
	v13 =	vpop (erf)  }
0x28a: {  	[tilespmem:s20+$0xFFFFFFF0] =	vst v11;
	v15 =	vand.u32 $0xFFFFFFFC, v15;
	v11 =	vmul.f32 v13, v14;
	v13 =	vpop (erf);
	v14 =	vmov s30  }
0x28b: {  	[tilespmem:s21+$0xFFFFFFE0] =	vst v12;
	v15 =	vbroadcast v15, $0x0;
	v12 =	vmul.f32 v13, v62;
	v13 =	vpop (erf)  }
0x28c: {  	[tilespmem:s21+$0x0] =	vst v11;
	v11 =	vmul.f32 v13, v63  }
0x28d: {  	p1 =	por $0x1, $0x1;
	[tilespmem:s21+$0x10] =	vst v12  }
.Ltmp13:
0x28e: {  	[tilespmem:s21+$0xFFFFFFF0] =	vst v11;
	(pc) =	sbr.rel @!p1 .LBB2_21-.Ltmp13, $4  }
0x28f: {  	s31 =	simm.s32 $0x1;
	v11 =	vld.idx.msk [tilespmem:v14+s14+$0x0], $0xffff  }
0x290: {  	v13 =	vmov s31;
	v23 =	vld.idx.msk [tilespmem:v14+s15+$0x0], $0xffff  }
0x291: {  	s23 =	simm.s32 $0x2;
	v13 =	vand.u32 $0xFFFFFFFD, v13;
	v12 =	vld.idx.msk [tilespmem:v15+s14+$0x0], $0xffff  }
0x292: {  	s24 =	simm.s32 $0x4;
	p0 =	por $0x0, $0x0;
	s20 =	simm.s32 $0x180;
	v31 =	vbroadcast v13, $0x0;
	v27 =	vld.idx.msk [tilespmem:v15+s15+$0x0], $0xffff  }
0x293: {  	v13 =	vmov s23  }
0x294: {  	v13 =	vand.u32 $0xFFFFFFFE, v13  }
0x295: {  	v13 =	vbroadcast v13, $0x0;
	_ =	sdelay $0x2  }
0x296: {  	s21 =	simm.s32 $0x100  }
0x297: {  	v14 =	vor.u32 s21, v3;
	_ =	sdelay $0x1  }
0x298: {  	s22 =	simm.s32 $0x80;
	v15 =	vld.idx.msk [tilespmem:v13+s15+$0x0], $0xffff  }
0x299: {  	v17 =	vor.u32 s22, v3  }
0x29a: {  	s30 =	simm.s32 $0x0;
	v16 =	vld.idx.msk [tilespmem:v31+s15+$0x0], $0xffff  }
0x29b: {  	v20 =	vor.u32 s30, v3;
	v21 =	vld.idx.msk [tilespmem:v14+s19+$0x0], $0xffff  }
0x29c: {  	v18 =	vld.idx.msk [tilespmem:v13+s14+$0x0], $0xffff  }
0x29d: {  	v14 =	vld.idx.msk [tilespmem:v31+s14+$0x0], $0xffff;
	v19 =	vshll.u32 v15, $0x7  }
0x29e: {  	v17 =	vld.idx.msk [tilespmem:v17+s19+$0x0], $0xffff;
	v22 =	vor.u32 v3, v19  }
0x29f: {  	v24 =	vor.u32 s21, v4;
	v15 =	vshll.u32 v16, $0x7  }
0x2a0: {  	v20 =	vld.idx.msk [tilespmem:v20+s19+$0x0], $0xffff;
	v16 =	vor.u32 v3, v15  }
0x2a1: {  	v25 =	vor.u32 s20, v3;
	v13 =	vshll.u32 v27, $0x7;
	v21 =	vmul.f32 v21, v18  }
0x2a2: {  	v26 =	vor.u32 v3, v13  }
0x2a3: {  	v27 =	vor.u32 s22, v4;
	v17 =	vmul.f32 v17, v14;
	[tilespmem:v22+s17+$0x0] =	vst.idx.add.f32.msk $0xffff, v21  }
0x2a4: {  	v21 =	vor.u32 s30, v4;
	v22 =	vld.idx.msk [tilespmem:v24+s19+$0x0], $0xffff  }
0x2a5: {  	v20 =	vmul.f32 v20, v12;
	[tilespmem:v16+s17+$0x0] =	vst.idx.add.f32.msk $0xffff, v17  }
0x2a6: {  	v17 =	vor.u32 v4, v19;
	v24 =	vld.idx.msk [tilespmem:v25+s19+$0x0], $0xffff  }
0x2a7: {  	[tilespmem:v26+s17+$0x0] =	vst.idx.add.f32.msk $0xffff, v20;
	v20 =	vor.u32 s21, v5;
	v16 =	vshll.u32 v23, $0x7  }
0x2a8: {  	v23 =	vor.u32 v3, v16;
	v25 =	vld.idx.msk [tilespmem:v27+s19+$0x0], $0xffff  }
0x2a9: {  	v26 =	vor.u32 s20, v4;
	v21 =	vld.idx.msk [tilespmem:v21+s19+$0x0], $0xffff;
	v22 =	vmul.f32 v22, v18  }
0x2aa: {  	v27 =	vor.u32 v4, v15  }
0x2ab: {  	v28 =	vor.u32 v4, v13;
	v24 =	vmul.f32 v24, v11;
	[tilespmem:v17+s17+$0x0] =	vst.idx.add.f32.msk $0xffff, v22  }
0x2ac: {  	v17 =	vor.u32 s22, v5;
	v20 =	vld.idx.msk [tilespmem:v20+s19+$0x0], $0xffff  }
0x2ad: {  	v22 =	vor.u32 s30, v5;
	[tilespmem:v23+s17+$0x0] =	vst.idx.add.f32.msk $0xffff, v24;
	v23 =	vmul.f32 v25, v14  }
0x2ae: {  	v25 =	vor.u32 v5, v19;
	v24 =	vld.idx.msk [tilespmem:v26+s19+$0x0], $0xffff;
	v21 =	vmul.f32 v21, v12  }
0x2af: {  	[tilespmem:v27+s17+$0x0] =	vst.idx.add.f32.msk $0xffff, v23  }
0x2b0: {  	v23 =	vor.u32 s21, v6;
	[tilespmem:v28+s17+$0x0] =	vst.idx.add.f32.msk $0xffff, v21  }
0x2b1: {  	v26 =	vor.u32 v4, v16;
	v17 =	vld.idx.msk [tilespmem:v17+s19+$0x0], $0xffff;
	v20 =	vmul.f32 v20, v18  }
0x2b2: {  	v21 =	vor.u32 s20, v5;
	v22 =	vld.idx.msk [tilespmem:v22+s19+$0x0], $0xffff  }
0x2b3: {  	[tilespmem:v25+s17+$0x0] =	vst.idx.add.f32.msk $0xffff, v20;
	v20 =	vor.u32 v5, v15  }
0x2b4: {  	s25 =	simm.s32 $0x7;
	v24 =	vmul.f32 v24, v11;
	v25 =	vor.u32 v5, v13  }
0x2b5: {  	v28 =	vmov s25;
	v23 =	vld.idx.msk [tilespmem:v23+s19+$0x0], $0xffff  }
0x2b6: {  	v27 =	vor.u32 s22, v6;
	[tilespmem:v26+s17+$0x0] =	vst.idx.add.f32.msk $0xffff, v24;
	v17 =	vmul.f32 v17, v14  }
0x2b7: {  	v24 =	vor.u32 v6, v19;
	v21 =	vld.idx.msk [tilespmem:v21+s19+$0x0], $0xffff;
	v22 =	vmul.f32 v22, v12  }
0x2b8: {  	v26 =	vor.u32 s21, v7;
	[tilespmem:v20+s17+$0x0] =	vst.idx.add.f32.msk $0xffff, v17  }
0x2b9: {  	v17 =	vor.u32 v5, v16;
	[tilespmem:v25+s17+$0x0] =	vst.idx.add.f32.msk $0xffff, v22  }
0x2ba: {  	v20 =	vor.u32 s30, v6;
	v25 =	vld.idx.msk [tilespmem:v28+s14+$0x0], $0xffff;
	v22 =	vmul.f32 v23, v18  }
0x2bb: {  	v23 =	vor.u32 s20, v6;
	v27 =	vld.idx.msk [tilespmem:v27+s19+$0x0], $0xffff  }
0x2bc: {  	v21 =	vmul.f32 v21, v11;
	[tilespmem:v24+s17+$0x0] =	vst.idx.add.f32.msk $0xffff, v22  }
0x2bd: {  	v24 =	vor.u32 v6, v15;
	v22 =	vld.idx.msk [tilespmem:v26+s19+$0x0], $0xffff  }
0x2be: {  	[tilespmem:v17+s17+$0x0] =	vst.idx.add.f32.msk $0xffff, v21;
	v17 =	vor.u32 s22, v7  }
0x2bf: {  	v30 =	vmov s24;
	v20 =	vld.idx.msk [tilespmem:v20+s19+$0x0], $0xffff;
	v21 =	vor.u32 v7, v19  }
0x2c0: {  	v29 =	vor.u32 s21, v8;
	v30 =	vand.u32 $0xFFFFFFFC, v30;
	v26 =	vld.idx.msk [tilespmem:v23+s19+$0x0], $0xffff;
	v27 =	vmul.f32 v27, v14  }
0x2c1: {  	v30 =	vbroadcast v30, $0x0;
	v23 =	vld.idx.msk [tilespmem:v28+s15+$0x0], $0xffff;
	v28 =	vor.u32 v6, v13  }
0x2c2: {  	[tilespmem:v24+s17+$0x0] =	vst.idx.add.f32.msk $0xffff, v27;
	v22 =	vmul.f32 v22, v18  }
0x2c3: {  	v24 =	vor.u32 v6, v16;
	v17 =	vld.idx.msk [tilespmem:v17+s19+$0x0], $0xffff  }
0x2c4: {  	v27 =	vor.u32 s30, v7;
	v20 =	vmul.f32 v20, v12;
	[tilespmem:v21+s17+$0x0] =	vst.idx.add.f32.msk $0xffff, v22  }
0x2c5: {  	v31 =	vor.u32 s20, v7;
	v21 =	vld.idx.msk [tilespmem:v29+s19+$0x0], $0xffff  }
0x2c6: {  	v22 =	vmul.f32 v26, v11;
	[tilespmem:v28+s17+$0x0] =	vst.idx.add.f32.msk $0xffff, v20;
	v20 =	vor.u32 v7, v15  }
0x2c7: {  	v26 =	vor.u32 s22, v8;
	v28 =	vld.idx.msk [tilespmem:v30+s14+$0x0], $0xffff  }
0x2c8: {  	[tilespmem:v24+s17+$0x0] =	vst.idx.add.f32.msk $0xffff, v22;
	v24 =	vor.u32 v8, v19  }
0x2c9: {  	v22 =	vld.idx.msk [tilespmem:v27+s19+$0x0], $0xffff;
	v27 =	vor.u32 s21, v9;
	v17 =	vmul.f32 v17, v14  }
0x2ca: {  	v29 =	vld.idx.msk [tilespmem:v31+s19+$0x0], $0xffff  }
0x2cb: {  	v31 =	vor.u32 v7, v13;
	[tilespmem:v20+s17+$0x0] =	vst.idx.add.f32.msk $0xffff, v17;
	v17 =	vmul.f32 v21, v18  }
0x2cc: {  	v33 =	vor.u32 v7, v16;
	v36 =	vld.idx.msk [tilespmem:v26+s19+$0x0], $0xffff  }
0x2cd: {  	v37 =	vor.u32 s30, v8;
	[tilespmem:v24+s17+$0x0] =	vst.idx.add.f32.msk $0xffff, v17  }
0x2ce: {  	v39 =	vor.u32 s20, v8;
	p1 =	por $0x1, $0x1;
	v17 =	vmul.f32 v22, v12;
	v32 =	vld.idx.msk [tilespmem:v27+s19+$0x0], $0xffff  }
.Ltmp14:
0x2cf: {  	s31 =	simm.s32 $0x5;
	v34 =	vor.u32 v8, v15;
	v29 =	vmul.f32 v29, v11;
	v27 =	vld.idx.msk [tilespmem:v30+s15+$0x0], $0xffff;
	(pc) =	sbr.rel @!p1 .LBB2_23-.Ltmp14, $4  }
0x2d0: {  	v35 =	vor.u32 v9, v19;
	v26 =	vor.u32 s22, v9;
	v30 =	vmov s31;
	[tilespmem:v31+s17+$0x0] =	vst.idx.add.f32.msk $0xffff, v17  }
0x2d1: {  	v20 =	vor.u32 s30, v10;
	v21 =	vor.u32 s22, v10;
	[tilespmem:v33+s17+$0x0] =	vst.idx.add.f32.msk $0xffff, v29;
	v29 =	vand.u32 $0xFFFFFFFD, v30  }
0x2d2: {  	s23 =	simm.s32 $0x6;
	v33 =	vld.idx.msk [tilespmem:v37+s19+$0x0], $0xffff;
	v31 =	vbroadcast v29, $0x0;
	v37 =	vor.u32 s21, v10;
	v38 =	vmul.f32 v36, v14  }
0x2d3: {  	p0 =	por $0x1, $0x1;
	s22 =	simm.s32 $0x8;
	v24 =	vor.u32 s30, v9;
	v22 =	vor.u32 s20, v9;
	v17 =	vor.u32 s20, v10;
	s21 =	simm.s32 $0x180;
	v36 =	vld.idx.msk [tilespmem:v39+s19+$0x0], $0xffff  }
.LBB2_24:
0x2d4: {  	p1 =	slt.u32 s22, $0xFC;
	v29 =	vmov s23;
	[tilespmem:v34+s17+$0x0] =	vst.idx.add.f32.msk $0xffff, v38;
	v30 =	vmul.f32 v32, v18  }
0x2d5: {  	v32 =	vor.u32 v8, v13;
	v29 =	vand.u32 $0xFFFFFFFE, v29;
	v38 =	vld.idx.msk [tilespmem:v26+s19+$0x0], $0xffff  }
0x2d6: {  	v26 =	vbroadcast v29, $0x0;
	[tilespmem:v35+s17+$0x0] =	vst.idx.add.f32.msk $0xffff, v30;
	v29 =	vor.u32 v8, v16  }
0x2d7: {  	v30 =	vld.idx.msk [tilespmem:v37+s19+$0x0], $0xffff  }
0x2d8: {  	v33 =	vmul.f32 v33, v12;
	v39 =	vld.idx.msk [tilespmem:v31+s14+$0x0], $0xffff  }
0x2d9: {  	v41 =	vor.u32 v9, v13;
	v42 =	vor.u32 v9, v15;
	s21 =	sadd.s32 $0x200, s21;
	v40 =	vld.idx.msk [tilespmem:v31+s15+$0x0], $0xffff;
	v31 =	vmul.f32 v36, v11  }
0x2da: {  	v19 =	vor.u32 v10, v19;
	s24 =	sadd.s32 $0xFFFFFE80, s21;
	s25 =	sadd.s32 $0xFFFFFF00, s21;
	s23 =	sadd.s32 $0xFFFFFF80, s21;
	v43 =	vor.u32 s21, v3;
	v44 =	vor.u32 s21, v4;
	[tilespmem:v32+s17+$0x0] =	vst.idx.add.f32.msk $0xffff, v33  }
0x2db: {  	v45 =	vor.u32 s24, v3;
	v46 =	vor.u32 s25, v3;
	v47 =	vor.u32 s23, v3;
	[tilespmem:v29+s17+$0x0] =	vst.idx.add.f32.msk $0xffff, v31  }
0x2dc: {  	v48 =	vor.u32 s24, v4;
	v49 =	vor.u32 s24, v5;
	v50 =	vor.u32 s25, v4;
	v51 =	vld.idx.msk [tilespmem:v26+s15+$0x0], $0xffff  }
0x2dd: {  	v53 =	vor.u32 s21, v5;
	v52 =	vor.u32 s25, v5;
	v54 =	vld.idx.msk [tilespmem:v24+s19+$0x0], $0xffff;
	v24 =	vmul.f32 v30, v18  }
0x2de: {  	v35 =	vor.u32 s24, v6;
	v37 =	vor.u32 s25, v6;
	v36 =	vor.u32 s21, v6;
	v18 =	vld.idx.msk [tilespmem:v26+s14+$0x0], $0xffff  }
0x2df: {  	v34 =	vor.u32 s25, v7;
	v33 =	vor.u32 s24, v7;
	v32 =	vor.u32 s21, v7;
	[tilespmem:v19+s17+$0x0] =	vst.idx.add.f32.msk $0xffff, v24  }
0x2e0: {  	v31 =	vor.u32 s25, v8;
	v29 =	vor.u32 s21, v8;
	v30 =	vor.u32 s24, v8;
	v47 =	vld.idx.msk [tilespmem:v47+s19+$0x0], $0xffff  }
0x2e1: {  	v55 =	vor.u32 s21, v9;
	v26 =	vor.u32 s25, v9;
	v24 =	vor.u32 s24, v9;
	v45 =	vld.idx.msk [tilespmem:v45+s19+$0x0], $0xffff  }
0x2e2: {  	v56 =	vor.u32 s24, v10;
	v38 =	vmul.f32 v38, v14;
	v19 =	vshll.u32 v51, $0x7;
	v46 =	vld.idx.msk [tilespmem:v46+s19+$0x0], $0xffff  }
0x2e3: {  	v51 =	vor.u32 s25, v10;
	v57 =	vor.u32 v3, v19;
	v54 =	vmul.f32 v54, v12;
	v43 =	vld.idx.msk [tilespmem:v43+s19+$0x0], $0xffff  }
0x2e4: {  	v59 =	vor.u32 s21, v10;
	v58 =	vor.u32 s23, v4;
	v40 =	vshll.u32 v40, $0x7;
	v60 =	vld.idx.msk [tilespmem:v22+s19+$0x0], $0xffff;
	v22 =	vmovc v55  }
0x2e5: {  	v27 =	vshll.u32 v27, $0x7;
	v55 =	vor.u32 v3, v40;
	[tilespmem:v42+s17+$0x0] =	vst.idx.add.f32.msk $0xffff, v38  }
0x2e6: {  	v23 =	vshll.u32 v23, $0x7;
	v38 =	vor.u32 v3, v27;
	v42 =	vmul.f32 v47, v18;
	[tilespmem:v41+s17+$0x0] =	vst.idx.add.f32.msk $0xffff, v54  }
0x2e7: {  	v41 =	vmul.f32 v45, v28;
	v45 =	vor.u32 v3, v23;
	v47 =	vld.idx.msk [tilespmem:v21+s19+$0x0], $0xffff;
	v21 =	vmov v51  }
0x2e8: {  	v46 =	vmul.f32 v46, v39;
	[tilespmem:v57+s17+$0x0] =	vst.idx.add.f32.msk $0xffff, v42  }
0x2e9: {  	v43 =	vmul.f32 v43, v25;
	v42 =	vld.idx.msk [tilespmem:v58+s19+$0x0], $0xffff  }
0x2ea: {  	[tilespmem:v55+s17+$0x0] =	vst.idx.add.f32.msk $0xffff, v46;
	v46 =	vmul.f32 v60, v11  }
0x2eb: {  	[tilespmem:v38+s17+$0x0] =	vst.idx.add.f32.msk $0xffff, v41;
	v38 =	vor.u32 v9, v16  }
0x2ec: {  	v41 =	vor.u32 v4, v19;
	[tilespmem:v45+s17+$0x0] =	vst.idx.add.f32.msk $0xffff, v43  }
0x2ed: {  	v45 =	vor.u32 s23, v5;
	v47 =	vmul.f32 v47, v14;
	v14 =	vmov v39;
	v43 =	vld.idx.msk [tilespmem:v50+s19+$0x0], $0xffff  }
0x2ee: {  	v39 =	vld.idx.msk [tilespmem:v48+s19+$0x0], $0xffff  }
0x2ef: {  	v42 =	vmul.f32 v42, v18;
	v44 =	vld.idx.msk [tilespmem:v44+s19+$0x0], $0xffff  }
0x2f0: {  	v48 =	vor.u32 v4, v40;
	[tilespmem:v38+s17+$0x0] =	vst.idx.add.f32.msk $0xffff, v46  }
0x2f1: {  	v38 =	vor.u32 v4, v27;
	[tilespmem:v41+s17+$0x0] =	vst.idx.add.f32.msk $0xffff, v42  }
0x2f2: {  	v42 =	vor.u32 v4, v23;
	v41 =	vld.idx.msk [tilespmem:v45+s19+$0x0], $0xffff  }
0x2f3: {  	v43 =	vmul.f32 v43, v14;
	v45 =	vld.idx.msk [tilespmem:v20+s19+$0x0], $0xffff;
	v20 =	vmov v56  }
0x2f4: {  	v39 =	vmul.f32 v39, v28;
	v46 =	vld.idx.msk [tilespmem:v17+s19+$0x0], $0xffff;
	v17 =	vmov v59  }
0x2f5: {  	v44 =	vmul.f32 v44, v25;
	[tilespmem:v48+s17+$0x0] =	vst.idx.add.f32.msk $0xffff, v43;
	v43 =	vor.u32 v5, v19  }
0x2f6: {  	[tilespmem:v38+s17+$0x0] =	vst.idx.add.f32.msk $0xffff, v39;
	v38 =	vor.u32 s23, v6  }
0x2f7: {  	[tilespmem:v42+s17+$0x0] =	vst.idx.add.f32.msk $0xffff, v44  }
0x2f8: {  	v41 =	vmul.f32 v41, v18;
	v42 =	vor.u32 v10, v15;
	v15 =	vmov v40;
	v39 =	vld.idx.msk [tilespmem:v52+s19+$0x0], $0xffff  }
0x2f9: {  	v44 =	vmul.f32 v45, v12;
	v45 =	vor.u32 v10, v13;
	v13 =	vmovc v27;
	v12 =	vmov v28;
	v40 =	vld.idx.msk [tilespmem:v49+s19+$0x0], $0xffff  }
0x2fa: {  	v28 =	vor.u32 v10, v16;
	v16 =	vmov v23;
	v27 =	vmul.f32 v46, v11;
	[tilespmem:v43+s17+$0x0] =	vst.idx.add.f32.msk $0xffff, v41  }
0x2fb: {  	v23 =	vor.u32 v5, v15;
	v11 =	vmov v25;
	v38 =	vld.idx.msk [tilespmem:v38+s19+$0x0], $0xffff  }
0x2fc: {  	v25 =	vor.u32 v5, v13;
	v41 =	vld.idx.msk [tilespmem:v53+s19+$0x0], $0xffff  }
0x2fd: {  	[tilespmem:v42+s17+$0x0] =	vst.idx.add.f32.msk $0xffff, v47  }
0x2fe: {  	v39 =	vmul.f32 v39, v14;
	v42 =	vor.u32 v6, v19;
	[tilespmem:v45+s17+$0x0] =	vst.idx.add.f32.msk $0xffff, v44  }
0x2ff: {  	v43 =	vor.u32 s23, v7;
	v40 =	vmul.f32 v40, v12;
	[tilespmem:v28+s17+$0x0] =	vst.idx.add.f32.msk $0xffff, v27  }
0x300: {  	[tilespmem:v23+s17+$0x0] =	vst.idx.add.f32.msk $0xffff, v39;
	v23 =	vor.u32 v5, v16  }
0x301: {  	[tilespmem:v25+s17+$0x0] =	vst.idx.add.f32.msk $0xffff, v40;
	v25 =	vmul.f32 v38, v18  }
0x302: {  	s24 =	sadd.s32 $0x3, s22;
	v28 =	vmul.f32 v41, v11;
	v27 =	vld.idx.msk [tilespmem:v37+s19+$0x0], $0xffff  }
0x303: {  	v37 =	vmov s24;
	[tilespmem:v42+s17+$0x0] =	vst.idx.add.f32.msk $0xffff, v25  }
0x304: {  	v38 =	vld.idx.msk [tilespmem:v43+s19+$0x0], $0xffff  }
0x305: {  	v39 =	vor.u32 v6, v15;
	[tilespmem:v23+s17+$0x0] =	vst.idx.add.f32.msk $0xffff, v28  }
0x306: {  	v28 =	vld.idx.msk [tilespmem:v35+s19+$0x0], $0xffff  }
0x307: {  	v35 =	vor.u32 v7, v19;
	v36 =	vld.idx.msk [tilespmem:v36+s19+$0x0], $0xffff  }
0x308: {  	v40 =	vor.u32 s23, v8;
	v27 =	vmul.f32 v27, v14;
	v25 =	vld.idx.msk [tilespmem:v37+s14+$0x0], $0xffff  }
0x309: {  	v23 =	vld.idx.msk [tilespmem:v37+s15+$0x0], $0xffff;
	v37 =	vor.u32 v6, v13  }
0x30a: {  	v41 =	vmov s22;
	[tilespmem:v39+s17+$0x0] =	vst.idx.add.f32.msk $0xffff, v27;
	v27 =	vmul.f32 v38, v18;
	v38 =	vor.u32 v6, v16  }
0x30b: {  	v39 =	vand.u32 $0xFFFFFFFC, v41;
	v34 =	vld.idx.msk [tilespmem:v34+s19+$0x0], $0xffff  }
0x30c: {  	v39 =	vbroadcast v39, $0x0;
	v28 =	vmul.f32 v28, v12;
	[tilespmem:v35+s17+$0x0] =	vst.idx.add.f32.msk $0xffff, v27  }
0x30d: {  	v35 =	vmul.f32 v36, v11;
	v27 =	vld.idx.msk [tilespmem:v40+s19+$0x0], $0xffff  }
0x30e: {  	v36 =	vor.u32 v7, v15;
	[tilespmem:v37+s17+$0x0] =	vst.idx.add.f32.msk $0xffff, v28  }
0x30f: {  	[tilespmem:v38+s17+$0x0] =	vst.idx.add.f32.msk $0xffff, v35  }
0x310: {  	v35 =	vor.u32 v8, v19;
	v33 =	vld.idx.msk [tilespmem:v33+s19+$0x0], $0xffff  }
0x311: {  	v37 =	vor.u32 s23, v9;
	v34 =	vmul.f32 v34, v14;
	v38 =	vld.idx.msk [tilespmem:v32+s19+$0x0], $0xffff  }
0x312: {  	v28 =	vld.idx.msk [tilespmem:v39+s14+$0x0], $0xffff  }
0x313: {  	v40 =	vor.u32 v7, v13;
	v27 =	vmul.f32 v27, v18;
	[tilespmem:v36+s17+$0x0] =	vst.idx.add.f32.msk $0xffff, v34  }
0x314: {  	v36 =	vld.idx.msk [tilespmem:v31+s19+$0x0], $0xffff;
	v31 =	vor.u32 v7, v16  }
0x315: {  	[tilespmem:v35+s17+$0x0] =	vst.idx.add.f32.msk $0xffff, v27  }
0x316: {  	v33 =	vmul.f32 v33, v12;
	v32 =	vld.idx.msk [tilespmem:v37+s19+$0x0], $0xffff  }
.Ltmp15:
0x317: {  	s24 =	sadd.s32 $0x1, s22;
	v34 =	vor.u32 v8, v15;
	v37 =	vmul.f32 v38, v11;
	v27 =	vld.idx.msk [tilespmem:v39+s15+$0x0], $0xffff;
	(pc) =	sbr.rel @p1 .LBB2_24-.Ltmp15, $4  }
0x318: {  	v35 =	vmov s24;
	[tilespmem:v40+s17+$0x0] =	vst.idx.add.f32.msk $0xffff, v33  }
0x319: {  	v33 =	vand.u32 $0xFFFFFFFD, v35;
	v35 =	vor.u32 v9, v19;
	[tilespmem:v31+s17+$0x0] =	vst.idx.add.f32.msk $0xffff, v37  }
0x31a: {  	v31 =	vbroadcast v33, $0x0;
	v38 =	vmul.f32 v36, v14;
	v37 =	vor.u32 s23, v10;
	v33 =	vld.idx.msk [tilespmem:v30+s19+$0x0], $0xffff  }
0x31b: {  	s23 =	sadd.s32 $0x2, s22;
	s22 =	sadd.s32 $0x4, s22;
	v36 =	vld.idx.msk [tilespmem:v29+s19+$0x0], $0xffff  }
.Ltmp16:
0x31c: {  	(pc) =	sbr.rel .LBB2_26-.Ltmp16, $2  }
0x31d: {  	_ =	sdelay $0x2  }
0x31e: {  	v29 =	vmovc v12;
	v30 =	vmov v11;
	v12 =	vmov v28;
	v11 =	vmov v25  }
.LBB2_12:
.Ltmp17:
0x31f: {  	(pc) =	sbr.rel .LBB2_17-.Ltmp17, $2  }
0x320: {  	_ =	sdelay $0x2  }
0x321: {  	s22 =	simm.s32 $0x180  }
.LBB2_14:
.Ltmp18:
0x322: {  	(pc) =	sbr.rel .LBB2_17-.Ltmp18, $2  }
0x323: {  	_ =	sdelay $0x2  }
0x324: {  	v29 =	vmovc v12;
	v30 =	vmov v11;
	s22 =	simm.s32 $0x180;
	v12 =	vmov v28;
	v11 =	vmov v25  }
.LBB2_23:
.Ltmp19:
0x325: {  	(pc) =	sbr.rel .LBB2_26-.Ltmp19, $2  }
0x326: {  	_ =	sdelay $0x2  }
0x327: {  	v29 =	vmovc v12;
	v30 =	vmov v11;
	s21 =	simm.s32 $0x180;
	v12 =	vmov v28;
	v11 =	vmov v25  }
.LBB2_28:
0x328: {  	s2 =	simm.s32 $0x0;
	s3 =	simm.s32 $0x200;
	s31 =	simm.s32 $0x3  }
0x329: {  	[hbm4b:s7+s2] =	stream.linear.scatter [tilespmem:s3], [sflag:$0x3], $0xA000, $0x38;
	[tilespmem:$0x1B000] =	vst v63  }
0x32a: {  	_ =	swait.ge [sflag:s31], $0xA000  }
0x32b: {  	[sflag:s31] =	ssyncset.done $0x0  }
0x32c: {  	[sflag:s31] =	ssyncadd.s32 $0xFFFF6000  }
0x32d: {  	_ =	sfence.sel $0x180000  }
0x32e: {  	[bflag:$0x0] =	sbarrier.arrive $0xFFFF  }
0x32f: {  	p0 =	sne.s32 s1, $0x0;
	_ =	strace $0x9000004A  }
0x330: {  	s0 =	sadd.s32 @!p0 $0x100000, s0;
	[bflag:$0x2] =	sbarrier.arrive $0xFFFF  }
0x331: {  	[sflag:s0] =	ssyncadd.tile.s32 @!p0 $0x1;
	_ =	shalt  }
.Lfunc_end2:
_tile_overlayer_lowered:
.L_overlay_start_2:
0x332: {  	(tag) =	ssettag $0x2  }
0x333: {  	s0 =	rddreg [dreg:$0x0];
	s2 =	stileid.u32  }
0x334: {  	s1 =	rddreg [dreg:$0x1];
	p0 =	sne.s32 s2, $0x0  }
0x335: {  	s3 =	rddreg [dreg:$0x2];
	[bflag:$0x3] =	sbarrier.arrive $0xFFFF;
	s2 =	simm.s32 @!p0 $0x1C03  }
0x336: {  	[timem:s3], [sflag:s2] =	dma.local @!p0 [hbm:s0], s1  }
0x337: {  	s0 =	simm.s32 @!p0 $0x3  }
0x338: {  	_ =	swait.ge @!p0 [sflag:s0], s1  }
0x339: {  	s1 =	ssub.s32 @!p0 $0x0, s1;
	[sflag:s0] =	ssyncset.done @!p0 $0x0  }
0x33a: {  	[sflag:s0] =	ssyncadd.s32 @!p0 s1  }
0x33b: {  	[bflag:$0x3] =	sbarrier.arrive $0xFFFF  }
0x33c: {  	_ =	shalt  }

// kernel: kernel.8.cloned.1.call-start
scs
__scs_entry_jumppad:
0x0: {  	(pc) =	sbr.rel $0x88, $3  }
0x1: {  	(tag) =	ssettag $0x0;
	lr =	simm.s32 $0x1  }
0x2: {  	[smem:$0x3F9D] =	sst lr;
	_ =	strace $0xD0000000  }
0x3: {  	_ = 	snop  }
0x4: {  	_ = 	snop  }
0x5: {  	_ = 	snop  }
0x6: {  	_ = 	snop  }
0x7: {  	_ = 	snop  }
__scs_overlays_trampoline_lowered:
0x8: {  	[smem:$0x3FAC] =	sst s0  }
0x9: {  	[smem:$0x3FAD] =	sst s1  }
0xa: {  	[smem:$0x3FAE] =	sst s2  }
0xb: {  	[smem:$0x3FAF] =	sst s3  }
0xc: {  	[smem:$0x3FB0] =	sst s4  }
0xd: {  	[smem:$0x3FB1] =	sst s5  }
0xe: {  	[smem:$0x3FB2] =	sst s6  }
0xf: {  	[smem:$0x3FB3] =	sst s7  }
0x10: {  	[smem:$0x3FB4] =	sst s8  }
0x11: {  	[smem:$0x3FB5] =	sst s9;
	s0 =	simm.s32 @!p0 $0x0  }
0x12: {  	s1 =	sld [smem:$0x3F9B];
	s0 =	simm.s32 @p0 $0x1  }
0x13: {  	[smem:$0x3FB6] =	sst s0;
	s0 =	simm.s32 @!p1 $0x0  }
0x14: {  	s2 =	sld [smem:$0x3F9A];
	s0 =	simm.s32 @p1 $0x1  }
0x15: {  	[smem:$0x3FB7] =	sst s0;
	s0 =	simm.s32 @!p2 $0x0  }
0x16: {  	s3 =	sld [smem:$0x3FDB];
	s0 =	simm.s32 @p2 $0x1  }
0x17: {  	s4 =	simm.s32 $0x1BF5;
	[smem:$0x3FB9] =	sst s0  }
0x18: {  	s0 =	sld [smem:$0x3F9C];
	_ =	swait.ge [sflag:s4], $0x0  }
0x19: {  	s7 =	sld [smem:$0x3F9D]  }
0x1a: {  	s8 =	sadd.s32 $0xFFFFE003, lr  }
0x1b: {  	s9 =	sadd.s32 $0xFFFFFEF7, lr;
	s5 =	simm.s32 $0xFFFFFFFF;
	p2 =	slt.u32 s8, $0xFFFFF086  }
0x1c: {  	p1 =	slt.u32 s9, $0xF7A;
	s5 =	simm.s32 @!p2 $0x0  }
0x1d: {  	s5 =	simm.s32 @p1 $0x1;
	p0 =	seq.s32 s7, s2  }
0x1e: {  	s7 =	smul.u32 @!p0 $0xF7A, s2;
	p2 =	seq.s32 @!p0 s5, $0x0  }
0x1f: {  	s9 =	smul.u32 $0xF7A, s1;
	s8 =	simm.s32 @!p0 $0x1BF5;
	p2 =	por !p2, p0  }
0x20: {  	[sflag:s8] =	ssyncset.s32 @!p0 $0xFFFFF086;
	s6 =	sadd.s32 @!p0 s3, s7;
	s7 =	simm.s32 @!p0 $0x108  }
0x21: {  	s3 =	sadd.s32 s3, s9;
	s6 =	sadd.s32 @!p0 $0x88, s6;
	s7 =	simm.s32 @p2 $0x1082  }
0x22: {  	[simem:s7], [sflag:s8] =	dma.local @!p0 [hbm:s6], $0xF7A  }
0x23: {  	s9 =	sor.u32 $0xD0000000, s2;
	s6 =	simm.s32 $0x108;
	_ =	swait.ge @!p0 [sflag:s8], $0x0  }
0x24: {  	s3 =	sadd.s32 $0x88, s3;
	s6 =	simm.s32 @!p1 $0x1082;
	[sflag:s4] =	ssyncset.s32 $0xFFFFF086  }
0x25: {  	[simem:s6], [sflag:s4] =	dma.local [hbm:s3], $0xF7A  }
0x26: {  	[smem:$0x3F9D] =	sst s1;
	(tag) =	ssettag s2;
	_ =	strace s9  }
0x27: {  	s1 =	sld [smem:$0x3FAD]  }
0x28: {  	s2 =	sld [smem:$0x3FAE]  }
0x29: {  	s4 =	sld [smem:$0x3FB0]  }
0x2a: {  	p0 =	seq.s32 s5, $0x0;
	s5 =	sld [smem:$0x3FB1]  }
0x2b: {  	s6 =	sld [smem:$0x3FB2]  }
0x2c: {  	s7 =	sld [smem:$0x3FB3]  }
0x2d: {  	s3 =	simm.s32 $0x108;
	s8 =	sld [smem:$0x3FB4]  }
0x2e: {  	s3 =	simm.s32 @!p0 $0x1082;
	s9 =	sld [smem:$0x3FB5]  }
0x2f: {  	lr =	sadd.s32 s0, s3;
	s0 =	sld [smem:$0x3FAC]  }
0x30: {  	s3 =	sld [smem:$0x3FAF]  }
0x31: {  	[smem:$0x3FB8] =	sst s10  }
0x32: {  	s10 =	sld [smem:$0x3FB6];
	_ =	sdelay $0x3  }
0x33: {  	p0 =	seq.s32 s10, $0x1;
	s10 =	sld [smem:$0x3FB8];
	_ =	sdelay $0x3  }
0x34: {  	[smem:$0x3FB8] =	sst s10  }
0x35: {  	s10 =	sld [smem:$0x3FB7];
	_ =	sdelay $0x3  }
0x36: {  	p1 =	seq.s32 s10, $0x1;
	s10 =	sld [smem:$0x3FB8];
	_ =	sdelay $0x3  }
0x37: {  	[smem:$0x3FB8] =	sst s10  }
0x38: {  	s10 =	sld [smem:$0x3FB9]  }
0x39: {  	_ = 	snop;
	(pc) =	sbr.ind lr, $3  }
0x3a: {  	_ = 	snop  }
0x3b: {  	_ = 	snop  }
0x3c: {  	p2 =	seq.s32 s10, $0x1;
	s10 =	sld [smem:$0x3FB8]  }
0x3d: {  	_ =	shalt  }
0x3e: {  	_ =	shalt  }
0x3f: {  	_ =	shalt  }
0x40: {  	_ =	shalt  }
0x41: {  	_ =	shalt  }
0x42: {  	_ =	shalt  }
0x43: {  	_ =	shalt  }
0x44: {  	_ =	shalt  }
0x45: {  	_ =	shalt  }
0x46: {  	_ =	shalt  }
0x47: {  	_ =	shalt  }
0x48: {  	_ =	shalt  }
0x49: {  	_ =	shalt  }
0x4a: {  	_ =	shalt  }
0x4b: {  	_ =	shalt  }
0x4c: {  	_ =	shalt  }
0x4d: {  	_ =	shalt  }
0x4e: {  	_ =	shalt  }
0x4f: {  	_ =	shalt  }
0x50: {  	_ =	shalt  }
0x51: {  	_ =	shalt  }
0x52: {  	_ =	shalt  }
0x53: {  	_ =	shalt  }
0x54: {  	_ =	shalt  }
0x55: {  	_ =	shalt  }
0x56: {  	_ =	shalt  }
0x57: {  	_ =	shalt  }
0x58: {  	_ =	shalt  }
0x59: {  	_ =	shalt  }
0x5a: {  	_ =	shalt  }
0x5b: {  	_ =	shalt  }
0x5c: {  	_ =	shalt  }
0x5d: {  	_ =	shalt  }
0x5e: {  	_ =	shalt  }
0x5f: {  	_ =	shalt  }
0x60: {  	_ =	shalt  }
0x61: {  	_ =	shalt  }
0x62: {  	_ =	shalt  }
0x63: {  	_ =	shalt  }
0x64: {  	_ =	shalt  }
0x65: {  	_ =	shalt  }
0x66: {  	_ =	shalt  }
0x67: {  	_ =	shalt  }
0x68: {  	_ =	shalt  }
0x69: {  	_ =	shalt  }
0x6a: {  	_ =	shalt  }
0x6b: {  	_ =	shalt  }
0x6c: {  	_ =	shalt  }
0x6d: {  	_ =	shalt  }
0x6e: {  	_ =	shalt  }
0x6f: {  	_ =	shalt  }
0x70: {  	_ =	shalt  }
0x71: {  	_ =	shalt  }
0x72: {  	_ =	shalt  }
0x73: {  	_ =	shalt  }
0x74: {  	_ =	shalt  }
0x75: {  	_ =	shalt  }
0x76: {  	_ =	shalt  }
0x77: {  	_ =	shalt  }
0x78: {  	_ =	shalt  }
0x79: {  	_ =	shalt  }
0x7a: {  	_ =	shalt  }
0x7b: {  	_ =	shalt  }
0x7c: {  	_ =	shalt  }
0x7d: {  	_ =	shalt  }
0x7e: {  	_ =	shalt  }
0x7f: {  	_ =	shalt  }
0x80: {  	_ =	shalt  }
0x81: {  	_ =	shalt  }
0x82: {  	_ =	shalt  }
0x83: {  	_ =	shalt  }
0x84: {  	_ =	shalt  }
0x85: {  	_ =	shalt  }
0x86: {  	_ =	shalt  }
0x87: {  	_ =	shalt  }
.Lfunc_end0:
.L_simem_size_0:
called_computation.1_lowered:
.L_overlay_start_0:
0x88: {  	s0 =	sld [smem:$0x3FD9]  }
0x89: {  	s1 =	sld [smem:$0x3FFE];
	_ =	sdelay $0x3  }
0x8a: {  	s0 =	sadd.s32 s1, s0  }
0x8b: {  	[smem:$0x3FC4] =	sst s0  }
0x8c: {  	_ = 	snop  }
0x8d: {  	s0 =	sld [smem:$0x3FD0];
	(tm) =	ssettm $0x1  }
0x8e: {  	s16 =	sld [smem:$0x3FFB];
	_ =	sdelay $0x3  }
0x8f: {  	_ =	strace s16  }
0x90: {  	s1 =	sld [smem:$0x3FFC];
	_ =	sdelay $0x3  }
0x91: {  	_ =	strace s1  }
0x92: {  	s1 =	sld [smem:$0x3FFD];
	_ =	sdelay $0x3  }
0x93: {  	_ =	strace s1  }
0x94: {  	_ =	strace $0x8FFFFFFF  }
0x95: {  	s17 =	sld [smem:$0x3FDB];
	_ =	sdelay $0x1  }
0x96: {  	s2 =	simm.s32 $_scs_section_size  }
0x97: {  	s3 =	simm.s32 $_size__tile_overlayer_lowered;
	s4 =	simm.s32 $_tile_overlayer_lowered  }
0x98: {  	s20 =	simm.s32 $0x1BFF;
	s19 =	sshll.u32 s4, $0x1;
	s1 =	sadd.s32 s2, s17  }
0x99: {  	s5 =	simm.s32 $0x0;
	s18 =	sshll.u32 s3, $0x1;
	s3 =	sadd.s32 s19, s1  }
0x9a: {  	[timem:s5], [sflag:s20] =	dma.local [hbm:s3], s18  }
0x9b: {  	_ =	swait.ge [sflag:s20], s18  }
0x9c: {  	s2 =	ssub.s32 $0x0, s18;
	[sflag:s20] =	ssyncset.done $0x0  }
0x9d: {  	[sflag:s20] =	ssyncadd.s32 s2;
	_ =	sdelay $0x1  }
0x9e: {  	s21 =	simm.s32 $0x1B8B  }
0x9f: {  	_ =	swait.ge [sflag:s21], $0x1  }
0xa0: {  	[sflag:s21] =	ssyncset.done $0x0  }
0xa1: {  	s23 =	simm.s32 $0x1B8E;
	s22 =	sld [smem:$0x3FFE];
	[sflag:s21] =	ssyncadd.s32 $0xFFFFFFFF  }
0xa2: {  	s24 =	simm.s32 $execute0_lowered;
	[smem:$0x3FD2] =	sst s23  }
0xa3: {  	s3 =	sshll.u32 s24, $0x1;
	_ =	strace $0x80000046;
	[dreg:$0x1] =	wrdreg $0xFFFFFFFF  }
0xa4: {  	s25 =	simm.s32 $_size_execute0_lowered;
	s1 =	sadd.s32 s1, s3;
	[dreg:$0x0] =	wrdreg $0x0  }
0xa5: {  	s3 =	sshll.u32 s25, $0x1;
	[dreg:$0x2] =	wrdreg s1  }
0xa6: {  	[dreg:$0x3] =	wrdreg s3  }
0xa7: {  	[dreg:$0x4] =	wrdreg $0xC0  }
0xa8: {  	_ =	task [dreg:s5], $0x5FFFF  }
0xa9: {  	[dreg:$0x1] =	wrdreg $0xFFFFFFFF  }
0xaa: {  	[dreg:$0x0] =	wrdreg $0x60  }
0xab: {  	[dreg:$0x2] =	wrdreg s22  }
0xac: {  	[dreg:$0x3] =	wrdreg s0  }
0xad: {  	[dreg:$0x4] =	wrdreg $0xA  }
0xae: {  	_ =	task.clear_ibuf [dreg:s5], $0x5FFFF;
	_ =	strace $0x90000046  }
0xaf: {  	s26 =	simm.s32 $0xA;
	_ =	strace $0x80000048  }
0xb0: {  	_ =	swait.ge [sflag:s26], $0x1  }
0xb1: {  	[sflag:s26] =	ssyncadd.s32 $0xFFFFFFFF  }
0xb2: {  	_ =	strace $0x90000048  }
0xb3: {  	_ =	sfence  }
0xb4: {  	s28 =	sld [smem:$0x0];
	_ =	sdelay $0x1  }
0xb5: {  	s29 =	srdreg.scid  }
0xb6: {  	s30 =	sshll.u32 s29, $0xD;
	s31 =	sshrl.u32 s29, $0x2  }
0xb7: {  	s2 =	sand.u32 $0x4000, s30;
	s1 =	sand.u32 $0x1, s29;
	s0 =	sadd.s32 s31, s28  }
0xb8: {  	s1 =	sor.u32 s2, s1;
	s0 =	sshll.u32 s0, $0x11  }
0xb9: {  	s0 =	sor.u32 s0, s1  }
0xba: {  	s0 =	sadd.s32 $0x8F2B, s0  }
0xbb: {  	[sflag:s0] =	ssyncadd.remote.s32 $0x1  }
0xbc: {  	_ =	sfence.sel $0xFFFF  }
0xbd: {  	[dreg:$0x0] =	wrdreg $0xFFFFFFFF;
	(pc) =	sbr.abs _section_cstart, $3  }
0xbe: {  	[dreg:$0x1] =	wrdreg $0xFFFFFFFF  }
0xbf: {  	_ =	task.clear_ibuf [dreg:s5], $0x2FFFF;
	_ =	strace $0x9FFFFFFF  }
0xc0: {  	(tm) =	ssettm $0x7FFFFFFF  }
0xc1: {  	_ =	shalt  }
tec
execute0_lowered:
.L_overlay_start_1:
0x0: {  	(tag) =	ssettag $0x1  }
0x1: {  	s7 =	rddreg [dreg:$0x0]  }
0x2: {  	s2 =	rddreg [dreg:$0x1]  }
0x3: {  	s0 =	rddreg [dreg:$0x2];
	s1 =	simm.s32 $0x0  }
0x4: {  	[smem:$0x7FF] =	sst s1  }
0x5: {  	s24 =	simm.s32 $0x3;
	s3 =	sadd.s32 $0xAC00, s7;
	_ =	strace $0x80000047  }
0x6: {  	[tilespmem:s1], [sflag:$0x3] =	stream.linear.gather [hbm4b:s3+s1], $0x80, $0x38;
	[tilespmem:$0x1B000] =	vst v63  }
0x7: {  	_ =	swait.ge [sflag:s24], $0x80  }
0x8: {  	[sflag:s24] =	ssyncset.done $0x0  }
0x9: {  	s1 =	stileid.u32;
	[sflag:s24] =	ssyncadd.s32 $0xFFFFFF80  }
0xa: {  	v1 =	vld [tilespmem:s1+$0x0];
	_ =	sdelay $0x4  }
0xb: {  	(v2sf) =	vpush v1, $0x0;
	_ =	sdelay $0x1  }
0xc: {  	v2 =	vld [tilespmem:s1+$0x1];
	_ =	sdelay $0x4  }
0xd: {  	(v2sf) =	vpush v2, $0x0;
	_ =	sdelay $0x7  }
0xe: {  	s25 =	spop (v2sf)  }
0xf: {  	s4 =	sand.u32 $0x1F, s25  }
0x10: {  	s5 =	sshra.s32 s25, $0x1F;
	p0 =	slt.s32 s25, $0x1;
	p1 =	sne.s32 s4, $0x0  }
0x11: {  	s26 =	sshrl.u32 s5, $0x1B;
	p0 =	por !p0, !p1  }
0x12: {  	s4 =	simm.s32 $0x1;
	s3 =	sadd.s32 s26, s25;
	p0 =	por !p0, !p0  }
0x13: {  	s3 =	sshra.s32 s3, $0x5;
	s4 =	simm.s32 @!p0 $0x0  }
0x14: {  	s5 =	ssub.s32 s3, s4  }
0x15: {  	s28 =	spop (v2sf);
	s3 =	sshll.u32 s5, $0x5  }
0x16: {  	s4 =	ssub.s32 s28, s3  }
0x17: {  	s4 =	sadd.s32 $0xFF, s4  }
0x18: {  	s6 =	sand.u32 $0xFF, s4  }
0x19: {  	s8 =	sshra.s32 s4, $0x1F;
	p5 =	slt.s32 s4, $0x1;
	p6 =	sne.s32 s6, $0x0  }
0x1a: {  	s29 =	sshrl.u32 s8, $0x18;
	p0 =	por !p5, !p6  }
0x1b: {  	s8 =	simm.s32 $0x1;
	s4 =	sadd.s32 s29, s4;
	p0 =	por !p0, !p0  }
0x1c: {  	s4 =	sshra.s32 s4, $0x8;
	s8 =	simm.s32 @!p0 $0x0  }
0x1d: {  	s4 =	ssub.s32 s4, s8  }
0x1e: {  	p0 =	slt.s32 s4, $0x1  }
0x1f: {  	s6 =	sshll.u32 @!p0 s5, $0x9  }
0x20: {  	s5 =	sadd.s32 $0xAE00, s7;
	s6 =	sand.u32 @!p0 $0x1FFFFE00, s6  }
0x21: {  	s8 =	simm.s32 @!p0 $0x0;
	s9 =	simm.s32 @!p0 $0xAA00;
	s6 =	sadd.s32 @!p0 s5, s6  }
0x22: {  	[tilespmem:s9], [sflag:$0x1] =	stream.linear.gather @!p0 [hbm4b:s6+s8], $0x8000, $0x38;
	[tilespmem:$0x1B000] =	vst v63  }
0x23: {  	s9 =	sshrl.u32 @!p0 s3, $0x3  }
0x24: {  	s11 =	simm.s32 @!p0 $0x1AA00;
	s6 =	sadd.s32 $0xE00, s7;
	s10 =	sadd.s32 @!p0 s2, s9  }
0x25: {  	[tilespmem:s11], [sflag:$0x1] =	stream.linear.gather @!p0 [hbm4b:s10+s8], $0x100, $0x38;
	[tilespmem:$0x1B000] =	vst v63  }
0x26: {  	s9 =	sadd.s32 @!p0 s6, s9;
	s10 =	simm.s32 @!p0 $0x1AC00  }
0x27: {  	v3 =	vimm.f32 $0.0e+00;
	[tilespmem:s10], [sflag:$0x1] =	stream.linear.gather @!p0 [hbm4b:s9+s8], $0x100, $0x38;
	[tilespmem:$0x1B000] =	vst v63  }
0x28: {  	[tilespmem:$0x80] =	vst v3  }
0x29: {  	[tilespmem:$0x90] =	vst v3  }
0x2a: {  	[tilespmem:$0xA0] =	vst v3  }
0x2b: {  	[tilespmem:$0xB0] =	vst v3  }
0x2c: {  	[tilespmem:$0xC0] =	vst v3  }
0x2d: {  	[tilespmem:$0xD0] =	vst v3  }
0x2e: {  	[tilespmem:$0xE0] =	vst v3  }
0x2f: {  	[tilespmem:$0xF0] =	vst v3  }
0x30: {  	[tilespmem:$0x100] =	vst v3  }
0x31: {  	[tilespmem:$0x110] =	vst v3  }
0x32: {  	[tilespmem:$0x120] =	vst v3  }
0x33: {  	[tilespmem:$0x130] =	vst v3  }
0x34: {  	[tilespmem:$0x140] =	vst v3  }
0x35: {  	[tilespmem:$0x150] =	vst v3  }
0x36: {  	[tilespmem:$0x160] =	vst v3  }
0x37: {  	[tilespmem:$0x170] =	vst v3  }
0x38: {  	[tilespmem:$0x180] =	vst v3  }
0x39: {  	s30 =	smul.u32 $0x1400, s1;
	[tilespmem:$0x190] =	vst v3  }
0x3a: {  	s31 =	smul.u32 $0x140, s1;
	[tilespmem:$0x1A0] =	vst v3  }
0x3b: {  	s7 =	sadd.s32 s30, s7;
	[tilespmem:$0x1B0] =	vst v3  }
0x3c: {  	v0 =	vmov s31;
	s7 =	sadd.s32 $0x4EE000, s7;
	s8 =	simm.s32 $0x0;
	s9 =	simm.s32 $0x200;
	[tilespmem:$0x1C0] =	vst v3  }
.LBB2_1:
0x3d: {  	p1 =	seq.s32 s9, $0x29E00;
	[tilespmem:s8+$0x270] =	vst v3  }
0x3e: {  	[tilespmem:s8+$0x200] =	vst v3  }
0x3f: {  	[tilespmem:s8+$0x210] =	vst v3  }
.Ltmp0:
0x40: {  	[tilespmem:s8+$0x220] =	vst v3;
	(pc) =	sbr.rel @!p1 .LBB2_1-.Ltmp0, $4  }
0x41: {  	[tilespmem:s8+$0x230] =	vst v3  }
0x42: {  	[tilespmem:s8+$0x240] =	vst v3  }
0x43: {  	[tilespmem:s8+$0x250] =	vst v3  }
0x44: {  	[tilespmem:s8+$0x260] =	vst v3;
	s8 =	sshra.s32 s9, $0x2;
	s9 =	sadd.s32 $0x200, s9  }
0x45: {  	[tilespmem:s8+$0x270] =	vst v3  }
0x46: {  	[tilespmem:s8+$0x200] =	vst v3  }
0x47: {  	[tilespmem:s8+$0x210] =	vst v3  }
.Ltmp1:
0x48: {  	[tilespmem:s8+$0x220] =	vst v3;
	(pc) =	sbr.rel @p0 .LBB2_7-.Ltmp1, $4  }
0x49: {  	[tilespmem:s8+$0x230] =	vst v3  }
0x4a: {  	[tilespmem:s8+$0x240] =	vst v3  }
0x4b: {  	[tilespmem:s8+$0x250] =	vst v3  }
0x4c: {  	[tilespmem:s8+$0x260] =	vst v3;
	v1 =	vbroadcast v1, $0x0;
	v2 =	vbroadcast v2, $0x0;
	s8 =	sadd.s32 $0x30, s3  }
0x4d: {  	s9 =	sadd.s32 $0x30, s3  }
0x4e: {  	s10 =	simm.s32 $0x0;
	s11 =	simm.s32 $0x1AB00;
	s12 =	simm.s32 $0x3  }
0x4f: {  	s13 =	simm.s32 $0x1AD00;
	v3 =	vlaneseq.u32;
	s14 =	simm.s32 $0x80;
	s15 =	simm.s32 $0x0  }
.LBB2_4:
0x50: {  	s16 =	sshll.u32 s15, $0x8  }
0x51: {  	s16 =	sadd.s32 s3, s16  }
0x52: {  	s16 =	sshrl.u32 s16, $0x3  }
0x53: {  	s17 =	sadd.s32 s2, s16  }
0x54: {  	[tilespmem:s11], [sflag:$0x3] =	stream.linear.gather [hbm4b:s17+s10], $0x100, $0x38;
	[tilespmem:$0x1B000] =	vst v63  }
0x55: {  	_ =	swait.ge [sflag:s12], $0x100  }
0x56: {  	[sflag:s12] =	ssyncset.done $0x0  }
0x57: {  	s16 =	sadd.s32 s6, s16;
	[sflag:s12] =	ssyncadd.s32 $0xFFFFFF00  }
0x58: {  	[tilespmem:s13], [sflag:$0x3] =	stream.linear.gather [hbm4b:s16+s10], $0x100, $0x38;
	[tilespmem:$0x1B000] =	vst v63  }
0x59: {  	_ =	swait.ge [sflag:s12], $0x100  }
0x5a: {  	[sflag:s12] =	ssyncset.done $0x0  }
0x5b: {  	s31 =	simm.s32 $0x1AB20;
	[sflag:s12] =	ssyncadd.s32 $0xFFFFFF00  }
0x5c: {  	v4 =	vld [tilespmem:s31+$0x10]  }
0x5d: {  	v5 =	vld [tilespmem:s31+$0xFFFFFFE0]  }
0x5e: {  	s16 =	simm.s32 $0x1AD20  }
0x5f: {  	v6 =	vld [tilespmem:s16+$0x10]  }
0x60: {  	v7 =	vld [tilespmem:s31+$0xFFFFFFF0]  }
0x61: {  	v8 =	vld [tilespmem:s31+$0x0];
	v4 =	vmul.f32 $1.442695020e+00, v4  }
0x62: {  	v9 =	vld [tilespmem:s16+$0xFFFFFFE0];
	v5 =	vmul.f32 $1.442695020e+00, v5  }
0x63: {  	v11 =	vld [tilespmem:s16+$0x0];
	(erf) = vpow2.f32 v4  }
0x64: {  	v10 =	vld [tilespmem:s16+$0xFFFFFFF0];
	v4 =	vsub.s32 v6, v0;
	(erf) = vpow2.f32 v5  }
0x65: {  	v6 =	vmul.f32 $1.442695020e+00, v7;
	v5 =	vor.u32 s9, v3;
	vm0 =	vgt.s32 v4, $0x0  }
0x66: {  	vm1 =	vge.s32 v5, v1;
	vm2 =	vlt.s32 v5, v2;
	v4 =	vnsel vm0, $0x0, v4  }
0x67: {  	v8 =	vmul.f32 $1.442695020e+00, v8;
	vm0 =	vmand vm1, vm2;
	v4 =	vmin.u32 v4, $0x13F  }
0x68: {  	v7 =	vsub.s32 v11, v0;
	(erf) = vpow2.f32 v6;
	v4 =	vnsel vm0, $0x14C, v4  }
0x69: {  	s20 =	sadd.s32 $0xFFFFFFD0, s9;
	s21 =	sadd.s32 $0xFFFFFFE0, s9;
	s22 =	sadd.s32 $0xFFFFFFF0, s9;
	v5 =	vsub.s32 v9, v0;
	v6 =	vsub.s32 v10, v0;
	(erf) = vpow2.f32 v8  }
0x6a: {  	s18 =	simm.s32 $0x1AB60;
	s19 =	smov.u32 s9;
	s17 =	simm.s32 $0x0;
	vm1 =	vgt.s32 v6, $0x0;
	vm2 =	vgt.s32 v7, $0x0;
	vm0 =	vgt.s32 v5, $0x0  }
.LBB2_5:
0x6b: {  	v8 =	vld [tilespmem:s18+$0x10];
	s17 =	sadd.s32 $0x4, s17;
	v9 =	vor.u32 s20, v3;
	v10 =	vor.u32 s21, v3;
	v11 =	vor.u32 s22, v3  }
0x6c: {  	v5 =	vnsel vm0, $0x0, v5;
	v6 =	vnsel vm1, $0x0, v6;
	v7 =	vnsel vm2, $0x0, v7;
	v12 =	vld [tilespmem:s18+$0xFFFFFFE0];
	p0 =	slt.u32 s17, $0xC;
	v13 =	vpop (erf)  }
0x6d: {  	s16 =	sadd.s32 $0x40, s16;
	vm0 =	vge.s32 v9, v1;
	vm1 =	vlt.s32 v9, v2;
	v5 =	vmin.u32 v5, $0x13F;
	[tilespmem:v4+s14+$0x0] =	vst.idx.add.f32.msk $0xffff, v13;
	v4 =	vpop (erf)  }
0x6e: {  	vm2 =	vge.s32 v10, v1;
	vm3 =	vlt.s32 v10, v2;
	vm4 =	vge.s32 v11, v1;
	v9 =	vld [tilespmem:s16+$0x10]  }
0x6f: {  	v6 =	vmin.u32 v6, $0x13F;
	vm5 =	vlt.s32 v11, v2;
	v7 =	vmin.u32 v7, $0x13F;
	v10 =	vld [tilespmem:s18+$0xFFFFFFF0]  }
0x70: {  	vm0 =	vmand vm0, vm1;
	vm1 =	vmand vm2, vm3;
	v11 =	vld [tilespmem:s18+$0x0];
	v8 =	vmul.f32 $1.442695020e+00, v8  }
0x71: {  	v5 =	vnsel vm0, $0x14C, v5;
	vm0 =	vmand vm4, vm5;
	v13 =	vld [tilespmem:s16+$0xFFFFFFE0];
	v12 =	vmul.f32 $1.442695020e+00, v12;
	v14 =	vpop (erf)  }
0x72: {  	v6 =	vnsel vm1, $0x14C, v6;
	v15 =	vld [tilespmem:s16+$0xFFFFFFF0];
	(erf) = vpow2.f32 v8;
	v8 =	vnsel vm0, $0x14C, v7;
	v16 =	vpop (erf)  }
0x73: {  	s19 =	sadd.s32 $0x40, s19;
	v7 =	vld [tilespmem:s16+$0x0];
	v9 =	vsub.s32 v9, v0;
	(erf) = vpow2.f32 v12  }
0x74: {  	s20 =	sadd.s32 $0xFFFFFFD0, s19;
	s21 =	sadd.s32 $0xFFFFFFE0, s19;
	s22 =	sadd.s32 $0xFFFFFFF0, s19;
	v12 =	vor.u32 s19, v3;
	v10 =	vmul.f32 $1.442695020e+00, v10;
	vm0 =	vgt.s32 v9, $0x0  }
.Ltmp2:
0x75: {  	vm1 =	vge.s32 v12, v1;
	vm2 =	vlt.s32 v12, v2;
	v9 =	vnsel vm0, $0x0, v9;
	(pc) =	sbr.rel @p0 .LBB2_5-.Ltmp2, $4  }
0x76: {  	v11 =	vmul.f32 $1.442695020e+00, v11;
	vm0 =	vmand vm1, vm2;
	v9 =	vmin.u32 v9, $0x13F;
	[tilespmem:v5+s14+$0x0] =	vst.idx.add.f32.msk $0xffff, v4  }
0x77: {  	v5 =	vsub.s32 v13, v0;
	v4 =	vnsel vm0, $0x14C, v9;
	(erf) = vpow2.f32 v10;
	[tilespmem:v6+s14+$0x0] =	vst.idx.add.f32.msk $0xffff, v14  }
0x78: {  	v6 =	vsub.s32 v15, v0;
	v7 =	vsub.s32 v7, v0;
	(erf) = vpow2.f32 v11;
	[tilespmem:v8+s14+$0x0] =	vst.idx.add.f32.msk $0xffff, v16  }
0x79: {  	s18 =	sadd.s32 $0x40, s18;
	vm0 =	vgt.s32 v5, $0x0;
	vm1 =	vgt.s32 v6, $0x0;
	vm2 =	vgt.s32 v7, $0x0  }
0x7a: {  	v8 =	vor.u32 s20, v3;
	v9 =	vor.u32 s21, v3  }
0x7b: {  	v10 =	vor.u32 s22, v3;
	v5 =	vnsel vm0, $0x0, v5;
	v6 =	vnsel vm1, $0x0, v6  }
0x7c: {  	v7 =	vnsel vm2, $0x0, v7;
	vm11 =	vge.s32 v8, v1;
	vm12 =	vlt.s32 v8, v2  }
0x7d: {  	v5 =	vmin.u32 v5, $0x13F;
	vm13 =	vge.s32 v9, v1;
	vm3 =	vlt.s32 v9, v2  }
0x7e: {  	vm4 =	vge.s32 v10, v1;
	v6 =	vmin.u32 v6, $0x13F;
	vm0 =	vmand vm11, vm12  }
0x7f: {  	vm14 =	vlt.s32 v10, v2;
	vm2 =	vmand vm13, vm3;
	v5 =	vnsel vm0, $0x14C, v5  }
0x80: {  	s15 =	sadd.s32 $0x1, s15;
	v7 =	vmin.u32 v7, $0x13F;
	vm15 =	vmand vm4, vm14;
	v6 =	vnsel vm2, $0x14C, v6  }
0x81: {  	p0 =	sne.s32 s15, s4;
	v7 =	vnsel vm15, $0x14C, v7  }
.Ltmp3:
0x82: {  	v62 =	vpop (erf);
	(pc) =	sbr.rel @p0 .LBB2_4-.Ltmp3, $4  }
0x83: {  	[tilespmem:v4+s14+$0x0] =	vst.idx.add.f32.msk $0xffff, v62;
	v4 =	vpop (erf)  }
0x84: {  	v63 =	vpop (erf);
	[tilespmem:v5+s14+$0x0] =	vst.idx.add.f32.msk $0xffff, v4  }
0x85: {  	v4 =	vpop (erf);
	[tilespmem:v6+s14+$0x0] =	vst.idx.add.f32.msk $0xffff, v63  }
0x86: {  	s9 =	sadd.s32 $0x100, s9;
	[tilespmem:v7+s14+$0x0] =	vst.idx.add.f32.msk $0xffff, v4  }
.LBB2_7:
0x87: {  	s9 =	sadd.s32 $0x1, s4  }
0x88: {  	s10 =	sand.u32 $0x1, s9  }
0x89: {  	p0 =	slt.s32 s4, $0x0;
	p1 =	seq.s32 s10, $0x1  }
0x8a: {  	s31 =	sshrl.u32 s9, $0x1F;
	p0 =	por !p0, !p1  }
0x8b: {  	s9 =	sadd.s32 s31, s9;
	s10 =	simm.s32 $0x1;
	p0 =	por !p0, !p0  }
0x8c: {  	s9 =	sshra.s32 s9, $0x1;
	s10 =	simm.s32 @!p0 $0x0  }
0x8d: {  	s9 =	ssub.s32 s9, s10  }
0x8e: {  	p0 =	slt.s32 s9, $0x1  }
.Ltmp4:
0x8f: {  	_ = 	snop;
	(pc) =	sbr.rel @p0 .LBB2_28-.Ltmp4, $2  }
0x90: {  	_ =	sdelay $0x2  }
0x91: {  	s10 =	simm.s32 $0x1  }
.Ltmp5:
0x92: {  	(pc) =	sbr.rel .LBB2_9-.Ltmp5, $4  }
0x93: {  	v3 =	vlaneseq.u32  }
0x94: {  	s11 =	sadd.s32 $0x130, s3;
	s12 =	simm.s32 $0x0;
	s13 =	simm.s32 $0x80;
	v4 =	vor.u32 $0x10, v3  }
0x95: {  	s14 =	simm.s32 $0x1AF00;
	s15 =	simm.s32 $0x1AE00;
	s16 =	simm.s32 $0xAA00;
	v5 =	vor.u32 $0x20, v3;
	v6 =	vor.u32 $0x30, v3;
	v7 =	vor.u32 $0x40, v3  }
0x96: {  	s17 =	simm.s32 $0x200;
	s18 =	simm.s32 $0x2;
	s19 =	simm.s32 $0x12A00;
	v8 =	vor.u32 $0x50, v3;
	v9 =	vor.u32 $0x60, v3;
	v10 =	vor.u32 $0x70, v3  }
.LBB2_21:
0x97: {  	s21 =	simm.s32 $0x180  }
.LBB2_26:
0x98: {  	_ =	sdelay $0x3  }
0x99: {  	[tilespmem:v34+s17+$0x0] =	vst.idx.add.f32.msk @p0 $0xffff, v38;
	v28 =	vmul.f32 @p0 v32, v18;
	v32 =	vor.u32 @p0 v8, v13  }
0x9a: {  	v25 =	vmov s23;
	s21 =	sadd.s32 @p0 $0x200, s21;
	v52 =	vld.idx.msk [tilespmem:v31+s15+$0x0], $0xffff  }
0x9b: {  	v25 =	vand.u32 $0xFFFFFFFE, v25;
	s20 =	smov.u32 @p0 s21;
	[tilespmem:v35+s17+$0x0] =	vst.idx.add.f32.msk @p0 $0xffff, v28;
	v28 =	vor.u32 @p0 v8, v16  }
0x9c: {  	v51 =	vbroadcast v25, $0x0;
	v25 =	vld.idx.msk [tilespmem:v31+s14+$0x0], $0xffff;
	v33 =	vmul.f32 @p0 v33, v29;
	v57 =	vor.u32 s20, v3  }
0x9d: {  	s21 =	sadd.s32 $0xFFFFFE80, s20;
	v35 =	vld.idx.msk @p0 [tilespmem:v37+s19+$0x0], $0xffff  }
0x9e: {  	s22 =	sadd.s32 $0xFFFFFF00, s20;
	v36 =	vmul.f32 @p0 v36, v30;
	v54 =	vor.u32 s21, v3;
	[tilespmem:v32+s17+$0x0] =	vst.idx.add.f32.msk @p0 $0xffff, v33  }
0x9f: {  	v56 =	vor.u32 s22, v3;
	v24 =	vld.idx.msk @p0 [tilespmem:v24+s19+$0x0], $0xffff  }
0xa0: {  	[tilespmem:v28+s17+$0x0] =	vst.idx.add.f32.msk @p0 $0xffff, v36  }
0xa1: {  	s31 =	sadd.s32 $0xFFFFFF80, s20;
	v37 =	vld.idx.msk [tilespmem:v57+s19+$0x0], $0xffff  }
0xa2: {  	v53 =	vor.u32 s31, v3;
	v55 =	vld.idx.msk [tilespmem:v51+s15+$0x0], $0xffff  }
0xa3: {  	v19 =	vor.u32 @p0 v10, v19;
	v28 =	vld.idx.msk [tilespmem:v54+s19+$0x0], $0xffff  }
0xa4: {  	v23 =	vshll.u32 v23, $0x7;
	v36 =	vld.idx.msk [tilespmem:v56+s19+$0x0], $0xffff  }
0xa5: {  	v61 =	vor.u32 v3, v23;
	v35 =	vmul.f32 @p0 v35, v18;
	v39 =	vld.idx.msk @p0 [tilespmem:v22+s19+$0x0], $0xffff;
	v22 =	vshll.u32 v27, $0x7  }
0xa6: {  	v18 =	vld.idx.msk [tilespmem:v51+s14+$0x0], $0xffff;
	v60 =	vor.u32 v3, v22;
	v38 =	vmul.f32 @p0 v24, v29;
	v24 =	vshll.u32 v52, $0x7  }
0xa7: {  	v32 =	vld.idx.msk [tilespmem:v53+s19+$0x0], $0xffff;
	v59 =	vor.u32 v3, v24  }
0xa8: {  	v62 =	vor.u32 s22, v4;
	[tilespmem:v19+s17+$0x0] =	vst.idx.add.f32.msk @p0 $0xffff, v35;
	v37 =	vmul.f32 v37, v11;
	v19 =	vshll.u32 v55, $0x7  }
0xa9: {  	v26 =	vld.idx.msk @p0 [tilespmem:v26+s19+$0x0], $0xffff;
	v28 =	vmul.f32 v28, v12;
	v33 =	vor.u32 v3, v19  }
0xaa: {  	v63 =	vor.u32 s21, v4;
	v36 =	vmul.f32 v36, v25;
	[tilespmem:v61+s17+$0x0] =	vst.idx.add.f32.msk $0xffff, v37  }
0xab: {  	v40 =	vor.u32 s20, v4;
	[tilespmem:v60+s17+$0x0] =	vst.idx.add.f32.msk $0xffff, v28  }
0xac: {  	v32 =	vmul.f32 v32, v18;
	[tilespmem:v59+s17+$0x0] =	vst.idx.add.f32.msk $0xffff, v36  }
0xad: {  	v34 =	vor.u32 @p0 v9, v15;
	v42 =	vld.idx.msk [tilespmem:v62+s19+$0x0], $0xffff  }
0xae: {  	v58 =	vor.u32 s31, v4;
	[tilespmem:v33+s17+$0x0] =	vst.idx.add.f32.msk $0xffff, v32  }
0xaf: {  	v44 =	vor.u32 v4, v24;
	v32 =	vld.idx.msk [tilespmem:v63+s19+$0x0], $0xffff  }
0xb0: {  	v45 =	vor.u32 s22, v5;
	v26 =	vmul.f32 @p0 v26, v14;
	v33 =	vld.idx.msk [tilespmem:v40+s19+$0x0], $0xffff  }
0xb1: {  	v46 =	vor.u32 v4, v22  }
0xb2: {  	v48 =	vor.u32 v4, v23;
	[tilespmem:v34+s17+$0x0] =	vst.idx.add.f32.msk @p0 $0xffff, v26;
	v28 =	vmul.f32 v42, v25  }
0xb3: {  	v47 =	vor.u32 s21, v5;
	v31 =	vld.idx.msk [tilespmem:v58+s19+$0x0], $0xffff  }
0xb4: {  	v49 =	vor.u32 s20, v5;
	v32 =	vmul.f32 v32, v12;
	[tilespmem:v44+s17+$0x0] =	vst.idx.add.f32.msk $0xffff, v28  }
0xb5: {  	v35 =	vor.u32 @p0 v9, v13;
	v33 =	vmul.f32 v33, v11;
	v36 =	vld.idx.msk [tilespmem:v45+s19+$0x0], $0xffff  }
0xb6: {  	v41 =	vor.u32 v4, v19;
	[tilespmem:v46+s17+$0x0] =	vst.idx.add.f32.msk $0xffff, v32  }
0xb7: {  	v43 =	vor.u32 s31, v5;
	[tilespmem:v48+s17+$0x0] =	vst.idx.add.f32.msk $0xffff, v33  }
0xb8: {  	v52 =	vor.u32 v5, v24;
	v27 =	vld.idx.msk [tilespmem:v47+s19+$0x0], $0xffff  }
0xb9: {  	v53 =	vor.u32 s22, v6;
	v31 =	vmul.f32 v31, v18;
	v34 =	vld.idx.msk [tilespmem:v49+s19+$0x0], $0xffff  }
0xba: {  	v54 =	vor.u32 v5, v22;
	[tilespmem:v35+s17+$0x0] =	vst.idx.add.f32.msk @p0 $0xffff, v38  }
0xbb: {  	v57 =	vor.u32 v5, v23;
	[tilespmem:v41+s17+$0x0] =	vst.idx.add.f32.msk $0xffff, v31;
	v56 =	vmul.f32 v36, v25  }
0xbc: {  	v55 =	vor.u32 s21, v6;
	v31 =	vld.idx.msk [tilespmem:v43+s19+$0x0], $0xffff  }
0xbd: {  	v58 =	vor.u32 s20, v6;
	v27 =	vmul.f32 v27, v12;
	[tilespmem:v52+s17+$0x0] =	vst.idx.add.f32.msk $0xffff, v56  }
0xbe: {  	v26 =	vor.u32 @p0 v9, v16;
	v61 =	vmul.f32 v34, v11;
	v32 =	vld.idx.msk [tilespmem:v53+s19+$0x0], $0xffff  }
0xbf: {  	v50 =	vor.u32 v5, v19;
	[tilespmem:v54+s17+$0x0] =	vst.idx.add.f32.msk $0xffff, v27  }
0xc0: {  	v51 =	vor.u32 s31, v6;
	[tilespmem:v57+s17+$0x0] =	vst.idx.add.f32.msk $0xffff, v61  }
0xc1: {  	v35 =	vmul.f32 @p0 v39, v30;
	v62 =	vor.u32 v6, v24;
	v63 =	vld.idx.msk [tilespmem:v55+s19+$0x0], $0xffff  }
0xc2: {  	v40 =	vor.u32 s22, v7;
	v31 =	vmul.f32 v31, v18;
	v27 =	vld.idx.msk [tilespmem:v58+s19+$0x0], $0xffff  }
0xc3: {  	[tilespmem:v26+s17+$0x0] =	vst.idx.add.f32.msk @p0 $0xffff, v35;
	v41 =	vor.u32 v6, v22  }
0xc4: {  	v44 =	vor.u32 v6, v23;
	[tilespmem:v50+s17+$0x0] =	vst.idx.add.f32.msk $0xffff, v31;
	v43 =	vmul.f32 v32, v25  }
0xc5: {  	v42 =	vor.u32 s21, v7;
	v26 =	vld.idx.msk [tilespmem:v51+s19+$0x0], $0xffff  }
0xc6: {  	v45 =	vor.u32 s20, v7;
	v46 =	vmul.f32 v63, v12;
	[tilespmem:v62+s17+$0x0] =	vst.idx.add.f32.msk $0xffff, v43  }
0xc7: {  	v27 =	vmul.f32 v27, v11;
	v48 =	vld.idx.msk [tilespmem:v40+s19+$0x0], $0xffff  }
0xc8: {  	v59 =	vor.u32 v6, v19;
	[tilespmem:v41+s17+$0x0] =	vst.idx.add.f32.msk $0xffff, v46  }
0xc9: {  	v60 =	vor.u32 s31, v7;
	[tilespmem:v44+s17+$0x0] =	vst.idx.add.f32.msk $0xffff, v27  }
0xca: {  	v50 =	vor.u32 v7, v24;
	v31 =	vld.idx.msk [tilespmem:v42+s19+$0x0], $0xffff  }
0xcb: {  	v51 =	vor.u32 s22, v8;
	v26 =	vmul.f32 v26, v18;
	v27 =	vld.idx.msk [tilespmem:v45+s19+$0x0], $0xffff  }
0xcc: {  	v52 =	vor.u32 v7, v22  }
0xcd: {  	v55 =	vor.u32 v7, v23;
	[tilespmem:v59+s17+$0x0] =	vst.idx.add.f32.msk $0xffff, v26;
	v54 =	vmul.f32 v48, v25  }
0xce: {  	v53 =	vor.u32 s21, v8;
	v28 =	vld.idx.msk [tilespmem:v60+s19+$0x0], $0xffff  }
0xcf: {  	v56 =	vor.u32 s20, v8;
	v57 =	vmul.f32 v31, v12;
	[tilespmem:v50+s17+$0x0] =	vst.idx.add.f32.msk $0xffff, v54  }
0xd0: {  	v47 =	vor.u32 v7, v19;
	v27 =	vmul.f32 v27, v11;
	v59 =	vld.idx.msk [tilespmem:v51+s19+$0x0], $0xffff  }
0xd1: {  	v49 =	vor.u32 s31, v8;
	[tilespmem:v52+s17+$0x0] =	vst.idx.add.f32.msk $0xffff, v57  }
0xd2: {  	[tilespmem:v55+s17+$0x0] =	vst.idx.add.f32.msk $0xffff, v27  }
0xd3: {  	v61 =	vor.u32 v8, v24;
	v28 =	vmul.f32 v28, v18;
	v32 =	vld.idx.msk [tilespmem:v53+s19+$0x0], $0xffff  }
0xd4: {  	v62 =	vor.u32 s22, v9;
	v27 =	vld.idx.msk [tilespmem:v56+s19+$0x0], $0xffff  }
0xd5: {  	v63 =	vor.u32 v8, v22;
	[tilespmem:v47+s17+$0x0] =	vst.idx.add.f32.msk $0xffff, v28  }
0xd6: {  	v43 =	vor.u32 v8, v23;
	v33 =	vld.idx.msk [tilespmem:v49+s19+$0x0], $0xffff;
	v41 =	vmul.f32 v59, v25  }
0xd7: {  	v21 =	vld.idx.msk @p0 [tilespmem:v21+s19+$0x0], $0xffff;
	v40 =	vor.u32 s21, v9  }
0xd8: {  	v58 =	vor.u32 v8, v19;
	v45 =	vmul.f32 v32, v12;
	[tilespmem:v61+s17+$0x0] =	vst.idx.add.f32.msk $0xffff, v41  }
0xd9: {  	v44 =	vor.u32 s20, v9;
	v27 =	vmul.f32 v27, v11;
	v28 =	vld.idx.msk [tilespmem:v62+s19+$0x0], $0xffff  }
0xda: {  	v60 =	vor.u32 s31, v9;
	[tilespmem:v63+s17+$0x0] =	vst.idx.add.f32.msk $0xffff, v45  }
0xdb: {  	v33 =	vmul.f32 v33, v18;
	[tilespmem:v43+s17+$0x0] =	vst.idx.add.f32.msk $0xffff, v27  }
0xdc: {  	v34 =	vld.idx.msk [tilespmem:v40+s19+$0x0], $0xffff  }
0xdd: {  	v48 =	vor.u32 v9, v24;
	[tilespmem:v58+s17+$0x0] =	vst.idx.add.f32.msk $0xffff, v33  }
0xde: {  	v50 =	vor.u32 v9, v22;
	v33 =	vld.idx.msk [tilespmem:v44+s19+$0x0], $0xffff  }
0xdf: {  	v51 =	vor.u32 s22, v10;
	v42 =	vld.idx.msk [tilespmem:v60+s19+$0x0], $0xffff  }
0xe0: {  	v20 =	vld.idx.msk @p0 [tilespmem:v20+s19+$0x0], $0xffff;
	v53 =	vor.u32 v9, v23;
	v52 =	vmul.f32 v28, v25  }
0xe1: {  	v17 =	vld.idx.msk @p0 [tilespmem:v17+s19+$0x0], $0xffff;
	v46 =	vor.u32 v9, v19;
	v34 =	vmul.f32 v34, v12  }
0xe2: {  	v54 =	vor.u32 s21, v10;
	[tilespmem:v48+s17+$0x0] =	vst.idx.add.f32.msk $0xffff, v52  }
0xe3: {  	v55 =	vor.u32 s20, v10;
	v56 =	vmul.f32 v33, v11;
	[tilespmem:v50+s17+$0x0] =	vst.idx.add.f32.msk $0xffff, v34  }
0xe4: {  	v47 =	vor.u32 s31, v10;
	v49 =	vmul.f32 v42, v18;
	v57 =	vld.idx.msk [tilespmem:v51+s19+$0x0], $0xffff  }
0xe5: {  	v15 =	vor.u32 @p0 v10, v15;
	[tilespmem:v53+s17+$0x0] =	vst.idx.add.f32.msk $0xffff, v56  }
0xe6: {  	v13 =	vor.u32 @p0 v10, v13;
	[tilespmem:v46+s17+$0x0] =	vst.idx.add.f32.msk $0xffff, v49  }
0xe7: {  	v16 =	vor.u32 @p0 v10, v16;
	v58 =	vld.idx.msk [tilespmem:v54+s19+$0x0], $0xffff  }
0xe8: {  	v14 =	vmul.f32 @p0 v21, v14;
	v24 =	vor.u32 v10, v24;
	v27 =	vld.idx.msk [tilespmem:v55+s19+$0x0], $0xffff  }
0xe9: {  	v20 =	vmul.f32 @p0 v20, v29;
	v59 =	vor.u32 v10, v22;
	v26 =	vld.idx.msk [tilespmem:v47+s19+$0x0], $0xffff  }
0xea: {  	[tilespmem:v15+s17+$0x0] =	vst.idx.add.f32.msk @p0 $0xffff, v14;
	v17 =	vmul.f32 @p0 v17, v30;
	v61 =	vor.u32 v10, v23  }
0xeb: {  	[tilespmem:v13+s17+$0x0] =	vst.idx.add.f32.msk @p0 $0xffff, v20;
	v19 =	vor.u32 v10, v19;
	v62 =	vmul.f32 v57, v25  }
0xec: {  	[tilespmem:v16+s17+$0x0] =	vst.idx.add.f32.msk @p0 $0xffff, v17;
	v63 =	vmul.f32 v58, v12  }
0xed: {  	v11 =	vmul.f32 v27, v11;
	[tilespmem:v24+s17+$0x0] =	vst.idx.add.f32.msk $0xffff, v62  }
0xee: {  	v60 =	vmul.f32 v26, v18;
	[tilespmem:v59+s17+$0x0] =	vst.idx.add.f32.msk $0xffff, v63  }
0xef: {  	[tilespmem:v61+s17+$0x0] =	vst.idx.add.f32.msk $0xffff, v11  }
0xf0: {  	[tilespmem:v19+s17+$0x0] =	vst.idx.add.f32.msk $0xffff, v60  }
.LBB2_27:
0xf1: {  	s12 =	sadd.s32 $0x1, s12  }
0xf2: {  	p0 =	sne.s32 s12, s9  }
.Ltmp6:
0xf3: {  	_ = 	snop;
	(pc) =	sbr.rel @!p0 .LBB2_28-.Ltmp6, $2  }
0xf4: {  	_ =	sdelay $0x2  }
0xf5: {  	s8 =	sadd.s32 $0x200, s8;
	s11 =	sadd.s32 $0x200, s11  }
.LBB2_9:
0xf6: {  	_ =	swait.ge [sflag:s10], $0x8000  }
0xf7: {  	[sflag:s10] =	ssyncset.done $0x0  }
0xf8: {  	s20 =	sshllo.u32 s12, $0x1;
	[sflag:s10] =	ssyncadd.s32 $0xFFFF8000  }
0xf9: {  	p0 =	sge.s32 s20, s4;
	_ =	swait.ge [sflag:s10], $0x100  }
0xfa: {  	s20 =	sshll.u32 @!p0 s20, $0x8;
	[sflag:s10] =	ssyncset.done $0x0  }
0xfb: {  	s20 =	sadd.s32 @!p0 s3, s20;
	[sflag:s10] =	ssyncadd.s32 $0xFFFFFF00  }
0xfc: {  	s22 =	simm.s32 @!p0 $0x0;
	s21 =	sshll.u32 @!p0 s20, $0x4;
	_ =	swait.ge [sflag:s10], $0x100  }
0xfd: {  	s23 =	simm.s32 @!p0 $0x12A00;
	s21 =	sand.u32 @!p0 $0x1FFFFE00, s21;
	[sflag:s10] =	ssyncset.done $0x0  }
0xfe: {  	s20 =	sshrl.u32 @!p0 s20, $0x3;
	s21 =	sadd.s32 @!p0 s5, s21;
	[sflag:s10] =	ssyncadd.s32 $0xFFFFFF00  }
0xff: {  	[tilespmem:s23], [sflag:$0x2] =	stream.linear.gather @!p0 [hbm4b:s21+s22], $0x8000, $0x38;
	[tilespmem:$0x1B000] =	vst v63  }
0x100: {  	s21 =	sadd.s32 @!p0 s2, s20;
	s23 =	simm.s32 @!p0 $0x1AB00  }
0x101: {  	[tilespmem:s23], [sflag:$0x2] =	stream.linear.gather @!p0 [hbm4b:s21+s22], $0x100, $0x38;
	[tilespmem:$0x1B000] =	vst v63  }
0x102: {  	s30 =	simm.s32 $0x1AC20;
	s20 =	sadd.s32 @!p0 s6, s20;
	s21 =	simm.s32 @!p0 $0x1AD00  }
0x103: {  	[tilespmem:s21], [sflag:$0x2] =	stream.linear.gather @!p0 [hbm4b:s20+s22], $0x100, $0x38;
	[tilespmem:$0x1B000] =	vst v63  }
0x104: {  	s31 =	simm.s32 $0x1AA20;
	v11 =	vld [tilespmem:s30+$0xFFFFFFE0]  }
0x105: {  	s24 =	sadd.s32 $0xFFFFFFE0, s8;
	v12 =	vld [tilespmem:s31+$0x10]  }
0x106: {  	v14 =	vor.u32 s24, v3;
	v15 =	vld [tilespmem:s31+$0xFFFFFFF0]  }
0x107: {  	vm0 =	vge.s32 v14, v1;
	vm2 =	vlt.s32 v14, v2;
	s23 =	sadd.s32 $0xFFFFFFD0, s8;
	v14 =	vld [tilespmem:s30+$0x10]  }
0x108: {  	v13 =	vor.u32 s23, v3;
	v16 =	vld [tilespmem:s30+$0x0]  }
0x109: {  	s25 =	sadd.s32 $0xFFFFFFF0, s8;
	vm1 =	vge.s32 v13, v1;
	vm3 =	vlt.s32 v13, v2;
	v17 =	vld [tilespmem:s30+$0xFFFFFFF0]  }
0x10a: {  	vm0 =	vmand vm0, vm2;
	v13 =	vor.u32 s25, v3;
	vm1 =	vmand vm1, vm3;
	v18 =	vld [tilespmem:s31+$0xFFFFFFE0]  }
0x10b: {  	vm2 =	vlt.s32 v13, v2;
	vm3 =	vge.s32 v13, v1;
	v19 =	vld [tilespmem:s31+$0x0];
	v11 =	vsub.s32 v11, v0  }
0x10c: {  	vm2 =	vmand vm3, vm2;
	vm4 =	vgt.s32 v11, $0x0  }
0x10d: {  	v12 =	vmul.f32 $1.442695020e+00, v12;
	v13 =	vmul.f32 $1.442695020e+00, v15;
	v11 =	vnsel vm4, $0x0, v11  }
0x10e: {  	v15 =	vor.u32 s8, v3;
	v14 =	vsub.s32 v14, v0;
	v11 =	vmin.u32 v11, $0x13F  }
0x10f: {  	v16 =	vsub.s32 v16, v0;
	v17 =	vsub.s32 v17, v0;
	v11 =	vnsel vm1, $0x14C, v11  }
0x110: {  	v18 =	vmul.f32 $1.442695020e+00, v18;
	v19 =	vmul.f32 $1.442695020e+00, v19;
	vm3 =	vlt.s32 v15, v2  }
0x111: {  	s25 =	sadd.s32 $0x40, s8;
	vm5 =	vgt.s32 v17, $0x0;
	vm4 =	vgt.s32 v14, $0x0;
	vm1 =	vgt.s32 v16, $0x0  }
0x112: {  	s26 =	simm.s32 $0x1AC60;
	s22 =	simm.s32 $0x1AE20;
	s24 =	sadd.s32 $0xFFFFFFE0, s25;
	v17 =	vnsel vm5, $0x0, v17;
	(erf) = vpow2.f32 v18;
	v16 =	vnsel vm1, $0x0, v16  }
0x113: {  	v18 =	vor.u32 s24, v3;
	[tilespmem:s22+$0xFFFFFFE0] =	vst v11;
	vm1 =	vge.s32 v15, v1;
	v15 =	vmin.u32 v16, $0x13F;
	v16 =	vld [tilespmem:s26+$0xFFFFFFE0]  }
0x114: {  	s30 =	sadd.s32 $0xFFFFFFD0, s25;
	v14 =	vnsel vm4, $0x0, v14;
	v17 =	vmin.u32 v17, $0x13F;
	(erf) = vpow2.f32 v12;
	v11 =	vld.idx.msk [tilespmem:v11+s13+$0x0], $0xffff  }
0x115: {  	s29 =	simm.s32 $0x1AA60;
	v14 =	vmin.u32 v14, $0x13F;
	v20 =	vnsel vm0, $0x14C, v17;
	v17 =	vor.u32 s30, v3  }
0x116: {  	v22 =	vld [tilespmem:s29+$0xFFFFFFF0];
	vm0 =	vge.s32 v18, v1;
	(erf) = vpow2.f32 v13;
	v15 =	vnsel vm2, $0x14C, v15  }
0x117: {  	vm4 =	vlt.s32 v17, v2;
	vm1 =	vmand vm1, vm3;
	vm3 =	vlt.s32 v18, v2;
	v18 =	vld [tilespmem:s26+$0x10]  }
0x118: {  	v21 =	vld [tilespmem:s29+$0x10];
	s31 =	sadd.s32 $0xFFFFFFF0, s25;
	(erf) = vpow2.f32 v19;
	vm2 =	vge.s32 v17, v1;
	vm0 =	vmand vm0, vm3  }
0x119: {  	v19 =	vld [tilespmem:s26+$0xFFFFFFF0];
	v17 =	vor.u32 s31, v3;
	(erf) = vrcp.f32 v11;
	v11 =	vsub.s32 v16, v0  }
0x11a: {  	v13 =	vld [tilespmem:s26+$0x0];
	v23 =	vnsel vm1, $0x14C, v14;
	vm3 =	vmand vm2, vm4;
	[tilespmem:s22+$0x0] =	vst v15;
	vm4 =	vgt.s32 v11, $0x0  }
0x11b: {  	vm1 =	vlt.s32 v17, v2;
	vm2 =	vge.s32 v17, v1;
	v17 =	vld.idx.msk [tilespmem:v15+s13+$0x0], $0xffff;
	v11 =	vnsel vm4, $0x0, v11  }
0x11c: {  	v14 =	vmul.f32 $1.442695020e+00, v22;
	v22 =	vld [tilespmem:s29+$0xFFFFFFE0];
	v15 =	vsub.s32 v18, v0;
	v11 =	vmin.u32 v11, $0x13F  }
0x11d: {  	v12 =	vmul.f32 $1.442695020e+00, v21;
	v18 =	vnsel vm3, $0x14C, v11;
	vm3 =	vgt.s32 v15, $0x0  }
0x11e: {  	v21 =	vor.u32 s25, v3;
	v19 =	vsub.s32 v19, v0;
	v25 =	vpop (erf);
	v15 =	vnsel vm3, $0x0, v15  }
0x11f: {  	[tilespmem:s22+$0x10] =	vst v23;
	vm1 =	vmand vm2, vm1;
	vm5 =	vgt.s32 v19, $0x0;
	v16 =	vsub.s32 v13, v0;
	v13 =	vpop (erf)  }
0x120: {  	vm2 =	vlt.s32 v21, v2;
	v26 =	vnsel vm5, $0x0, v19;
	(erf) = vrcp.f32 v17;
	v17 =	vld.idx.msk [tilespmem:v23+s13+$0x0], $0xffff;
	v11 =	vpop (erf)  }
0x121: {  	s28 =	simm.s32 $0x1AAA0;
	s23 =	simm.s32 $0x1AE60;
	[tilespmem:s22+$0xFFFFFFF0] =	vst v20;
	v22 =	vmul.f32 $1.442695020e+00, v22;
	vm4 =	vgt.s32 v16, $0x0;
	v19 =	vmin.u32 v15, $0x13F;
	v15 =	vpop (erf)  }
0x122: {  	s20 =	sshll.u32 s12, $0x1;
	s21 =	simm.s32 $0x1AF20;
	s24 =	simm.s32 $0x4;
	v20 =	vld.idx.msk [tilespmem:v20+s13+$0x0], $0xffff;
	v24 =	vnsel vm4, $0x0, v16;
	v23 =	vmin.u32 v26, $0x13F;
	vm3 =	vge.s32 v21, v1;
	v21 =	vpop (erf)  }
0x123: {  	s25 =	sadd.s32 $0x40, s25;
	s26 =	simm.s32 $0x1ACA0;
	s22 =	simm.s32 $0x1AF60;
	v16 =	vld [tilespmem:s29+$0x0];
	v24 =	vmin.u32 v24, $0x13F;
	[tilespmem:s23+$0xFFFFFFE0] =	vst v18;
	vm3 =	vmand vm3, vm2;
	v21 =	vmul.f32 v21, v25  }
.LBB2_10:
0x124: {  	s29 =	sadd.s32 $0xFFFFFFD0, s25;
	v25 =	vld [tilespmem:s26+$0xFFFFFFE0];
	s30 =	sadd.s32 $0xFFFFFFE0, s25;
	s31 =	sadd.s32 $0xFFFFFFF0, s25;
	v23 =	vnsel vm0, $0x14C, v23;
	v24 =	vnsel vm1, $0x14C, v24;
	(erf) = vpow2.f32 v22  }
0x125: {  	s24 =	sadd.s32 $0x4, s24;
	v22 =	vor.u32 s29, v3;
	v26 =	vor.u32 s30, v3;
	v18 =	vld.idx.msk [tilespmem:v18+s13+$0x0], $0xffff;
	[tilespmem:s23+$0xFFFFFFF0] =	vst v23;
	(erf) = vrcp.f32 v17  }
0x126: {  	p1 =	slt.u32 s24, $0xC;
	vm1 =	vge.s32 v22, v1;
	vm0 =	vge.s32 v26, v1;
	vm2 =	vlt.s32 v26, v2;
	v17 =	vld [tilespmem:s28+$0x10]  }
0x127: {  	vm4 =	vlt.s32 v22, v2;
	vm0 =	vmand vm0, vm2;
	v22 =	vld [tilespmem:s28+$0x0];
	[tilespmem:s21+$0xFFFFFFE0] =	vst v21;
	(erf) = vrcp.f32 v20  }
0x128: {  	v27 =	vmul.f32 $1.442695020e+00, v16;
	vm2 =	vmand vm1, vm4;
	v20 =	vld [tilespmem:s28+$0xFFFFFFF0];
	[tilespmem:s23+$0x0] =	vst v24;
	(erf) = vpow2.f32 v12  }
0x129: {  	v19 =	vnsel vm3, $0x14C, v19;
	v21 =	vld [tilespmem:s26+$0x10];
	(erf) = vpow2.f32 v14  }
0x12a: {  	v14 =	vor.u32 s31, v3;
	v26 =	vld [tilespmem:s26+$0x0];
	(erf) = vpow2.f32 v27;
	v16 =	vpop (erf)  }
0x12b: {  	vm1 =	vlt.s32 v14, v2;
	v27 =	vld [tilespmem:s26+$0xFFFFFFF0];
	v12 =	vmul.f32 $1.442695020e+00, v17;
	(erf) = vrcp.f32 v18  }
0x12c: {  	vm3 =	vge.s32 v14, v1;
	v18 =	vsub.s32 v25, v0;
	v30 =	vmul.f32 v16, v15;
	[tilespmem:s23+$0x10] =	vst v19  }
0x12d: {  	vm1 =	vmand vm3, vm1;
	v25 =	vor.u32 s25, v3;
	v14 =	vmul.f32 $1.442695020e+00, v20;
	v24 =	vld.idx.msk [tilespmem:v24+s13+$0x0], $0xffff;
	v28 =	vpop (erf)  }
0x12e: {  	vm4 =	vgt.s32 v18, $0x0;
	vm3 =	vlt.s32 v25, v2;
	v21 =	vsub.s32 v21, v0;
	v17 =	vld.idx.msk [tilespmem:v19+s13+$0x0], $0xffff;
	[tilespmem:s21+$0x0] =	vst v30;
	v15 =	vpop (erf)  }
0x12f: {  	v16 =	vmovc v22;
	v18 =	vnsel vm4, $0x0, v18;
	v29 =	vld [tilespmem:s28+$0xFFFFFFE0];
	v19 =	vsub.s32 v26, v0;
	v15 =	vmul.f32 v15, v13  }
0x130: {  	s23 =	sadd.s32 $0x40, s23;
	v30 =	vmin.u32 v18, $0x13F;
	v22 =	vsub.s32 v27, v0;
	vm4 =	vgt.s32 v19, $0x0;
	v26 =	vpop (erf)  }
.Ltmp7:
0x131: {  	v18 =	vnsel vm2, $0x14C, v30;
	vm2 =	vgt.s32 v21, $0x0;
	v20 =	vld.idx.msk [tilespmem:v23+s13+$0x0], $0xffff;
	v13 =	vpop (erf);
	v23 =	vmul.f32 v26, v11;
	[tilespmem:s21+$0x10] =	vst v15;
	(pc) =	sbr.rel @p1 .LBB2_10-.Ltmp7, $4  }
0x132: {  	v27 =	vnsel vm2, $0x0, v21;
	vm5 =	vgt.s32 v22, $0x0;
	v26 =	vnsel vm4, $0x0, v19;
	[tilespmem:s23+$0xFFFFFFE0] =	vst v18;
	v11 =	vpop (erf)  }
0x133: {  	v19 =	vmin.u32 v27, $0x13F;
	v30 =	vnsel vm5, $0x0, v22;
	v15 =	vpop (erf);
	(erf) = vrcp.f32 v24;
	[tilespmem:s21+$0xFFFFFFF0] =	vst v23;
	s21 =	smov.u32 s22  }
0x134: {  	vm2 =	vge.s32 v25, v1;
	v23 =	vmin.u32 v30, $0x13F;
	s22 =	sadd.s32 $0x40, s22;
	v22 =	vmul.f32 $1.442695020e+00, v29;
	v21 =	vpop (erf)  }
0x135: {  	s25 =	sadd.s32 $0x40, s25;
	s26 =	sadd.s32 $0x40, s26;
	s28 =	sadd.s32 $0x40, s28;
	vm3 =	vmand vm2, vm3;
	v24 =	vmin.u32 v26, $0x13F;
	v21 =	vmul.f32 v21, v28  }
0x136: {  	v24 =	vnsel vm1, $0x14C, v24  }
0x137: {  	v19 =	vnsel vm3, $0x14C, v19  }
0x138: {  	v23 =	vnsel vm0, $0x14C, v23  }
0x139: {  	(erf) = vpow2.f32 v22  }
0x13a: {  	v18 =	vld.idx.msk [tilespmem:v18+s13+$0x0], $0xffff;
	(erf) = vrcp.f32 v17;
	[tilespmem:s23+$0x0] =	vst v24  }
0x13b: {  	[tilespmem:s23+$0x10] =	vst v19;
	(erf) = vrcp.f32 v20;
	v59 =	vld.idx.msk [tilespmem:v24+s13+$0x0], $0xffff  }
0x13c: {  	v16 =	vmul.f32 $1.442695020e+00, v16;
	[tilespmem:s23+$0xFFFFFFF0] =	vst v23;
	(erf) = vpow2.f32 v12;
	v12 =	vld.idx.msk [tilespmem:v19+s13+$0x0], $0xffff  }
0x13d: {  	(erf) = vpow2.f32 v14;
	v14 =	vld.idx.msk [tilespmem:v23+s13+$0x0], $0xffff  }
0x13e: {  	(erf) = vpow2.f32 v16  }
0x13f: {  	(erf) = vrcp.f32 v18  }
0x140: {  	(erf) = vrcp.f32 v59  }
0x141: {  	v60 =	vpop (erf);
	(erf) = vrcp.f32 v12  }
0x142: {  	v12 =	vpop (erf);
	(erf) = vrcp.f32 v14  }
0x143: {  	v14 =	vpop (erf)  }
0x144: {  	v15 =	vmul.f32 v60, v15;
	v61 =	vpop (erf)  }
0x145: {  	v13 =	vmul.f32 v14, v13;
	v62 =	vpop (erf)  }
0x146: {  	v63 =	vpop (erf)  }
0x147: {  	[tilespmem:s21+$0xFFFFFFE0] =	vst v21;
	v14 =	vpop (erf)  }
0x148: {  	s29 =	simm.s32 $0x0;
	[tilespmem:s21+$0x0] =	vst v15;
	v11 =	vmul.f32 v61, v11;
	v15 =	vpop (erf)  }
0x149: {  	s30 =	simm.s32 $0x3;
	[tilespmem:s21+$0x10] =	vst v13;
	v12 =	vmul.f32 v15, v12;
	v15 =	vmov s29;
	v13 =	vpop (erf)  }
0x14a: {  	[tilespmem:s21+$0xFFFFFFF0] =	vst v11;
	v15 =	vand.u32 $0xFFFFFFFC, v15;
	v11 =	vmul.f32 v13, v14;
	v13 =	vpop (erf);
	v14 =	vmov s30  }
0x14b: {  	[tilespmem:s22+$0xFFFFFFE0] =	vst v12;
	v15 =	vbroadcast v15, $0x0;
	v12 =	vmul.f32 v13, v62;
	v13 =	vpop (erf)  }
0x14c: {  	[tilespmem:s22+$0x0] =	vst v11;
	v11 =	vmul.f32 v13, v63  }
0x14d: {  	p2 =	por $0x1, $0x1;
	[tilespmem:s22+$0x10] =	vst v12  }
.Ltmp8:
0x14e: {  	[tilespmem:s22+$0xFFFFFFF0] =	vst v11;
	(pc) =	sbr.rel @!p2 .LBB2_12-.Ltmp8, $4  }
0x14f: {  	s31 =	simm.s32 $0x1;
	v11 =	vld.idx.msk [tilespmem:v14+s14+$0x0], $0xffff  }
0x150: {  	v13 =	vmov s31;
	v23 =	vld.idx.msk [tilespmem:v14+s15+$0x0], $0xffff  }
0x151: {  	s24 =	simm.s32 $0x2;
	v13 =	vand.u32 $0xFFFFFFFD, v13;
	v12 =	vld.idx.msk [tilespmem:v15+s14+$0x0], $0xffff  }
0x152: {  	s25 =	simm.s32 $0x4;
	p1 =	por $0x0, $0x0;
	s21 =	simm.s32 $0x180;
	v31 =	vbroadcast v13, $0x0;
	v27 =	vld.idx.msk [tilespmem:v15+s15+$0x0], $0xffff  }
0x153: {  	v13 =	vmov s24  }
0x154: {  	v13 =	vand.u32 $0xFFFFFFFE, v13  }
0x155: {  	v13 =	vbroadcast v13, $0x0;
	_ =	sdelay $0x2  }
0x156: {  	s22 =	simm.s32 $0x100  }
0x157: {  	v14 =	vor.u32 s22, v3;
	_ =	sdelay $0x1  }
0x158: {  	s23 =	simm.s32 $0x80;
	v15 =	vld.idx.msk [tilespmem:v13+s15+$0x0], $0xffff  }
0x159: {  	v17 =	vor.u32 s23, v3  }
0x15a: {  	s30 =	simm.s32 $0x0;
	v16 =	vld.idx.msk [tilespmem:v31+s15+$0x0], $0xffff  }
0x15b: {  	v20 =	vor.u32 s30, v3;
	v21 =	vld.idx.msk [tilespmem:v14+s16+$0x0], $0xffff  }
0x15c: {  	v18 =	vld.idx.msk [tilespmem:v13+s14+$0x0], $0xffff  }
0x15d: {  	v14 =	vld.idx.msk [tilespmem:v31+s14+$0x0], $0xffff;
	v19 =	vshll.u32 v15, $0x7  }
0x15e: {  	v17 =	vld.idx.msk [tilespmem:v17+s16+$0x0], $0xffff;
	v22 =	vor.u32 v3, v19  }
0x15f: {  	v24 =	vor.u32 s22, v4;
	v15 =	vshll.u32 v16, $0x7  }
0x160: {  	v20 =	vld.idx.msk [tilespmem:v20+s16+$0x0], $0xffff;
	v16 =	vor.u32 v3, v15  }
0x161: {  	v25 =	vor.u32 s21, v3;
	v13 =	vshll.u32 v27, $0x7;
	v21 =	vmul.f32 v21, v18  }
0x162: {  	v26 =	vor.u32 v3, v13  }
0x163: {  	v27 =	vor.u32 s23, v4;
	v17 =	vmul.f32 v17, v14;
	[tilespmem:v22+s17+$0x0] =	vst.idx.add.f32.msk $0xffff, v21  }
0x164: {  	v21 =	vor.u32 s30, v4;
	v22 =	vld.idx.msk [tilespmem:v24+s16+$0x0], $0xffff  }
0x165: {  	v20 =	vmul.f32 v20, v12;
	[tilespmem:v16+s17+$0x0] =	vst.idx.add.f32.msk $0xffff, v17  }
0x166: {  	v17 =	vor.u32 v4, v19;
	v24 =	vld.idx.msk [tilespmem:v25+s16+$0x0], $0xffff  }
0x167: {  	[tilespmem:v26+s17+$0x0] =	vst.idx.add.f32.msk $0xffff, v20;
	v20 =	vor.u32 s22, v5;
	v16 =	vshll.u32 v23, $0x7  }
0x168: {  	v23 =	vor.u32 v3, v16;
	v25 =	vld.idx.msk [tilespmem:v27+s16+$0x0], $0xffff  }
0x169: {  	v26 =	vor.u32 s21, v4;
	v21 =	vld.idx.msk [tilespmem:v21+s16+$0x0], $0xffff;
	v22 =	vmul.f32 v22, v18  }
0x16a: {  	v27 =	vor.u32 v4, v15  }
0x16b: {  	v28 =	vor.u32 v4, v13;
	v24 =	vmul.f32 v24, v11;
	[tilespmem:v17+s17+$0x0] =	vst.idx.add.f32.msk $0xffff, v22  }
0x16c: {  	v17 =	vor.u32 s23, v5;
	v20 =	vld.idx.msk [tilespmem:v20+s16+$0x0], $0xffff  }
0x16d: {  	v22 =	vor.u32 s30, v5;
	[tilespmem:v23+s17+$0x0] =	vst.idx.add.f32.msk $0xffff, v24;
	v23 =	vmul.f32 v25, v14  }
0x16e: {  	v25 =	vor.u32 v5, v19;
	v24 =	vld.idx.msk [tilespmem:v26+s16+$0x0], $0xffff;
	v21 =	vmul.f32 v21, v12  }
0x16f: {  	[tilespmem:v27+s17+$0x0] =	vst.idx.add.f32.msk $0xffff, v23  }
0x170: {  	v23 =	vor.u32 s22, v6;
	[tilespmem:v28+s17+$0x0] =	vst.idx.add.f32.msk $0xffff, v21  }
0x171: {  	v26 =	vor.u32 v4, v16;
	v17 =	vld.idx.msk [tilespmem:v17+s16+$0x0], $0xffff;
	v20 =	vmul.f32 v20, v18  }
0x172: {  	v21 =	vor.u32 s21, v5;
	v22 =	vld.idx.msk [tilespmem:v22+s16+$0x0], $0xffff  }
0x173: {  	[tilespmem:v25+s17+$0x0] =	vst.idx.add.f32.msk $0xffff, v20;
	v20 =	vor.u32 v5, v15  }
0x174: {  	s26 =	simm.s32 $0x7;
	v24 =	vmul.f32 v24, v11;
	v25 =	vor.u32 v5, v13  }
0x175: {  	v28 =	vmov s26;
	v23 =	vld.idx.msk [tilespmem:v23+s16+$0x0], $0xffff  }
0x176: {  	v27 =	vor.u32 s23, v6;
	[tilespmem:v26+s17+$0x0] =	vst.idx.add.f32.msk $0xffff, v24;
	v17 =	vmul.f32 v17, v14  }
0x177: {  	v24 =	vor.u32 v6, v19;
	v21 =	vld.idx.msk [tilespmem:v21+s16+$0x0], $0xffff;
	v22 =	vmul.f32 v22, v12  }
0x178: {  	v26 =	vor.u32 s22, v7;
	[tilespmem:v20+s17+$0x0] =	vst.idx.add.f32.msk $0xffff, v17  }
0x179: {  	v17 =	vor.u32 v5, v16;
	[tilespmem:v25+s17+$0x0] =	vst.idx.add.f32.msk $0xffff, v22  }
0x17a: {  	v20 =	vor.u32 s30, v6;
	v25 =	vld.idx.msk [tilespmem:v28+s14+$0x0], $0xffff;
	v22 =	vmul.f32 v23, v18  }
0x17b: {  	v23 =	vor.u32 s21, v6;
	v27 =	vld.idx.msk [tilespmem:v27+s16+$0x0], $0xffff  }
0x17c: {  	v21 =	vmul.f32 v21, v11;
	[tilespmem:v24+s17+$0x0] =	vst.idx.add.f32.msk $0xffff, v22  }
0x17d: {  	v24 =	vor.u32 v6, v15;
	v22 =	vld.idx.msk [tilespmem:v26+s16+$0x0], $0xffff  }
0x17e: {  	[tilespmem:v17+s17+$0x0] =	vst.idx.add.f32.msk $0xffff, v21;
	v17 =	vor.u32 s23, v7  }
0x17f: {  	v30 =	vmov s25;
	v20 =	vld.idx.msk [tilespmem:v20+s16+$0x0], $0xffff;
	v21 =	vor.u32 v7, v19  }
0x180: {  	v29 =	vor.u32 s22, v8;
	v30 =	vand.u32 $0xFFFFFFFC, v30;
	v26 =	vld.idx.msk [tilespmem:v23+s16+$0x0], $0xffff;
	v27 =	vmul.f32 v27, v14  }
0x181: {  	v30 =	vbroadcast v30, $0x0;
	v23 =	vld.idx.msk [tilespmem:v28+s15+$0x0], $0xffff;
	v28 =	vor.u32 v6, v13  }
0x182: {  	[tilespmem:v24+s17+$0x0] =	vst.idx.add.f32.msk $0xffff, v27;
	v22 =	vmul.f32 v22, v18  }
0x183: {  	v24 =	vor.u32 v6, v16;
	v17 =	vld.idx.msk [tilespmem:v17+s16+$0x0], $0xffff  }
0x184: {  	v27 =	vor.u32 s30, v7;
	v20 =	vmul.f32 v20, v12;
	[tilespmem:v21+s17+$0x0] =	vst.idx.add.f32.msk $0xffff, v22  }
0x185: {  	v31 =	vor.u32 s21, v7;
	v21 =	vld.idx.msk [tilespmem:v29+s16+$0x0], $0xffff  }
0x186: {  	v22 =	vmul.f32 v26, v11;
	[tilespmem:v28+s17+$0x0] =	vst.idx.add.f32.msk $0xffff, v20;
	v20 =	vor.u32 v7, v15  }
0x187: {  	v26 =	vor.u32 s23, v8;
	v28 =	vld.idx.msk [tilespmem:v30+s14+$0x0], $0xffff  }
0x188: {  	[tilespmem:v24+s17+$0x0] =	vst.idx.add.f32.msk $0xffff, v22;
	v24 =	vor.u32 v8, v19  }
0x189: {  	v22 =	vld.idx.msk [tilespmem:v27+s16+$0x0], $0xffff;
	v27 =	vor.u32 s22, v9;
	v17 =	vmul.f32 v17, v14  }
0x18a: {  	v29 =	vld.idx.msk [tilespmem:v31+s16+$0x0], $0xffff  }
0x18b: {  	v31 =	vor.u32 v7, v13;
	[tilespmem:v20+s17+$0x0] =	vst.idx.add.f32.msk $0xffff, v17;
	v17 =	vmul.f32 v21, v18  }
0x18c: {  	v33 =	vor.u32 v7, v16;
	v36 =	vld.idx.msk [tilespmem:v26+s16+$0x0], $0xffff  }
0x18d: {  	v37 =	vor.u32 s30, v8;
	[tilespmem:v24+s17+$0x0] =	vst.idx.add.f32.msk $0xffff, v17  }
0x18e: {  	v39 =	vor.u32 s21, v8;
	p2 =	por $0x1, $0x1;
	v17 =	vmul.f32 v22, v12;
	v32 =	vld.idx.msk [tilespmem:v27+s16+$0x0], $0xffff  }
.Ltmp9:
0x18f: {  	s31 =	simm.s32 $0x5;
	v34 =	vor.u32 v8, v15;
	v29 =	vmul.f32 v29, v11;
	v27 =	vld.idx.msk [tilespmem:v30+s15+$0x0], $0xffff;
	(pc) =	sbr.rel @!p2 .LBB2_14-.Ltmp9, $4  }
0x190: {  	v35 =	vor.u32 v9, v19;
	v26 =	vor.u32 s23, v9;
	v30 =	vmov s31;
	[tilespmem:v31+s17+$0x0] =	vst.idx.add.f32.msk $0xffff, v17  }
0x191: {  	v20 =	vor.u32 s30, v10;
	v21 =	vor.u32 s23, v10;
	[tilespmem:v33+s17+$0x0] =	vst.idx.add.f32.msk $0xffff, v29;
	v29 =	vand.u32 $0xFFFFFFFD, v30  }
0x192: {  	s24 =	simm.s32 $0x6;
	v33 =	vld.idx.msk [tilespmem:v37+s16+$0x0], $0xffff;
	v31 =	vbroadcast v29, $0x0;
	v37 =	vor.u32 s22, v10;
	v38 =	vmul.f32 v36, v14  }
0x193: {  	p1 =	por $0x1, $0x1;
	s23 =	simm.s32 $0x8;
	v24 =	vor.u32 s30, v9;
	v22 =	vor.u32 s21, v9;
	v17 =	vor.u32 s21, v10;
	s22 =	simm.s32 $0x180;
	v36 =	vld.idx.msk [tilespmem:v39+s16+$0x0], $0xffff  }
.LBB2_15:
0x194: {  	p2 =	slt.u32 s23, $0xFC;
	v29 =	vmov s24;
	[tilespmem:v34+s17+$0x0] =	vst.idx.add.f32.msk $0xffff, v38;
	v30 =	vmul.f32 v32, v18  }
0x195: {  	v32 =	vor.u32 v8, v13;
	v29 =	vand.u32 $0xFFFFFFFE, v29;
	v38 =	vld.idx.msk [tilespmem:v26+s16+$0x0], $0xffff  }
0x196: {  	v26 =	vbroadcast v29, $0x0;
	[tilespmem:v35+s17+$0x0] =	vst.idx.add.f32.msk $0xffff, v30;
	v29 =	vor.u32 v8, v16  }
0x197: {  	v30 =	vld.idx.msk [tilespmem:v37+s16+$0x0], $0xffff  }
0x198: {  	v33 =	vmul.f32 v33, v12;
	v39 =	vld.idx.msk [tilespmem:v31+s14+$0x0], $0xffff  }
0x199: {  	v41 =	vor.u32 v9, v13;
	v42 =	vor.u32 v9, v15;
	s22 =	sadd.s32 $0x200, s22;
	v40 =	vld.idx.msk [tilespmem:v31+s15+$0x0], $0xffff;
	v31 =	vmul.f32 v36, v11  }
0x19a: {  	v19 =	vor.u32 v10, v19;
	s25 =	sadd.s32 $0xFFFFFE80, s22;
	s26 =	sadd.s32 $0xFFFFFF00, s22;
	s24 =	sadd.s32 $0xFFFFFF80, s22;
	v43 =	vor.u32 s22, v3;
	v44 =	vor.u32 s22, v4;
	[tilespmem:v32+s17+$0x0] =	vst.idx.add.f32.msk $0xffff, v33  }
0x19b: {  	v45 =	vor.u32 s25, v3;
	v46 =	vor.u32 s26, v3;
	v47 =	vor.u32 s24, v3;
	[tilespmem:v29+s17+$0x0] =	vst.idx.add.f32.msk $0xffff, v31  }
0x19c: {  	v48 =	vor.u32 s25, v4;
	v49 =	vor.u32 s25, v5;
	v50 =	vor.u32 s26, v4;
	v51 =	vld.idx.msk [tilespmem:v26+s15+$0x0], $0xffff  }
0x19d: {  	v53 =	vor.u32 s22, v5;
	v52 =	vor.u32 s26, v5;
	v54 =	vld.idx.msk [tilespmem:v24+s16+$0x0], $0xffff;
	v24 =	vmul.f32 v30, v18  }
0x19e: {  	v35 =	vor.u32 s25, v6;
	v37 =	vor.u32 s26, v6;
	v36 =	vor.u32 s22, v6;
	v18 =	vld.idx.msk [tilespmem:v26+s14+$0x0], $0xffff  }
0x19f: {  	v34 =	vor.u32 s26, v7;
	v33 =	vor.u32 s25, v7;
	v32 =	vor.u32 s22, v7;
	[tilespmem:v19+s17+$0x0] =	vst.idx.add.f32.msk $0xffff, v24  }
0x1a0: {  	v31 =	vor.u32 s26, v8;
	v29 =	vor.u32 s22, v8;
	v30 =	vor.u32 s25, v8;
	v47 =	vld.idx.msk [tilespmem:v47+s16+$0x0], $0xffff  }
0x1a1: {  	v55 =	vor.u32 s22, v9;
	v26 =	vor.u32 s26, v9;
	v24 =	vor.u32 s25, v9;
	v45 =	vld.idx.msk [tilespmem:v45+s16+$0x0], $0xffff  }
0x1a2: {  	v56 =	vor.u32 s25, v10;
	v38 =	vmul.f32 v38, v14;
	v19 =	vshll.u32 v51, $0x7;
	v46 =	vld.idx.msk [tilespmem:v46+s16+$0x0], $0xffff  }
0x1a3: {  	v51 =	vor.u32 s26, v10;
	v57 =	vor.u32 v3, v19;
	v54 =	vmul.f32 v54, v12;
	v43 =	vld.idx.msk [tilespmem:v43+s16+$0x0], $0xffff  }
0x1a4: {  	v59 =	vor.u32 s22, v10;
	v58 =	vor.u32 s24, v4;
	v40 =	vshll.u32 v40, $0x7;
	v60 =	vld.idx.msk [tilespmem:v22+s16+$0x0], $0xffff;
	v22 =	vmovc v55  }
0x1a5: {  	v27 =	vshll.u32 v27, $0x7;
	v55 =	vor.u32 v3, v40;
	[tilespmem:v42+s17+$0x0] =	vst.idx.add.f32.msk $0xffff, v38  }
0x1a6: {  	v23 =	vshll.u32 v23, $0x7;
	v38 =	vor.u32 v3, v27;
	v42 =	vmul.f32 v47, v18;
	[tilespmem:v41+s17+$0x0] =	vst.idx.add.f32.msk $0xffff, v54  }
0x1a7: {  	v41 =	vmul.f32 v45, v28;
	v45 =	vor.u32 v3, v23;
	v47 =	vld.idx.msk [tilespmem:v21+s16+$0x0], $0xffff;
	v21 =	vmov v51  }
0x1a8: {  	v46 =	vmul.f32 v46, v39;
	[tilespmem:v57+s17+$0x0] =	vst.idx.add.f32.msk $0xffff, v42  }
0x1a9: {  	v43 =	vmul.f32 v43, v25;
	v42 =	vld.idx.msk [tilespmem:v58+s16+$0x0], $0xffff  }
0x1aa: {  	[tilespmem:v55+s17+$0x0] =	vst.idx.add.f32.msk $0xffff, v46;
	v46 =	vmul.f32 v60, v11  }
0x1ab: {  	[tilespmem:v38+s17+$0x0] =	vst.idx.add.f32.msk $0xffff, v41;
	v38 =	vor.u32 v9, v16  }
0x1ac: {  	v41 =	vor.u32 v4, v19;
	[tilespmem:v45+s17+$0x0] =	vst.idx.add.f32.msk $0xffff, v43  }
0x1ad: {  	v45 =	vor.u32 s24, v5;
	v47 =	vmul.f32 v47, v14;
	v14 =	vmov v39;
	v43 =	vld.idx.msk [tilespmem:v50+s16+$0x0], $0xffff  }
0x1ae: {  	v39 =	vld.idx.msk [tilespmem:v48+s16+$0x0], $0xffff  }
0x1af: {  	v42 =	vmul.f32 v42, v18;
	v44 =	vld.idx.msk [tilespmem:v44+s16+$0x0], $0xffff  }
0x1b0: {  	v48 =	vor.u32 v4, v40;
	[tilespmem:v38+s17+$0x0] =	vst.idx.add.f32.msk $0xffff, v46  }
0x1b1: {  	v38 =	vor.u32 v4, v27;
	[tilespmem:v41+s17+$0x0] =	vst.idx.add.f32.msk $0xffff, v42  }
0x1b2: {  	v42 =	vor.u32 v4, v23;
	v41 =	vld.idx.msk [tilespmem:v45+s16+$0x0], $0xffff  }
0x1b3: {  	v43 =	vmul.f32 v43, v14;
	v45 =	vld.idx.msk [tilespmem:v20+s16+$0x0], $0xffff;
	v20 =	vmov v56  }
0x1b4: {  	v39 =	vmul.f32 v39, v28;
	v46 =	vld.idx.msk [tilespmem:v17+s16+$0x0], $0xffff;
	v17 =	vmov v59  }
0x1b5: {  	v44 =	vmul.f32 v44, v25;
	[tilespmem:v48+s17+$0x0] =	vst.idx.add.f32.msk $0xffff, v43;
	v43 =	vor.u32 v5, v19  }
0x1b6: {  	[tilespmem:v38+s17+$0x0] =	vst.idx.add.f32.msk $0xffff, v39;
	v38 =	vor.u32 s24, v6  }
0x1b7: {  	[tilespmem:v42+s17+$0x0] =	vst.idx.add.f32.msk $0xffff, v44  }
0x1b8: {  	v41 =	vmul.f32 v41, v18;
	v42 =	vor.u32 v10, v15;
	v15 =	vmov v40;
	v39 =	vld.idx.msk [tilespmem:v52+s16+$0x0], $0xffff  }
0x1b9: {  	v44 =	vmul.f32 v45, v12;
	v45 =	vor.u32 v10, v13;
	v13 =	vmovc v27;
	v12 =	vmov v28;
	v40 =	vld.idx.msk [tilespmem:v49+s16+$0x0], $0xffff  }
0x1ba: {  	v28 =	vor.u32 v10, v16;
	v16 =	vmov v23;
	v27 =	vmul.f32 v46, v11;
	[tilespmem:v43+s17+$0x0] =	vst.idx.add.f32.msk $0xffff, v41  }
0x1bb: {  	v23 =	vor.u32 v5, v15;
	v11 =	vmov v25;
	v38 =	vld.idx.msk [tilespmem:v38+s16+$0x0], $0xffff  }
0x1bc: {  	v25 =	vor.u32 v5, v13;
	v41 =	vld.idx.msk [tilespmem:v53+s16+$0x0], $0xffff  }
0x1bd: {  	[tilespmem:v42+s17+$0x0] =	vst.idx.add.f32.msk $0xffff, v47  }
0x1be: {  	v39 =	vmul.f32 v39, v14;
	v42 =	vor.u32 v6, v19;
	[tilespmem:v45+s17+$0x0] =	vst.idx.add.f32.msk $0xffff, v44  }
0x1bf: {  	v43 =	vor.u32 s24, v7;
	v40 =	vmul.f32 v40, v12;
	[tilespmem:v28+s17+$0x0] =	vst.idx.add.f32.msk $0xffff, v27  }
0x1c0: {  	[tilespmem:v23+s17+$0x0] =	vst.idx.add.f32.msk $0xffff, v39;
	v23 =	vor.u32 v5, v16  }
0x1c1: {  	[tilespmem:v25+s17+$0x0] =	vst.idx.add.f32.msk $0xffff, v40;
	v25 =	vmul.f32 v38, v18  }
0x1c2: {  	s25 =	sadd.s32 $0x3, s23;
	v28 =	vmul.f32 v41, v11;
	v27 =	vld.idx.msk [tilespmem:v37+s16+$0x0], $0xffff  }
0x1c3: {  	v37 =	vmov s25;
	[tilespmem:v42+s17+$0x0] =	vst.idx.add.f32.msk $0xffff, v25  }
0x1c4: {  	v38 =	vld.idx.msk [tilespmem:v43+s16+$0x0], $0xffff  }
0x1c5: {  	v39 =	vor.u32 v6, v15;
	[tilespmem:v23+s17+$0x0] =	vst.idx.add.f32.msk $0xffff, v28  }
0x1c6: {  	v28 =	vld.idx.msk [tilespmem:v35+s16+$0x0], $0xffff  }
0x1c7: {  	v35 =	vor.u32 v7, v19;
	v36 =	vld.idx.msk [tilespmem:v36+s16+$0x0], $0xffff  }
0x1c8: {  	v40 =	vor.u32 s24, v8;
	v27 =	vmul.f32 v27, v14;
	v25 =	vld.idx.msk [tilespmem:v37+s14+$0x0], $0xffff  }
0x1c9: {  	v23 =	vld.idx.msk [tilespmem:v37+s15+$0x0], $0xffff;
	v37 =	vor.u32 v6, v13  }
0x1ca: {  	v41 =	vmov s23;
	[tilespmem:v39+s17+$0x0] =	vst.idx.add.f32.msk $0xffff, v27;
	v27 =	vmul.f32 v38, v18;
	v38 =	vor.u32 v6, v16  }
0x1cb: {  	v39 =	vand.u32 $0xFFFFFFFC, v41;
	v34 =	vld.idx.msk [tilespmem:v34+s16+$0x0], $0xffff  }
0x1cc: {  	v39 =	vbroadcast v39, $0x0;
	v28 =	vmul.f32 v28, v12;
	[tilespmem:v35+s17+$0x0] =	vst.idx.add.f32.msk $0xffff, v27  }
0x1cd: {  	v35 =	vmul.f32 v36, v11;
	v27 =	vld.idx.msk [tilespmem:v40+s16+$0x0], $0xffff  }
0x1ce: {  	v36 =	vor.u32 v7, v15;
	[tilespmem:v37+s17+$0x0] =	vst.idx.add.f32.msk $0xffff, v28  }
0x1cf: {  	[tilespmem:v38+s17+$0x0] =	vst.idx.add.f32.msk $0xffff, v35  }
0x1d0: {  	v35 =	vor.u32 v8, v19;
	v33 =	vld.idx.msk [tilespmem:v33+s16+$0x0], $0xffff  }
0x1d1: {  	v37 =	vor.u32 s24, v9;
	v34 =	vmul.f32 v34, v14;
	v38 =	vld.idx.msk [tilespmem:v32+s16+$0x0], $0xffff  }
0x1d2: {  	v28 =	vld.idx.msk [tilespmem:v39+s14+$0x0], $0xffff  }
0x1d3: {  	v40 =	vor.u32 v7, v13;
	v27 =	vmul.f32 v27, v18;
	[tilespmem:v36+s17+$0x0] =	vst.idx.add.f32.msk $0xffff, v34  }
0x1d4: {  	v36 =	vld.idx.msk [tilespmem:v31+s16+$0x0], $0xffff;
	v31 =	vor.u32 v7, v16  }
0x1d5: {  	[tilespmem:v35+s17+$0x0] =	vst.idx.add.f32.msk $0xffff, v27  }
0x1d6: {  	v33 =	vmul.f32 v33, v12;
	v32 =	vld.idx.msk [tilespmem:v37+s16+$0x0], $0xffff  }
.Ltmp10:
0x1d7: {  	s25 =	sadd.s32 $0x1, s23;
	v34 =	vor.u32 v8, v15;
	v37 =	vmul.f32 v38, v11;
	v27 =	vld.idx.msk [tilespmem:v39+s15+$0x0], $0xffff;
	(pc) =	sbr.rel @p2 .LBB2_15-.Ltmp10, $4  }
0x1d8: {  	v35 =	vmov s25;
	[tilespmem:v40+s17+$0x0] =	vst.idx.add.f32.msk $0xffff, v33  }
0x1d9: {  	v33 =	vand.u32 $0xFFFFFFFD, v35;
	v35 =	vor.u32 v9, v19;
	[tilespmem:v31+s17+$0x0] =	vst.idx.add.f32.msk $0xffff, v37  }
0x1da: {  	v31 =	vbroadcast v33, $0x0;
	v38 =	vmul.f32 v36, v14;
	v37 =	vor.u32 s24, v10;
	v33 =	vld.idx.msk [tilespmem:v30+s16+$0x0], $0xffff  }
0x1db: {  	s24 =	sadd.s32 $0x2, s23;
	s23 =	sadd.s32 $0x4, s23;
	v36 =	vld.idx.msk [tilespmem:v29+s16+$0x0], $0xffff  }
0x1dc: {  	v29 =	vmovc v12;
	v30 =	vmov v11;
	v12 =	vmov v28;
	v11 =	vmov v25  }
.LBB2_17:
0x1dd: {  	_ =	sdelay $0x3  }
0x1de: {  	[tilespmem:v34+s17+$0x0] =	vst.idx.add.f32.msk @p1 $0xffff, v38;
	v28 =	vmul.f32 @p1 v32, v18;
	v32 =	vor.u32 @p1 v8, v13  }
0x1df: {  	v25 =	vmov s24;
	s22 =	sadd.s32 @p1 $0x200, s22;
	v52 =	vld.idx.msk [tilespmem:v31+s15+$0x0], $0xffff  }
0x1e0: {  	v25 =	vand.u32 $0xFFFFFFFE, v25;
	s21 =	smov.u32 @p1 s22;
	[tilespmem:v35+s17+$0x0] =	vst.idx.add.f32.msk @p1 $0xffff, v28;
	v28 =	vor.u32 @p1 v8, v16  }
0x1e1: {  	v51 =	vbroadcast v25, $0x0;
	v25 =	vld.idx.msk [tilespmem:v31+s14+$0x0], $0xffff;
	v33 =	vmul.f32 @p1 v33, v29;
	v57 =	vor.u32 s21, v3  }
0x1e2: {  	s22 =	sadd.s32 $0xFFFFFE80, s21;
	v35 =	vld.idx.msk @p1 [tilespmem:v37+s16+$0x0], $0xffff  }
0x1e3: {  	s23 =	sadd.s32 $0xFFFFFF00, s21;
	v36 =	vmul.f32 @p1 v36, v30;
	v54 =	vor.u32 s22, v3;
	[tilespmem:v32+s17+$0x0] =	vst.idx.add.f32.msk @p1 $0xffff, v33  }
0x1e4: {  	v56 =	vor.u32 s23, v3;
	v24 =	vld.idx.msk @p1 [tilespmem:v24+s16+$0x0], $0xffff  }
0x1e5: {  	[tilespmem:v28+s17+$0x0] =	vst.idx.add.f32.msk @p1 $0xffff, v36  }
0x1e6: {  	s31 =	sadd.s32 $0xFFFFFF80, s21;
	v37 =	vld.idx.msk [tilespmem:v57+s16+$0x0], $0xffff  }
0x1e7: {  	v53 =	vor.u32 s31, v3;
	v55 =	vld.idx.msk [tilespmem:v51+s15+$0x0], $0xffff  }
0x1e8: {  	v19 =	vor.u32 @p1 v10, v19;
	v28 =	vld.idx.msk [tilespmem:v54+s16+$0x0], $0xffff  }
0x1e9: {  	v23 =	vshll.u32 v23, $0x7;
	v36 =	vld.idx.msk [tilespmem:v56+s16+$0x0], $0xffff  }
0x1ea: {  	v61 =	vor.u32 v3, v23;
	v35 =	vmul.f32 @p1 v35, v18;
	v39 =	vld.idx.msk @p1 [tilespmem:v22+s16+$0x0], $0xffff;
	v22 =	vshll.u32 v27, $0x7  }
0x1eb: {  	v18 =	vld.idx.msk [tilespmem:v51+s14+$0x0], $0xffff;
	v60 =	vor.u32 v3, v22;
	v38 =	vmul.f32 @p1 v24, v29;
	v24 =	vshll.u32 v52, $0x7  }
0x1ec: {  	v32 =	vld.idx.msk [tilespmem:v53+s16+$0x0], $0xffff;
	v59 =	vor.u32 v3, v24  }
0x1ed: {  	v62 =	vor.u32 s23, v4;
	[tilespmem:v19+s17+$0x0] =	vst.idx.add.f32.msk @p1 $0xffff, v35;
	v37 =	vmul.f32 v37, v11;
	v19 =	vshll.u32 v55, $0x7  }
0x1ee: {  	v26 =	vld.idx.msk @p1 [tilespmem:v26+s16+$0x0], $0xffff;
	v28 =	vmul.f32 v28, v12;
	v33 =	vor.u32 v3, v19  }
0x1ef: {  	v63 =	vor.u32 s22, v4;
	v36 =	vmul.f32 v36, v25;
	[tilespmem:v61+s17+$0x0] =	vst.idx.add.f32.msk $0xffff, v37  }
0x1f0: {  	v40 =	vor.u32 s21, v4;
	[tilespmem:v60+s17+$0x0] =	vst.idx.add.f32.msk $0xffff, v28  }
0x1f1: {  	v32 =	vmul.f32 v32, v18;
	[tilespmem:v59+s17+$0x0] =	vst.idx.add.f32.msk $0xffff, v36  }
0x1f2: {  	v34 =	vor.u32 @p1 v9, v15;
	v42 =	vld.idx.msk [tilespmem:v62+s16+$0x0], $0xffff  }
0x1f3: {  	v58 =	vor.u32 s31, v4;
	[tilespmem:v33+s17+$0x0] =	vst.idx.add.f32.msk $0xffff, v32  }
0x1f4: {  	v44 =	vor.u32 v4, v24;
	v32 =	vld.idx.msk [tilespmem:v63+s16+$0x0], $0xffff  }
0x1f5: {  	v45 =	vor.u32 s23, v5;
	v26 =	vmul.f32 @p1 v26, v14;
	v33 =	vld.idx.msk [tilespmem:v40+s16+$0x0], $0xffff  }
0x1f6: {  	v46 =	vor.u32 v4, v22  }
0x1f7: {  	v48 =	vor.u32 v4, v23;
	[tilespmem:v34+s17+$0x0] =	vst.idx.add.f32.msk @p1 $0xffff, v26;
	v28 =	vmul.f32 v42, v25  }
0x1f8: {  	v47 =	vor.u32 s22, v5;
	v31 =	vld.idx.msk [tilespmem:v58+s16+$0x0], $0xffff  }
0x1f9: {  	v49 =	vor.u32 s21, v5;
	v32 =	vmul.f32 v32, v12;
	[tilespmem:v44+s17+$0x0] =	vst.idx.add.f32.msk $0xffff, v28  }
0x1fa: {  	v35 =	vor.u32 @p1 v9, v13;
	v33 =	vmul.f32 v33, v11;
	v36 =	vld.idx.msk [tilespmem:v45+s16+$0x0], $0xffff  }
0x1fb: {  	v41 =	vor.u32 v4, v19;
	[tilespmem:v46+s17+$0x0] =	vst.idx.add.f32.msk $0xffff, v32  }
0x1fc: {  	v43 =	vor.u32 s31, v5;
	[tilespmem:v48+s17+$0x0] =	vst.idx.add.f32.msk $0xffff, v33  }
0x1fd: {  	v52 =	vor.u32 v5, v24;
	v27 =	vld.idx.msk [tilespmem:v47+s16+$0x0], $0xffff  }
0x1fe: {  	v53 =	vor.u32 s23, v6;
	v31 =	vmul.f32 v31, v18;
	v34 =	vld.idx.msk [tilespmem:v49+s16+$0x0], $0xffff  }
0x1ff: {  	v54 =	vor.u32 v5, v22;
	[tilespmem:v35+s17+$0x0] =	vst.idx.add.f32.msk @p1 $0xffff, v38  }
0x200: {  	v57 =	vor.u32 v5, v23;
	[tilespmem:v41+s17+$0x0] =	vst.idx.add.f32.msk $0xffff, v31;
	v56 =	vmul.f32 v36, v25  }
0x201: {  	v55 =	vor.u32 s22, v6;
	v31 =	vld.idx.msk [tilespmem:v43+s16+$0x0], $0xffff  }
0x202: {  	v58 =	vor.u32 s21, v6;
	v27 =	vmul.f32 v27, v12;
	[tilespmem:v52+s17+$0x0] =	vst.idx.add.f32.msk $0xffff, v56  }
0x203: {  	v26 =	vor.u32 @p1 v9, v16;
	v61 =	vmul.f32 v34, v11;
	v32 =	vld.idx.msk [tilespmem:v53+s16+$0x0], $0xffff  }
0x204: {  	v50 =	vor.u32 v5, v19;
	[tilespmem:v54+s17+$0x0] =	vst.idx.add.f32.msk $0xffff, v27  }
0x205: {  	v51 =	vor.u32 s31, v6;
	[tilespmem:v57+s17+$0x0] =	vst.idx.add.f32.msk $0xffff, v61  }
0x206: {  	v35 =	vmul.f32 @p1 v39, v30;
	v62 =	vor.u32 v6, v24;
	v63 =	vld.idx.msk [tilespmem:v55+s16+$0x0], $0xffff  }
0x207: {  	v40 =	vor.u32 s23, v7;
	v31 =	vmul.f32 v31, v18;
	v27 =	vld.idx.msk [tilespmem:v58+s16+$0x0], $0xffff  }
0x208: {  	[tilespmem:v26+s17+$0x0] =	vst.idx.add.f32.msk @p1 $0xffff, v35;
	v41 =	vor.u32 v6, v22  }
0x209: {  	v44 =	vor.u32 v6, v23;
	[tilespmem:v50+s17+$0x0] =	vst.idx.add.f32.msk $0xffff, v31;
	v43 =	vmul.f32 v32, v25  }
0x20a: {  	v42 =	vor.u32 s22, v7;
	v26 =	vld.idx.msk [tilespmem:v51+s16+$0x0], $0xffff  }
0x20b: {  	v45 =	vor.u32 s21, v7;
	v46 =	vmul.f32 v63, v12;
	[tilespmem:v62+s17+$0x0] =	vst.idx.add.f32.msk $0xffff, v43  }
0x20c: {  	v27 =	vmul.f32 v27, v11;
	v48 =	vld.idx.msk [tilespmem:v40+s16+$0x0], $0xffff  }
0x20d: {  	v59 =	vor.u32 v6, v19;
	[tilespmem:v41+s17+$0x0] =	vst.idx.add.f32.msk $0xffff, v46  }
0x20e: {  	v60 =	vor.u32 s31, v7;
	[tilespmem:v44+s17+$0x0] =	vst.idx.add.f32.msk $0xffff, v27  }
0x20f: {  	v50 =	vor.u32 v7, v24;
	v31 =	vld.idx.msk [tilespmem:v42+s16+$0x0], $0xffff  }
0x210: {  	v51 =	vor.u32 s23, v8;
	v26 =	vmul.f32 v26, v18;
	v27 =	vld.idx.msk [tilespmem:v45+s16+$0x0], $0xffff  }
0x211: {  	v52 =	vor.u32 v7, v22  }
0x212: {  	v55 =	vor.u32 v7, v23;
	[tilespmem:v59+s17+$0x0] =	vst.idx.add.f32.msk $0xffff, v26;
	v54 =	vmul.f32 v48, v25  }
0x213: {  	v53 =	vor.u32 s22, v8;
	v28 =	vld.idx.msk [tilespmem:v60+s16+$0x0], $0xffff  }
0x214: {  	v56 =	vor.u32 s21, v8;
	v57 =	vmul.f32 v31, v12;
	[tilespmem:v50+s17+$0x0] =	vst.idx.add.f32.msk $0xffff, v54  }
0x215: {  	v47 =	vor.u32 v7, v19;
	v27 =	vmul.f32 v27, v11;
	v59 =	vld.idx.msk [tilespmem:v51+s16+$0x0], $0xffff  }
0x216: {  	v49 =	vor.u32 s31, v8;
	[tilespmem:v52+s17+$0x0] =	vst.idx.add.f32.msk $0xffff, v57  }
0x217: {  	[tilespmem:v55+s17+$0x0] =	vst.idx.add.f32.msk $0xffff, v27  }
0x218: {  	v61 =	vor.u32 v8, v24;
	v28 =	vmul.f32 v28, v18;
	v32 =	vld.idx.msk [tilespmem:v53+s16+$0x0], $0xffff  }
0x219: {  	v62 =	vor.u32 s23, v9;
	v27 =	vld.idx.msk [tilespmem:v56+s16+$0x0], $0xffff  }
0x21a: {  	v63 =	vor.u32 v8, v22;
	[tilespmem:v47+s17+$0x0] =	vst.idx.add.f32.msk $0xffff, v28  }
0x21b: {  	v43 =	vor.u32 v8, v23;
	v33 =	vld.idx.msk [tilespmem:v49+s16+$0x0], $0xffff;
	v41 =	vmul.f32 v59, v25  }
0x21c: {  	v21 =	vld.idx.msk @p1 [tilespmem:v21+s16+$0x0], $0xffff;
	v40 =	vor.u32 s22, v9  }
0x21d: {  	v58 =	vor.u32 v8, v19;
	v45 =	vmul.f32 v32, v12;
	[tilespmem:v61+s17+$0x0] =	vst.idx.add.f32.msk $0xffff, v41  }
0x21e: {  	v44 =	vor.u32 s21, v9;
	v27 =	vmul.f32 v27, v11;
	v28 =	vld.idx.msk [tilespmem:v62+s16+$0x0], $0xffff  }
0x21f: {  	v60 =	vor.u32 s31, v9;
	[tilespmem:v63+s17+$0x0] =	vst.idx.add.f32.msk $0xffff, v45  }
0x220: {  	v33 =	vmul.f32 v33, v18;
	[tilespmem:v43+s17+$0x0] =	vst.idx.add.f32.msk $0xffff, v27  }
0x221: {  	v34 =	vld.idx.msk [tilespmem:v40+s16+$0x0], $0xffff  }
0x222: {  	v48 =	vor.u32 v9, v24;
	[tilespmem:v58+s17+$0x0] =	vst.idx.add.f32.msk $0xffff, v33  }
0x223: {  	v50 =	vor.u32 v9, v22;
	v33 =	vld.idx.msk [tilespmem:v44+s16+$0x0], $0xffff  }
0x224: {  	v51 =	vor.u32 s23, v10;
	v42 =	vld.idx.msk [tilespmem:v60+s16+$0x0], $0xffff  }
0x225: {  	v20 =	vld.idx.msk @p1 [tilespmem:v20+s16+$0x0], $0xffff;
	v53 =	vor.u32 v9, v23;
	v52 =	vmul.f32 v28, v25  }
0x226: {  	v17 =	vld.idx.msk @p1 [tilespmem:v17+s16+$0x0], $0xffff;
	v46 =	vor.u32 v9, v19;
	v34 =	vmul.f32 v34, v12  }
0x227: {  	v54 =	vor.u32 s22, v10;
	[tilespmem:v48+s17+$0x0] =	vst.idx.add.f32.msk $0xffff, v52  }
0x228: {  	v55 =	vor.u32 s21, v10;
	v56 =	vmul.f32 v33, v11;
	[tilespmem:v50+s17+$0x0] =	vst.idx.add.f32.msk $0xffff, v34  }
0x229: {  	v47 =	vor.u32 s31, v10;
	v49 =	vmul.f32 v42, v18;
	v57 =	vld.idx.msk [tilespmem:v51+s16+$0x0], $0xffff  }
0x22a: {  	v15 =	vor.u32 @p1 v10, v15;
	[tilespmem:v53+s17+$0x0] =	vst.idx.add.f32.msk $0xffff, v56  }
0x22b: {  	v13 =	vor.u32 @p1 v10, v13;
	[tilespmem:v46+s17+$0x0] =	vst.idx.add.f32.msk $0xffff, v49  }
0x22c: {  	v16 =	vor.u32 @p1 v10, v16;
	v58 =	vld.idx.msk [tilespmem:v54+s16+$0x0], $0xffff  }
0x22d: {  	v14 =	vmul.f32 @p1 v21, v14;
	v24 =	vor.u32 v10, v24;
	v27 =	vld.idx.msk [tilespmem:v55+s16+$0x0], $0xffff  }
0x22e: {  	v20 =	vmul.f32 @p1 v20, v29;
	v59 =	vor.u32 v10, v22;
	v26 =	vld.idx.msk [tilespmem:v47+s16+$0x0], $0xffff  }
0x22f: {  	[tilespmem:v15+s17+$0x0] =	vst.idx.add.f32.msk @p1 $0xffff, v14;
	v17 =	vmul.f32 @p1 v17, v30;
	v61 =	vor.u32 v10, v23  }
0x230: {  	[tilespmem:v13+s17+$0x0] =	vst.idx.add.f32.msk @p1 $0xffff, v20;
	v19 =	vor.u32 v10, v19;
	v62 =	vmul.f32 v57, v25  }
.Ltmp11:
0x231: {  	[tilespmem:v16+s17+$0x0] =	vst.idx.add.f32.msk @p1 $0xffff, v17;
	v63 =	vmul.f32 v58, v12;
	(pc) =	sbr.rel @p0 .LBB2_27-.Ltmp11, $4  }
0x232: {  	v11 =	vmul.f32 v27, v11;
	[tilespmem:v24+s17+$0x0] =	vst.idx.add.f32.msk $0xffff, v62  }
0x233: {  	v60 =	vmul.f32 v26, v18;
	[tilespmem:v59+s17+$0x0] =	vst.idx.add.f32.msk $0xffff, v63  }
0x234: {  	[tilespmem:v61+s17+$0x0] =	vst.idx.add.f32.msk $0xffff, v11  }
0x235: {  	[tilespmem:v19+s17+$0x0] =	vst.idx.add.f32.msk $0xffff, v60  }
0x236: {  	_ =	swait.ge [sflag:s18], $0x8000  }
0x237: {  	[sflag:s18] =	ssyncset.done $0x0  }
0x238: {  	s20 =	sadd.s32 $0x2, s20;
	[sflag:s18] =	ssyncadd.s32 $0xFFFF8000  }
0x239: {  	p0 =	sge.s32 s20, s4;
	_ =	swait.ge [sflag:s18], $0x100  }
0x23a: {  	s20 =	sshll.u32 @!p0 s20, $0x8;
	[sflag:s18] =	ssyncset.done $0x0  }
0x23b: {  	s20 =	sadd.s32 @!p0 s3, s20;
	[sflag:s18] =	ssyncadd.s32 $0xFFFFFF00  }
0x23c: {  	s22 =	simm.s32 @!p0 $0x0;
	s21 =	sshll.u32 @!p0 s20, $0x4;
	_ =	swait.ge [sflag:s18], $0x100  }
0x23d: {  	s23 =	simm.s32 @!p0 $0xAA00;
	s21 =	sand.u32 @!p0 $0x1FFFFE00, s21;
	[sflag:s18] =	ssyncset.done $0x0  }
0x23e: {  	s20 =	sshrl.u32 @!p0 s20, $0x3;
	s21 =	sadd.s32 @!p0 s5, s21;
	[sflag:s18] =	ssyncadd.s32 $0xFFFFFF00  }
0x23f: {  	[tilespmem:s23], [sflag:$0x1] =	stream.linear.gather @!p0 [hbm4b:s21+s22], $0x8000, $0x38;
	[tilespmem:$0x1B000] =	vst v63  }
0x240: {  	s21 =	sadd.s32 @!p0 s2, s20;
	s23 =	simm.s32 @!p0 $0x1AA00  }
0x241: {  	[tilespmem:s23], [sflag:$0x1] =	stream.linear.gather @!p0 [hbm4b:s21+s22], $0x100, $0x38;
	[tilespmem:$0x1B000] =	vst v63  }
0x242: {  	s30 =	simm.s32 $0x1AD20;
	s20 =	sadd.s32 @!p0 s6, s20;
	s21 =	simm.s32 @!p0 $0x1AC00  }
0x243: {  	[tilespmem:s21], [sflag:$0x1] =	stream.linear.gather @!p0 [hbm4b:s20+s22], $0x100, $0x38;
	[tilespmem:$0x1B000] =	vst v63  }
0x244: {  	s31 =	simm.s32 $0x1AB20;
	v11 =	vld [tilespmem:s30+$0xFFFFFFE0]  }
0x245: {  	s24 =	sadd.s32 $0xFFFFFFE0, s11;
	v12 =	vld [tilespmem:s31+$0x10]  }
0x246: {  	v14 =	vor.u32 s24, v3;
	v15 =	vld [tilespmem:s31+$0xFFFFFFF0]  }
0x247: {  	vm0 =	vge.s32 v14, v1;
	vm2 =	vlt.s32 v14, v2;
	s23 =	sadd.s32 $0xFFFFFFD0, s11;
	v14 =	vld [tilespmem:s30+$0x10]  }
0x248: {  	v13 =	vor.u32 s23, v3;
	v16 =	vld [tilespmem:s30+$0x0]  }
0x249: {  	s25 =	sadd.s32 $0xFFFFFFF0, s11;
	vm1 =	vge.s32 v13, v1;
	vm3 =	vlt.s32 v13, v2;
	v17 =	vld [tilespmem:s30+$0xFFFFFFF0]  }
0x24a: {  	vm0 =	vmand vm0, vm2;
	v13 =	vor.u32 s25, v3;
	vm1 =	vmand vm1, vm3;
	v18 =	vld [tilespmem:s31+$0xFFFFFFE0]  }
0x24b: {  	vm2 =	vlt.s32 v13, v2;
	vm3 =	vge.s32 v13, v1;
	v19 =	vld [tilespmem:s31+$0x0];
	v11 =	vsub.s32 v11, v0  }
0x24c: {  	vm2 =	vmand vm3, vm2;
	vm4 =	vgt.s32 v11, $0x0  }
0x24d: {  	v12 =	vmul.f32 $1.442695020e+00, v12;
	v13 =	vmul.f32 $1.442695020e+00, v15;
	v11 =	vnsel vm4, $0x0, v11  }
0x24e: {  	v15 =	vor.u32 s11, v3;
	v14 =	vsub.s32 v14, v0;
	v11 =	vmin.u32 v11, $0x13F  }
0x24f: {  	v16 =	vsub.s32 v16, v0;
	v17 =	vsub.s32 v17, v0;
	v11 =	vnsel vm1, $0x14C, v11  }
0x250: {  	v18 =	vmul.f32 $1.442695020e+00, v18;
	v19 =	vmul.f32 $1.442695020e+00, v19;
	vm3 =	vlt.s32 v15, v2  }
0x251: {  	s24 =	sadd.s32 $0x40, s11;
	vm5 =	vgt.s32 v17, $0x0;
	vm4 =	vgt.s32 v14, $0x0;
	vm1 =	vgt.s32 v16, $0x0  }
0x252: {  	s26 =	simm.s32 $0x1AE20;
	s28 =	simm.s32 $0x1AD60;
	s25 =	sadd.s32 $0xFFFFFFE0, s24;
	v17 =	vnsel vm5, $0x0, v17;
	(erf) = vpow2.f32 v18;
	v16 =	vnsel vm1, $0x0, v16  }
0x253: {  	v18 =	vor.u32 s25, v3;
	[tilespmem:s26+$0xFFFFFFE0] =	vst v11;
	vm1 =	vge.s32 v15, v1;
	v15 =	vmin.u32 v16, $0x13F;
	v16 =	vld [tilespmem:s28+$0xFFFFFFE0]  }
0x254: {  	s30 =	sadd.s32 $0xFFFFFFD0, s24;
	v14 =	vnsel vm4, $0x0, v14;
	v17 =	vmin.u32 v17, $0x13F;
	(erf) = vpow2.f32 v12;
	v11 =	vld.idx.msk [tilespmem:v11+s13+$0x0], $0xffff  }
0x255: {  	s29 =	simm.s32 $0x1AB60;
	v14 =	vmin.u32 v14, $0x13F;
	v20 =	vnsel vm0, $0x14C, v17;
	v17 =	vor.u32 s30, v3  }
0x256: {  	v22 =	vld [tilespmem:s29+$0xFFFFFFF0];
	vm0 =	vge.s32 v18, v1;
	(erf) = vpow2.f32 v13;
	v15 =	vnsel vm2, $0x14C, v15  }
0x257: {  	vm4 =	vlt.s32 v17, v2;
	vm1 =	vmand vm1, vm3;
	vm3 =	vlt.s32 v18, v2;
	v18 =	vld [tilespmem:s28+$0x10]  }
0x258: {  	v21 =	vld [tilespmem:s29+$0x10];
	s31 =	sadd.s32 $0xFFFFFFF0, s24;
	(erf) = vpow2.f32 v19;
	vm2 =	vge.s32 v17, v1;
	vm0 =	vmand vm0, vm3  }
0x259: {  	v19 =	vld [tilespmem:s28+$0xFFFFFFF0];
	v17 =	vor.u32 s31, v3;
	(erf) = vrcp.f32 v11;
	v11 =	vsub.s32 v16, v0  }
0x25a: {  	v13 =	vld [tilespmem:s28+$0x0];
	v23 =	vnsel vm1, $0x14C, v14;
	vm3 =	vmand vm2, vm4;
	[tilespmem:s26+$0x0] =	vst v15;
	vm4 =	vgt.s32 v11, $0x0  }
0x25b: {  	vm1 =	vlt.s32 v17, v2;
	vm2 =	vge.s32 v17, v1;
	v17 =	vld.idx.msk [tilespmem:v15+s13+$0x0], $0xffff;
	v11 =	vnsel vm4, $0x0, v11  }
0x25c: {  	v14 =	vmul.f32 $1.442695020e+00, v22;
	v22 =	vld [tilespmem:s29+$0xFFFFFFE0];
	v15 =	vsub.s32 v18, v0;
	v11 =	vmin.u32 v11, $0x13F  }
0x25d: {  	v12 =	vmul.f32 $1.442695020e+00, v21;
	v18 =	vnsel vm3, $0x14C, v11;
	vm3 =	vgt.s32 v15, $0x0  }
0x25e: {  	v21 =	vor.u32 s24, v3;
	v19 =	vsub.s32 v19, v0;
	v25 =	vpop (erf);
	v15 =	vnsel vm3, $0x0, v15  }
0x25f: {  	[tilespmem:s26+$0x10] =	vst v23;
	vm1 =	vmand vm2, vm1;
	vm5 =	vgt.s32 v19, $0x0;
	v16 =	vsub.s32 v13, v0;
	v13 =	vpop (erf)  }
0x260: {  	vm2 =	vlt.s32 v21, v2;
	v26 =	vnsel vm5, $0x0, v19;
	(erf) = vrcp.f32 v17;
	v17 =	vld.idx.msk [tilespmem:v23+s13+$0x0], $0xffff;
	v11 =	vpop (erf)  }
0x261: {  	s23 =	simm.s32 $0x4;
	[tilespmem:s26+$0xFFFFFFF0] =	vst v20;
	v22 =	vmul.f32 $1.442695020e+00, v22;
	vm4 =	vgt.s32 v16, $0x0;
	v19 =	vmin.u32 v15, $0x13F;
	v15 =	vpop (erf)  }
0x262: {  	s20 =	simm.s32 $0x1AF20;
	s22 =	simm.s32 $0x1AE60;
	s21 =	simm.s32 $0x1AF60;
	v20 =	vld.idx.msk [tilespmem:v20+s13+$0x0], $0xffff;
	v24 =	vnsel vm4, $0x0, v16;
	v23 =	vmin.u32 v26, $0x13F;
	vm3 =	vge.s32 v21, v1;
	v21 =	vpop (erf)  }
0x263: {  	s25 =	simm.s32 $0x1ADA0;
	s24 =	sadd.s32 $0x40, s24;
	s26 =	simm.s32 $0x1ABA0;
	v16 =	vld [tilespmem:s29+$0x0];
	v24 =	vmin.u32 v24, $0x13F;
	[tilespmem:s22+$0xFFFFFFE0] =	vst v18;
	vm3 =	vmand vm3, vm2;
	v21 =	vmul.f32 v21, v25  }
.LBB2_19:
0x264: {  	s28 =	sadd.s32 $0xFFFFFFD0, s24;
	v25 =	vld [tilespmem:s25+$0xFFFFFFE0];
	s29 =	sadd.s32 $0xFFFFFFE0, s24;
	s30 =	sadd.s32 $0xFFFFFFF0, s24;
	v23 =	vnsel vm0, $0x14C, v23;
	v24 =	vnsel vm1, $0x14C, v24;
	(erf) = vpow2.f32 v22  }
0x265: {  	s23 =	sadd.s32 $0x4, s23;
	v22 =	vor.u32 s28, v3;
	v26 =	vor.u32 s29, v3;
	v18 =	vld.idx.msk [tilespmem:v18+s13+$0x0], $0xffff;
	[tilespmem:s22+$0xFFFFFFF0] =	vst v23;
	(erf) = vrcp.f32 v17  }
0x266: {  	p0 =	slt.u32 s23, $0xC;
	vm1 =	vge.s32 v22, v1;
	vm0 =	vge.s32 v26, v1;
	vm2 =	vlt.s32 v26, v2;
	v17 =	vld [tilespmem:s26+$0x10]  }
0x267: {  	vm4 =	vlt.s32 v22, v2;
	vm0 =	vmand vm0, vm2;
	v22 =	vld [tilespmem:s26+$0x0];
	[tilespmem:s20+$0xFFFFFFE0] =	vst v21;
	(erf) = vrcp.f32 v20  }
0x268: {  	v27 =	vmul.f32 $1.442695020e+00, v16;
	vm2 =	vmand vm1, vm4;
	v20 =	vld [tilespmem:s26+$0xFFFFFFF0];
	[tilespmem:s22+$0x0] =	vst v24;
	(erf) = vpow2.f32 v12  }
0x269: {  	v19 =	vnsel vm3, $0x14C, v19;
	v21 =	vld [tilespmem:s25+$0x10];
	(erf) = vpow2.f32 v14  }
0x26a: {  	v14 =	vor.u32 s30, v3;
	v26 =	vld [tilespmem:s25+$0x0];
	(erf) = vpow2.f32 v27;
	v16 =	vpop (erf)  }
0x26b: {  	vm1 =	vlt.s32 v14, v2;
	v27 =	vld [tilespmem:s25+$0xFFFFFFF0];
	v12 =	vmul.f32 $1.442695020e+00, v17;
	(erf) = vrcp.f32 v18  }
0x26c: {  	vm3 =	vge.s32 v14, v1;
	v18 =	vsub.s32 v25, v0;
	v30 =	vmul.f32 v16, v15;
	[tilespmem:s22+$0x10] =	vst v19  }
0x26d: {  	vm1 =	vmand vm3, vm1;
	v25 =	vor.u32 s24, v3;
	v14 =	vmul.f32 $1.442695020e+00, v20;
	v24 =	vld.idx.msk [tilespmem:v24+s13+$0x0], $0xffff;
	v28 =	vpop (erf)  }
0x26e: {  	vm4 =	vgt.s32 v18, $0x0;
	vm3 =	vlt.s32 v25, v2;
	v21 =	vsub.s32 v21, v0;
	v17 =	vld.idx.msk [tilespmem:v19+s13+$0x0], $0xffff;
	[tilespmem:s20+$0x0] =	vst v30;
	v15 =	vpop (erf)  }
0x26f: {  	v16 =	vmovc v22;
	v18 =	vnsel vm4, $0x0, v18;
	v29 =	vld [tilespmem:s26+$0xFFFFFFE0];
	v19 =	vsub.s32 v26, v0;
	v15 =	vmul.f32 v15, v13  }
0x270: {  	s22 =	sadd.s32 $0x40, s22;
	v30 =	vmin.u32 v18, $0x13F;
	v22 =	vsub.s32 v27, v0;
	vm4 =	vgt.s32 v19, $0x0;
	v26 =	vpop (erf)  }
.Ltmp12:
0x271: {  	v18 =	vnsel vm2, $0x14C, v30;
	vm2 =	vgt.s32 v21, $0x0;
	v20 =	vld.idx.msk [tilespmem:v23+s13+$0x0], $0xffff;
	v13 =	vpop (erf);
	v23 =	vmul.f32 v26, v11;
	[tilespmem:s20+$0x10] =	vst v15;
	(pc) =	sbr.rel @p0 .LBB2_19-.Ltmp12, $4  }
0x272: {  	v27 =	vnsel vm2, $0x0, v21;
	vm5 =	vgt.s32 v22, $0x0;
	v26 =	vnsel vm4, $0x0, v19;
	[tilespmem:s22+$0xFFFFFFE0] =	vst v18;
	v11 =	vpop (erf)  }
0x273: {  	v19 =	vmin.u32 v27, $0x13F;
	v30 =	vnsel vm5, $0x0, v22;
	v15 =	vpop (erf);
	(erf) = vrcp.f32 v24;
	[tilespmem:s20+$0xFFFFFFF0] =	vst v23;
	s20 =	smov.u32 s21  }
0x274: {  	vm2 =	vge.s32 v25, v1;
	v23 =	vmin.u32 v30, $0x13F;
	s21 =	sadd.s32 $0x40, s21;
	v22 =	vmul.f32 $1.442695020e+00, v29;
	v21 =	vpop (erf)  }
0x275: {  	s24 =	sadd.s32 $0x40, s24;
	s25 =	sadd.s32 $0x40, s25;
	s26 =	sadd.s32 $0x40, s26;
	vm3 =	vmand vm2, vm3;
	v24 =	vmin.u32 v26, $0x13F;
	v21 =	vmul.f32 v21, v28  }
0x276: {  	v24 =	vnsel vm1, $0x14C, v24  }
0x277: {  	v19 =	vnsel vm3, $0x14C, v19  }
0x278: {  	v23 =	vnsel vm0, $0x14C, v23  }
0x279: {  	(erf) = vpow2.f32 v22  }
0x27a: {  	v18 =	vld.idx.msk [tilespmem:v18+s13+$0x0], $0xffff;
	(erf) = vrcp.f32 v17;
	[tilespmem:s22+$0x0] =	vst v24  }
0x27b: {  	[tilespmem:s22+$0x10] =	vst v19;
	(erf) = vrcp.f32 v20;
	v59 =	vld.idx.msk [tilespmem:v24+s13+$0x0], $0xffff  }
0x27c: {  	v16 =	vmul.f32 $1.442695020e+00, v16;
	[tilespmem:s22+$0xFFFFFFF0] =	vst v23;
	(erf) = vpow2.f32 v12;
	v12 =	vld.idx.msk [tilespmem:v19+s13+$0x0], $0xffff  }
0x27d: {  	(erf) = vpow2.f32 v14;
	v14 =	vld.idx.msk [tilespmem:v23+s13+$0x0], $0xffff  }
0x27e: {  	(erf) = vpow2.f32 v16  }
0x27f: {  	(erf) = vrcp.f32 v18  }
0x280: {  	(erf) = vrcp.f32 v59  }
0x281: {  	v60 =	vpop (erf);
	(erf) = vrcp.f32 v12  }
0x282: {  	v12 =	vpop (erf);
	(erf) = vrcp.f32 v14  }
0x283: {  	v14 =	vpop (erf)  }
0x284: {  	v15 =	vmul.f32 v60, v15;
	v61 =	vpop (erf)  }
0x285: {  	v13 =	vmul.f32 v14, v13;
	v62 =	vpop (erf)  }
0x286: {  	v63 =	vpop (erf)  }
0x287: {  	[tilespmem:s20+$0xFFFFFFE0] =	vst v21;
	v14 =	vpop (erf)  }
0x288: {  	s29 =	simm.s32 $0x0;
	[tilespmem:s20+$0x0] =	vst v15;
	v11 =	vmul.f32 v61, v11;
	v15 =	vpop (erf)  }
0x289: {  	s30 =	simm.s32 $0x3;
	[tilespmem:s20+$0x10] =	vst v13;
	v12 =	vmul.f32 v15, v12;
	v15 =	vmov s29;
	v13 =	vpop (erf)  }
0x28a: {  	[tilespmem:s20+$0xFFFFFFF0] =	vst v11;
	v15 =	vand.u32 $0xFFFFFFFC, v15;
	v11 =	vmul.f32 v13, v14;
	v13 =	vpop (erf);
	v14 =	vmov s30  }
0x28b: {  	[tilespmem:s21+$0xFFFFFFE0] =	vst v12;
	v15 =	vbroadcast v15, $0x0;
	v12 =	vmul.f32 v13, v62;
	v13 =	vpop (erf)  }
0x28c: {  	[tilespmem:s21+$0x0] =	vst v11;
	v11 =	vmul.f32 v13, v63  }
0x28d: {  	p1 =	por $0x1, $0x1;
	[tilespmem:s21+$0x10] =	vst v12  }
.Ltmp13:
0x28e: {  	[tilespmem:s21+$0xFFFFFFF0] =	vst v11;
	(pc) =	sbr.rel @!p1 .LBB2_21-.Ltmp13, $4  }
0x28f: {  	s31 =	simm.s32 $0x1;
	v11 =	vld.idx.msk [tilespmem:v14+s14+$0x0], $0xffff  }
0x290: {  	v13 =	vmov s31;
	v23 =	vld.idx.msk [tilespmem:v14+s15+$0x0], $0xffff  }
0x291: {  	s23 =	simm.s32 $0x2;
	v13 =	vand.u32 $0xFFFFFFFD, v13;
	v12 =	vld.idx.msk [tilespmem:v15+s14+$0x0], $0xffff  }
0x292: {  	s24 =	simm.s32 $0x4;
	p0 =	por $0x0, $0x0;
	s20 =	simm.s32 $0x180;
	v31 =	vbroadcast v13, $0x0;
	v27 =	vld.idx.msk [tilespmem:v15+s15+$0x0], $0xffff  }
0x293: {  	v13 =	vmov s23  }
0x294: {  	v13 =	vand.u32 $0xFFFFFFFE, v13  }
0x295: {  	v13 =	vbroadcast v13, $0x0;
	_ =	sdelay $0x2  }
0x296: {  	s21 =	simm.s32 $0x100  }
0x297: {  	v14 =	vor.u32 s21, v3;
	_ =	sdelay $0x1  }
0x298: {  	s22 =	simm.s32 $0x80;
	v15 =	vld.idx.msk [tilespmem:v13+s15+$0x0], $0xffff  }
0x299: {  	v17 =	vor.u32 s22, v3  }
0x29a: {  	s30 =	simm.s32 $0x0;
	v16 =	vld.idx.msk [tilespmem:v31+s15+$0x0], $0xffff  }
0x29b: {  	v20 =	vor.u32 s30, v3;
	v21 =	vld.idx.msk [tilespmem:v14+s19+$0x0], $0xffff  }
0x29c: {  	v18 =	vld.idx.msk [tilespmem:v13+s14+$0x0], $0xffff  }
0x29d: {  	v14 =	vld.idx.msk [tilespmem:v31+s14+$0x0], $0xffff;
	v19 =	vshll.u32 v15, $0x7  }
0x29e: {  	v17 =	vld.idx.msk [tilespmem:v17+s19+$0x0], $0xffff;
	v22 =	vor.u32 v3, v19  }
0x29f: {  	v24 =	vor.u32 s21, v4;
	v15 =	vshll.u32 v16, $0x7  }
0x2a0: {  	v20 =	vld.idx.msk [tilespmem:v20+s19+$0x0], $0xffff;
	v16 =	vor.u32 v3, v15  }
0x2a1: {  	v25 =	vor.u32 s20, v3;
	v13 =	vshll.u32 v27, $0x7;
	v21 =	vmul.f32 v21, v18  }
0x2a2: {  	v26 =	vor.u32 v3, v13  }
0x2a3: {  	v27 =	vor.u32 s22, v4;
	v17 =	vmul.f32 v17, v14;
	[tilespmem:v22+s17+$0x0] =	vst.idx.add.f32.msk $0xffff, v21  }
0x2a4: {  	v21 =	vor.u32 s30, v4;
	v22 =	vld.idx.msk [tilespmem:v24+s19+$0x0], $0xffff  }
0x2a5: {  	v20 =	vmul.f32 v20, v12;
	[tilespmem:v16+s17+$0x0] =	vst.idx.add.f32.msk $0xffff, v17  }
0x2a6: {  	v17 =	vor.u32 v4, v19;
	v24 =	vld.idx.msk [tilespmem:v25+s19+$0x0], $0xffff  }
0x2a7: {  	[tilespmem:v26+s17+$0x0] =	vst.idx.add.f32.msk $0xffff, v20;
	v20 =	vor.u32 s21, v5;
	v16 =	vshll.u32 v23, $0x7  }
0x2a8: {  	v23 =	vor.u32 v3, v16;
	v25 =	vld.idx.msk [tilespmem:v27+s19+$0x0], $0xffff  }
0x2a9: {  	v26 =	vor.u32 s20, v4;
	v21 =	vld.idx.msk [tilespmem:v21+s19+$0x0], $0xffff;
	v22 =	vmul.f32 v22, v18  }
0x2aa: {  	v27 =	vor.u32 v4, v15  }
0x2ab: {  	v28 =	vor.u32 v4, v13;
	v24 =	vmul.f32 v24, v11;
	[tilespmem:v17+s17+$0x0] =	vst.idx.add.f32.msk $0xffff, v22  }
0x2ac: {  	v17 =	vor.u32 s22, v5;
	v20 =	vld.idx.msk [tilespmem:v20+s19+$0x0], $0xffff  }
0x2ad: {  	v22 =	vor.u32 s30, v5;
	[tilespmem:v23+s17+$0x0] =	vst.idx.add.f32.msk $0xffff, v24;
	v23 =	vmul.f32 v25, v14  }
0x2ae: {  	v25 =	vor.u32 v5, v19;
	v24 =	vld.idx.msk [tilespmem:v26+s19+$0x0], $0xffff;
	v21 =	vmul.f32 v21, v12  }
0x2af: {  	[tilespmem:v27+s17+$0x0] =	vst.idx.add.f32.msk $0xffff, v23  }
0x2b0: {  	v23 =	vor.u32 s21, v6;
	[tilespmem:v28+s17+$0x0] =	vst.idx.add.f32.msk $0xffff, v21  }
0x2b1: {  	v26 =	vor.u32 v4, v16;
	v17 =	vld.idx.msk [tilespmem:v17+s19+$0x0], $0xffff;
	v20 =	vmul.f32 v20, v18  }
0x2b2: {  	v21 =	vor.u32 s20, v5;
	v22 =	vld.idx.msk [tilespmem:v22+s19+$0x0], $0xffff  }
0x2b3: {  	[tilespmem:v25+s17+$0x0] =	vst.idx.add.f32.msk $0xffff, v20;
	v20 =	vor.u32 v5, v15  }
0x2b4: {  	s25 =	simm.s32 $0x7;
	v24 =	vmul.f32 v24, v11;
	v25 =	vor.u32 v5, v13  }
0x2b5: {  	v28 =	vmov s25;
	v23 =	vld.idx.msk [tilespmem:v23+s19+$0x0], $0xffff  }
0x2b6: {  	v27 =	vor.u32 s22, v6;
	[tilespmem:v26+s17+$0x0] =	vst.idx.add.f32.msk $0xffff, v24;
	v17 =	vmul.f32 v17, v14  }
0x2b7: {  	v24 =	vor.u32 v6, v19;
	v21 =	vld.idx.msk [tilespmem:v21+s19+$0x0], $0xffff;
	v22 =	vmul.f32 v22, v12  }
0x2b8: {  	v26 =	vor.u32 s21, v7;
	[tilespmem:v20+s17+$0x0] =	vst.idx.add.f32.msk $0xffff, v17  }
0x2b9: {  	v17 =	vor.u32 v5, v16;
	[tilespmem:v25+s17+$0x0] =	vst.idx.add.f32.msk $0xffff, v22  }
0x2ba: {  	v20 =	vor.u32 s30, v6;
	v25 =	vld.idx.msk [tilespmem:v28+s14+$0x0], $0xffff;
	v22 =	vmul.f32 v23, v18  }
0x2bb: {  	v23 =	vor.u32 s20, v6;
	v27 =	vld.idx.msk [tilespmem:v27+s19+$0x0], $0xffff  }
0x2bc: {  	v21 =	vmul.f32 v21, v11;
	[tilespmem:v24+s17+$0x0] =	vst.idx.add.f32.msk $0xffff, v22  }
0x2bd: {  	v24 =	vor.u32 v6, v15;
	v22 =	vld.idx.msk [tilespmem:v26+s19+$0x0], $0xffff  }
0x2be: {  	[tilespmem:v17+s17+$0x0] =	vst.idx.add.f32.msk $0xffff, v21;
	v17 =	vor.u32 s22, v7  }
0x2bf: {  	v30 =	vmov s24;
	v20 =	vld.idx.msk [tilespmem:v20+s19+$0x0], $0xffff;
	v21 =	vor.u32 v7, v19  }
0x2c0: {  	v29 =	vor.u32 s21, v8;
	v30 =	vand.u32 $0xFFFFFFFC, v30;
	v26 =	vld.idx.msk [tilespmem:v23+s19+$0x0], $0xffff;
	v27 =	vmul.f32 v27, v14  }
0x2c1: {  	v30 =	vbroadcast v30, $0x0;
	v23 =	vld.idx.msk [tilespmem:v28+s15+$0x0], $0xffff;
	v28 =	vor.u32 v6, v13  }
0x2c2: {  	[tilespmem:v24+s17+$0x0] =	vst.idx.add.f32.msk $0xffff, v27;
	v22 =	vmul.f32 v22, v18  }
0x2c3: {  	v24 =	vor.u32 v6, v16;
	v17 =	vld.idx.msk [tilespmem:v17+s19+$0x0], $0xffff  }
0x2c4: {  	v27 =	vor.u32 s30, v7;
	v20 =	vmul.f32 v20, v12;
	[tilespmem:v21+s17+$0x0] =	vst.idx.add.f32.msk $0xffff, v22  }
0x2c5: {  	v31 =	vor.u32 s20, v7;
	v21 =	vld.idx.msk [tilespmem:v29+s19+$0x0], $0xffff  }
0x2c6: {  	v22 =	vmul.f32 v26, v11;
	[tilespmem:v28+s17+$0x0] =	vst.idx.add.f32.msk $0xffff, v20;
	v20 =	vor.u32 v7, v15  }
0x2c7: {  	v26 =	vor.u32 s22, v8;
	v28 =	vld.idx.msk [tilespmem:v30+s14+$0x0], $0xffff  }
0x2c8: {  	[tilespmem:v24+s17+$0x0] =	vst.idx.add.f32.msk $0xffff, v22;
	v24 =	vor.u32 v8, v19  }
0x2c9: {  	v22 =	vld.idx.msk [tilespmem:v27+s19+$0x0], $0xffff;
	v27 =	vor.u32 s21, v9;
	v17 =	vmul.f32 v17, v14  }
0x2ca: {  	v29 =	vld.idx.msk [tilespmem:v31+s19+$0x0], $0xffff  }
0x2cb: {  	v31 =	vor.u32 v7, v13;
	[tilespmem:v20+s17+$0x0] =	vst.idx.add.f32.msk $0xffff, v17;
	v17 =	vmul.f32 v21, v18  }
0x2cc: {  	v33 =	vor.u32 v7, v16;
	v36 =	vld.idx.msk [tilespmem:v26+s19+$0x0], $0xffff  }
0x2cd: {  	v37 =	vor.u32 s30, v8;
	[tilespmem:v24+s17+$0x0] =	vst.idx.add.f32.msk $0xffff, v17  }
0x2ce: {  	v39 =	vor.u32 s20, v8;
	p1 =	por $0x1, $0x1;
	v17 =	vmul.f32 v22, v12;
	v32 =	vld.idx.msk [tilespmem:v27+s19+$0x0], $0xffff  }
.Ltmp14:
0x2cf: {  	s31 =	simm.s32 $0x5;
	v34 =	vor.u32 v8, v15;
	v29 =	vmul.f32 v29, v11;
	v27 =	vld.idx.msk [tilespmem:v30+s15+$0x0], $0xffff;
	(pc) =	sbr.rel @!p1 .LBB2_23-.Ltmp14, $4  }
0x2d0: {  	v35 =	vor.u32 v9, v19;
	v26 =	vor.u32 s22, v9;
	v30 =	vmov s31;
	[tilespmem:v31+s17+$0x0] =	vst.idx.add.f32.msk $0xffff, v17  }
0x2d1: {  	v20 =	vor.u32 s30, v10;
	v21 =	vor.u32 s22, v10;
	[tilespmem:v33+s17+$0x0] =	vst.idx.add.f32.msk $0xffff, v29;
	v29 =	vand.u32 $0xFFFFFFFD, v30  }
0x2d2: {  	s23 =	simm.s32 $0x6;
	v33 =	vld.idx.msk [tilespmem:v37+s19+$0x0], $0xffff;
	v31 =	vbroadcast v29, $0x0;
	v37 =	vor.u32 s21, v10;
	v38 =	vmul.f32 v36, v14  }
0x2d3: {  	p0 =	por $0x1, $0x1;
	s22 =	simm.s32 $0x8;
	v24 =	vor.u32 s30, v9;
	v22 =	vor.u32 s20, v9;
	v17 =	vor.u32 s20, v10;
	s21 =	simm.s32 $0x180;
	v36 =	vld.idx.msk [tilespmem:v39+s19+$0x0], $0xffff  }
.LBB2_24:
0x2d4: {  	p1 =	slt.u32 s22, $0xFC;
	v29 =	vmov s23;
	[tilespmem:v34+s17+$0x0] =	vst.idx.add.f32.msk $0xffff, v38;
	v30 =	vmul.f32 v32, v18  }
0x2d5: {  	v32 =	vor.u32 v8, v13;
	v29 =	vand.u32 $0xFFFFFFFE, v29;
	v38 =	vld.idx.msk [tilespmem:v26+s19+$0x0], $0xffff  }
0x2d6: {  	v26 =	vbroadcast v29, $0x0;
	[tilespmem:v35+s17+$0x0] =	vst.idx.add.f32.msk $0xffff, v30;
	v29 =	vor.u32 v8, v16  }
0x2d7: {  	v30 =	vld.idx.msk [tilespmem:v37+s19+$0x0], $0xffff  }
0x2d8: {  	v33 =	vmul.f32 v33, v12;
	v39 =	vld.idx.msk [tilespmem:v31+s14+$0x0], $0xffff  }
0x2d9: {  	v41 =	vor.u32 v9, v13;
	v42 =	vor.u32 v9, v15;
	s21 =	sadd.s32 $0x200, s21;
	v40 =	vld.idx.msk [tilespmem:v31+s15+$0x0], $0xffff;
	v31 =	vmul.f32 v36, v11  }
0x2da: {  	v19 =	vor.u32 v10, v19;
	s24 =	sadd.s32 $0xFFFFFE80, s21;
	s25 =	sadd.s32 $0xFFFFFF00, s21;
	s23 =	sadd.s32 $0xFFFFFF80, s21;
	v43 =	vor.u32 s21, v3;
	v44 =	vor.u32 s21, v4;
	[tilespmem:v32+s17+$0x0] =	vst.idx.add.f32.msk $0xffff, v33  }
0x2db: {  	v45 =	vor.u32 s24, v3;
	v46 =	vor.u32 s25, v3;
	v47 =	vor.u32 s23, v3;
	[tilespmem:v29+s17+$0x0] =	vst.idx.add.f32.msk $0xffff, v31  }
0x2dc: {  	v48 =	vor.u32 s24, v4;
	v49 =	vor.u32 s24, v5;
	v50 =	vor.u32 s25, v4;
	v51 =	vld.idx.msk [tilespmem:v26+s15+$0x0], $0xffff  }
0x2dd: {  	v53 =	vor.u32 s21, v5;
	v52 =	vor.u32 s25, v5;
	v54 =	vld.idx.msk [tilespmem:v24+s19+$0x0], $0xffff;
	v24 =	vmul.f32 v30, v18  }
0x2de: {  	v35 =	vor.u32 s24, v6;
	v37 =	vor.u32 s25, v6;
	v36 =	vor.u32 s21, v6;
	v18 =	vld.idx.msk [tilespmem:v26+s14+$0x0], $0xffff  }
0x2df: {  	v34 =	vor.u32 s25, v7;
	v33 =	vor.u32 s24, v7;
	v32 =	vor.u32 s21, v7;
	[tilespmem:v19+s17+$0x0] =	vst.idx.add.f32.msk $0xffff, v24  }
0x2e0: {  	v31 =	vor.u32 s25, v8;
	v29 =	vor.u32 s21, v8;
	v30 =	vor.u32 s24, v8;
	v47 =	vld.idx.msk [tilespmem:v47+s19+$0x0], $0xffff  }
0x2e1: {  	v55 =	vor.u32 s21, v9;
	v26 =	vor.u32 s25, v9;
	v24 =	vor.u32 s24, v9;
	v45 =	vld.idx.msk [tilespmem:v45+s19+$0x0], $0xffff  }
0x2e2: {  	v56 =	vor.u32 s24, v10;
	v38 =	vmul.f32 v38, v14;
	v19 =	vshll.u32 v51, $0x7;
	v46 =	vld.idx.msk [tilespmem:v46+s19+$0x0], $0xffff  }
0x2e3: {  	v51 =	vor.u32 s25, v10;
	v57 =	vor.u32 v3, v19;
	v54 =	vmul.f32 v54, v12;
	v43 =	vld.idx.msk [tilespmem:v43+s19+$0x0], $0xffff  }
0x2e4: {  	v59 =	vor.u32 s21, v10;
	v58 =	vor.u32 s23, v4;
	v40 =	vshll.u32 v40, $0x7;
	v60 =	vld.idx.msk [tilespmem:v22+s19+$0x0], $0xffff;
	v22 =	vmovc v55  }
0x2e5: {  	v27 =	vshll.u32 v27, $0x7;
	v55 =	vor.u32 v3, v40;
	[tilespmem:v42+s17+$0x0] =	vst.idx.add.f32.msk $0xffff, v38  }
0x2e6: {  	v23 =	vshll.u32 v23, $0x7;
	v38 =	vor.u32 v3, v27;
	v42 =	vmul.f32 v47, v18;
	[tilespmem:v41+s17+$0x0] =	vst.idx.add.f32.msk $0xffff, v54  }
0x2e7: {  	v41 =	vmul.f32 v45, v28;
	v45 =	vor.u32 v3, v23;
	v47 =	vld.idx.msk [tilespmem:v21+s19+$0x0], $0xffff;
	v21 =	vmov v51  }
0x2e8: {  	v46 =	vmul.f32 v46, v39;
	[tilespmem:v57+s17+$0x0] =	vst.idx.add.f32.msk $0xffff, v42  }
0x2e9: {  	v43 =	vmul.f32 v43, v25;
	v42 =	vld.idx.msk [tilespmem:v58+s19+$0x0], $0xffff  }
0x2ea: {  	[tilespmem:v55+s17+$0x0] =	vst.idx.add.f32.msk $0xffff, v46;
	v46 =	vmul.f32 v60, v11  }
0x2eb: {  	[tilespmem:v38+s17+$0x0] =	vst.idx.add.f32.msk $0xffff, v41;
	v38 =	vor.u32 v9, v16  }
0x2ec: {  	v41 =	vor.u32 v4, v19;
	[tilespmem:v45+s17+$0x0] =	vst.idx.add.f32.msk $0xffff, v43  }
0x2ed: {  	v45 =	vor.u32 s23, v5;
	v47 =	vmul.f32 v47, v14;
	v14 =	vmov v39;
	v43 =	vld.idx.msk [tilespmem:v50+s19+$0x0], $0xffff  }
0x2ee: {  	v39 =	vld.idx.msk [tilespmem:v48+s19+$0x0], $0xffff  }
0x2ef: {  	v42 =	vmul.f32 v42, v18;
	v44 =	vld.idx.msk [tilespmem:v44+s19+$0x0], $0xffff  }
0x2f0: {  	v48 =	vor.u32 v4, v40;
	[tilespmem:v38+s17+$0x0] =	vst.idx.add.f32.msk $0xffff, v46  }
0x2f1: {  	v38 =	vor.u32 v4, v27;
	[tilespmem:v41+s17+$0x0] =	vst.idx.add.f32.msk $0xffff, v42  }
0x2f2: {  	v42 =	vor.u32 v4, v23;
	v41 =	vld.idx.msk [tilespmem:v45+s19+$0x0], $0xffff  }
0x2f3: {  	v43 =	vmul.f32 v43, v14;
	v45 =	vld.idx.msk [tilespmem:v20+s19+$0x0], $0xffff;
	v20 =	vmov v56  }
0x2f4: {  	v39 =	vmul.f32 v39, v28;
	v46 =	vld.idx.msk [tilespmem:v17+s19+$0x0], $0xffff;
	v17 =	vmov v59  }
0x2f5: {  	v44 =	vmul.f32 v44, v25;
	[tilespmem:v48+s17+$0x0] =	vst.idx.add.f32.msk $0xffff, v43;
	v43 =	vor.u32 v5, v19  }
0x2f6: {  	[tilespmem:v38+s17+$0x0] =	vst.idx.add.f32.msk $0xffff, v39;
	v38 =	vor.u32 s23, v6  }
0x2f7: {  	[tilespmem:v42+s17+$0x0] =	vst.idx.add.f32.msk $0xffff, v44  }
0x2f8: {  	v41 =	vmul.f32 v41, v18;
	v42 =	vor.u32 v10, v15;
	v15 =	vmov v40;
	v39 =	vld.idx.msk [tilespmem:v52+s19+$0x0], $0xffff  }
0x2f9: {  	v44 =	vmul.f32 v45, v12;
	v45 =	vor.u32 v10, v13;
	v13 =	vmovc v27;
	v12 =	vmov v28;
	v40 =	vld.idx.msk [tilespmem:v49+s19+$0x0], $0xffff  }
0x2fa: {  	v28 =	vor.u32 v10, v16;
	v16 =	vmov v23;
	v27 =	vmul.f32 v46, v11;
	[tilespmem:v43+s17+$0x0] =	vst.idx.add.f32.msk $0xffff, v41  }
0x2fb: {  	v23 =	vor.u32 v5, v15;
	v11 =	vmov v25;
	v38 =	vld.idx.msk [tilespmem:v38+s19+$0x0], $0xffff  }
0x2fc: {  	v25 =	vor.u32 v5, v13;
	v41 =	vld.idx.msk [tilespmem:v53+s19+$0x0], $0xffff  }
0x2fd: {  	[tilespmem:v42+s17+$0x0] =	vst.idx.add.f32.msk $0xffff, v47  }
0x2fe: {  	v39 =	vmul.f32 v39, v14;
	v42 =	vor.u32 v6, v19;
	[tilespmem:v45+s17+$0x0] =	vst.idx.add.f32.msk $0xffff, v44  }
0x2ff: {  	v43 =	vor.u32 s23, v7;
	v40 =	vmul.f32 v40, v12;
	[tilespmem:v28+s17+$0x0] =	vst.idx.add.f32.msk $0xffff, v27  }
0x300: {  	[tilespmem:v23+s17+$0x0] =	vst.idx.add.f32.msk $0xffff, v39;
	v23 =	vor.u32 v5, v16  }
0x301: {  	[tilespmem:v25+s17+$0x0] =	vst.idx.add.f32.msk $0xffff, v40;
	v25 =	vmul.f32 v38, v18  }
0x302: {  	s24 =	sadd.s32 $0x3, s22;
	v28 =	vmul.f32 v41, v11;
	v27 =	vld.idx.msk [tilespmem:v37+s19+$0x0], $0xffff  }
0x303: {  	v37 =	vmov s24;
	[tilespmem:v42+s17+$0x0] =	vst.idx.add.f32.msk $0xffff, v25  }
0x304: {  	v38 =	vld.idx.msk [tilespmem:v43+s19+$0x0], $0xffff  }
0x305: {  	v39 =	vor.u32 v6, v15;
	[tilespmem:v23+s17+$0x0] =	vst.idx.add.f32.msk $0xffff, v28  }
0x306: {  	v28 =	vld.idx.msk [tilespmem:v35+s19+$0x0], $0xffff  }
0x307: {  	v35 =	vor.u32 v7, v19;
	v36 =	vld.idx.msk [tilespmem:v36+s19+$0x0], $0xffff  }
0x308: {  	v40 =	vor.u32 s23, v8;
	v27 =	vmul.f32 v27, v14;
	v25 =	vld.idx.msk [tilespmem:v37+s14+$0x0], $0xffff  }
0x309: {  	v23 =	vld.idx.msk [tilespmem:v37+s15+$0x0], $0xffff;
	v37 =	vor.u32 v6, v13  }
0x30a: {  	v41 =	vmov s22;
	[tilespmem:v39+s17+$0x0] =	vst.idx.add.f32.msk $0xffff, v27;
	v27 =	vmul.f32 v38, v18;
	v38 =	vor.u32 v6, v16  }
0x30b: {  	v39 =	vand.u32 $0xFFFFFFFC, v41;
	v34 =	vld.idx.msk [tilespmem:v34+s19+$0x0], $0xffff  }
0x30c: {  	v39 =	vbroadcast v39, $0x0;
	v28 =	vmul.f32 v28, v12;
	[tilespmem:v35+s17+$0x0] =	vst.idx.add.f32.msk $0xffff, v27  }
0x30d: {  	v35 =	vmul.f32 v36, v11;
	v27 =	vld.idx.msk [tilespmem:v40+s19+$0x0], $0xffff  }
0x30e: {  	v36 =	vor.u32 v7, v15;
	[tilespmem:v37+s17+$0x0] =	vst.idx.add.f32.msk $0xffff, v28  }
0x30f: {  	[tilespmem:v38+s17+$0x0] =	vst.idx.add.f32.msk $0xffff, v35  }
0x310: {  	v35 =	vor.u32 v8, v19;
	v33 =	vld.idx.msk [tilespmem:v33+s19+$0x0], $0xffff  }
0x311: {  	v37 =	vor.u32 s23, v9;
	v34 =	vmul.f32 v34, v14;
	v38 =	vld.idx.msk [tilespmem:v32+s19+$0x0], $0xffff  }
0x312: {  	v28 =	vld.idx.msk [tilespmem:v39+s14+$0x0], $0xffff  }
0x313: {  	v40 =	vor.u32 v7, v13;
	v27 =	vmul.f32 v27, v18;
	[tilespmem:v36+s17+$0x0] =	vst.idx.add.f32.msk $0xffff, v34  }
0x314: {  	v36 =	vld.idx.msk [tilespmem:v31+s19+$0x0], $0xffff;
	v31 =	vor.u32 v7, v16  }
0x315: {  	[tilespmem:v35+s17+$0x0] =	vst.idx.add.f32.msk $0xffff, v27  }
0x316: {  	v33 =	vmul.f32 v33, v12;
	v32 =	vld.idx.msk [tilespmem:v37+s19+$0x0], $0xffff  }
.Ltmp15:
0x317: {  	s24 =	sadd.s32 $0x1, s22;
	v34 =	vor.u32 v8, v15;
	v37 =	vmul.f32 v38, v11;
	v27 =	vld.idx.msk [tilespmem:v39+s15+$0x0], $0xffff;
	(pc) =	sbr.rel @p1 .LBB2_24-.Ltmp15, $4  }
0x318: {  	v35 =	vmov s24;
	[tilespmem:v40+s17+$0x0] =	vst.idx.add.f32.msk $0xffff, v33  }
0x319: {  	v33 =	vand.u32 $0xFFFFFFFD, v35;
	v35 =	vor.u32 v9, v19;
	[tilespmem:v31+s17+$0x0] =	vst.idx.add.f32.msk $0xffff, v37  }
0x31a: {  	v31 =	vbroadcast v33, $0x0;
	v38 =	vmul.f32 v36, v14;
	v37 =	vor.u32 s23, v10;
	v33 =	vld.idx.msk [tilespmem:v30+s19+$0x0], $0xffff  }
0x31b: {  	s23 =	sadd.s32 $0x2, s22;
	s22 =	sadd.s32 $0x4, s22;
	v36 =	vld.idx.msk [tilespmem:v29+s19+$0x0], $0xffff  }
.Ltmp16:
0x31c: {  	(pc) =	sbr.rel .LBB2_26-.Ltmp16, $2  }
0x31d: {  	_ =	sdelay $0x2  }
0x31e: {  	v29 =	vmovc v12;
	v30 =	vmov v11;
	v12 =	vmov v28;
	v11 =	vmov v25  }
.LBB2_12:
.Ltmp17:
0x31f: {  	(pc) =	sbr.rel .LBB2_17-.Ltmp17, $2  }
0x320: {  	_ =	sdelay $0x2  }
0x321: {  	s22 =	simm.s32 $0x180  }
.LBB2_14:
.Ltmp18:
0x322: {  	(pc) =	sbr.rel .LBB2_17-.Ltmp18, $2  }
0x323: {  	_ =	sdelay $0x2  }
0x324: {  	v29 =	vmovc v12;
	v30 =	vmov v11;
	s22 =	simm.s32 $0x180;
	v12 =	vmov v28;
	v11 =	vmov v25  }
.LBB2_23:
.Ltmp19:
0x325: {  	(pc) =	sbr.rel .LBB2_26-.Ltmp19, $2  }
0x326: {  	_ =	sdelay $0x2  }
0x327: {  	v29 =	vmovc v12;
	v30 =	vmov v11;
	s21 =	simm.s32 $0x180;
	v12 =	vmov v28;
	v11 =	vmov v25  }
.LBB2_28:
0x328: {  	s2 =	simm.s32 $0x0;
	s3 =	simm.s32 $0x200;
	s31 =	simm.s32 $0x3  }
0x329: {  	[hbm4b:s7+s2] =	stream.linear.scatter [tilespmem:s3], [sflag:$0x3], $0xA000, $0x38;
	[tilespmem:$0x1B000] =	vst v63  }
0x32a: {  	_ =	swait.ge [sflag:s31], $0xA000  }
0x32b: {  	[sflag:s31] =	ssyncset.done $0x0  }
0x32c: {  	[sflag:s31] =	ssyncadd.s32 $0xFFFF6000  }
0x32d: {  	_ =	sfence.sel $0x180000  }
0x32e: {  	[bflag:$0x0] =	sbarrier.arrive $0xFFFF  }
0x32f: {  	p0 =	sne.s32 s1, $0x0;
	_ =	strace $0x90000047  }
0x330: {  	s0 =	sadd.s32 @!p0 $0x100000, s0;
	[bflag:$0x2] =	sbarrier.arrive $0xFFFF  }
0x331: {  	[sflag:s0] =	ssyncadd.tile.s32 @!p0 $0x1;
	_ =	shalt  }
.Lfunc_end2:
_tile_overlayer_lowered:
.L_overlay_start_2:
0x332: {  	(tag) =	ssettag $0x2  }
0x333: {  	s0 =	rddreg [dreg:$0x0];
	s2 =	stileid.u32  }
0x334: {  	s1 =	rddreg [dreg:$0x1];
	p0 =	sne.s32 s2, $0x0  }
0x335: {  	s3 =	rddreg [dreg:$0x2];
	[bflag:$0x3] =	sbarrier.arrive $0xFFFF;
	s2 =	simm.s32 @!p0 $0x1C03  }
0x336: {  	[timem:s3], [sflag:s2] =	dma.local @!p0 [hbm:s0], s1  }
0x337: {  	s0 =	simm.s32 @!p0 $0x3  }
0x338: {  	_ =	swait.ge @!p0 [sflag:s0], s1  }
0x339: {  	s1 =	ssub.s32 @!p0 $0x0, s1;
	[sflag:s0] =	ssyncset.done @!p0 $0x0  }
0x33a: {  	[sflag:s0] =	ssyncadd.s32 @!p0 s1  }
0x33b: {  	[bflag:$0x3] =	sbarrier.arrive $0xFFFF  }
0x33c: {  	_ =	shalt  }

</sc_bundles>
